<compile_context>
chip_gen: v7x
topology: tpu7x:2x2x1
jax: 0.10.2.dev20260603
libtpu: 0.0.44.dev20260713+nightly
codegen_flags: <defaults>
</compile_context>

<pallas_src>
import functools

import jax
import jax.numpy as jnp
from jax import lax
from jax.experimental import pallas as pl
from jax.experimental.pallas import tpu as pltpu
from jax.experimental.pallas import tpu_sc as plsc

_N = 50000
_E = 800000
_T = 12
_F_IN = 2
_D_EMB = 32
_H = 2
_C = 16
_D_GAT = _H * _C
_D_HID = 16

_ROW = 34
_NSUB = 16
_NCORE = 2
_T_PER_CORE = _T // _NCORE
_N_PAD = 50176
_RPS = _N_PAD // (_NSUB * _NCORE)
_E_PAD = 819200
_KS = 256
_NSLOT = _E_PAD // _NSUB // _KS
_BLK = 8


def _tables_body(x_ref, wemb_ref, bemb_ref, wgat_ref, asrc_ref, adst_ref,
                 srctab_ref, adtab_ref):
    xb = x_ref[...]
    for t in range(_T):
        xt = xb[:, _F_IN * t:_F_IN * (t + 1)]
        emb = jnp.maximum(
            jnp.dot(xt, wemb_ref[...], preferred_element_type=jnp.float32)
            + bemb_ref[...], 0.0)
        xl = jnp.dot(emb, wgat_ref[...], preferred_element_type=jnp.float32)
        a_s = jnp.dot(xl, asrc_ref[...], preferred_element_type=jnp.float32)
        a_d = jnp.dot(xl, adst_ref[...], preferred_element_type=jnp.float32)
        srctab_ref[t, :, 0:_D_GAT] = xl
        srctab_ref[t, :, _D_GAT:_ROW] = a_s
        adtab_ref[t, :, :] = a_d


def _build_tables(x2d, W_emb, b_emb, W_gat, As, Ad):
    B1 = 512
    nb = pl.cdiv(_N, B1)
    return pl.pallas_call(
        _tables_body,
        grid=(nb,),
        in_specs=[
            pl.BlockSpec((B1, _T * _F_IN), lambda i: (i, 0)),
            pl.BlockSpec((_F_IN, _D_EMB), lambda i: (0, 0)),
            pl.BlockSpec((1, _D_EMB), lambda i: (0, 0)),
            pl.BlockSpec((_D_EMB, _D_GAT), lambda i: (0, 0)),
            pl.BlockSpec((_D_GAT, _H), lambda i: (0, 0)),
            pl.BlockSpec((_D_GAT, _H), lambda i: (0, 0)),
        ],
        out_specs=[
            pl.BlockSpec((_T, B1, _ROW), lambda i: (0, i, 0)),
            pl.BlockSpec((_T, B1, _H), lambda i: (0, i, 0)),
        ],
        out_shape=[
            jax.ShapeDtypeStruct((_T, _N, _ROW), jnp.float32),
            jax.ShapeDtypeStruct((_T, _N, _H), jnp.float32),
        ],
    )(x2d, W_emb, b_emb, W_gat, As, Ad)


def _sc_edge_pass(srctab_flat, adtab_flat, srcsh, dstsh, dstraw, zrows):
    mesh = plsc.VectorSubcoreMesh(core_axis_name="c", subcore_axis_name="s")

    @functools.partial(
        pl.kernel,
        out_type=jax.ShapeDtypeStruct((_T * _N_PAD, _ROW), jnp.float32),
        mesh=mesh,
        compiler_params=pltpu.CompilerParams(needs_layout_passes=False,
                                             use_tc_tiling_on_sc=False,
                                             disable_bounds_checks=True),
        scratch_types=[
            pltpu.VMEM((4 * _BLK, 64), jnp.int32),
            pltpu.VMEM((4 * _BLK, 64), jnp.int32),
            pltpu.VMEM((_BLK, _KS), jnp.int32),
            pltpu.VMEM((_KS, _ROW), jnp.float32),
            pltpu.VMEM((_KS, _H), jnp.float32),
            pltpu.VMEM_SHARED((_N_PAD, _ROW), jnp.float32),
            pltpu.SemaphoreType.DMA,
            pltpu.SemaphoreType.DMA,
            pltpu.SemaphoreType.DMA,
            pltpu.SemaphoreType.DMA,
            pltpu.SemaphoreType.DMA,
            pltpu.SemaphoreType.DMA,
        ],
    )
    def k(srctab_hbm, adtab_hbm, ssh_hbm, dsh_hbm, draw_hbm, z_hbm,
          out_hbm, sblk, dblk, rblk, sbuf, adb, acc, semi,
          semg0, semg1, semg2, semg3, sems):
        cid = lax.axis_index("c")
        sid = lax.axis_index("s")
        lanes = lax.iota(jnp.int32, 16)

        def per_t(tl, _):
            tg = cid * _T_PER_CORE + tl
            pltpu.sync_copy(z_hbm, acc.at[pl.ds(sid * _RPS, _RPS)])
            plsc.subcore_barrier()

            def slot_body(ci, _):
                r = lax.rem(ci, _BLK)

                @pl.when(ci > 0)
                def _():
                    pltpu.make_async_copy(sbuf, acc.at[rblk.at[0]], sems).wait()

                @pl.when(r == 0)
                def _():
                    irow = 4 * (tg * (_E_PAD // _KS) + sid * _NSLOT + ci)
                    jrow = sid * _NSLOT + ci
                    c1 = pltpu.async_copy(ssh_hbm.at[pl.ds(irow, 4 * _BLK)], sblk, semi)
                    c2 = pltpu.async_copy(dsh_hbm.at[pl.ds(irow, 4 * _BLK)], dblk, semi)
                    c3 = pltpu.async_copy(draw_hbm.at[pl.ds(jrow, _BLK)], rblk, semi)
                    c1.wait()
                    c2.wait()
                    c3.wait()

                gsem = [semg0, semg1, semg2, semg3]
                gs = []
                for q in range(4):
                    gs.append((
                        pltpu.async_copy(srctab_hbm.at[sblk.at[4 * r + q]],
                                         sbuf.at[pl.ds(64 * q, 64)], gsem[q]),
                        pltpu.async_copy(adtab_hbm.at[dblk.at[4 * r + q]],
                                         adb.at[pl.ds(64 * q, 64)], gsem[q])))

                c32 = jnp.full((16,), _D_GAT, jnp.int32)
                c33 = jnp.full((16,), _D_GAT + 1, jnp.int32)
                h0 = jnp.full((16,), 0, jnp.int32)
                h1 = jnp.full((16,), 1, jnp.int32)
                zeros16 = jnp.zeros((16,), jnp.int32)

                def ex_body(i, _):
                    e16 = i * 16 + lanes
                    as0 = plsc.load_gather(sbuf, [e16, c32])
                    as1 = plsc.load_gather(sbuf, [e16, c33])
                    ad0 = plsc.load_gather(adb, [e16, h0])
                    ad1 = plsc.load_gather(adb, [e16, h1])
                    al0 = as0 + ad0
                    al1 = as1 + ad1
                    al0 = jnp.where(al0 >= 0.0, al0, 0.2 * al0)
                    al1 = jnp.where(al1 >= 0.0, al1, 0.2 * al1)
                    plsc.store_scatter(sbuf, [e16, c32], jnp.exp(al0))
                    plsc.store_scatter(sbuf, [e16, c33], jnp.exp(al1))
                    return 0

                def scale_body(i, _):
                    for u in range(4):
                        e = i * 4 + u
                        ev = zeros16 + e
                        s0 = plsc.load_gather(sbuf, [ev, c32])
                        s1 = plsc.load_gather(sbuf, [ev, c33])
                        sbuf[e, pl.ds(0, _C)] = sbuf[e, pl.ds(0, _C)] * s0
                        sbuf[e, pl.ds(_C, _C)] = sbuf[e, pl.ds(_C, _C)] * s1
                    return 0

                for q in range(4):
                    gs[q][0].wait()
                    gs[q][1].wait()
                    lax.fori_loop(4 * q, 4 * (q + 1), ex_body, 0)
                    lax.fori_loop(16 * q, 16 * (q + 1), scale_body, 0)

                pltpu.async_copy(sbuf, acc.at[rblk.at[r]], sems, add=True)
                return 0

            lax.fori_loop(0, _NSLOT, slot_body, 0)
            pltpu.make_async_copy(sbuf, acc.at[rblk.at[0]], sems).wait()
            plsc.subcore_barrier()
            pltpu.sync_copy(
                acc.at[pl.ds(sid * _RPS, _RPS)],
                out_hbm.at[pl.ds(tg * _N_PAD + sid * _RPS, _RPS)])
            return 0

        lax.fori_loop(0, _T_PER_CORE, per_t, 0)

    return k(srctab_flat, adtab_flat, srcsh, dstsh, dstraw, zrows)


def _final_body(out_ref, srctab_ref, adtab_ref, bgat_ref, wihT_ref, whhT_ref,
                bih_ref, bhh_ref, wout_ref, bout_ref, pred_ref):
    B2 = pred_ref.shape[0]
    h = jnp.zeros((B2, _D_HID), jnp.float32)
    bgat = bgat_ref[...]
    for t in range(_T):
        row = out_ref[t]
        st = srctab_ref[t]
        num = row[:, 0:_D_GAT]
        den_e = row[:, _D_GAT:_ROW]
        xl = st[:, 0:_D_GAT]
        a_s = st[:, _D_GAT:_ROW]
        a_d = adtab_ref[t]
        alpha = a_s + a_d
        alpha = jnp.where(alpha >= 0.0, alpha, 0.2 * alpha)
        ex = jnp.exp(alpha)
        den = den_e + ex + 1e-16
        exb = jnp.concatenate(
            [jnp.broadcast_to(ex[:, 0:1], (B2, _C)),
             jnp.broadcast_to(ex[:, 1:2], (B2, _C))], axis=1)
        denb = jnp.concatenate(
            [jnp.broadcast_to(den[:, 0:1], (B2, _C)),
             jnp.broadcast_to(den[:, 1:2], (B2, _C))], axis=1)
        gat = (num + exb * xl) / denb + bgat
        gi = jnp.dot(gat, wihT_ref[...], preferred_element_type=jnp.float32) + bih_ref[...]
        gh = jnp.dot(h, whhT_ref[...], preferred_element_type=jnp.float32) + bhh_ref[...]
        r = jax.nn.sigmoid(gi[:, 0:_D_HID] + gh[:, 0:_D_HID])
        z = jax.nn.sigmoid(gi[:, _D_HID:2 * _D_HID] + gh[:, _D_HID:2 * _D_HID])
        ng = jnp.tanh(gi[:, 2 * _D_HID:3 * _D_HID] + r * gh[:, 2 * _D_HID:3 * _D_HID])
        h = (1.0 - z) * ng + z * h
    pred_ref[...] = jnp.dot(h, wout_ref[...], preferred_element_type=jnp.float32) + bout_ref[...]


def _final_stage(out3d, srctab, adtab, b_gat, wihT, whhT, b_ih, b_hh, W_out, b_out):
    B2 = 256
    nb = _N_PAD // B2
    return pl.pallas_call(
        _final_body,
        grid=(nb,),
        in_specs=[
            pl.BlockSpec((_T, B2, _ROW), lambda i: (0, i, 0)),
            pl.BlockSpec((_T, B2, _ROW), lambda i: (0, i, 0)),
            pl.BlockSpec((_T, B2, _H), lambda i: (0, i, 0)),
            pl.BlockSpec((1, _D_GAT), lambda i: (0, 0)),
            pl.BlockSpec((_D_GAT, 3 * _D_HID), lambda i: (0, 0)),
            pl.BlockSpec((_D_HID, 3 * _D_HID), lambda i: (0, 0)),
            pl.BlockSpec((1, 3 * _D_HID), lambda i: (0, 0)),
            pl.BlockSpec((1, 3 * _D_HID), lambda i: (0, 0)),
            pl.BlockSpec((_D_HID, 1), lambda i: (0, 0)),
            pl.BlockSpec((1, 1), lambda i: (0, 0)),
        ],
        out_specs=pl.BlockSpec((B2, 1), lambda i: (i, 0)),
        out_shape=jax.ShapeDtypeStruct((_N_PAD, 1), jnp.float32),
    )(out3d, srctab, adtab, b_gat, wihT, whhT, b_ih, b_hh, W_out, b_out)


def kernel(x, edge_index, W_emb, b_emb, W_gat, att_src, att_dst, b_gat,
           W_ih, W_hh, b_ih, b_hh, W_out, b_out):
    x2d = x.reshape(_N, _T * _F_IN)
    z16 = jnp.zeros((_C, 1), jnp.float32)
    As = jnp.concatenate([
        jnp.concatenate([att_src[0, 0][:, None], z16], axis=0),
        jnp.concatenate([z16, att_src[0, 1][:, None]], axis=0)], axis=1)
    Ad = jnp.concatenate([
        jnp.concatenate([att_dst[0, 0][:, None], z16], axis=0),
        jnp.concatenate([z16, att_dst[0, 1][:, None]], axis=0)], axis=1)

    src = edge_index[0]
    dst = edge_index[1]
    pad_i = jnp.arange(_E_PAD - _E, dtype=jnp.int32)
    src_p = jnp.concatenate([src, pad_i % _N])
    dst_p = jnp.concatenate([dst, _N + pad_i % (_N_PAD - _N)])
    tshift = (jnp.arange(_T, dtype=jnp.int32) * _N)[:, None]
    srcsh = (src_p[None, :] + tshift).reshape(_T * _E_PAD // 64, 64)
    dstsh = (dst_p[None, :] + tshift).reshape(_T * _E_PAD // 64, 64)
    dstraw = dst_p.reshape(_E_PAD // _KS, _KS)
    zrows = jnp.zeros((_RPS, _ROW), jnp.float32)

    srctab, adtab = _build_tables(x2d, W_emb, b_emb[None, :], W_gat, As, Ad)

    out_flat = _sc_edge_pass(srctab.reshape(_T * _N, _ROW),
                             adtab.reshape(_T * _N, _H),
                             srcsh, dstsh, dstraw, zrows)

    pred = _final_stage(out_flat.reshape(_T, _N_PAD, _ROW), srctab, adtab,
                        b_gat[None, :], W_ih.T, W_hh.T, b_ih[None, :],
                        b_hh[None, :], W_out, b_out[None, :])
    return pred[:_N, 0]

# --- scband reference (transcript-rebuilt; emitter-appended) ---
"""Pipeline reference for scband-pa-stgat-4896262717767 (READ-ONLY COPY).

The authoritative reference and input builder live on the scoring server;
editing this copy changes nothing except your own understanding.
"""

import jax, jax.numpy as jnp
import numpy as np

N = 50000
E = 800000
T = 12
F_IN = 2
D_EMB = 32
H = 2
C = 16
D_GAT = H * C
D_HID = 16


def setup_inputs(seed: int = 0):
    key = jax.random.key(seed)
    ks = jax.random.split(key, 16)
    s = 0.1
    inp = {}
    inp["x"] = jax.random.normal(ks[0], (N, T, F_IN), dtype=jnp.float32)
    inp["edge_index"] = jax.random.randint(ks[1], (2, E), 0, N, dtype=jnp.int32)
    inp["W_emb"] = jax.random.normal(ks[2], (F_IN, D_EMB), dtype=jnp.float32) * s
    inp["b_emb"] = jnp.zeros((D_EMB,), dtype=jnp.float32)
    inp["W_gat"] = jax.random.normal(ks[3], (D_EMB, D_GAT), dtype=jnp.float32) * s
    inp["att_src"] = jax.random.normal(ks[4], (1, H, C), dtype=jnp.float32) * s
    inp["att_dst"] = jax.random.normal(ks[5], (1, H, C), dtype=jnp.float32) * s
    inp["b_gat"] = jnp.zeros((D_GAT,), dtype=jnp.float32)
    inp["W_ih"] = jax.random.normal(ks[6], (3 * D_HID, D_GAT), dtype=jnp.float32) * s
    inp["W_hh"] = jax.random.normal(ks[7], (3 * D_HID, D_HID), dtype=jnp.float32) * s
    inp["b_ih"] = jnp.zeros((3 * D_HID,), dtype=jnp.float32)
    inp["b_hh"] = jnp.zeros((3 * D_HID,), dtype=jnp.float32)
    inp["W_out"] = jax.random.normal(ks[8], (D_HID, 1), dtype=jnp.float32) * s
    inp["b_out"] = jnp.zeros((1,), dtype=jnp.float32)
    return inp


def reference(x, edge_index, W_emb, b_emb, W_gat, att_src, att_dst, b_gat, W_ih, W_hh, b_ih, b_hh, W_out, b_out):
    n = x.shape[0]
    # GATConv adds self loops by default
    loops = jnp.arange(n, dtype=edge_index.dtype)
    ei = jnp.concatenate([edge_index, jnp.stack([loops, loops], axis=0)], axis=1)
    src, dst = ei[0], ei[1]

    def gat(h_in):
        xl = (h_in @ W_gat).reshape(n, H, C)
        a_s = (xl * att_src).sum(-1)  # [n, H]
        a_d = (xl * att_dst).sum(-1)  # [n, H]
        alpha = jax.nn.leaky_relu(a_s[src] + a_d[dst], 0.2)  # [E', H]
        amax = jax.ops.segment_max(alpha, dst, num_segments=n)
        amax = jnp.where(jnp.isfinite(amax), amax, 0.0)
        ex = jnp.exp(alpha - amax[dst])
        den = jax.ops.segment_sum(ex, dst, num_segments=n)
        w = ex / (den[dst] + 1e-16)
        # attention dropout omitted (eval mode)
        out = jax.ops.segment_sum(xl[src] * w[:, :, None], dst, num_segments=n)
        return out.reshape(n, D_GAT) + b_gat

    seq = []
    for t in range(T):
        emb = jax.nn.relu(x[:, t, :] @ W_emb + b_emb)
        seq.append(gat(emb))

    h = jnp.zeros((n, D_HID), dtype=x.dtype)
    for t in range(T):
        gi = seq[t] @ W_ih.T + b_ih
        gh = h @ W_hh.T + b_hh
        i_r, i_z, i_n = jnp.split(gi, 3, axis=-1)
        h_r, h_z, h_n = jnp.split(gh, 3, axis=-1)
        r = jax.nn.sigmoid(i_r + h_r)
        z = jax.nn.sigmoid(i_z + h_z)
        ng = jnp.tanh(i_n + r * h_n)
        h = (1.0 - z) * ng + z * h

    pred = h @ W_out + b_out
    return pred.squeeze(-1)

if __name__ == "__main__":
    import jax
    _d = setup_inputs()
    print(jax.jit(kernel)(*tuple(_d.values())))

</pallas_src>

<mosaic_0001>
#map = affine_map<(d0, d1) -> (0, 0)>
module attributes {stable_mosaic.version = 14 : i64} {
  func.func @k(%arg0: i32, %arg1: i32, %arg2: memref<600000x34xf32, #tpu.memory_space<hbm>>, %arg3: memref<600000x2xf32, #tpu.memory_space<hbm>>, %arg4: memref<153600x64xi32, #tpu.memory_space<hbm>>, %arg5: memref<153600x64xi32, #tpu.memory_space<hbm>>, %arg6: memref<3200x256xi32, #tpu.memory_space<hbm>>, %arg7: memref<1568x34xf32, #tpu.memory_space<hbm>>, %arg8: memref<602112x34xf32, #tpu.memory_space<hbm>>, %arg9: memref<32x64xi32, #tpu.memory_space<vmem>>, %arg10: memref<32x64xi32, #tpu.memory_space<vmem>>, %arg11: memref<8x256xi32, #tpu.memory_space<vmem>>, %arg12: memref<256x34xf32, #tpu.memory_space<vmem>>, %arg13: memref<256x2xf32, #tpu.memory_space<vmem>>, %arg14: memref<50176x34xf32, #tpu.memory_space<vmem_shared>>, %arg15: memref<!tpu.dma_semaphore, #tpu.memory_space<semaphore_mem>>, %arg16: memref<!tpu.dma_semaphore, #tpu.memory_space<semaphore_mem>>, %arg17: memref<!tpu.dma_semaphore, #tpu.memory_space<semaphore_mem>>, %arg18: memref<!tpu.dma_semaphore, #tpu.memory_space<semaphore_mem>>, %arg19: memref<!tpu.dma_semaphore, #tpu.memory_space<semaphore_mem>>, %arg20: memref<!tpu.dma_semaphore, #tpu.memory_space<semaphore_mem>>) attributes {dimension_semantics = [#tpu.dimension_semantics<core_parallel>, #tpu.dimension_semantics<subcore_parallel>], iteration_bounds = array<i64: 2, 16>, scalar_prefetch = 0 : i64, scratch_operands = 12 : i64, tpu.core_type = #tpu.core_type<sc_vector_subcore>, window_params = [{transform_indices = #map}, {transform_indices = #map}, {transform_indices = #map}, {transform_indices = #map}, {transform_indices = #map}, {transform_indices = #map}, {transform_indices = #map}]} {
    %iota3A = tpu.iota {dimensions = array<i32: 0>} : vector<16xi32>
    %scan3A = arith.constant 0 : i32
    %scan3A_0 = arith.constant 0 : i32
    %scan3A_1 = arith.constant 6 : i32
    %scan3A_2 = arith.addi %scan3A_0, %scan3A_1 : i32
    %scan3A_3 = arith.constant 1 : i32
    %scan3A_4 = scf.for %scan3A_6 = %scan3A_0 to %scan3A_2 step %scan3A_3 iter_args(%scan3A_7 = %scan3A) -> (i32)  : i32 {
      %mul3A = arith.constant 6 : i32
      %mul3A_8 = arith.muli %arg0, %mul3A : i32
      %add3A = arith.addi %mul3A_8, %scan3A_6 : i32
      %mul3A_9 = arith.constant 1568 : i32
      %mul3A_10 = arith.muli %arg1, %mul3A_9 : i32
      "tpu.region"() ({
        %run_scoped3A = tpu.sem_alloc : memref<!tpu.dma_semaphore, #tpu.memory_space<semaphore_mem>>
        %dma_start3A = arith.constant 0 : i32
        %dma_start3A_33 = tpu.memref_slice %arg14[%mul3A_10, %dma_start3A] : memref<50176x34xf32, #tpu.memory_space<vmem_shared>> -> memref<1568x34xf32, #tpu.memory_space<vmem_shared>>
        tpu.enqueue_dma source(%arg7 : memref<1568x34xf32, #tpu.memory_space<hbm>>) target(%dma_start3A_33 : memref<1568x34xf32, #tpu.memory_space<vmem_shared>>) target_semaphore(%run_scoped3A : memref<!tpu.dma_semaphore, #tpu.memory_space<semaphore_mem>>)
        %dma_wait3A_34 = arith.constant 0 : i32
        %dma_wait3A_35 = tpu.memref_slice %arg14[%mul3A_10, %dma_wait3A_34] : memref<50176x34xf32, #tpu.memory_space<vmem_shared>> -> memref<1568x34xf32, #tpu.memory_space<vmem_shared>>
        tpu.wait_dma2 semaphore(%run_scoped3A : memref<!tpu.dma_semaphore, #tpu.memory_space<semaphore_mem>>) src(%arg7 : memref<1568x34xf32, #tpu.memory_space<hbm>>) dst(%dma_wait3A_35 : memref<1568x34xf32, #tpu.memory_space<vmem_shared>>)
        tpu.yield
      }) : () -> ()
      %barrier3A = arith.constant 0 : index
      tpu.barrier barrier_id(%barrier3A)
      %scan3A_11 = arith.constant 0 : i32
      %scan3A_12 = arith.constant 0 : i32
      %scan3A_13 = arith.constant 200 : i32
      %scan3A_14 = arith.addi %scan3A_12, %scan3A_13 : i32
      %scan3A_15 = arith.constant 1 : i32
      %scan3A_16 = scf.for %scan3A_33 = %scan3A_12 to %scan3A_14 step %scan3A_15 iter_args(%scan3A_34 = %scan3A_11) -> (i32)  : i32 {
        %rem3A = arith.constant 8 : i32
        %rem3A_35 = arith.remsi %scan3A_33, %rem3A : i32
        %gt3A = arith.constant 0 : i32
        %gt3A_36 = arith.cmpi sgt, %scan3A_33, %gt3A : i32
        %convert_element_type3A = arith.extui %gt3A_36 : i1 to i32
        %cond3A = arith.constant 0 : i32
        %cond3A_37 = arith.cmpi ne, %convert_element_type3A, %cond3A : i32
        scf.if %cond3A_37 {
          %dma_wait3A_289 = arith.constant 0 : i32
          %dma_wait3A_290 = arith.constant 0 : i32
          %dma_wait3A_291 = tpu.memref_slice %arg11[%dma_wait3A_289, %dma_wait3A_290] : memref<8x256xi32, #tpu.memory_space<vmem>> -> memref<1x256xi32, #tpu.memory_space<vmem>>
          %dma_wait3A_292 = tpu.memref_squeeze %dma_wait3A_291 : memref<1x256xi32, #tpu.memory_space<vmem>> -> memref<256xi32, #tpu.memory_space<vmem>>
          %dma_wait3A_293 = arith.constant 0 : i32
          %dma_wait3A_294 = arith.constant 0 : i32
          %dma_wait3A_295 = tpu.memref_slice %arg14[%dma_wait3A_293, %dma_wait3A_294] : memref<50176x34xf32, #tpu.memory_space<vmem_shared>> -> memref<50176x34xf32, #tpu.memory_space<vmem_shared>>
          tpu.wait_indirect_dma semaphore(%arg20 : memref<!tpu.dma_semaphore, #tpu.memory_space<semaphore_mem>>) src(%arg12 : memref<256x34xf32, #tpu.memory_space<vmem>>) dst(%dma_wait3A_295 : memref<50176x34xf32, #tpu.memory_space<vmem_shared>>)
        } else {
        }
        %eq3A = arith.constant 0 : i32
        %eq3A_38 = arith.cmpi eq, %rem3A_35, %eq3A : i32
        %convert_element_type3A_39 = arith.extui %eq3A_38 : i1 to i32
        %cond3A_40 = arith.constant 0 : i32
        %cond3A_41 = arith.cmpi ne, %convert_element_type3A_39, %cond3A_40 : i32
        scf.if %cond3A_41 {
          %mul3A_289 = arith.constant 3200 : i32
          %mul3A_290 = arith.muli %add3A, %mul3A_289 : i32
          %mul3A_291 = arith.constant 200 : i32
          %mul3A_292 = arith.muli %arg1, %mul3A_291 : i32
          %add3A_293 = arith.addi %mul3A_290, %mul3A_292 : i32
          %add3A_294 = arith.addi %add3A_293, %scan3A_33 : i32
          %mul3A_295 = arith.constant 4 : i32
          %mul3A_296 = arith.muli %mul3A_295, %add3A_294 : i32
          %mul3A_297 = arith.constant 200 : i32
          %mul3A_298 = arith.muli %arg1, %mul3A_297 : i32
          %add3A_299 = arith.addi %mul3A_298, %scan3A_33 : i32
          %dma_start3A_300 = arith.constant 0 : i32
          %dma_start3A_301 = tpu.memref_slice %arg4[%mul3A_296, %dma_start3A_300] : memref<153600x64xi32, #tpu.memory_space<hbm>> -> memref<32x64xi32, #tpu.memory_space<hbm>>
          %dma_start3A_302 = arith.constant 0 : i32
          %dma_start3A_303 = tpu.memref_slice %arg4[%mul3A_296, %dma_start3A_302] : memref<153600x64xi32, #tpu.memory_space<hbm>> -> memref<32x64xi32, #tpu.memory_space<hbm>>
          tpu.enqueue_dma source(%dma_start3A_303 : memref<32x64xi32, #tpu.memory_space<hbm>>) target(%arg9 : memref<32x64xi32, #tpu.memory_space<vmem>>) target_semaphore(%arg15 : memref<!tpu.dma_semaphore, #tpu.memory_space<semaphore_mem>>)
          %dma_start3A_304 = arith.constant 0 : i32
          %dma_start3A_305 = tpu.memref_slice %arg5[%mul3A_296, %dma_start3A_304] : memref<153600x64xi32, #tpu.memory_space<hbm>> -> memref<32x64xi32, #tpu.memory_space<hbm>>
          %dma_start3A_306 = arith.constant 0 : i32
          %dma_start3A_307 = tpu.memref_slice %arg5[%mul3A_296, %dma_start3A_306] : memref<153600x64xi32, #tpu.memory_space<hbm>> -> memref<32x64xi32, #tpu.memory_space<hbm>>
          tpu.enqueue_dma source(%dma_start3A_307 : memref<32x64xi32, #tpu.memory_space<hbm>>) target(%arg10 : memref<32x64xi32, #tpu.memory_space<vmem>>) target_semaphore(%arg15 : memref<!tpu.dma_semaphore, #tpu.memory_space<semaphore_mem>>)
          %dma_start3A_308 = arith.constant 0 : i32
          %dma_start3A_309 = tpu.memref_slice %arg6[%add3A_299, %dma_start3A_308] : memref<3200x256xi32, #tpu.memory_space<hbm>> -> memref<8x256xi32, #tpu.memory_space<hbm>>
          %dma_start3A_310 = arith.constant 0 : i32
          %dma_start3A_311 = tpu.memref_slice %arg6[%add3A_299, %dma_start3A_310] : memref<3200x256xi32, #tpu.memory_space<hbm>> -> memref<8x256xi32, #tpu.memory_space<hbm>>
          tpu.enqueue_dma source(%dma_start3A_311 : memref<8x256xi32, #tpu.memory_space<hbm>>) target(%arg11 : memref<8x256xi32, #tpu.memory_space<vmem>>) target_semaphore(%arg15 : memref<!tpu.dma_semaphore, #tpu.memory_space<semaphore_mem>>)
          %dma_wait3A_312 = arith.constant 0 : i32
          %dma_wait3A_313 = tpu.memref_slice %arg4[%mul3A_296, %dma_wait3A_312] : memref<153600x64xi32, #tpu.memory_space<hbm>> -> memref<32x64xi32, #tpu.memory_space<hbm>>
          %dma_wait3A_314 = arith.constant 0 : i32
          %dma_wait3A_315 = tpu.memref_slice %arg4[%mul3A_296, %dma_wait3A_314] : memref<153600x64xi32, #tpu.memory_space<hbm>> -> memref<32x64xi32, #tpu.memory_space<hbm>>
          tpu.wait_dma2 semaphore(%arg15 : memref<!tpu.dma_semaphore, #tpu.memory_space<semaphore_mem>>) src(%dma_wait3A_315 : memref<32x64xi32, #tpu.memory_space<hbm>>) dst(%arg9 : memref<32x64xi32, #tpu.memory_space<vmem>>)
          %dma_wait3A_316 = arith.constant 0 : i32
          %dma_wait3A_317 = tpu.memref_slice %arg5[%mul3A_296, %dma_wait3A_316] : memref<153600x64xi32, #tpu.memory_space<hbm>> -> memref<32x64xi32, #tpu.memory_space<hbm>>
          %dma_wait3A_318 = arith.constant 0 : i32
          %dma_wait3A_319 = tpu.memref_slice %arg5[%mul3A_296, %dma_wait3A_318] : memref<153600x64xi32, #tpu.memory_space<hbm>> -> memref<32x64xi32, #tpu.memory_space<hbm>>
          tpu.wait_dma2 semaphore(%arg15 : memref<!tpu.dma_semaphore, #tpu.memory_space<semaphore_mem>>) src(%dma_wait3A_319 : memref<32x64xi32, #tpu.memory_space<hbm>>) dst(%arg10 : memref<32x64xi32, #tpu.memory_space<vmem>>)
          %dma_wait3A_320 = arith.constant 0 : i32
          %dma_wait3A_321 = tpu.memref_slice %arg6[%add3A_299, %dma_wait3A_320] : memref<3200x256xi32, #tpu.memory_space<hbm>> -> memref<8x256xi32, #tpu.memory_space<hbm>>
          %dma_wait3A_322 = arith.constant 0 : i32
          %dma_wait3A_323 = tpu.memref_slice %arg6[%add3A_299, %dma_wait3A_322] : memref<3200x256xi32, #tpu.memory_space<hbm>> -> memref<8x256xi32, #tpu.memory_space<hbm>>
          tpu.wait_dma2 semaphore(%arg15 : memref<!tpu.dma_semaphore, #tpu.memory_space<semaphore_mem>>) src(%dma_wait3A_323 : memref<8x256xi32, #tpu.memory_space<hbm>>) dst(%arg11 : memref<8x256xi32, #tpu.memory_space<vmem>>)
        } else {
        }
        %mul3A_42 = arith.constant 4 : i32
        %mul3A_43 = arith.muli %mul3A_42, %rem3A_35 : i32
        %add3A_44 = arith.constant 0 : i32
        %add3A_45 = arith.addi %mul3A_43, %add3A_44 : i32
        %dma_start3A = arith.constant 0 : i32
        %dma_start3A_46 = arith.constant 0 : i32
        %dma_start3A_47 = tpu.memref_slice %arg12[%dma_start3A, %dma_start3A_46] : memref<256x34xf32, #tpu.memory_space<vmem>> -> memref<64x34xf32, #tpu.memory_space<vmem>>
        %dma_start3A_48 = arith.constant 0 : i32
        %dma_start3A_49 = tpu.memref_slice %arg9[%add3A_45, %dma_start3A_48] : memref<32x64xi32, #tpu.memory_space<vmem>> -> memref<1x64xi32, #tpu.memory_space<vmem>>
        %dma_start3A_50 = tpu.memref_squeeze %dma_start3A_49 : memref<1x64xi32, #tpu.memory_space<vmem>> -> memref<64xi32, #tpu.memory_space<vmem>>
        %dma_start3A_51 = arith.constant 0 : i32
        %dma_start3A_52 = arith.constant 0 : i32
        %dma_start3A_53 = tpu.memref_slice %arg2[%dma_start3A_51, %dma_start3A_52] : memref<600000x34xf32, #tpu.memory_space<hbm>> -> memref<600000x34xf32, #tpu.memory_space<hbm>>
        tpu.enqueue_indirect_dma source(%dma_start3A_53 : memref<600000x34xf32, #tpu.memory_space<hbm>>) target(%dma_start3A_47 : memref<64x34xf32, #tpu.memory_space<vmem>>) offsets(%dma_start3A_50 : memref<64xi32, #tpu.memory_space<vmem>>) semaphore(%arg16 : memref<!tpu.dma_semaphore, #tpu.memory_space<semaphore_mem>>)
        %mul3A_54 = arith.constant 4 : i32
        %mul3A_55 = arith.muli %mul3A_54, %rem3A_35 : i32
        %add3A_56 = arith.constant 0 : i32
        %add3A_57 = arith.addi %mul3A_55, %add3A_56 : i32
        %dma_start3A_58 = arith.constant 0 : i32
        %dma_start3A_59 = arith.constant 0 : i32
        %dma_start3A_60 = tpu.memref_slice %arg13[%dma_start3A_58, %dma_start3A_59] : memref<256x2xf32, #tpu.memory_space<vmem>> -> memref<64x2xf32, #tpu.memory_space<vmem>>
        %dma_start3A_61 = arith.constant 0 : i32
        %dma_start3A_62 = tpu.memref_slice %arg10[%add3A_57, %dma_start3A_61] : memref<32x64xi32, #tpu.memory_space<vmem>> -> memref<1x64xi32, #tpu.memory_space<vmem>>
        %dma_start3A_63 = tpu.memref_squeeze %dma_start3A_62 : memref<1x64xi32, #tpu.memory_space<vmem>> -> memref<64xi32, #tpu.memory_space<vmem>>
        %dma_start3A_64 = arith.constant 0 : i32
        %dma_start3A_65 = arith.constant 0 : i32
        %dma_start3A_66 = tpu.memref_slice %arg3[%dma_start3A_64, %dma_start3A_65] : memref<600000x2xf32, #tpu.memory_space<hbm>> -> memref<600000x2xf32, #tpu.memory_space<hbm>>
        tpu.enqueue_indirect_dma source(%dma_start3A_66 : memref<600000x2xf32, #tpu.memory_space<hbm>>) target(%dma_start3A_60 : memref<64x2xf32, #tpu.memory_space<vmem>>) offsets(%dma_start3A_63 : memref<64xi32, #tpu.memory_space<vmem>>) semaphore(%arg16 : memref<!tpu.dma_semaphore, #tpu.memory_space<semaphore_mem>>)
        %mul3A_67 = arith.constant 4 : i32
        %mul3A_68 = arith.muli %mul3A_67, %rem3A_35 : i32
        %add3A_69 = arith.constant 1 : i32
        %add3A_70 = arith.addi %mul3A_68, %add3A_69 : i32
        %dma_start3A_71 = arith.constant 64 : i32
        %dma_start3A_72 = arith.constant 0 : i32
        %dma_start3A_73 = tpu.memref_slice %arg12[%dma_start3A_71, %dma_start3A_72] : memref<256x34xf32, #tpu.memory_space<vmem>> -> memref<64x34xf32, #tpu.memory_space<vmem>>
        %dma_start3A_74 = arith.constant 0 : i32
        %dma_start3A_75 = tpu.memref_slice %arg9[%add3A_70, %dma_start3A_74] : memref<32x64xi32, #tpu.memory_space<vmem>> -> memref<1x64xi32, #tpu.memory_space<vmem>>
        %dma_start3A_76 = tpu.memref_squeeze %dma_start3A_75 : memref<1x64xi32, #tpu.memory_space<vmem>> -> memref<64xi32, #tpu.memory_space<vmem>>
        %dma_start3A_77 = arith.constant 0 : i32
        %dma_start3A_78 = arith.constant 0 : i32
        %dma_start3A_79 = tpu.memref_slice %arg2[%dma_start3A_77, %dma_start3A_78] : memref<600000x34xf32, #tpu.memory_space<hbm>> -> memref<600000x34xf32, #tpu.memory_space<hbm>>
        tpu.enqueue_indirect_dma source(%dma_start3A_79 : memref<600000x34xf32, #tpu.memory_space<hbm>>) target(%dma_start3A_73 : memref<64x34xf32, #tpu.memory_space<vmem>>) offsets(%dma_start3A_76 : memref<64xi32, #tpu.memory_space<vmem>>) semaphore(%arg17 : memref<!tpu.dma_semaphore, #tpu.memory_space<semaphore_mem>>)
        %mul3A_80 = arith.constant 4 : i32
        %mul3A_81 = arith.muli %mul3A_80, %rem3A_35 : i32
        %add3A_82 = arith.constant 1 : i32
        %add3A_83 = arith.addi %mul3A_81, %add3A_82 : i32
        %dma_start3A_84 = arith.constant 64 : i32
        %dma_start3A_85 = arith.constant 0 : i32
        %dma_start3A_86 = tpu.memref_slice %arg13[%dma_start3A_84, %dma_start3A_85] : memref<256x2xf32, #tpu.memory_space<vmem>> -> memref<64x2xf32, #tpu.memory_space<vmem>>
        %dma_start3A_87 = arith.constant 0 : i32
        %dma_start3A_88 = tpu.memref_slice %arg10[%add3A_83, %dma_start3A_87] : memref<32x64xi32, #tpu.memory_space<vmem>> -> memref<1x64xi32, #tpu.memory_space<vmem>>
        %dma_start3A_89 = tpu.memref_squeeze %dma_start3A_88 : memref<1x64xi32, #tpu.memory_space<vmem>> -> memref<64xi32, #tpu.memory_space<vmem>>
        %dma_start3A_90 = arith.constant 0 : i32
        %dma_start3A_91 = arith.constant 0 : i32
        %dma_start3A_92 = tpu.memref_slice %arg3[%dma_start3A_90, %dma_start3A_91] : memref<600000x2xf32, #tpu.memory_space<hbm>> -> memref<600000x2xf32, #tpu.memory_space<hbm>>
        tpu.enqueue_indirect_dma source(%dma_start3A_92 : memref<600000x2xf32, #tpu.memory_space<hbm>>) target(%dma_start3A_86 : memref<64x2xf32, #tpu.memory_space<vmem>>) offsets(%dma_start3A_89 : memref<64xi32, #tpu.memory_space<vmem>>) semaphore(%arg17 : memref<!tpu.dma_semaphore, #tpu.memory_space<semaphore_mem>>)
        %mul3A_93 = arith.constant 4 : i32
        %mul3A_94 = arith.muli %mul3A_93, %rem3A_35 : i32
        %add3A_95 = arith.constant 2 : i32
        %add3A_96 = arith.addi %mul3A_94, %add3A_95 : i32
        %dma_start3A_97 = arith.constant 128 : i32
        %dma_start3A_98 = arith.constant 0 : i32
        %dma_start3A_99 = tpu.memref_slice %arg12[%dma_start3A_97, %dma_start3A_98] : memref<256x34xf32, #tpu.memory_space<vmem>> -> memref<64x34xf32, #tpu.memory_space<vmem>>
        %dma_start3A_100 = arith.constant 0 : i32
        %dma_start3A_101 = tpu.memref_slice %arg9[%add3A_96, %dma_start3A_100] : memref<32x64xi32, #tpu.memory_space<vmem>> -> memref<1x64xi32, #tpu.memory_space<vmem>>
        %dma_start3A_102 = tpu.memref_squeeze %dma_start3A_101 : memref<1x64xi32, #tpu.memory_space<vmem>> -> memref<64xi32, #tpu.memory_space<vmem>>
        %dma_start3A_103 = arith.constant 0 : i32
        %dma_start3A_104 = arith.constant 0 : i32
        %dma_start3A_105 = tpu.memref_slice %arg2[%dma_start3A_103, %dma_start3A_104] : memref<600000x34xf32, #tpu.memory_space<hbm>> -> memref<600000x34xf32, #tpu.memory_space<hbm>>
        tpu.enqueue_indirect_dma source(%dma_start3A_105 : memref<600000x34xf32, #tpu.memory_space<hbm>>) target(%dma_start3A_99 : memref<64x34xf32, #tpu.memory_space<vmem>>) offsets(%dma_start3A_102 : memref<64xi32, #tpu.memory_space<vmem>>) semaphore(%arg18 : memref<!tpu.dma_semaphore, #tpu.memory_space<semaphore_mem>>)
        %mul3A_106 = arith.constant 4 : i32
        %mul3A_107 = arith.muli %mul3A_106, %rem3A_35 : i32
        %add3A_108 = arith.constant 2 : i32
        %add3A_109 = arith.addi %mul3A_107, %add3A_108 : i32
        %dma_start3A_110 = arith.constant 128 : i32
        %dma_start3A_111 = arith.constant 0 : i32
        %dma_start3A_112 = tpu.memref_slice %arg13[%dma_start3A_110, %dma_start3A_111] : memref<256x2xf32, #tpu.memory_space<vmem>> -> memref<64x2xf32, #tpu.memory_space<vmem>>
        %dma_start3A_113 = arith.constant 0 : i32
        %dma_start3A_114 = tpu.memref_slice %arg10[%add3A_109, %dma_start3A_113] : memref<32x64xi32, #tpu.memory_space<vmem>> -> memref<1x64xi32, #tpu.memory_space<vmem>>
        %dma_start3A_115 = tpu.memref_squeeze %dma_start3A_114 : memref<1x64xi32, #tpu.memory_space<vmem>> -> memref<64xi32, #tpu.memory_space<vmem>>
        %dma_start3A_116 = arith.constant 0 : i32
        %dma_start3A_117 = arith.constant 0 : i32
        %dma_start3A_118 = tpu.memref_slice %arg3[%dma_start3A_116, %dma_start3A_117] : memref<600000x2xf32, #tpu.memory_space<hbm>> -> memref<600000x2xf32, #tpu.memory_space<hbm>>
        tpu.enqueue_indirect_dma source(%dma_start3A_118 : memref<600000x2xf32, #tpu.memory_space<hbm>>) target(%dma_start3A_112 : memref<64x2xf32, #tpu.memory_space<vmem>>) offsets(%dma_start3A_115 : memref<64xi32, #tpu.memory_space<vmem>>) semaphore(%arg18 : memref<!tpu.dma_semaphore, #tpu.memory_space<semaphore_mem>>)
        %mul3A_119 = arith.constant 4 : i32
        %mul3A_120 = arith.muli %mul3A_119, %rem3A_35 : i32
        %add3A_121 = arith.constant 3 : i32
        %add3A_122 = arith.addi %mul3A_120, %add3A_121 : i32
        %dma_start3A_123 = arith.constant 192 : i32
        %dma_start3A_124 = arith.constant 0 : i32
        %dma_start3A_125 = tpu.memref_slice %arg12[%dma_start3A_123, %dma_start3A_124] : memref<256x34xf32, #tpu.memory_space<vmem>> -> memref<64x34xf32, #tpu.memory_space<vmem>>
        %dma_start3A_126 = arith.constant 0 : i32
        %dma_start3A_127 = tpu.memref_slice %arg9[%add3A_122, %dma_start3A_126] : memref<32x64xi32, #tpu.memory_space<vmem>> -> memref<1x64xi32, #tpu.memory_space<vmem>>
        %dma_start3A_128 = tpu.memref_squeeze %dma_start3A_127 : memref<1x64xi32, #tpu.memory_space<vmem>> -> memref<64xi32, #tpu.memory_space<vmem>>
        %dma_start3A_129 = arith.constant 0 : i32
        %dma_start3A_130 = arith.constant 0 : i32
        %dma_start3A_131 = tpu.memref_slice %arg2[%dma_start3A_129, %dma_start3A_130] : memref<600000x34xf32, #tpu.memory_space<hbm>> -> memref<600000x34xf32, #tpu.memory_space<hbm>>
        tpu.enqueue_indirect_dma source(%dma_start3A_131 : memref<600000x34xf32, #tpu.memory_space<hbm>>) target(%dma_start3A_125 : memref<64x34xf32, #tpu.memory_space<vmem>>) offsets(%dma_start3A_128 : memref<64xi32, #tpu.memory_space<vmem>>) semaphore(%arg19 : memref<!tpu.dma_semaphore, #tpu.memory_space<semaphore_mem>>)
        %mul3A_132 = arith.constant 4 : i32
        %mul3A_133 = arith.muli %mul3A_132, %rem3A_35 : i32
        %add3A_134 = arith.constant 3 : i32
        %add3A_135 = arith.addi %mul3A_133, %add3A_134 : i32
        %dma_start3A_136 = arith.constant 192 : i32
        %dma_start3A_137 = arith.constant 0 : i32
        %dma_start3A_138 = tpu.memref_slice %arg13[%dma_start3A_136, %dma_start3A_137] : memref<256x2xf32, #tpu.memory_space<vmem>> -> memref<64x2xf32, #tpu.memory_space<vmem>>
        %dma_start3A_139 = arith.constant 0 : i32
        %dma_start3A_140 = tpu.memref_slice %arg10[%add3A_135, %dma_start3A_139] : memref<32x64xi32, #tpu.memory_space<vmem>> -> memref<1x64xi32, #tpu.memory_space<vmem>>
        %dma_start3A_141 = tpu.memref_squeeze %dma_start3A_140 : memref<1x64xi32, #tpu.memory_space<vmem>> -> memref<64xi32, #tpu.memory_space<vmem>>
        %dma_start3A_142 = arith.constant 0 : i32
        %dma_start3A_143 = arith.constant 0 : i32
        %dma_start3A_144 = tpu.memref_slice %arg3[%dma_start3A_142, %dma_start3A_143] : memref<600000x2xf32, #tpu.memory_space<hbm>> -> memref<600000x2xf32, #tpu.memory_space<hbm>>
        tpu.enqueue_indirect_dma source(%dma_start3A_144 : memref<600000x2xf32, #tpu.memory_space<hbm>>) target(%dma_start3A_138 : memref<64x2xf32, #tpu.memory_space<vmem>>) offsets(%dma_start3A_141 : memref<64xi32, #tpu.memory_space<vmem>>) semaphore(%arg19 : memref<!tpu.dma_semaphore, #tpu.memory_space<semaphore_mem>>)
        %broadcast_in_dim3A = arith.constant 32 : i32
        %broadcast_in_dim3A_145 = vector.broadcast %broadcast_in_dim3A : i32 to vector<16xi32>
        %broadcast_in_dim3A_146 = arith.constant 33 : i32
        %broadcast_in_dim3A_147 = vector.broadcast %broadcast_in_dim3A_146 : i32 to vector<16xi32>
        %broadcast_in_dim3A_148 = arith.constant 0 : i32
        %broadcast_in_dim3A_149 = vector.broadcast %broadcast_in_dim3A_148 : i32 to vector<16xi32>
        %broadcast_in_dim3A_150 = arith.constant 1 : i32
        %broadcast_in_dim3A_151 = vector.broadcast %broadcast_in_dim3A_150 : i32 to vector<16xi32>
        %broadcast_in_dim3A_152 = arith.constant 0 : i32
        %broadcast_in_dim3A_153 = vector.broadcast %broadcast_in_dim3A_152 : i32 to vector<16xi32>
        %dma_wait3A_154 = arith.constant 0 : i32
        %dma_wait3A_155 = arith.constant 0 : i32
        %dma_wait3A_156 = tpu.memref_slice %arg12[%dma_wait3A_154, %dma_wait3A_155] : memref<256x34xf32, #tpu.memory_space<vmem>> -> memref<64x34xf32, #tpu.memory_space<vmem>>
        %dma_wait3A_157 = arith.constant 0 : i32
        %dma_wait3A_158 = tpu.memref_slice %arg9[%add3A_45, %dma_wait3A_157] : memref<32x64xi32, #tpu.memory_space<vmem>> -> memref<1x64xi32, #tpu.memory_space<vmem>>
        %dma_wait3A_159 = tpu.memref_squeeze %dma_wait3A_158 : memref<1x64xi32, #tpu.memory_space<vmem>> -> memref<64xi32, #tpu.memory_space<vmem>>
        %dma_wait3A_160 = arith.constant 0 : i32
        %dma_wait3A_161 = arith.constant 0 : i32
        %dma_wait3A_162 = tpu.memref_slice %arg2[%dma_wait3A_160, %dma_wait3A_161] : memref<600000x34xf32, #tpu.memory_space<hbm>> -> memref<600000x34xf32, #tpu.memory_space<hbm>>
        tpu.wait_indirect_dma semaphore(%arg16 : memref<!tpu.dma_semaphore, #tpu.memory_space<semaphore_mem>>) src(%dma_wait3A_162 : memref<600000x34xf32, #tpu.memory_space<hbm>>) dst(%dma_wait3A_156 : memref<64x34xf32, #tpu.memory_space<vmem>>)
        %dma_wait3A_163 = arith.constant 0 : i32
        %dma_wait3A_164 = arith.constant 0 : i32
        %dma_wait3A_165 = tpu.memref_slice %arg13[%dma_wait3A_163, %dma_wait3A_164] : memref<256x2xf32, #tpu.memory_space<vmem>> -> memref<64x2xf32, #tpu.memory_space<vmem>>
        %dma_wait3A_166 = arith.constant 0 : i32
        %dma_wait3A_167 = tpu.memref_slice %arg10[%add3A_57, %dma_wait3A_166] : memref<32x64xi32, #tpu.memory_space<vmem>> -> memref<1x64xi32, #tpu.memory_space<vmem>>
        %dma_wait3A_168 = tpu.memref_squeeze %dma_wait3A_167 : memref<1x64xi32, #tpu.memory_space<vmem>> -> memref<64xi32, #tpu.memory_space<vmem>>
        %dma_wait3A_169 = arith.constant 0 : i32
        %dma_wait3A_170 = arith.constant 0 : i32
        %dma_wait3A_171 = tpu.memref_slice %arg3[%dma_wait3A_169, %dma_wait3A_170] : memref<600000x2xf32, #tpu.memory_space<hbm>> -> memref<600000x2xf32, #tpu.memory_space<hbm>>
        tpu.wait_indirect_dma semaphore(%arg16 : memref<!tpu.dma_semaphore, #tpu.memory_space<semaphore_mem>>) src(%dma_wait3A_171 : memref<600000x2xf32, #tpu.memory_space<hbm>>) dst(%dma_wait3A_165 : memref<64x2xf32, #tpu.memory_space<vmem>>)
        %scan3A_172 = arith.constant 0 : i32
        %scan3A_173 = arith.constant 0 : i32
        %scan3A_174 = arith.constant 4 : i32
        %scan3A_175 = arith.addi %scan3A_173, %scan3A_174 : i32
        %scan3A_176 = arith.constant 1 : i32
        %scan3A_177 = scf.for %scan3A_289 = %scan3A_173 to %scan3A_175 step %scan3A_176 iter_args(%scan3A_290 = %scan3A_172) -> (i32)  : i32 {
          %mul3A_291 = arith.constant 16 : i32
          %mul3A_292 = arith.muli %scan3A_289, %mul3A_291 : i32
          %add3A_293 = vector.broadcast %mul3A_292 : i32 to vector<16xi32>
          %add3A_294 = arith.addi %add3A_293, %iota3A : vector<16xi32>
          %gather3A = tpu.vector_load_idx %arg12[%add3A_294, %broadcast_in_dim3A_145] : memref<256x34xf32, #tpu.memory_space<vmem>>[vector<16xi32>, vector<16xi32>], vector<16xf32>,
          %gather3A_295 = tpu.vector_load_idx %arg12[%add3A_294, %broadcast_in_dim3A_147] : memref<256x34xf32, #tpu.memory_space<vmem>>[vector<16xi32>, vector<16xi32>], vector<16xf32>,
          %gather3A_296 = tpu.vector_load_idx %arg13[%add3A_294, %broadcast_in_dim3A_149] : memref<256x2xf32, #tpu.memory_space<vmem>>[vector<16xi32>, vector<16xi32>], vector<16xf32>,
          %gather3A_297 = tpu.vector_load_idx %arg13[%add3A_294, %broadcast_in_dim3A_151] : memref<256x2xf32, #tpu.memory_space<vmem>>[vector<16xi32>, vector<16xi32>], vector<16xf32>,
          %add3A_298 = arith.addf %gather3A, %gather3A_296 : vector<16xf32>
          %add3A_299 = arith.addf %gather3A_295, %gather3A_297 : vector<16xf32>
          %ge3A = arith.constant 0.000000e+00 : f32
          %ge3A_300 = vector.broadcast %ge3A : f32 to vector<16xf32>
          %ge3A_301 = arith.cmpf oge, %add3A_298, %ge3A_300 : vector<16xf32>
          %mul3A_302 = arith.constant 2.000000e-01 : f32
          %mul3A_303 = vector.broadcast %mul3A_302 : f32 to vector<16xf32>
          %mul3A_304 = arith.mulf %mul3A_303, %add3A_298 : vector<16xf32>
          %select_n3A = arith.select %ge3A_301, %add3A_298, %mul3A_304 : vector<16xi1>, vector<16xf32>
          %ge3A_305 = arith.constant 0.000000e+00 : f32
          %ge3A_306 = vector.broadcast %ge3A_305 : f32 to vector<16xf32>
          %ge3A_307 = arith.cmpf oge, %add3A_299, %ge3A_306 : vector<16xf32>
          %mul3A_308 = arith.constant 2.000000e-01 : f32
          %mul3A_309 = vector.broadcast %mul3A_308 : f32 to vector<16xf32>
          %mul3A_310 = arith.mulf %mul3A_309, %add3A_299 : vector<16xf32>
          %select_n3A_311 = arith.select %ge3A_307, %add3A_299, %mul3A_310 : vector<16xi1>, vector<16xf32>
          %exp3A = math.exp %select_n3A : vector<16xf32>
          tpu.vector_store_idx %arg12[%add3A_294, %broadcast_in_dim3A_145], %exp3A : memref<256x34xf32, #tpu.memory_space<vmem>>[vector<16xi32>, vector<16xi32>], vector<16xf32>,
          %exp3A_312 = math.exp %select_n3A_311 : vector<16xf32>
          tpu.vector_store_idx %arg12[%add3A_294, %broadcast_in_dim3A_147], %exp3A_312 : memref<256x34xf32, #tpu.memory_space<vmem>>[vector<16xi32>, vector<16xi32>], vector<16xf32>,
          %scan3A_313 = arith.constant 0 : i32
          scf.yield %scan3A_313 : i32
        }
        %scan3A_178 = arith.constant 4 : i32
        %scan3A_179 = arith.constant 0 : i32
        %scan3A_180 = arith.constant 0 : i32
        %scan3A_181 = arith.constant 16 : i32
        %scan3A_182 = arith.addi %scan3A_180, %scan3A_181 : i32
        %scan3A_183 = arith.constant 1 : i32
        %scan3A_184 = scf.for %scan3A_289 = %scan3A_180 to %scan3A_182 step %scan3A_183 iter_args(%scan3A_290 = %scan3A_179) -> (i32)  : i32 {
          %mul3A_291 = arith.constant 4 : i32
          %mul3A_292 = arith.muli %scan3A_289, %mul3A_291 : i32
          %add3A_293 = arith.constant 0 : i32
          %add3A_294 = arith.addi %mul3A_292, %add3A_293 : i32
          %add3A_295 = vector.broadcast %add3A_294 : i32 to vector<16xi32>
          %add3A_296 = arith.addi %broadcast_in_dim3A_153, %add3A_295 : vector<16xi32>
          %gather3A = tpu.vector_load_idx %arg12[%add3A_296, %broadcast_in_dim3A_145] : memref<256x34xf32, #tpu.memory_space<vmem>>[vector<16xi32>, vector<16xi32>], vector<16xf32>,
          %gather3A_297 = tpu.vector_load_idx %arg12[%add3A_296, %broadcast_in_dim3A_147] : memref<256x34xf32, #tpu.memory_space<vmem>>[vector<16xi32>, vector<16xi32>], vector<16xf32>,
          %get3A = arith.index_cast %add3A_294 : i32 to index
          %get3A_298 = arith.constant 0 : index
          %get3A_299 = tpu.vector_load %arg12[%get3A, %get3A_298] {strides = array<i32>} : memref<256x34xf32, #tpu.memory_space<vmem>>, vector<16xf32>,
          %mul3A_300 = arith.mulf %get3A_299, %gather3A : vector<16xf32>
          %swap3A = arith.index_cast %add3A_294 : i32 to index
          %swap3A_301 = arith.constant 0 : index
          %swap3A_302 = tpu.vector_load %arg12[%swap3A, %swap3A_301] {strides = array<i32>} : memref<256x34xf32, #tpu.memory_space<vmem>>, vector<16xf32>,
          tpu.vector_store %arg12[%swap3A, %swap3A_301], %mul3A_300 {strides = array<i32>} : memref<256x34xf32, #tpu.memory_space<vmem>>, vector<16xf32>,
          %get3A_303 = arith.index_cast %add3A_294 : i32 to index
          %get3A_304 = arith.constant 16 : index
          %get3A_305 = tpu.vector_load %arg12[%get3A_303, %get3A_304] {strides = array<i32>} : memref<256x34xf32, #tpu.memory_space<vmem>>, vector<16xf32>,
          %mul3A_306 = arith.mulf %get3A_305, %gather3A_297 : vector<16xf32>
          %swap3A_307 = arith.index_cast %add3A_294 : i32 to index
          %swap3A_308 = arith.constant 16 : index
          %swap3A_309 = tpu.vector_load %arg12[%swap3A_307, %swap3A_308] {strides = array<i32>} : memref<256x34xf32, #tpu.memory_space<vmem>>, vector<16xf32>,
          tpu.vector_store %arg12[%swap3A_307, %swap3A_308], %mul3A_306 {strides = array<i32>} : memref<256x34xf32, #tpu.memory_space<vmem>>, vector<16xf32>,
          %mul3A_310 = arith.constant 4 : i32
          %mul3A_311 = arith.muli %scan3A_289, %mul3A_310 : i32
          %add3A_312 = arith.constant 1 : i32
          %add3A_313 = arith.addi %mul3A_311, %add3A_312 : i32
          %add3A_314 = vector.broadcast %add3A_313 : i32 to vector<16xi32>
          %add3A_315 = arith.addi %broadcast_in_dim3A_153, %add3A_314 : vector<16xi32>
          %gather3A_316 = tpu.vector_load_idx %arg12[%add3A_315, %broadcast_in_dim3A_145] : memref<256x34xf32, #tpu.memory_space<vmem>>[vector<16xi32>, vector<16xi32>], vector<16xf32>,
          %gather3A_317 = tpu.vector_load_idx %arg12[%add3A_315, %broadcast_in_dim3A_147] : memref<256x34xf32, #tpu.memory_space<vmem>>[vector<16xi32>, vector<16xi32>], vector<16xf32>,
          %get3A_318 = arith.index_cast %add3A_313 : i32 to index
          %get3A_319 = arith.constant 0 : index
          %get3A_320 = tpu.vector_load %arg12[%get3A_318, %get3A_319] {strides = array<i32>} : memref<256x34xf32, #tpu.memory_space<vmem>>, vector<16xf32>,
          %mul3A_321 = arith.mulf %get3A_320, %gather3A_316 : vector<16xf32>
          %swap3A_322 = arith.index_cast %add3A_313 : i32 to index
          %swap3A_323 = arith.constant 0 : index
          %swap3A_324 = tpu.vector_load %arg12[%swap3A_322, %swap3A_323] {strides = array<i32>} : memref<256x34xf32, #tpu.memory_space<vmem>>, vector<16xf32>,
          tpu.vector_store %arg12[%swap3A_322, %swap3A_323], %mul3A_321 {strides = array<i32>} : memref<256x34xf32, #tpu.memory_space<vmem>>, vector<16xf32>,
          %get3A_325 = arith.index_cast %add3A_313 : i32 to index
          %get3A_326 = arith.constant 16 : index
          %get3A_327 = tpu.vector_load %arg12[%get3A_325, %get3A_326] {strides = array<i32>} : memref<256x34xf32, #tpu.memory_space<vmem>>, vector<16xf32>,
          %mul3A_328 = arith.mulf %get3A_327, %gather3A_317 : vector<16xf32>
          %swap3A_329 = arith.index_cast %add3A_313 : i32 to index
          %swap3A_330 = arith.constant 16 : index
          %swap3A_331 = tpu.vector_load %arg12[%swap3A_329, %swap3A_330] {strides = array<i32>} : memref<256x34xf32, #tpu.memory_space<vmem>>, vector<16xf32>,
          tpu.vector_store %arg12[%swap3A_329, %swap3A_330], %mul3A_328 {strides = array<i32>} : memref<256x34xf32, #tpu.memory_space<vmem>>, vector<16xf32>,
          %mul3A_332 = arith.constant 4 : i32
          %mul3A_333 = arith.muli %scan3A_289, %mul3A_332 : i32
          %add3A_334 = arith.constant 2 : i32
          %add3A_335 = arith.addi %mul3A_333, %add3A_334 : i32
          %add3A_336 = vector.broadcast %add3A_335 : i32 to vector<16xi32>
          %add3A_337 = arith.addi %broadcast_in_dim3A_153, %add3A_336 : vector<16xi32>
          %gather3A_338 = tpu.vector_load_idx %arg12[%add3A_337, %broadcast_in_dim3A_145] : memref<256x34xf32, #tpu.memory_space<vmem>>[vector<16xi32>, vector<16xi32>], vector<16xf32>,
          %gather3A_339 = tpu.vector_load_idx %arg12[%add3A_337, %broadcast_in_dim3A_147] : memref<256x34xf32, #tpu.memory_space<vmem>>[vector<16xi32>, vector<16xi32>], vector<16xf32>,
          %get3A_340 = arith.index_cast %add3A_335 : i32 to index
          %get3A_341 = arith.constant 0 : index
          %get3A_342 = tpu.vector_load %arg12[%get3A_340, %get3A_341] {strides = array<i32>} : memref<256x34xf32, #tpu.memory_space<vmem>>, vector<16xf32>,
          %mul3A_343 = arith.mulf %get3A_342, %gather3A_338 : vector<16xf32>
          %swap3A_344 = arith.index_cast %add3A_335 : i32 to index
          %swap3A_345 = arith.constant 0 : index
          %swap3A_346 = tpu.vector_load %arg12[%swap3A_344, %swap3A_345] {strides = array<i32>} : memref<256x34xf32, #tpu.memory_space<vmem>>, vector<16xf32>,
          tpu.vector_store %arg12[%swap3A_344, %swap3A_345], %mul3A_343 {strides = array<i32>} : memref<256x34xf32, #tpu.memory_space<vmem>>, vector<16xf32>,
          %get3A_347 = arith.index_cast %add3A_335 : i32 to index
          %get3A_348 = arith.constant 16 : index
          %get3A_349 = tpu.vector_load %arg12[%get3A_347, %get3A_348] {strides = array<i32>} : memref<256x34xf32, #tpu.memory_space<vmem>>, vector<16xf32>,
          %mul3A_350 = arith.mulf %get3A_349, %gather3A_339 : vector<16xf32>
          %swap3A_351 = arith.index_cast %add3A_335 : i32 to index
          %swap3A_352 = arith.constant 16 : index
          %swap3A_353 = tpu.vector_load %arg12[%swap3A_351, %swap3A_352] {strides = array<i32>} : memref<256x34xf32, #tpu.memory_space<vmem>>, vector<16xf32>,
          tpu.vector_store %arg12[%swap3A_351, %swap3A_352], %mul3A_350 {strides = array<i32>} : memref<256x34xf32, #tpu.memory_space<vmem>>, vector<16xf32>,
          %mul3A_354 = arith.constant 4 : i32
          %mul3A_355 = arith.muli %scan3A_289, %mul3A_354 : i32
          %add3A_356 = arith.constant 3 : i32
          %add3A_357 = arith.addi %mul3A_355, %add3A_356 : i32
          %add3A_358 = vector.broadcast %add3A_357 : i32 to vector<16xi32>
          %add3A_359 = arith.addi %broadcast_in_dim3A_153, %add3A_358 : vector<16xi32>
          %gather3A_360 = tpu.vector_load_idx %arg12[%add3A_359, %broadcast_in_dim3A_145] : memref<256x34xf32, #tpu.memory_space<vmem>>[vector<16xi32>, vector<16xi32>], vector<16xf32>,
          %gather3A_361 = tpu.vector_load_idx %arg12[%add3A_359, %broadcast_in_dim3A_147] : memref<256x34xf32, #tpu.memory_space<vmem>>[vector<16xi32>, vector<16xi32>], vector<16xf32>,
          %get3A_362 = arith.index_cast %add3A_357 : i32 to index
          %get3A_363 = arith.constant 0 : index
          %get3A_364 = tpu.vector_load %arg12[%get3A_362, %get3A_363] {strides = array<i32>} : memref<256x34xf32, #tpu.memory_space<vmem>>, vector<16xf32>,
          %mul3A_365 = arith.mulf %get3A_364, %gather3A_360 : vector<16xf32>
          %swap3A_366 = arith.index_cast %add3A_357 : i32 to index
          %swap3A_367 = arith.constant 0 : index
          %swap3A_368 = tpu.vector_load %arg12[%swap3A_366, %swap3A_367] {strides = array<i32>} : memref<256x34xf32, #tpu.memory_space<vmem>>, vector<16xf32>,
          tpu.vector_store %arg12[%swap3A_366, %swap3A_367], %mul3A_365 {strides = array<i32>} : memref<256x34xf32, #tpu.memory_space<vmem>>, vector<16xf32>,
          %get3A_369 = arith.index_cast %add3A_357 : i32 to index
          %get3A_370 = arith.constant 16 : index
          %get3A_371 = tpu.vector_load %arg12[%get3A_369, %get3A_370] {strides = array<i32>} : memref<256x34xf32, #tpu.memory_space<vmem>>, vector<16xf32>,
          %mul3A_372 = arith.mulf %get3A_371, %gather3A_361 : vector<16xf32>
          %swap3A_373 = arith.index_cast %add3A_357 : i32 to index
          %swap3A_374 = arith.constant 16 : index
          %swap3A_375 = tpu.vector_load %arg12[%swap3A_373, %swap3A_374] {strides = array<i32>} : memref<256x34xf32, #tpu.memory_space<vmem>>, vector<16xf32>,
          tpu.vector_store %arg12[%swap3A_373, %swap3A_374], %mul3A_372 {strides = array<i32>} : memref<256x34xf32, #tpu.memory_space<vmem>>, vector<16xf32>,
          %scan3A_376 = arith.constant 0 : i32
          scf.yield %scan3A_376 : i32
        }
        %scan3A_185 = arith.constant 16 : i32
        %dma_wait3A_186 = arith.constant 64 : i32
        %dma_wait3A_187 = arith.constant 0 : i32
        %dma_wait3A_188 = tpu.memref_slice %arg12[%dma_wait3A_186, %dma_wait3A_187] : memref<256x34xf32, #tpu.memory_space<vmem>> -> memref<64x34xf32, #tpu.memory_space<vmem>>
        %dma_wait3A_189 = arith.constant 0 : i32
        %dma_wait3A_190 = tpu.memref_slice %arg9[%add3A_70, %dma_wait3A_189] : memref<32x64xi32, #tpu.memory_space<vmem>> -> memref<1x64xi32, #tpu.memory_space<vmem>>
        %dma_wait3A_191 = tpu.memref_squeeze %dma_wait3A_190 : memref<1x64xi32, #tpu.memory_space<vmem>> -> memref<64xi32, #tpu.memory_space<vmem>>
        %dma_wait3A_192 = arith.constant 0 : i32
        %dma_wait3A_193 = arith.constant 0 : i32
        %dma_wait3A_194 = tpu.memref_slice %arg2[%dma_wait3A_192, %dma_wait3A_193] : memref<600000x34xf32, #tpu.memory_space<hbm>> -> memref<600000x34xf32, #tpu.memory_space<hbm>>
        tpu.wait_indirect_dma semaphore(%arg17 : memref<!tpu.dma_semaphore, #tpu.memory_space<semaphore_mem>>) src(%dma_wait3A_194 : memref<600000x34xf32, #tpu.memory_space<hbm>>) dst(%dma_wait3A_188 : memref<64x34xf32, #tpu.memory_space<vmem>>)
        %dma_wait3A_195 = arith.constant 64 : i32
        %dma_wait3A_196 = arith.constant 0 : i32
        %dma_wait3A_197 = tpu.memref_slice %arg13[%dma_wait3A_195, %dma_wait3A_196] : memref<256x2xf32, #tpu.memory_space<vmem>> -> memref<64x2xf32, #tpu.memory_space<vmem>>
        %dma_wait3A_198 = arith.constant 0 : i32
        %dma_wait3A_199 = tpu.memref_slice %arg10[%add3A_83, %dma_wait3A_198] : memref<32x64xi32, #tpu.memory_space<vmem>> -> memref<1x64xi32, #tpu.memory_space<vmem>>
        %dma_wait3A_200 = tpu.memref_squeeze %dma_wait3A_199 : memref<1x64xi32, #tpu.memory_space<vmem>> -> memref<64xi32, #tpu.memory_space<vmem>>
        %dma_wait3A_201 = arith.constant 0 : i32
        %dma_wait3A_202 = arith.constant 0 : i32
        %dma_wait3A_203 = tpu.memref_slice %arg3[%dma_wait3A_201, %dma_wait3A_202] : memref<600000x2xf32, #tpu.memory_space<hbm>> -> memref<600000x2xf32, #tpu.memory_space<hbm>>
        tpu.wait_indirect_dma semaphore(%arg17 : memref<!tpu.dma_semaphore, #tpu.memory_space<semaphore_mem>>) src(%dma_wait3A_203 : memref<600000x2xf32, #tpu.memory_space<hbm>>) dst(%dma_wait3A_197 : memref<64x2xf32, #tpu.memory_space<vmem>>)
        %scan3A_204 = arith.constant 0 : i32
        %scan3A_205 = arith.constant 4 : i32
        %scan3A_206 = arith.constant 4 : i32
        %scan3A_207 = arith.addi %scan3A_205, %scan3A_206 : i32
        %scan3A_208 = arith.constant 1 : i32
        %scan3A_209 = scf.for %scan3A_289 = %scan3A_205 to %scan3A_207 step %scan3A_208 iter_args(%scan3A_290 = %scan3A_204) -> (i32)  : i32 {
          %mul3A_291 = arith.constant 16 : i32
          %mul3A_292 = arith.muli %scan3A_289, %mul3A_291 : i32
          %add3A_293 = vector.broadcast %mul3A_292 : i32 to vector<16xi32>
          %add3A_294 = arith.addi %add3A_293, %iota3A : vector<16xi32>
          %gather3A = tpu.vector_load_idx %arg12[%add3A_294, %broadcast_in_dim3A_145] : memref<256x34xf32, #tpu.memory_space<vmem>>[vector<16xi32>, vector<16xi32>], vector<16xf32>,
          %gather3A_295 = tpu.vector_load_idx %arg12[%add3A_294, %broadcast_in_dim3A_147] : memref<256x34xf32, #tpu.memory_space<vmem>>[vector<16xi32>, vector<16xi32>], vector<16xf32>,
          %gather3A_296 = tpu.vector_load_idx %arg13[%add3A_294, %broadcast_in_dim3A_149] : memref<256x2xf32, #tpu.memory_space<vmem>>[vector<16xi32>, vector<16xi32>], vector<16xf32>,
          %gather3A_297 = tpu.vector_load_idx %arg13[%add3A_294, %broadcast_in_dim3A_151] : memref<256x2xf32, #tpu.memory_space<vmem>>[vector<16xi32>, vector<16xi32>], vector<16xf32>,
          %add3A_298 = arith.addf %gather3A, %gather3A_296 : vector<16xf32>
          %add3A_299 = arith.addf %gather3A_295, %gather3A_297 : vector<16xf32>
          %ge3A = arith.constant 0.000000e+00 : f32
          %ge3A_300 = vector.broadcast %ge3A : f32 to vector<16xf32>
          %ge3A_301 = arith.cmpf oge, %add3A_298, %ge3A_300 : vector<16xf32>
          %mul3A_302 = arith.constant 2.000000e-01 : f32
          %mul3A_303 = vector.broadcast %mul3A_302 : f32 to vector<16xf32>
          %mul3A_304 = arith.mulf %mul3A_303, %add3A_298 : vector<16xf32>
          %select_n3A = arith.select %ge3A_301, %add3A_298, %mul3A_304 : vector<16xi1>, vector<16xf32>
          %ge3A_305 = arith.constant 0.000000e+00 : f32
          %ge3A_306 = vector.broadcast %ge3A_305 : f32 to vector<16xf32>
          %ge3A_307 = arith.cmpf oge, %add3A_299, %ge3A_306 : vector<16xf32>
          %mul3A_308 = arith.constant 2.000000e-01 : f32
          %mul3A_309 = vector.broadcast %mul3A_308 : f32 to vector<16xf32>
          %mul3A_310 = arith.mulf %mul3A_309, %add3A_299 : vector<16xf32>
          %select_n3A_311 = arith.select %ge3A_307, %add3A_299, %mul3A_310 : vector<16xi1>, vector<16xf32>
          %exp3A = math.exp %select_n3A : vector<16xf32>
          tpu.vector_store_idx %arg12[%add3A_294, %broadcast_in_dim3A_145], %exp3A : memref<256x34xf32, #tpu.memory_space<vmem>>[vector<16xi32>, vector<16xi32>], vector<16xf32>,
          %exp3A_312 = math.exp %select_n3A_311 : vector<16xf32>
          tpu.vector_store_idx %arg12[%add3A_294, %broadcast_in_dim3A_147], %exp3A_312 : memref<256x34xf32, #tpu.memory_space<vmem>>[vector<16xi32>, vector<16xi32>], vector<16xf32>,
          %scan3A_313 = arith.constant 0 : i32
          scf.yield %scan3A_313 : i32
        }
        %scan3A_210 = arith.constant 4 : i32
        %scan3A_211 = arith.constant 0 : i32
        %scan3A_212 = arith.constant 16 : i32
        %scan3A_213 = arith.constant 16 : i32
        %scan3A_214 = arith.addi %scan3A_212, %scan3A_213 : i32
        %scan3A_215 = arith.constant 1 : i32
        %scan3A_216 = scf.for %scan3A_289 = %scan3A_212 to %scan3A_214 step %scan3A_215 iter_args(%scan3A_290 = %scan3A_211) -> (i32)  : i32 {
          %mul3A_291 = arith.constant 4 : i32
          %mul3A_292 = arith.muli %scan3A_289, %mul3A_291 : i32
          %add3A_293 = arith.constant 0 : i32
          %add3A_294 = arith.addi %mul3A_292, %add3A_293 : i32
          %add3A_295 = vector.broadcast %add3A_294 : i32 to vector<16xi32>
          %add3A_296 = arith.addi %broadcast_in_dim3A_153, %add3A_295 : vector<16xi32>
          %gather3A = tpu.vector_load_idx %arg12[%add3A_296, %broadcast_in_dim3A_145] : memref<256x34xf32, #tpu.memory_space<vmem>>[vector<16xi32>, vector<16xi32>], vector<16xf32>,
          %gather3A_297 = tpu.vector_load_idx %arg12[%add3A_296, %broadcast_in_dim3A_147] : memref<256x34xf32, #tpu.memory_space<vmem>>[vector<16xi32>, vector<16xi32>], vector<16xf32>,
          %get3A = arith.index_cast %add3A_294 : i32 to index
          %get3A_298 = arith.constant 0 : index
          %get3A_299 = tpu.vector_load %arg12[%get3A, %get3A_298] {strides = array<i32>} : memref<256x34xf32, #tpu.memory_space<vmem>>, vector<16xf32>,
          %mul3A_300 = arith.mulf %get3A_299, %gather3A : vector<16xf32>
          %swap3A = arith.index_cast %add3A_294 : i32 to index
          %swap3A_301 = arith.constant 0 : index
          %swap3A_302 = tpu.vector_load %arg12[%swap3A, %swap3A_301] {strides = array<i32>} : memref<256x34xf32, #tpu.memory_space<vmem>>, vector<16xf32>,
          tpu.vector_store %arg12[%swap3A, %swap3A_301], %mul3A_300 {strides = array<i32>} : memref<256x34xf32, #tpu.memory_space<vmem>>, vector<16xf32>,
          %get3A_303 = arith.index_cast %add3A_294 : i32 to index
          %get3A_304 = arith.constant 16 : index
          %get3A_305 = tpu.vector_load %arg12[%get3A_303, %get3A_304] {strides = array<i32>} : memref<256x34xf32, #tpu.memory_space<vmem>>, vector<16xf32>,
          %mul3A_306 = arith.mulf %get3A_305, %gather3A_297 : vector<16xf32>
          %swap3A_307 = arith.index_cast %add3A_294 : i32 to index
          %swap3A_308 = arith.constant 16 : index
          %swap3A_309 = tpu.vector_load %arg12[%swap3A_307, %swap3A_308] {strides = array<i32>} : memref<256x34xf32, #tpu.memory_space<vmem>>, vector<16xf32>,
          tpu.vector_store %arg12[%swap3A_307, %swap3A_308], %mul3A_306 {strides = array<i32>} : memref<256x34xf32, #tpu.memory_space<vmem>>, vector<16xf32>,
          %mul3A_310 = arith.constant 4 : i32
          %mul3A_311 = arith.muli %scan3A_289, %mul3A_310 : i32
          %add3A_312 = arith.constant 1 : i32
          %add3A_313 = arith.addi %mul3A_311, %add3A_312 : i32
          %add3A_314 = vector.broadcast %add3A_313 : i32 to vector<16xi32>
          %add3A_315 = arith.addi %broadcast_in_dim3A_153, %add3A_314 : vector<16xi32>
          %gather3A_316 = tpu.vector_load_idx %arg12[%add3A_315, %broadcast_in_dim3A_145] : memref<256x34xf32, #tpu.memory_space<vmem>>[vector<16xi32>, vector<16xi32>], vector<16xf32>,
          %gather3A_317 = tpu.vector_load_idx %arg12[%add3A_315, %broadcast_in_dim3A_147] : memref<256x34xf32, #tpu.memory_space<vmem>>[vector<16xi32>, vector<16xi32>], vector<16xf32>,
          %get3A_318 = arith.index_cast %add3A_313 : i32 to index
          %get3A_319 = arith.constant 0 : index
          %get3A_320 = tpu.vector_load %arg12[%get3A_318, %get3A_319] {strides = array<i32>} : memref<256x34xf32, #tpu.memory_space<vmem>>, vector<16xf32>,
          %mul3A_321 = arith.mulf %get3A_320, %gather3A_316 : vector<16xf32>
          %swap3A_322 = arith.index_cast %add3A_313 : i32 to index
          %swap3A_323 = arith.constant 0 : index
          %swap3A_324 = tpu.vector_load %arg12[%swap3A_322, %swap3A_323] {strides = array<i32>} : memref<256x34xf32, #tpu.memory_space<vmem>>, vector<16xf32>,
          tpu.vector_store %arg12[%swap3A_322, %swap3A_323], %mul3A_321 {strides = array<i32>} : memref<256x34xf32, #tpu.memory_space<vmem>>, vector<16xf32>,
          %get3A_325 = arith.index_cast %add3A_313 : i32 to index
          %get3A_326 = arith.constant 16 : index
          %get3A_327 = tpu.vector_load %arg12[%get3A_325, %get3A_326] {strides = array<i32>} : memref<256x34xf32, #tpu.memory_space<vmem>>, vector<16xf32>,
          %mul3A_328 = arith.mulf %get3A_327, %gather3A_317 : vector<16xf32>
          %swap3A_329 = arith.index_cast %add3A_313 : i32 to index
          %swap3A_330 = arith.constant 16 : index
          %swap3A_331 = tpu.vector_load %arg12[%swap3A_329, %swap3A_330] {strides = array<i32>} : memref<256x34xf32, #tpu.memory_space<vmem>>, vector<16xf32>,
          tpu.vector_store %arg12[%swap3A_329, %swap3A_330], %mul3A_328 {strides = array<i32>} : memref<256x34xf32, #tpu.memory_space<vmem>>, vector<16xf32>,
          %mul3A_332 = arith.constant 4 : i32
          %mul3A_333 = arith.muli %scan3A_289, %mul3A_332 : i32
          %add3A_334 = arith.constant 2 : i32
          %add3A_335 = arith.addi %mul3A_333, %add3A_334 : i32
          %add3A_336 = vector.broadcast %add3A_335 : i32 to vector<16xi32>
          %add3A_337 = arith.addi %broadcast_in_dim3A_153, %add3A_336 : vector<16xi32>
          %gather3A_338 = tpu.vector_load_idx %arg12[%add3A_337, %broadcast_in_dim3A_145] : memref<256x34xf32, #tpu.memory_space<vmem>>[vector<16xi32>, vector<16xi32>], vector<16xf32>,
          %gather3A_339 = tpu.vector_load_idx %arg12[%add3A_337, %broadcast_in_dim3A_147] : memref<256x34xf32, #tpu.memory_space<vmem>>[vector<16xi32>, vector<16xi32>], vector<16xf32>,
          %get3A_340 = arith.index_cast %add3A_335 : i32 to index
          %get3A_341 = arith.constant 0 : index
          %get3A_342 = tpu.vector_load %arg12[%get3A_340, %get3A_341] {strides = array<i32>} : memref<256x34xf32, #tpu.memory_space<vmem>>, vector<16xf32>,
          %mul3A_343 = arith.mulf %get3A_342, %gather3A_338 : vector<16xf32>
          %swap3A_344 = arith.index_cast %add3A_335 : i32 to index
          %swap3A_345 = arith.constant 0 : index
          %swap3A_346 = tpu.vector_load %arg12[%swap3A_344, %swap3A_345] {strides = array<i32>} : memref<256x34xf32, #tpu.memory_space<vmem>>, vector<16xf32>,
          tpu.vector_store %arg12[%swap3A_344, %swap3A_345], %mul3A_343 {strides = array<i32>} : memref<256x34xf32, #tpu.memory_space<vmem>>, vector<16xf32>,
          %get3A_347 = arith.index_cast %add3A_335 : i32 to index
          %get3A_348 = arith.constant 16 : index
          %get3A_349 = tpu.vector_load %arg12[%get3A_347, %get3A_348] {strides = array<i32>} : memref<256x34xf32, #tpu.memory_space<vmem>>, vector<16xf32>,
          %mul3A_350 = arith.mulf %get3A_349, %gather3A_339 : vector<16xf32>
          %swap3A_351 = arith.index_cast %add3A_335 : i32 to index
          %swap3A_352 = arith.constant 16 : index
          %swap3A_353 = tpu.vector_load %arg12[%swap3A_351, %swap3A_352] {strides = array<i32>} : memref<256x34xf32, #tpu.memory_space<vmem>>, vector<16xf32>,
          tpu.vector_store %arg12[%swap3A_351, %swap3A_352], %mul3A_350 {strides = array<i32>} : memref<256x34xf32, #tpu.memory_space<vmem>>, vector<16xf32>,
          %mul3A_354 = arith.constant 4 : i32
          %mul3A_355 = arith.muli %scan3A_289, %mul3A_354 : i32
          %add3A_356 = arith.constant 3 : i32
          %add3A_357 = arith.addi %mul3A_355, %add3A_356 : i32
          %add3A_358 = vector.broadcast %add3A_357 : i32 to vector<16xi32>
          %add3A_359 = arith.addi %broadcast_in_dim3A_153, %add3A_358 : vector<16xi32>
          %gather3A_360 = tpu.vector_load_idx %arg12[%add3A_359, %broadcast_in_dim3A_145] : memref<256x34xf32, #tpu.memory_space<vmem>>[vector<16xi32>, vector<16xi32>], vector<16xf32>,
          %gather3A_361 = tpu.vector_load_idx %arg12[%add3A_359, %broadcast_in_dim3A_147] : memref<256x34xf32, #tpu.memory_space<vmem>>[vector<16xi32>, vector<16xi32>], vector<16xf32>,
          %get3A_362 = arith.index_cast %add3A_357 : i32 to index
          %get3A_363 = arith.constant 0 : index
          %get3A_364 = tpu.vector_load %arg12[%get3A_362, %get3A_363] {strides = array<i32>} : memref<256x34xf32, #tpu.memory_space<vmem>>, vector<16xf32>,
          %mul3A_365 = arith.mulf %get3A_364, %gather3A_360 : vector<16xf32>
          %swap3A_366 = arith.index_cast %add3A_357 : i32 to index
          %swap3A_367 = arith.constant 0 : index
          %swap3A_368 = tpu.vector_load %arg12[%swap3A_366, %swap3A_367] {strides = array<i32>} : memref<256x34xf32, #tpu.memory_space<vmem>>, vector<16xf32>,
          tpu.vector_store %arg12[%swap3A_366, %swap3A_367], %mul3A_365 {strides = array<i32>} : memref<256x34xf32, #tpu.memory_space<vmem>>, vector<16xf32>,
          %get3A_369 = arith.index_cast %add3A_357 : i32 to index
          %get3A_370 = arith.constant 16 : index
          %get3A_371 = tpu.vector_load %arg12[%get3A_369, %get3A_370] {strides = array<i32>} : memref<256x34xf32, #tpu.memory_space<vmem>>, vector<16xf32>,
          %mul3A_372 = arith.mulf %get3A_371, %gather3A_361 : vector<16xf32>
          %swap3A_373 = arith.index_cast %add3A_357 : i32 to index
          %swap3A_374 = arith.constant 16 : index
          %swap3A_375 = tpu.vector_load %arg12[%swap3A_373, %swap3A_374] {strides = array<i32>} : memref<256x34xf32, #tpu.memory_space<vmem>>, vector<16xf32>,
          tpu.vector_store %arg12[%swap3A_373, %swap3A_374], %mul3A_372 {strides = array<i32>} : memref<256x34xf32, #tpu.memory_space<vmem>>, vector<16xf32>,
          %scan3A_376 = arith.constant 0 : i32
          scf.yield %scan3A_376 : i32
        }
        %scan3A_217 = arith.constant 16 : i32
        %dma_wait3A_218 = arith.constant 128 : i32
        %dma_wait3A_219 = arith.constant 0 : i32
        %dma_wait3A_220 = tpu.memref_slice %arg12[%dma_wait3A_218, %dma_wait3A_219] : memref<256x34xf32, #tpu.memory_space<vmem>> -> memref<64x34xf32, #tpu.memory_space<vmem>>
        %dma_wait3A_221 = arith.constant 0 : i32
        %dma_wait3A_222 = tpu.memref_slice %arg9[%add3A_96, %dma_wait3A_221] : memref<32x64xi32, #tpu.memory_space<vmem>> -> memref<1x64xi32, #tpu.memory_space<vmem>>
        %dma_wait3A_223 = tpu.memref_squeeze %dma_wait3A_222 : memref<1x64xi32, #tpu.memory_space<vmem>> -> memref<64xi32, #tpu.memory_space<vmem>>
        %dma_wait3A_224 = arith.constant 0 : i32
        %dma_wait3A_225 = arith.constant 0 : i32
        %dma_wait3A_226 = tpu.memref_slice %arg2[%dma_wait3A_224, %dma_wait3A_225] : memref<600000x34xf32, #tpu.memory_space<hbm>> -> memref<600000x34xf32, #tpu.memory_space<hbm>>
        tpu.wait_indirect_dma semaphore(%arg18 : memref<!tpu.dma_semaphore, #tpu.memory_space<semaphore_mem>>) src(%dma_wait3A_226 : memref<600000x34xf32, #tpu.memory_space<hbm>>) dst(%dma_wait3A_220 : memref<64x34xf32, #tpu.memory_space<vmem>>)
        %dma_wait3A_227 = arith.constant 128 : i32
        %dma_wait3A_228 = arith.constant 0 : i32
        %dma_wait3A_229 = tpu.memref_slice %arg13[%dma_wait3A_227, %dma_wait3A_228] : memref<256x2xf32, #tpu.memory_space<vmem>> -> memref<64x2xf32, #tpu.memory_space<vmem>>
        %dma_wait3A_230 = arith.constant 0 : i32
        %dma_wait3A_231 = tpu.memref_slice %arg10[%add3A_109, %dma_wait3A_230] : memref<32x64xi32, #tpu.memory_space<vmem>> -> memref<1x64xi32, #tpu.memory_space<vmem>>
        %dma_wait3A_232 = tpu.memref_squeeze %dma_wait3A_231 : memref<1x64xi32, #tpu.memory_space<vmem>> -> memref<64xi32, #tpu.memory_space<vmem>>
        %dma_wait3A_233 = arith.constant 0 : i32
        %dma_wait3A_234 = arith.constant 0 : i32
        %dma_wait3A_235 = tpu.memref_slice %arg3[%dma_wait3A_233, %dma_wait3A_234] : memref<600000x2xf32, #tpu.memory_space<hbm>> -> memref<600000x2xf32, #tpu.memory_space<hbm>>
        tpu.wait_indirect_dma semaphore(%arg18 : memref<!tpu.dma_semaphore, #tpu.memory_space<semaphore_mem>>) src(%dma_wait3A_235 : memref<600000x2xf32, #tpu.memory_space<hbm>>) dst(%dma_wait3A_229 : memref<64x2xf32, #tpu.memory_space<vmem>>)
        %scan3A_236 = arith.constant 0 : i32
        %scan3A_237 = arith.constant 8 : i32
        %scan3A_238 = arith.constant 4 : i32
        %scan3A_239 = arith.addi %scan3A_237, %scan3A_238 : i32
        %scan3A_240 = arith.constant 1 : i32
        %scan3A_241 = scf.for %scan3A_289 = %scan3A_237 to %scan3A_239 step %scan3A_240 iter_args(%scan3A_290 = %scan3A_236) -> (i32)  : i32 {
          %mul3A_291 = arith.constant 16 : i32
          %mul3A_292 = arith.muli %scan3A_289, %mul3A_291 : i32
          %add3A_293 = vector.broadcast %mul3A_292 : i32 to vector<16xi32>
          %add3A_294 = arith.addi %add3A_293, %iota3A : vector<16xi32>
          %gather3A = tpu.vector_load_idx %arg12[%add3A_294, %broadcast_in_dim3A_145] : memref<256x34xf32, #tpu.memory_space<vmem>>[vector<16xi32>, vector<16xi32>], vector<16xf32>,
          %gather3A_295 = tpu.vector_load_idx %arg12[%add3A_294, %broadcast_in_dim3A_147] : memref<256x34xf32, #tpu.memory_space<vmem>>[vector<16xi32>, vector<16xi32>], vector<16xf32>,
          %gather3A_296 = tpu.vector_load_idx %arg13[%add3A_294, %broadcast_in_dim3A_149] : memref<256x2xf32, #tpu.memory_space<vmem>>[vector<16xi32>, vector<16xi32>], vector<16xf32>,
          %gather3A_297 = tpu.vector_load_idx %arg13[%add3A_294, %broadcast_in_dim3A_151] : memref<256x2xf32, #tpu.memory_space<vmem>>[vector<16xi32>, vector<16xi32>], vector<16xf32>,
          %add3A_298 = arith.addf %gather3A, %gather3A_296 : vector<16xf32>
          %add3A_299 = arith.addf %gather3A_295, %gather3A_297 : vector<16xf32>
          %ge3A = arith.constant 0.000000e+00 : f32
          %ge3A_300 = vector.broadcast %ge3A : f32 to vector<16xf32>
          %ge3A_301 = arith.cmpf oge, %add3A_298, %ge3A_300 : vector<16xf32>
          %mul3A_302 = arith.constant 2.000000e-01 : f32
          %mul3A_303 = vector.broadcast %mul3A_302 : f32 to vector<16xf32>
          %mul3A_304 = arith.mulf %mul3A_303, %add3A_298 : vector<16xf32>
          %select_n3A = arith.select %ge3A_301, %add3A_298, %mul3A_304 : vector<16xi1>, vector<16xf32>
          %ge3A_305 = arith.constant 0.000000e+00 : f32
          %ge3A_306 = vector.broadcast %ge3A_305 : f32 to vector<16xf32>
          %ge3A_307 = arith.cmpf oge, %add3A_299, %ge3A_306 : vector<16xf32>
          %mul3A_308 = arith.constant 2.000000e-01 : f32
          %mul3A_309 = vector.broadcast %mul3A_308 : f32 to vector<16xf32>
          %mul3A_310 = arith.mulf %mul3A_309, %add3A_299 : vector<16xf32>
          %select_n3A_311 = arith.select %ge3A_307, %add3A_299, %mul3A_310 : vector<16xi1>, vector<16xf32>
          %exp3A = math.exp %select_n3A : vector<16xf32>
          tpu.vector_store_idx %arg12[%add3A_294, %broadcast_in_dim3A_145], %exp3A : memref<256x34xf32, #tpu.memory_space<vmem>>[vector<16xi32>, vector<16xi32>], vector<16xf32>,
          %exp3A_312 = math.exp %select_n3A_311 : vector<16xf32>
          tpu.vector_store_idx %arg12[%add3A_294, %broadcast_in_dim3A_147], %exp3A_312 : memref<256x34xf32, #tpu.memory_space<vmem>>[vector<16xi32>, vector<16xi32>], vector<16xf32>,
          %scan3A_313 = arith.constant 0 : i32
          scf.yield %scan3A_313 : i32
        }
        %scan3A_242 = arith.constant 4 : i32
        %scan3A_243 = arith.constant 0 : i32
        %scan3A_244 = arith.constant 32 : i32
        %scan3A_245 = arith.constant 16 : i32
        %scan3A_246 = arith.addi %scan3A_244, %scan3A_245 : i32
        %scan3A_247 = arith.constant 1 : i32
        %scan3A_248 = scf.for %scan3A_289 = %scan3A_244 to %scan3A_246 step %scan3A_247 iter_args(%scan3A_290 = %scan3A_243) -> (i32)  : i32 {
          %mul3A_291 = arith.constant 4 : i32
          %mul3A_292 = arith.muli %scan3A_289, %mul3A_291 : i32
          %add3A_293 = arith.constant 0 : i32
          %add3A_294 = arith.addi %mul3A_292, %add3A_293 : i32
          %add3A_295 = vector.broadcast %add3A_294 : i32 to vector<16xi32>
          %add3A_296 = arith.addi %broadcast_in_dim3A_153, %add3A_295 : vector<16xi32>
          %gather3A = tpu.vector_load_idx %arg12[%add3A_296, %broadcast_in_dim3A_145] : memref<256x34xf32, #tpu.memory_space<vmem>>[vector<16xi32>, vector<16xi32>], vector<16xf32>,
          %gather3A_297 = tpu.vector_load_idx %arg12[%add3A_296, %broadcast_in_dim3A_147] : memref<256x34xf32, #tpu.memory_space<vmem>>[vector<16xi32>, vector<16xi32>], vector<16xf32>,
          %get3A = arith.index_cast %add3A_294 : i32 to index
          %get3A_298 = arith.constant 0 : index
          %get3A_299 = tpu.vector_load %arg12[%get3A, %get3A_298] {strides = array<i32>} : memref<256x34xf32, #tpu.memory_space<vmem>>, vector<16xf32>,
          %mul3A_300 = arith.mulf %get3A_299, %gather3A : vector<16xf32>
          %swap3A = arith.index_cast %add3A_294 : i32 to index
          %swap3A_301 = arith.constant 0 : index
          %swap3A_302 = tpu.vector_load %arg12[%swap3A, %swap3A_301] {strides = array<i32>} : memref<256x34xf32, #tpu.memory_space<vmem>>, vector<16xf32>,
          tpu.vector_store %arg12[%swap3A, %swap3A_301], %mul3A_300 {strides = array<i32>} : memref<256x34xf32, #tpu.memory_space<vmem>>, vector<16xf32>,
          %get3A_303 = arith.index_cast %add3A_294 : i32 to index
          %get3A_304 = arith.constant 16 : index
          %get3A_305 = tpu.vector_load %arg12[%get3A_303, %get3A_304] {strides = array<i32>} : memref<256x34xf32, #tpu.memory_space<vmem>>, vector<16xf32>,
          %mul3A_306 = arith.mulf %get3A_305, %gather3A_297 : vector<16xf32>
          %swap3A_307 = arith.index_cast %add3A_294 : i32 to index
          %swap3A_308 = arith.constant 16 : index
          %swap3A_309 = tpu.vector_load %arg12[%swap3A_307, %swap3A_308] {strides = array<i32>} : memref<256x34xf32, #tpu.memory_space<vmem>>, vector<16xf32>,
          tpu.vector_store %arg12[%swap3A_307, %swap3A_308], %mul3A_306 {strides = array<i32>} : memref<256x34xf32, #tpu.memory_space<vmem>>, vector<16xf32>,
          %mul3A_310 = arith.constant 4 : i32
          %mul3A_311 = arith.muli %scan3A_289, %mul3A_310 : i32
          %add3A_312 = arith.constant 1 : i32
          %add3A_313 = arith.addi %mul3A_311, %add3A_312 : i32
          %add3A_314 = vector.broadcast %add3A_313 : i32 to vector<16xi32>
          %add3A_315 = arith.addi %broadcast_in_dim3A_153, %add3A_314 : vector<16xi32>
          %gather3A_316 = tpu.vector_load_idx %arg12[%add3A_315, %broadcast_in_dim3A_145] : memref<256x34xf32, #tpu.memory_space<vmem>>[vector<16xi32>, vector<16xi32>], vector<16xf32>,
          %gather3A_317 = tpu.vector_load_idx %arg12[%add3A_315, %broadcast_in_dim3A_147] : memref<256x34xf32, #tpu.memory_space<vmem>>[vector<16xi32>, vector<16xi32>], vector<16xf32>,
          %get3A_318 = arith.index_cast %add3A_313 : i32 to index
          %get3A_319 = arith.constant 0 : index
          %get3A_320 = tpu.vector_load %arg12[%get3A_318, %get3A_319] {strides = array<i32>} : memref<256x34xf32, #tpu.memory_space<vmem>>, vector<16xf32>,
          %mul3A_321 = arith.mulf %get3A_320, %gather3A_316 : vector<16xf32>
          %swap3A_322 = arith.index_cast %add3A_313 : i32 to index
          %swap3A_323 = arith.constant 0 : index
          %swap3A_324 = tpu.vector_load %arg12[%swap3A_322, %swap3A_323] {strides = array<i32>} : memref<256x34xf32, #tpu.memory_space<vmem>>, vector<16xf32>,
          tpu.vector_store %arg12[%swap3A_322, %swap3A_323], %mul3A_321 {strides = array<i32>} : memref<256x34xf32, #tpu.memory_space<vmem>>, vector<16xf32>,
          %get3A_325 = arith.index_cast %add3A_313 : i32 to index
          %get3A_326 = arith.constant 16 : index
          %get3A_327 = tpu.vector_load %arg12[%get3A_325, %get3A_326] {strides = array<i32>} : memref<256x34xf32, #tpu.memory_space<vmem>>, vector<16xf32>,
          %mul3A_328 = arith.mulf %get3A_327, %gather3A_317 : vector<16xf32>
          %swap3A_329 = arith.index_cast %add3A_313 : i32 to index
          %swap3A_330 = arith.constant 16 : index
          %swap3A_331 = tpu.vector_load %arg12[%swap3A_329, %swap3A_330] {strides = array<i32>} : memref<256x34xf32, #tpu.memory_space<vmem>>, vector<16xf32>,
          tpu.vector_store %arg12[%swap3A_329, %swap3A_330], %mul3A_328 {strides = array<i32>} : memref<256x34xf32, #tpu.memory_space<vmem>>, vector<16xf32>,
          %mul3A_332 = arith.constant 4 : i32
          %mul3A_333 = arith.muli %scan3A_289, %mul3A_332 : i32
          %add3A_334 = arith.constant 2 : i32
          %add3A_335 = arith.addi %mul3A_333, %add3A_334 : i32
          %add3A_336 = vector.broadcast %add3A_335 : i32 to vector<16xi32>
          %add3A_337 = arith.addi %broadcast_in_dim3A_153, %add3A_336 : vector<16xi32>
          %gather3A_338 = tpu.vector_load_idx %arg12[%add3A_337, %broadcast_in_dim3A_145] : memref<256x34xf32, #tpu.memory_space<vmem>>[vector<16xi32>, vector<16xi32>], vector<16xf32>,
          %gather3A_339 = tpu.vector_load_idx %arg12[%add3A_337, %broadcast_in_dim3A_147] : memref<256x34xf32, #tpu.memory_space<vmem>>[vector<16xi32>, vector<16xi32>], vector<16xf32>,
          %get3A_340 = arith.index_cast %add3A_335 : i32 to index
          %get3A_341 = arith.constant 0 : index
          %get3A_342 = tpu.vector_load %arg12[%get3A_340, %get3A_341] {strides = array<i32>} : memref<256x34xf32, #tpu.memory_space<vmem>>, vector<16xf32>,
          %mul3A_343 = arith.mulf %get3A_342, %gather3A_338 : vector<16xf32>
          %swap3A_344 = arith.index_cast %add3A_335 : i32 to index
          %swap3A_345 = arith.constant 0 : index
          %swap3A_346 = tpu.vector_load %arg12[%swap3A_344, %swap3A_345] {strides = array<i32>} : memref<256x34xf32, #tpu.memory_space<vmem>>, vector<16xf32>,
          tpu.vector_store %arg12[%swap3A_344, %swap3A_345], %mul3A_343 {strides = array<i32>} : memref<256x34xf32, #tpu.memory_space<vmem>>, vector<16xf32>,
          %get3A_347 = arith.index_cast %add3A_335 : i32 to index
          %get3A_348 = arith.constant 16 : index
          %get3A_349 = tpu.vector_load %arg12[%get3A_347, %get3A_348] {strides = array<i32>} : memref<256x34xf32, #tpu.memory_space<vmem>>, vector<16xf32>,
          %mul3A_350 = arith.mulf %get3A_349, %gather3A_339 : vector<16xf32>
          %swap3A_351 = arith.index_cast %add3A_335 : i32 to index
          %swap3A_352 = arith.constant 16 : index
          %swap3A_353 = tpu.vector_load %arg12[%swap3A_351, %swap3A_352] {strides = array<i32>} : memref<256x34xf32, #tpu.memory_space<vmem>>, vector<16xf32>,
          tpu.vector_store %arg12[%swap3A_351, %swap3A_352], %mul3A_350 {strides = array<i32>} : memref<256x34xf32, #tpu.memory_space<vmem>>, vector<16xf32>,
          %mul3A_354 = arith.constant 4 : i32
          %mul3A_355 = arith.muli %scan3A_289, %mul3A_354 : i32
          %add3A_356 = arith.constant 3 : i32
          %add3A_357 = arith.addi %mul3A_355, %add3A_356 : i32
          %add3A_358 = vector.broadcast %add3A_357 : i32 to vector<16xi32>
          %add3A_359 = arith.addi %broadcast_in_dim3A_153, %add3A_358 : vector<16xi32>
          %gather3A_360 = tpu.vector_load_idx %arg12[%add3A_359, %broadcast_in_dim3A_145] : memref<256x34xf32, #tpu.memory_space<vmem>>[vector<16xi32>, vector<16xi32>], vector<16xf32>,
          %gather3A_361 = tpu.vector_load_idx %arg12[%add3A_359, %broadcast_in_dim3A_147] : memref<256x34xf32, #tpu.memory_space<vmem>>[vector<16xi32>, vector<16xi32>], vector<16xf32>,
          %get3A_362 = arith.index_cast %add3A_357 : i32 to index
          %get3A_363 = arith.constant 0 : index
          %get3A_364 = tpu.vector_load %arg12[%get3A_362, %get3A_363] {strides = array<i32>} : memref<256x34xf32, #tpu.memory_space<vmem>>, vector<16xf32>,
          %mul3A_365 = arith.mulf %get3A_364, %gather3A_360 : vector<16xf32>
          %swap3A_366 = arith.index_cast %add3A_357 : i32 to index
          %swap3A_367 = arith.constant 0 : index
          %swap3A_368 = tpu.vector_load %arg12[%swap3A_366, %swap3A_367] {strides = array<i32>} : memref<256x34xf32, #tpu.memory_space<vmem>>, vector<16xf32>,
          tpu.vector_store %arg12[%swap3A_366, %swap3A_367], %mul3A_365 {strides = array<i32>} : memref<256x34xf32, #tpu.memory_space<vmem>>, vector<16xf32>,
          %get3A_369 = arith.index_cast %add3A_357 : i32 to index
          %get3A_370 = arith.constant 16 : index
          %get3A_371 = tpu.vector_load %arg12[%get3A_369, %get3A_370] {strides = array<i32>} : memref<256x34xf32, #tpu.memory_space<vmem>>, vector<16xf32>,
          %mul3A_372 = arith.mulf %get3A_371, %gather3A_361 : vector<16xf32>
          %swap3A_373 = arith.index_cast %add3A_357 : i32 to index
          %swap3A_374 = arith.constant 16 : index
          %swap3A_375 = tpu.vector_load %arg12[%swap3A_373, %swap3A_374] {strides = array<i32>} : memref<256x34xf32, #tpu.memory_space<vmem>>, vector<16xf32>,
          tpu.vector_store %arg12[%swap3A_373, %swap3A_374], %mul3A_372 {strides = array<i32>} : memref<256x34xf32, #tpu.memory_space<vmem>>, vector<16xf32>,
          %scan3A_376 = arith.constant 0 : i32
          scf.yield %scan3A_376 : i32
        }
        %scan3A_249 = arith.constant 16 : i32
        %dma_wait3A_250 = arith.constant 192 : i32
        %dma_wait3A_251 = arith.constant 0 : i32
        %dma_wait3A_252 = tpu.memref_slice %arg12[%dma_wait3A_250, %dma_wait3A_251] : memref<256x34xf32, #tpu.memory_space<vmem>> -> memref<64x34xf32, #tpu.memory_space<vmem>>
        %dma_wait3A_253 = arith.constant 0 : i32
        %dma_wait3A_254 = tpu.memref_slice %arg9[%add3A_122, %dma_wait3A_253] : memref<32x64xi32, #tpu.memory_space<vmem>> -> memref<1x64xi32, #tpu.memory_space<vmem>>
        %dma_wait3A_255 = tpu.memref_squeeze %dma_wait3A_254 : memref<1x64xi32, #tpu.memory_space<vmem>> -> memref<64xi32, #tpu.memory_space<vmem>>
        %dma_wait3A_256 = arith.constant 0 : i32
        %dma_wait3A_257 = arith.constant 0 : i32
        %dma_wait3A_258 = tpu.memref_slice %arg2[%dma_wait3A_256, %dma_wait3A_257] : memref<600000x34xf32, #tpu.memory_space<hbm>> -> memref<600000x34xf32, #tpu.memory_space<hbm>>
        tpu.wait_indirect_dma semaphore(%arg19 : memref<!tpu.dma_semaphore, #tpu.memory_space<semaphore_mem>>) src(%dma_wait3A_258 : memref<600000x34xf32, #tpu.memory_space<hbm>>) dst(%dma_wait3A_252 : memref<64x34xf32, #tpu.memory_space<vmem>>)
        %dma_wait3A_259 = arith.constant 192 : i32
        %dma_wait3A_260 = arith.constant 0 : i32
        %dma_wait3A_261 = tpu.memref_slice %arg13[%dma_wait3A_259, %dma_wait3A_260] : memref<256x2xf32, #tpu.memory_space<vmem>> -> memref<64x2xf32, #tpu.memory_space<vmem>>
        %dma_wait3A_262 = arith.constant 0 : i32
        %dma_wait3A_263 = tpu.memref_slice %arg10[%add3A_135, %dma_wait3A_262] : memref<32x64xi32, #tpu.memory_space<vmem>> -> memref<1x64xi32, #tpu.memory_space<vmem>>
        %dma_wait3A_264 = tpu.memref_squeeze %dma_wait3A_263 : memref<1x64xi32, #tpu.memory_space<vmem>> -> memref<64xi32, #tpu.memory_space<vmem>>
        %dma_wait3A_265 = arith.constant 0 : i32
        %dma_wait3A_266 = arith.constant 0 : i32
        %dma_wait3A_267 = tpu.memref_slice %arg3[%dma_wait3A_265, %dma_wait3A_266] : memref<600000x2xf32, #tpu.memory_space<hbm>> -> memref<600000x2xf32, #tpu.memory_space<hbm>>
        tpu.wait_indirect_dma semaphore(%arg19 : memref<!tpu.dma_semaphore, #tpu.memory_space<semaphore_mem>>) src(%dma_wait3A_267 : memref<600000x2xf32, #tpu.memory_space<hbm>>) dst(%dma_wait3A_261 : memref<64x2xf32, #tpu.memory_space<vmem>>)
        %scan3A_268 = arith.constant 0 : i32
        %scan3A_269 = arith.constant 12 : i32
        %scan3A_270 = arith.constant 4 : i32
        %scan3A_271 = arith.addi %scan3A_269, %scan3A_270 : i32
        %scan3A_272 = arith.constant 1 : i32
        %scan3A_273 = scf.for %scan3A_289 = %scan3A_269 to %scan3A_271 step %scan3A_272 iter_args(%scan3A_290 = %scan3A_268) -> (i32)  : i32 {
          %mul3A_291 = arith.constant 16 : i32
          %mul3A_292 = arith.muli %scan3A_289, %mul3A_291 : i32
          %add3A_293 = vector.broadcast %mul3A_292 : i32 to vector<16xi32>
          %add3A_294 = arith.addi %add3A_293, %iota3A : vector<16xi32>
          %gather3A = tpu.vector_load_idx %arg12[%add3A_294, %broadcast_in_dim3A_145] : memref<256x34xf32, #tpu.memory_space<vmem>>[vector<16xi32>, vector<16xi32>], vector<16xf32>,
          %gather3A_295 = tpu.vector_load_idx %arg12[%add3A_294, %broadcast_in_dim3A_147] : memref<256x34xf32, #tpu.memory_space<vmem>>[vector<16xi32>, vector<16xi32>], vector<16xf32>,
          %gather3A_296 = tpu.vector_load_idx %arg13[%add3A_294, %broadcast_in_dim3A_149] : memref<256x2xf32, #tpu.memory_space<vmem>>[vector<16xi32>, vector<16xi32>], vector<16xf32>,
          %gather3A_297 = tpu.vector_load_idx %arg13[%add3A_294, %broadcast_in_dim3A_151] : memref<256x2xf32, #tpu.memory_space<vmem>>[vector<16xi32>, vector<16xi32>], vector<16xf32>,
          %add3A_298 = arith.addf %gather3A, %gather3A_296 : vector<16xf32>
          %add3A_299 = arith.addf %gather3A_295, %gather3A_297 : vector<16xf32>
          %ge3A = arith.constant 0.000000e+00 : f32
          %ge3A_300 = vector.broadcast %ge3A : f32 to vector<16xf32>
          %ge3A_301 = arith.cmpf oge, %add3A_298, %ge3A_300 : vector<16xf32>
          %mul3A_302 = arith.constant 2.000000e-01 : f32
          %mul3A_303 = vector.broadcast %mul3A_302 : f32 to vector<16xf32>
          %mul3A_304 = arith.mulf %mul3A_303, %add3A_298 : vector<16xf32>
          %select_n3A = arith.select %ge3A_301, %add3A_298, %mul3A_304 : vector<16xi1>, vector<16xf32>
          %ge3A_305 = arith.constant 0.000000e+00 : f32
          %ge3A_306 = vector.broadcast %ge3A_305 : f32 to vector<16xf32>
          %ge3A_307 = arith.cmpf oge, %add3A_299, %ge3A_306 : vector<16xf32>
          %mul3A_308 = arith.constant 2.000000e-01 : f32
          %mul3A_309 = vector.broadcast %mul3A_308 : f32 to vector<16xf32>
          %mul3A_310 = arith.mulf %mul3A_309, %add3A_299 : vector<16xf32>
          %select_n3A_311 = arith.select %ge3A_307, %add3A_299, %mul3A_310 : vector<16xi1>, vector<16xf32>
          %exp3A = math.exp %select_n3A : vector<16xf32>
          tpu.vector_store_idx %arg12[%add3A_294, %broadcast_in_dim3A_145], %exp3A : memref<256x34xf32, #tpu.memory_space<vmem>>[vector<16xi32>, vector<16xi32>], vector<16xf32>,
          %exp3A_312 = math.exp %select_n3A_311 : vector<16xf32>
          tpu.vector_store_idx %arg12[%add3A_294, %broadcast_in_dim3A_147], %exp3A_312 : memref<256x34xf32, #tpu.memory_space<vmem>>[vector<16xi32>, vector<16xi32>], vector<16xf32>,
          %scan3A_313 = arith.constant 0 : i32
          scf.yield %scan3A_313 : i32
        }
        %scan3A_274 = arith.constant 4 : i32
        %scan3A_275 = arith.constant 0 : i32
        %scan3A_276 = arith.constant 48 : i32
        %scan3A_277 = arith.constant 16 : i32
        %scan3A_278 = arith.addi %scan3A_276, %scan3A_277 : i32
        %scan3A_279 = arith.constant 1 : i32
        %scan3A_280 = scf.for %scan3A_289 = %scan3A_276 to %scan3A_278 step %scan3A_279 iter_args(%scan3A_290 = %scan3A_275) -> (i32)  : i32 {
          %mul3A_291 = arith.constant 4 : i32
          %mul3A_292 = arith.muli %scan3A_289, %mul3A_291 : i32
          %add3A_293 = arith.constant 0 : i32
          %add3A_294 = arith.addi %mul3A_292, %add3A_293 : i32
          %add3A_295 = vector.broadcast %add3A_294 : i32 to vector<16xi32>
          %add3A_296 = arith.addi %broadcast_in_dim3A_153, %add3A_295 : vector<16xi32>
          %gather3A = tpu.vector_load_idx %arg12[%add3A_296, %broadcast_in_dim3A_145] : memref<256x34xf32, #tpu.memory_space<vmem>>[vector<16xi32>, vector<16xi32>], vector<16xf32>,
          %gather3A_297 = tpu.vector_load_idx %arg12[%add3A_296, %broadcast_in_dim3A_147] : memref<256x34xf32, #tpu.memory_space<vmem>>[vector<16xi32>, vector<16xi32>], vector<16xf32>,
          %get3A = arith.index_cast %add3A_294 : i32 to index
          %get3A_298 = arith.constant 0 : index
          %get3A_299 = tpu.vector_load %arg12[%get3A, %get3A_298] {strides = array<i32>} : memref<256x34xf32, #tpu.memory_space<vmem>>, vector<16xf32>,
          %mul3A_300 = arith.mulf %get3A_299, %gather3A : vector<16xf32>
          %swap3A = arith.index_cast %add3A_294 : i32 to index
          %swap3A_301 = arith.constant 0 : index
          %swap3A_302 = tpu.vector_load %arg12[%swap3A, %swap3A_301] {strides = array<i32>} : memref<256x34xf32, #tpu.memory_space<vmem>>, vector<16xf32>,
          tpu.vector_store %arg12[%swap3A, %swap3A_301], %mul3A_300 {strides = array<i32>} : memref<256x34xf32, #tpu.memory_space<vmem>>, vector<16xf32>,
          %get3A_303 = arith.index_cast %add3A_294 : i32 to index
          %get3A_304 = arith.constant 16 : index
          %get3A_305 = tpu.vector_load %arg12[%get3A_303, %get3A_304] {strides = array<i32>} : memref<256x34xf32, #tpu.memory_space<vmem>>, vector<16xf32>,
          %mul3A_306 = arith.mulf %get3A_305, %gather3A_297 : vector<16xf32>
          %swap3A_307 = arith.index_cast %add3A_294 : i32 to index
          %swap3A_308 = arith.constant 16 : index
          %swap3A_309 = tpu.vector_load %arg12[%swap3A_307, %swap3A_308] {strides = array<i32>} : memref<256x34xf32, #tpu.memory_space<vmem>>, vector<16xf32>,
          tpu.vector_store %arg12[%swap3A_307, %swap3A_308], %mul3A_306 {strides = array<i32>} : memref<256x34xf32, #tpu.memory_space<vmem>>, vector<16xf32>,
          %mul3A_310 = arith.constant 4 : i32
          %mul3A_311 = arith.muli %scan3A_289, %mul3A_310 : i32
          %add3A_312 = arith.constant 1 : i32
          %add3A_313 = arith.addi %mul3A_311, %add3A_312 : i32
          %add3A_314 = vector.broadcast %add3A_313 : i32 to vector<16xi32>
          %add3A_315 = arith.addi %broadcast_in_dim3A_153, %add3A_314 : vector<16xi32>
          %gather3A_316 = tpu.vector_load_idx %arg12[%add3A_315, %broadcast_in_dim3A_145] : memref<256x34xf32, #tpu.memory_space<vmem>>[vector<16xi32>, vector<16xi32>], vector<16xf32>,
          %gather3A_317 = tpu.vector_load_idx %arg12[%add3A_315, %broadcast_in_dim3A_147] : memref<256x34xf32, #tpu.memory_space<vmem>>[vector<16xi32>, vector<16xi32>], vector<16xf32>,
          %get3A_318 = arith.index_cast %add3A_313 : i32 to index
          %get3A_319 = arith.constant 0 : index
          %get3A_320 = tpu.vector_load %arg12[%get3A_318, %get3A_319] {strides = array<i32>} : memref<256x34xf32, #tpu.memory_space<vmem>>, vector<16xf32>,
          %mul3A_321 = arith.mulf %get3A_320, %gather3A_316 : vector<16xf32>
          %swap3A_322 = arith.index_cast %add3A_313 : i32 to index
          %swap3A_323 = arith.constant 0 : index
          %swap3A_324 = tpu.vector_load %arg12[%swap3A_322, %swap3A_323] {strides = array<i32>} : memref<256x34xf32, #tpu.memory_space<vmem>>, vector<16xf32>,
          tpu.vector_store %arg12[%swap3A_322, %swap3A_323], %mul3A_321 {strides = array<i32>} : memref<256x34xf32, #tpu.memory_space<vmem>>, vector<16xf32>,
          %get3A_325 = arith.index_cast %add3A_313 : i32 to index
          %get3A_326 = arith.constant 16 : index
          %get3A_327 = tpu.vector_load %arg12[%get3A_325, %get3A_326] {strides = array<i32>} : memref<256x34xf32, #tpu.memory_space<vmem>>, vector<16xf32>,
          %mul3A_328 = arith.mulf %get3A_327, %gather3A_317 : vector<16xf32>
          %swap3A_329 = arith.index_cast %add3A_313 : i32 to index
          %swap3A_330 = arith.constant 16 : index
          %swap3A_331 = tpu.vector_load %arg12[%swap3A_329, %swap3A_330] {strides = array<i32>} : memref<256x34xf32, #tpu.memory_space<vmem>>, vector<16xf32>,
          tpu.vector_store %arg12[%swap3A_329, %swap3A_330], %mul3A_328 {strides = array<i32>} : memref<256x34xf32, #tpu.memory_space<vmem>>, vector<16xf32>,
          %mul3A_332 = arith.constant 4 : i32
          %mul3A_333 = arith.muli %scan3A_289, %mul3A_332 : i32
          %add3A_334 = arith.constant 2 : i32
          %add3A_335 = arith.addi %mul3A_333, %add3A_334 : i32
          %add3A_336 = vector.broadcast %add3A_335 : i32 to vector<16xi32>
          %add3A_337 = arith.addi %broadcast_in_dim3A_153, %add3A_336 : vector<16xi32>
          %gather3A_338 = tpu.vector_load_idx %arg12[%add3A_337, %broadcast_in_dim3A_145] : memref<256x34xf32, #tpu.memory_space<vmem>>[vector<16xi32>, vector<16xi32>], vector<16xf32>,
          %gather3A_339 = tpu.vector_load_idx %arg12[%add3A_337, %broadcast_in_dim3A_147] : memref<256x34xf32, #tpu.memory_space<vmem>>[vector<16xi32>, vector<16xi32>], vector<16xf32>,
          %get3A_340 = arith.index_cast %add3A_335 : i32 to index
          %get3A_341 = arith.constant 0 : index
          %get3A_342 = tpu.vector_load %arg12[%get3A_340, %get3A_341] {strides = array<i32>} : memref<256x34xf32, #tpu.memory_space<vmem>>, vector<16xf32>,
          %mul3A_343 = arith.mulf %get3A_342, %gather3A_338 : vector<16xf32>
          %swap3A_344 = arith.index_cast %add3A_335 : i32 to index
          %swap3A_345 = arith.constant 0 : index
          %swap3A_346 = tpu.vector_load %arg12[%swap3A_344, %swap3A_345] {strides = array<i32>} : memref<256x34xf32, #tpu.memory_space<vmem>>, vector<16xf32>,
          tpu.vector_store %arg12[%swap3A_344, %swap3A_345], %mul3A_343 {strides = array<i32>} : memref<256x34xf32, #tpu.memory_space<vmem>>, vector<16xf32>,
          %get3A_347 = arith.index_cast %add3A_335 : i32 to index
          %get3A_348 = arith.constant 16 : index
          %get3A_349 = tpu.vector_load %arg12[%get3A_347, %get3A_348] {strides = array<i32>} : memref<256x34xf32, #tpu.memory_space<vmem>>, vector<16xf32>,
          %mul3A_350 = arith.mulf %get3A_349, %gather3A_339 : vector<16xf32>
          %swap3A_351 = arith.index_cast %add3A_335 : i32 to index
          %swap3A_352 = arith.constant 16 : index
          %swap3A_353 = tpu.vector_load %arg12[%swap3A_351, %swap3A_352] {strides = array<i32>} : memref<256x34xf32, #tpu.memory_space<vmem>>, vector<16xf32>,
          tpu.vector_store %arg12[%swap3A_351, %swap3A_352], %mul3A_350 {strides = array<i32>} : memref<256x34xf32, #tpu.memory_space<vmem>>, vector<16xf32>,
          %mul3A_354 = arith.constant 4 : i32
          %mul3A_355 = arith.muli %scan3A_289, %mul3A_354 : i32
          %add3A_356 = arith.constant 3 : i32
          %add3A_357 = arith.addi %mul3A_355, %add3A_356 : i32
          %add3A_358 = vector.broadcast %add3A_357 : i32 to vector<16xi32>
          %add3A_359 = arith.addi %broadcast_in_dim3A_153, %add3A_358 : vector<16xi32>
          %gather3A_360 = tpu.vector_load_idx %arg12[%add3A_359, %broadcast_in_dim3A_145] : memref<256x34xf32, #tpu.memory_space<vmem>>[vector<16xi32>, vector<16xi32>], vector<16xf32>,
          %gather3A_361 = tpu.vector_load_idx %arg12[%add3A_359, %broadcast_in_dim3A_147] : memref<256x34xf32, #tpu.memory_space<vmem>>[vector<16xi32>, vector<16xi32>], vector<16xf32>,
          %get3A_362 = arith.index_cast %add3A_357 : i32 to index
          %get3A_363 = arith.constant 0 : index
          %get3A_364 = tpu.vector_load %arg12[%get3A_362, %get3A_363] {strides = array<i32>} : memref<256x34xf32, #tpu.memory_space<vmem>>, vector<16xf32>,
          %mul3A_365 = arith.mulf %get3A_364, %gather3A_360 : vector<16xf32>
          %swap3A_366 = arith.index_cast %add3A_357 : i32 to index
          %swap3A_367 = arith.constant 0 : index
          %swap3A_368 = tpu.vector_load %arg12[%swap3A_366, %swap3A_367] {strides = array<i32>} : memref<256x34xf32, #tpu.memory_space<vmem>>, vector<16xf32>,
          tpu.vector_store %arg12[%swap3A_366, %swap3A_367], %mul3A_365 {strides = array<i32>} : memref<256x34xf32, #tpu.memory_space<vmem>>, vector<16xf32>,
          %get3A_369 = arith.index_cast %add3A_357 : i32 to index
          %get3A_370 = arith.constant 16 : index
          %get3A_371 = tpu.vector_load %arg12[%get3A_369, %get3A_370] {strides = array<i32>} : memref<256x34xf32, #tpu.memory_space<vmem>>, vector<16xf32>,
          %mul3A_372 = arith.mulf %get3A_371, %gather3A_361 : vector<16xf32>
          %swap3A_373 = arith.index_cast %add3A_357 : i32 to index
          %swap3A_374 = arith.constant 16 : index
          %swap3A_375 = tpu.vector_load %arg12[%swap3A_373, %swap3A_374] {strides = array<i32>} : memref<256x34xf32, #tpu.memory_space<vmem>>, vector<16xf32>,
          tpu.vector_store %arg12[%swap3A_373, %swap3A_374], %mul3A_372 {strides = array<i32>} : memref<256x34xf32, #tpu.memory_space<vmem>>, vector<16xf32>,
          %scan3A_376 = arith.constant 0 : i32
          scf.yield %scan3A_376 : i32
        }
        %scan3A_281 = arith.constant 16 : i32
        %dma_start3A_282 = arith.constant 0 : i32
        %dma_start3A_283 = tpu.memref_slice %arg11[%rem3A_35, %dma_start3A_282] : memref<8x256xi32, #tpu.memory_space<vmem>> -> memref<1x256xi32, #tpu.memory_space<vmem>>
        %dma_start3A_284 = tpu.memref_squeeze %dma_start3A_283 : memref<1x256xi32, #tpu.memory_space<vmem>> -> memref<256xi32, #tpu.memory_space<vmem>>
        %dma_start3A_285 = arith.constant 0 : i32
        %dma_start3A_286 = arith.constant 0 : i32
        %dma_start3A_287 = tpu.memref_slice %arg14[%dma_start3A_285, %dma_start3A_286] : memref<50176x34xf32, #tpu.memory_space<vmem_shared>> -> memref<50176x34xf32, #tpu.memory_space<vmem_shared>>
        tpu.enqueue_indirect_dma source(%arg12 : memref<256x34xf32, #tpu.memory_space<vmem>>) target(%dma_start3A_287 : memref<50176x34xf32, #tpu.memory_space<vmem_shared>>) offsets(%dma_start3A_284 : memref<256xi32, #tpu.memory_space<vmem>>) semaphore(%arg20 : memref<!tpu.dma_semaphore, #tpu.memory_space<semaphore_mem>>) {add = true}
        %scan3A_288 = arith.constant 0 : i32
        scf.yield %scan3A_288 : i32
      }
      %scan3A_17 = arith.constant 200 : i32
      %dma_wait3A = arith.constant 0 : i32
      %dma_wait3A_18 = arith.constant 0 : i32
      %dma_wait3A_19 = tpu.memref_slice %arg11[%dma_wait3A, %dma_wait3A_18] : memref<8x256xi32, #tpu.memory_space<vmem>> -> memref<1x256xi32, #tpu.memory_space<vmem>>
      %dma_wait3A_20 = tpu.memref_squeeze %dma_wait3A_19 : memref<1x256xi32, #tpu.memory_space<vmem>> -> memref<256xi32, #tpu.memory_space<vmem>>
      %dma_wait3A_21 = arith.constant 0 : i32
      %dma_wait3A_22 = arith.constant 0 : i32
      %dma_wait3A_23 = tpu.memref_slice %arg14[%dma_wait3A_21, %dma_wait3A_22] : memref<50176x34xf32, #tpu.memory_space<vmem_shared>> -> memref<50176x34xf32, #tpu.memory_space<vmem_shared>>
      tpu.wait_indirect_dma semaphore(%arg20 : memref<!tpu.dma_semaphore, #tpu.memory_space<semaphore_mem>>) src(%arg12 : memref<256x34xf32, #tpu.memory_space<vmem>>) dst(%dma_wait3A_23 : memref<50176x34xf32, #tpu.memory_space<vmem_shared>>)
      %barrier3A_24 = arith.constant 0 : index
      tpu.barrier barrier_id(%barrier3A_24)
      %mul3A_25 = arith.constant 1568 : i32
      %mul3A_26 = arith.muli %arg1, %mul3A_25 : i32
      %mul3A_27 = arith.constant 50176 : i32
      %mul3A_28 = arith.muli %add3A, %mul3A_27 : i32
      %mul3A_29 = arith.constant 1568 : i32
      %mul3A_30 = arith.muli %arg1, %mul3A_29 : i32
      %add3A_31 = arith.addi %mul3A_28, %mul3A_30 : i32
      "tpu.region"() ({
        %run_scoped3A = tpu.sem_alloc : memref<!tpu.dma_semaphore, #tpu.memory_space<semaphore_mem>>
        %dma_start3A = arith.constant 0 : i32
        %dma_start3A_33 = tpu.memref_slice %arg8[%add3A_31, %dma_start3A] : memref<602112x34xf32, #tpu.memory_space<hbm>> -> memref<1568x34xf32, #tpu.memory_space<hbm>>
        %dma_start3A_34 = arith.constant 0 : i32
        %dma_start3A_35 = tpu.memref_slice %arg14[%mul3A_26, %dma_start3A_34] : memref<50176x34xf32, #tpu.memory_space<vmem_shared>> -> memref<1568x34xf32, #tpu.memory_space<vmem_shared>>
        tpu.enqueue_dma source(%dma_start3A_35 : memref<1568x34xf32, #tpu.memory_space<vmem_shared>>) target(%dma_start3A_33 : memref<1568x34xf32, #tpu.memory_space<hbm>>) target_semaphore(%run_scoped3A : memref<!tpu.dma_semaphore, #tpu.memory_space<semaphore_mem>>)
        %dma_wait3A_36 = arith.constant 0 : i32
        %dma_wait3A_37 = tpu.memref_slice %arg8[%add3A_31, %dma_wait3A_36] : memref<602112x34xf32, #tpu.memory_space<hbm>> -> memref<1568x34xf32, #tpu.memory_space<hbm>>
        %dma_wait3A_38 = arith.constant 0 : i32
        %dma_wait3A_39 = tpu.memref_slice %arg14[%mul3A_26, %dma_wait3A_38] : memref<50176x34xf32, #tpu.memory_space<vmem_shared>> -> memref<1568x34xf32, #tpu.memory_space<vmem_shared>>
        tpu.wait_dma2 semaphore(%run_scoped3A : memref<!tpu.dma_semaphore, #tpu.memory_space<semaphore_mem>>) src(%dma_wait3A_39 : memref<1568x34xf32, #tpu.memory_space<vmem_shared>>) dst(%dma_wait3A_37 : memref<1568x34xf32, #tpu.memory_space<hbm>>)
        tpu.yield
      }) : () -> ()
      %scan3A_32 = arith.constant 0 : i32
      scf.yield %scan3A_32 : i32
    }
    %scan3A_5 = arith.constant 6 : i32
    return
  }
}

module attributes {stable_mosaic.version = 14 : i64} {
  func.func @_tables_body(%arg0: i32, %arg1: memref<512x24xf32, #tpu.memory_space<vmem>>, %arg2: memref<2x32xf32, #tpu.memory_space<vmem>>, %arg3: memref<1x32xf32, #tpu.memory_space<vmem>>, %arg4: memref<32x32xf32, #tpu.memory_space<vmem>>, %arg5: memref<32x2xf32, #tpu.memory_space<vmem>>, %arg6: memref<32x2xf32, #tpu.memory_space<vmem>>, %arg7: memref<12x512x34xf32, #tpu.memory_space<vmem>>, %arg8: memref<12x512x2xf32, #tpu.memory_space<vmem>>) attributes {dimension_semantics = [#tpu.dimension_semantics<arbitrary>], iteration_bounds = array<i64: 98>, scalar_prefetch = 0 : i64, scratch_operands = 0 : i64, tpu.core_type = #tpu.core_type<tc>, window_params = [{transform_indices = @transform_0, window_bounds = array<i64: 512, 24>}, {pipeline_mode = #tpu.pipeline_mode<synchronous>, transform_indices = @transform_1, window_bounds = array<i64: 2, 32>}, {pipeline_mode = #tpu.pipeline_mode<synchronous>, transform_indices = @transform_2, window_bounds = array<i64: 1, 32>}, {pipeline_mode = #tpu.pipeline_mode<synchronous>, transform_indices = @transform_3, window_bounds = array<i64: 32, 32>}, {pipeline_mode = #tpu.pipeline_mode<synchronous>, transform_indices = @transform_4, window_bounds = array<i64: 32, 2>}, {pipeline_mode = #tpu.pipeline_mode<synchronous>, transform_indices = @transform_5, window_bounds = array<i64: 32, 2>}, {transform_indices = @transform_6, window_bounds = array<i64: 12, 512, 34>}, {transform_indices = @transform_7, window_bounds = array<i64: 12, 512, 2>}]} {
    %get3A = arith.constant 0 : index
    %get3A_0 = arith.constant 0 : index
    %get3A_1 = vector.load %arg1[%get3A, %get3A_0] : memref<512x24xf32, #tpu.memory_space<vmem>>, vector<512x24xf32>
    %slice3A = vector.extract_strided_slice %get3A_1 {offsets = [0, 0], sizes = [512, 2], strides = [1, 1]} : vector<512x24xf32> to vector<512x2xf32>
    %get3A_2 = arith.constant 0 : index
    %get3A_3 = arith.constant 0 : index
    %get3A_4 = vector.load %arg2[%get3A_2, %get3A_3] : memref<2x32xf32, #tpu.memory_space<vmem>>, vector<2x32xf32>
    %dot_general3A = arith.constant dense<0.000000e+00> : vector<512x32xf32>
    %dot_general3A_5 = tpu.matmul %slice3A, %get3A_4, %dot_general3A {dimension_numbers = #tpu.dot_dimension_numbers<[1], [0], [0], [1], [0, 0, 1, 1], [], []>, transpose_lhs_hint = false} : vector<512x2xf32>, vector<2x32xf32>, vector<512x32xf32> -> vector<512x32xf32>
    %get3A_6 = arith.constant 0 : index
    %get3A_7 = arith.constant 0 : index
    %get3A_8 = vector.load %arg3[%get3A_6, %get3A_7] : memref<1x32xf32, #tpu.memory_space<vmem>>, vector<1x32xf32>
    %add3A = vector.broadcast %get3A_8 : vector<1x32xf32> to vector<512x32xf32>
    %add3A_9 = arith.addf %dot_general3A_5, %add3A : vector<512x32xf32>
    %max3A = arith.constant 0.000000e+00 : f32
    %max3A_10 = vector.broadcast %max3A : f32 to vector<512x32xf32>
    %max3A_11 = arith.maximumf %add3A_9, %max3A_10 : vector<512x32xf32>
    %get3A_12 = arith.constant 0 : index
    %get3A_13 = arith.constant 0 : index
    %get3A_14 = vector.load %arg4[%get3A_12, %get3A_13] : memref<32x32xf32, #tpu.memory_space<vmem>>, vector<32x32xf32>
    %dot_general3A_15 = arith.constant dense<0.000000e+00> : vector<512x32xf32>
    %dot_general3A_16 = tpu.matmul %max3A_11, %get3A_14, %dot_general3A_15 {dimension_numbers = #tpu.dot_dimension_numbers<[1], [0], [0], [1], [0, 0, 1, 1], [], []>, transpose_lhs_hint = false} : vector<512x32xf32>, vector<32x32xf32>, vector<512x32xf32> -> vector<512x32xf32>
    %get3A_17 = arith.constant 0 : index
    %get3A_18 = arith.constant 0 : index
    %get3A_19 = vector.load %arg5[%get3A_17, %get3A_18] : memref<32x2xf32, #tpu.memory_space<vmem>>, vector<32x2xf32>
    %dot_general3A_20 = arith.constant dense<0.000000e+00> : vector<512x2xf32>
    %dot_general3A_21 = tpu.matmul %dot_general3A_16, %get3A_19, %dot_general3A_20 {dimension_numbers = #tpu.dot_dimension_numbers<[1], [0], [0], [1], [0, 0, 1, 1], [], []>, transpose_lhs_hint = false} : vector<512x32xf32>, vector<32x2xf32>, vector<512x2xf32> -> vector<512x2xf32>
    %get3A_22 = arith.constant 0 : index
    %get3A_23 = arith.constant 0 : index
    %get3A_24 = vector.load %arg6[%get3A_22, %get3A_23] : memref<32x2xf32, #tpu.memory_space<vmem>>, vector<32x2xf32>
    %dot_general3A_25 = arith.constant dense<0.000000e+00> : vector<512x2xf32>
    %dot_general3A_26 = tpu.matmul %dot_general3A_16, %get3A_24, %dot_general3A_25 {dimension_numbers = #tpu.dot_dimension_numbers<[1], [0], [0], [1], [0, 0, 1, 1], [], []>, transpose_lhs_hint = false} : vector<512x32xf32>, vector<32x2xf32>, vector<512x2xf32> -> vector<512x2xf32>
    %swap3A = arith.constant 0 : index
    %swap3A_27 = arith.constant 0 : index
    %swap3A_28 = arith.constant 0 : index
    %swap3A_29 = vector.load %arg7[%swap3A, %swap3A_27, %swap3A_28] : memref<12x512x34xf32, #tpu.memory_space<vmem>>, vector<1x512x32xf32>
    %swap3A_30 = vector.shape_cast %swap3A_29 : vector<1x512x32xf32> to vector<512x32xf32>
    %swap3A_31 = vector.shape_cast %dot_general3A_16 : vector<512x32xf32> to vector<1x512x32xf32>
    tpu.vector_store %arg7[%swap3A, %swap3A_27, %swap3A_28], %swap3A_31 {strides = array<i32>} : memref<12x512x34xf32, #tpu.memory_space<vmem>>, vector<1x512x32xf32>,
    %swap3A_32 = arith.constant 0 : index
    %swap3A_33 = arith.constant 0 : index
    %swap3A_34 = arith.constant 32 : index
    %swap3A_35 = vector.load %arg7[%swap3A_32, %swap3A_33, %swap3A_34] : memref<12x512x34xf32, #tpu.memory_space<vmem>>, vector<1x512x2xf32>
    %swap3A_36 = vector.shape_cast %swap3A_35 : vector<1x512x2xf32> to vector<512x2xf32>
    %swap3A_37 = vector.shape_cast %dot_general3A_21 : vector<512x2xf32> to vector<1x512x2xf32>
    tpu.vector_store %arg7[%swap3A_32, %swap3A_33, %swap3A_34], %swap3A_37 {strides = array<i32>} : memref<12x512x34xf32, #tpu.memory_space<vmem>>, vector<1x512x2xf32>,
    %swap3A_38 = arith.constant 0 : index
    %swap3A_39 = arith.constant 0 : index
    %swap3A_40 = arith.constant 0 : index
    %swap3A_41 = vector.load %arg8[%swap3A_38, %swap3A_39, %swap3A_40] : memref<12x512x2xf32, #tpu.memory_space<vmem>>, vector<1x512x2xf32>
    %swap3A_42 = vector.shape_cast %swap3A_41 : vector<1x512x2xf32> to vector<512x2xf32>
    %swap3A_43 = vector.shape_cast %dot_general3A_26 : vector<512x2xf32> to vector<1x512x2xf32>
    tpu.vector_store %arg8[%swap3A_38, %swap3A_39, %swap3A_40], %swap3A_43 {strides = array<i32>} : memref<12x512x2xf32, #tpu.memory_space<vmem>>, vector<1x512x2xf32>,
    %slice3A_44 = vector.extract_strided_slice %get3A_1 {offsets = [0, 2], sizes = [512, 2], strides = [1, 1]} : vector<512x24xf32> to vector<512x2xf32>
    %get3A_45 = arith.constant 0 : index
    %get3A_46 = arith.constant 0 : index
    %get3A_47 = vector.load %arg2[%get3A_45, %get3A_46] : memref<2x32xf32, #tpu.memory_space<vmem>>, vector<2x32xf32>
    %dot_general3A_48 = arith.constant dense<0.000000e+00> : vector<512x32xf32>
    %dot_general3A_49 = tpu.matmul %slice3A_44, %get3A_47, %dot_general3A_48 {dimension_numbers = #tpu.dot_dimension_numbers<[1], [0], [0], [1], [0, 0, 1, 1], [], []>, transpose_lhs_hint = false} : vector<512x2xf32>, vector<2x32xf32>, vector<512x32xf32> -> vector<512x32xf32>
    %get3A_50 = arith.constant 0 : index
    %get3A_51 = arith.constant 0 : index
    %get3A_52 = vector.load %arg3[%get3A_50, %get3A_51] : memref<1x32xf32, #tpu.memory_space<vmem>>, vector<1x32xf32>
    %add3A_53 = vector.broadcast %get3A_52 : vector<1x32xf32> to vector<512x32xf32>
    %add3A_54 = arith.addf %dot_general3A_49, %add3A_53 : vector<512x32xf32>
    %max3A_55 = arith.constant 0.000000e+00 : f32
    %max3A_56 = vector.broadcast %max3A_55 : f32 to vector<512x32xf32>
    %max3A_57 = arith.maximumf %add3A_54, %max3A_56 : vector<512x32xf32>
    %get3A_58 = arith.constant 0 : index
    %get3A_59 = arith.constant 0 : index
    %get3A_60 = vector.load %arg4[%get3A_58, %get3A_59] : memref<32x32xf32, #tpu.memory_space<vmem>>, vector<32x32xf32>
    %dot_general3A_61 = arith.constant dense<0.000000e+00> : vector<512x32xf32>
    %dot_general3A_62 = tpu.matmul %max3A_57, %get3A_60, %dot_general3A_61 {dimension_numbers = #tpu.dot_dimension_numbers<[1], [0], [0], [1], [0, 0, 1, 1], [], []>, transpose_lhs_hint = false} : vector<512x32xf32>, vector<32x32xf32>, vector<512x32xf32> -> vector<512x32xf32>
    %get3A_63 = arith.constant 0 : index
    %get3A_64 = arith.constant 0 : index
    %get3A_65 = vector.load %arg5[%get3A_63, %get3A_64] : memref<32x2xf32, #tpu.memory_space<vmem>>, vector<32x2xf32>
    %dot_general3A_66 = arith.constant dense<0.000000e+00> : vector<512x2xf32>
    %dot_general3A_67 = tpu.matmul %dot_general3A_62, %get3A_65, %dot_general3A_66 {dimension_numbers = #tpu.dot_dimension_numbers<[1], [0], [0], [1], [0, 0, 1, 1], [], []>, transpose_lhs_hint = false} : vector<512x32xf32>, vector<32x2xf32>, vector<512x2xf32> -> vector<512x2xf32>
    %get3A_68 = arith.constant 0 : index
    %get3A_69 = arith.constant 0 : index
    %get3A_70 = vector.load %arg6[%get3A_68, %get3A_69] : memref<32x2xf32, #tpu.memory_space<vmem>>, vector<32x2xf32>
    %dot_general3A_71 = arith.constant dense<0.000000e+00> : vector<512x2xf32>
    %dot_general3A_72 = tpu.matmul %dot_general3A_62, %get3A_70, %dot_general3A_71 {dimension_numbers = #tpu.dot_dimension_numbers<[1], [0], [0], [1], [0, 0, 1, 1], [], []>, transpose_lhs_hint = false} : vector<512x32xf32>, vector<32x2xf32>, vector<512x2xf32> -> vector<512x2xf32>
    %swap3A_73 = arith.constant 1 : index
    %swap3A_74 = arith.constant 0 : index
    %swap3A_75 = arith.constant 0 : index
    %swap3A_76 = vector.load %arg7[%swap3A_73, %swap3A_74, %swap3A_75] : memref<12x512x34xf32, #tpu.memory_space<vmem>>, vector<1x512x32xf32>
    %swap3A_77 = vector.shape_cast %swap3A_76 : vector<1x512x32xf32> to vector<512x32xf32>
    %swap3A_78 = vector.shape_cast %dot_general3A_62 : vector<512x32xf32> to vector<1x512x32xf32>
    tpu.vector_store %arg7[%swap3A_73, %swap3A_74, %swap3A_75], %swap3A_78 {strides = array<i32>} : memref<12x512x34xf32, #tpu.memory_space<vmem>>, vector<1x512x32xf32>,
    %swap3A_79 = arith.constant 1 : index
    %swap3A_80 = arith.constant 0 : index
    %swap3A_81 = arith.constant 32 : index
    %swap3A_82 = vector.load %arg7[%swap3A_79, %swap3A_80, %swap3A_81] : memref<12x512x34xf32, #tpu.memory_space<vmem>>, vector<1x512x2xf32>
    %swap3A_83 = vector.shape_cast %swap3A_82 : vector<1x512x2xf32> to vector<512x2xf32>
    %swap3A_84 = vector.shape_cast %dot_general3A_67 : vector<512x2xf32> to vector<1x512x2xf32>
    tpu.vector_store %arg7[%swap3A_79, %swap3A_80, %swap3A_81], %swap3A_84 {strides = array<i32>} : memref<12x512x34xf32, #tpu.memory_space<vmem>>, vector<1x512x2xf32>,
    %swap3A_85 = arith.constant 1 : index
    %swap3A_86 = arith.constant 0 : index
    %swap3A_87 = arith.constant 0 : index
    %swap3A_88 = vector.load %arg8[%swap3A_85, %swap3A_86, %swap3A_87] : memref<12x512x2xf32, #tpu.memory_space<vmem>>, vector<1x512x2xf32>
    %swap3A_89 = vector.shape_cast %swap3A_88 : vector<1x512x2xf32> to vector<512x2xf32>
    %swap3A_90 = vector.shape_cast %dot_general3A_72 : vector<512x2xf32> to vector<1x512x2xf32>
    tpu.vector_store %arg8[%swap3A_85, %swap3A_86, %swap3A_87], %swap3A_90 {strides = array<i32>} : memref<12x512x2xf32, #tpu.memory_space<vmem>>, vector<1x512x2xf32>,
    %slice3A_91 = vector.extract_strided_slice %get3A_1 {offsets = [0, 4], sizes = [512, 2], strides = [1, 1]} : vector<512x24xf32> to vector<512x2xf32>
    %get3A_92 = arith.constant 0 : index
    %get3A_93 = arith.constant 0 : index
    %get3A_94 = vector.load %arg2[%get3A_92, %get3A_93] : memref<2x32xf32, #tpu.memory_space<vmem>>, vector<2x32xf32>
    %dot_general3A_95 = arith.constant dense<0.000000e+00> : vector<512x32xf32>
    %dot_general3A_96 = tpu.matmul %slice3A_91, %get3A_94, %dot_general3A_95 {dimension_numbers = #tpu.dot_dimension_numbers<[1], [0], [0], [1], [0, 0, 1, 1], [], []>, transpose_lhs_hint = false} : vector<512x2xf32>, vector<2x32xf32>, vector<512x32xf32> -> vector<512x32xf32>
    %get3A_97 = arith.constant 0 : index
    %get3A_98 = arith.constant 0 : index
    %get3A_99 = vector.load %arg3[%get3A_97, %get3A_98] : memref<1x32xf32, #tpu.memory_space<vmem>>, vector<1x32xf32>
    %add3A_100 = vector.broadcast %get3A_99 : vector<1x32xf32> to vector<512x32xf32>
    %add3A_101 = arith.addf %dot_general3A_96, %add3A_100 : vector<512x32xf32>
    %max3A_102 = arith.constant 0.000000e+00 : f32
    %max3A_103 = vector.broadcast %max3A_102 : f32 to vector<512x32xf32>
    %max3A_104 = arith.maximumf %add3A_101, %max3A_103 : vector<512x32xf32>
    %get3A_105 = arith.constant 0 : index
    %get3A_106 = arith.constant 0 : index
    %get3A_107 = vector.load %arg4[%get3A_105, %get3A_106] : memref<32x32xf32, #tpu.memory_space<vmem>>, vector<32x32xf32>
    %dot_general3A_108 = arith.constant dense<0.000000e+00> : vector<512x32xf32>
    %dot_general3A_109 = tpu.matmul %max3A_104, %get3A_107, %dot_general3A_108 {dimension_numbers = #tpu.dot_dimension_numbers<[1], [0], [0], [1], [0, 0, 1, 1], [], []>, transpose_lhs_hint = false} : vector<512x32xf32>, vector<32x32xf32>, vector<512x32xf32> -> vector<512x32xf32>
    %get3A_110 = arith.constant 0 : index
    %get3A_111 = arith.constant 0 : index
    %get3A_112 = vector.load %arg5[%get3A_110, %get3A_111] : memref<32x2xf32, #tpu.memory_space<vmem>>, vector<32x2xf32>
    %dot_general3A_113 = arith.constant dense<0.000000e+00> : vector<512x2xf32>
    %dot_general3A_114 = tpu.matmul %dot_general3A_109, %get3A_112, %dot_general3A_113 {dimension_numbers = #tpu.dot_dimension_numbers<[1], [0], [0], [1], [0, 0, 1, 1], [], []>, transpose_lhs_hint = false} : vector<512x32xf32>, vector<32x2xf32>, vector<512x2xf32> -> vector<512x2xf32>
    %get3A_115 = arith.constant 0 : index
    %get3A_116 = arith.constant 0 : index
    %get3A_117 = vector.load %arg6[%get3A_115, %get3A_116] : memref<32x2xf32, #tpu.memory_space<vmem>>, vector<32x2xf32>
    %dot_general3A_118 = arith.constant dense<0.000000e+00> : vector<512x2xf32>
    %dot_general3A_119 = tpu.matmul %dot_general3A_109, %get3A_117, %dot_general3A_118 {dimension_numbers = #tpu.dot_dimension_numbers<[1], [0], [0], [1], [0, 0, 1, 1], [], []>, transpose_lhs_hint = false} : vector<512x32xf32>, vector<32x2xf32>, vector<512x2xf32> -> vector<512x2xf32>
    %swap3A_120 = arith.constant 2 : index
    %swap3A_121 = arith.constant 0 : index
    %swap3A_122 = arith.constant 0 : index
    %swap3A_123 = vector.load %arg7[%swap3A_120, %swap3A_121, %swap3A_122] : memref<12x512x34xf32, #tpu.memory_space<vmem>>, vector<1x512x32xf32>
    %swap3A_124 = vector.shape_cast %swap3A_123 : vector<1x512x32xf32> to vector<512x32xf32>
    %swap3A_125 = vector.shape_cast %dot_general3A_109 : vector<512x32xf32> to vector<1x512x32xf32>
    tpu.vector_store %arg7[%swap3A_120, %swap3A_121, %swap3A_122], %swap3A_125 {strides = array<i32>} : memref<12x512x34xf32, #tpu.memory_space<vmem>>, vector<1x512x32xf32>,
    %swap3A_126 = arith.constant 2 : index
    %swap3A_127 = arith.constant 0 : index
    %swap3A_128 = arith.constant 32 : index
    %swap3A_129 = vector.load %arg7[%swap3A_126, %swap3A_127, %swap3A_128] : memref<12x512x34xf32, #tpu.memory_space<vmem>>, vector<1x512x2xf32>
    %swap3A_130 = vector.shape_cast %swap3A_129 : vector<1x512x2xf32> to vector<512x2xf32>
    %swap3A_131 = vector.shape_cast %dot_general3A_114 : vector<512x2xf32> to vector<1x512x2xf32>
    tpu.vector_store %arg7[%swap3A_126, %swap3A_127, %swap3A_128], %swap3A_131 {strides = array<i32>} : memref<12x512x34xf32, #tpu.memory_space<vmem>>, vector<1x512x2xf32>,
    %swap3A_132 = arith.constant 2 : index
    %swap3A_133 = arith.constant 0 : index
    %swap3A_134 = arith.constant 0 : index
    %swap3A_135 = vector.load %arg8[%swap3A_132, %swap3A_133, %swap3A_134] : memref<12x512x2xf32, #tpu.memory_space<vmem>>, vector<1x512x2xf32>
    %swap3A_136 = vector.shape_cast %swap3A_135 : vector<1x512x2xf32> to vector<512x2xf32>
    %swap3A_137 = vector.shape_cast %dot_general3A_119 : vector<512x2xf32> to vector<1x512x2xf32>
    tpu.vector_store %arg8[%swap3A_132, %swap3A_133, %swap3A_134], %swap3A_137 {strides = array<i32>} : memref<12x512x2xf32, #tpu.memory_space<vmem>>, vector<1x512x2xf32>,
    %slice3A_138 = vector.extract_strided_slice %get3A_1 {offsets = [0, 6], sizes = [512, 2], strides = [1, 1]} : vector<512x24xf32> to vector<512x2xf32>
    %get3A_139 = arith.constant 0 : index
    %get3A_140 = arith.constant 0 : index
    %get3A_141 = vector.load %arg2[%get3A_139, %get3A_140] : memref<2x32xf32, #tpu.memory_space<vmem>>, vector<2x32xf32>
    %dot_general3A_142 = arith.constant dense<0.000000e+00> : vector<512x32xf32>
    %dot_general3A_143 = tpu.matmul %slice3A_138, %get3A_141, %dot_general3A_142 {dimension_numbers = #tpu.dot_dimension_numbers<[1], [0], [0], [1], [0, 0, 1, 1], [], []>, transpose_lhs_hint = false} : vector<512x2xf32>, vector<2x32xf32>, vector<512x32xf32> -> vector<512x32xf32>
    %get3A_144 = arith.constant 0 : index
    %get3A_145 = arith.constant 0 : index
    %get3A_146 = vector.load %arg3[%get3A_144, %get3A_145] : memref<1x32xf32, #tpu.memory_space<vmem>>, vector<1x32xf32>
    %add3A_147 = vector.broadcast %get3A_146 : vector<1x32xf32> to vector<512x32xf32>
    %add3A_148 = arith.addf %dot_general3A_143, %add3A_147 : vector<512x32xf32>
    %max3A_149 = arith.constant 0.000000e+00 : f32
    %max3A_150 = vector.broadcast %max3A_149 : f32 to vector<512x32xf32>
    %max3A_151 = arith.maximumf %add3A_148, %max3A_150 : vector<512x32xf32>
    %get3A_152 = arith.constant 0 : index
    %get3A_153 = arith.constant 0 : index
    %get3A_154 = vector.load %arg4[%get3A_152, %get3A_153] : memref<32x32xf32, #tpu.memory_space<vmem>>, vector<32x32xf32>
    %dot_general3A_155 = arith.constant dense<0.000000e+00> : vector<512x32xf32>
    %dot_general3A_156 = tpu.matmul %max3A_151, %get3A_154, %dot_general3A_155 {dimension_numbers = #tpu.dot_dimension_numbers<[1], [0], [0], [1], [0, 0, 1, 1], [], []>, transpose_lhs_hint = false} : vector<512x32xf32>, vector<32x32xf32>, vector<512x32xf32> -> vector<512x32xf32>
    %get3A_157 = arith.constant 0 : index
    %get3A_158 = arith.constant 0 : index
    %get3A_159 = vector.load %arg5[%get3A_157, %get3A_158] : memref<32x2xf32, #tpu.memory_space<vmem>>, vector<32x2xf32>
    %dot_general3A_160 = arith.constant dense<0.000000e+00> : vector<512x2xf32>
    %dot_general3A_161 = tpu.matmul %dot_general3A_156, %get3A_159, %dot_general3A_160 {dimension_numbers = #tpu.dot_dimension_numbers<[1], [0], [0], [1], [0, 0, 1, 1], [], []>, transpose_lhs_hint = false} : vector<512x32xf32>, vector<32x2xf32>, vector<512x2xf32> -> vector<512x2xf32>
    %get3A_162 = arith.constant 0 : index
    %get3A_163 = arith.constant 0 : index
    %get3A_164 = vector.load %arg6[%get3A_162, %get3A_163] : memref<32x2xf32, #tpu.memory_space<vmem>>, vector<32x2xf32>
    %dot_general3A_165 = arith.constant dense<0.000000e+00> : vector<512x2xf32>
    %dot_general3A_166 = tpu.matmul %dot_general3A_156, %get3A_164, %dot_general3A_165 {dimension_numbers = #tpu.dot_dimension_numbers<[1], [0], [0], [1], [0, 0, 1, 1], [], []>, transpose_lhs_hint = false} : vector<512x32xf32>, vector<32x2xf32>, vector<512x2xf32> -> vector<512x2xf32>
    %swap3A_167 = arith.constant 3 : index
    %swap3A_168 = arith.constant 0 : index
    %swap3A_169 = arith.constant 0 : index
    %swap3A_170 = vector.load %arg7[%swap3A_167, %swap3A_168, %swap3A_169] : memref<12x512x34xf32, #tpu.memory_space<vmem>>, vector<1x512x32xf32>
    %swap3A_171 = vector.shape_cast %swap3A_170 : vector<1x512x32xf32> to vector<512x32xf32>
    %swap3A_172 = vector.shape_cast %dot_general3A_156 : vector<512x32xf32> to vector<1x512x32xf32>
    tpu.vector_store %arg7[%swap3A_167, %swap3A_168, %swap3A_169], %swap3A_172 {strides = array<i32>} : memref<12x512x34xf32, #tpu.memory_space<vmem>>, vector<1x512x32xf32>,
    %swap3A_173 = arith.constant 3 : index
    %swap3A_174 = arith.constant 0 : index
    %swap3A_175 = arith.constant 32 : index
    %swap3A_176 = vector.load %arg7[%swap3A_173, %swap3A_174, %swap3A_175] : memref<12x512x34xf32, #tpu.memory_space<vmem>>, vector<1x512x2xf32>
    %swap3A_177 = vector.shape_cast %swap3A_176 : vector<1x512x2xf32> to vector<512x2xf32>
    %swap3A_178 = vector.shape_cast %dot_general3A_161 : vector<512x2xf32> to vector<1x512x2xf32>
    tpu.vector_store %arg7[%swap3A_173, %swap3A_174, %swap3A_175], %swap3A_178 {strides = array<i32>} : memref<12x512x34xf32, #tpu.memory_space<vmem>>, vector<1x512x2xf32>,
    %swap3A_179 = arith.constant 3 : index
    %swap3A_180 = arith.constant 0 : index
    %swap3A_181 = arith.constant 0 : index
    %swap3A_182 = vector.load %arg8[%swap3A_179, %swap3A_180, %swap3A_181] : memref<12x512x2xf32, #tpu.memory_space<vmem>>, vector<1x512x2xf32>
    %swap3A_183 = vector.shape_cast %swap3A_182 : vector<1x512x2xf32> to vector<512x2xf32>
    %swap3A_184 = vector.shape_cast %dot_general3A_166 : vector<512x2xf32> to vector<1x512x2xf32>
    tpu.vector_store %arg8[%swap3A_179, %swap3A_180, %swap3A_181], %swap3A_184 {strides = array<i32>} : memref<12x512x2xf32, #tpu.memory_space<vmem>>, vector<1x512x2xf32>,
    %slice3A_185 = vector.extract_strided_slice %get3A_1 {offsets = [0, 8], sizes = [512, 2], strides = [1, 1]} : vector<512x24xf32> to vector<512x2xf32>
    %get3A_186 = arith.constant 0 : index
    %get3A_187 = arith.constant 0 : index
    %get3A_188 = vector.load %arg2[%get3A_186, %get3A_187] : memref<2x32xf32, #tpu.memory_space<vmem>>, vector<2x32xf32>
    %dot_general3A_189 = arith.constant dense<0.000000e+00> : vector<512x32xf32>
    %dot_general3A_190 = tpu.matmul %slice3A_185, %get3A_188, %dot_general3A_189 {dimension_numbers = #tpu.dot_dimension_numbers<[1], [0], [0], [1], [0, 0, 1, 1], [], []>, transpose_lhs_hint = false} : vector<512x2xf32>, vector<2x32xf32>, vector<512x32xf32> -> vector<512x32xf32>
    %get3A_191 = arith.constant 0 : index
    %get3A_192 = arith.constant 0 : index
    %get3A_193 = vector.load %arg3[%get3A_191, %get3A_192] : memref<1x32xf32, #tpu.memory_space<vmem>>, vector<1x32xf32>
    %add3A_194 = vector.broadcast %get3A_193 : vector<1x32xf32> to vector<512x32xf32>
    %add3A_195 = arith.addf %dot_general3A_190, %add3A_194 : vector<512x32xf32>
    %max3A_196 = arith.constant 0.000000e+00 : f32
    %max3A_197 = vector.broadcast %max3A_196 : f32 to vector<512x32xf32>
    %max3A_198 = arith.maximumf %add3A_195, %max3A_197 : vector<512x32xf32>
    %get3A_199 = arith.constant 0 : index
    %get3A_200 = arith.constant 0 : index
    %get3A_201 = vector.load %arg4[%get3A_199, %get3A_200] : memref<32x32xf32, #tpu.memory_space<vmem>>, vector<32x32xf32>
    %dot_general3A_202 = arith.constant dense<0.000000e+00> : vector<512x32xf32>
    %dot_general3A_203 = tpu.matmul %max3A_198, %get3A_201, %dot_general3A_202 {dimension_numbers = #tpu.dot_dimension_numbers<[1], [0], [0], [1], [0, 0, 1, 1], [], []>, transpose_lhs_hint = false} : vector<512x32xf32>, vector<32x32xf32>, vector<512x32xf32> -> vector<512x32xf32>
    %get3A_204 = arith.constant 0 : index
    %get3A_205 = arith.constant 0 : index
    %get3A_206 = vector.load %arg5[%get3A_204, %get3A_205] : memref<32x2xf32, #tpu.memory_space<vmem>>, vector<32x2xf32>
    %dot_general3A_207 = arith.constant dense<0.000000e+00> : vector<512x2xf32>
    %dot_general3A_208 = tpu.matmul %dot_general3A_203, %get3A_206, %dot_general3A_207 {dimension_numbers = #tpu.dot_dimension_numbers<[1], [0], [0], [1], [0, 0, 1, 1], [], []>, transpose_lhs_hint = false} : vector<512x32xf32>, vector<32x2xf32>, vector<512x2xf32> -> vector<512x2xf32>
    %get3A_209 = arith.constant 0 : index
    %get3A_210 = arith.constant 0 : index
    %get3A_211 = vector.load %arg6[%get3A_209, %get3A_210] : memref<32x2xf32, #tpu.memory_space<vmem>>, vector<32x2xf32>
    %dot_general3A_212 = arith.constant dense<0.000000e+00> : vector<512x2xf32>
    %dot_general3A_213 = tpu.matmul %dot_general3A_203, %get3A_211, %dot_general3A_212 {dimension_numbers = #tpu.dot_dimension_numbers<[1], [0], [0], [1], [0, 0, 1, 1], [], []>, transpose_lhs_hint = false} : vector<512x32xf32>, vector<32x2xf32>, vector<512x2xf32> -> vector<512x2xf32>
    %swap3A_214 = arith.constant 4 : index
    %swap3A_215 = arith.constant 0 : index
    %swap3A_216 = arith.constant 0 : index
    %swap3A_217 = vector.load %arg7[%swap3A_214, %swap3A_215, %swap3A_216] : memref<12x512x34xf32, #tpu.memory_space<vmem>>, vector<1x512x32xf32>
    %swap3A_218 = vector.shape_cast %swap3A_217 : vector<1x512x32xf32> to vector<512x32xf32>
    %swap3A_219 = vector.shape_cast %dot_general3A_203 : vector<512x32xf32> to vector<1x512x32xf32>
    tpu.vector_store %arg7[%swap3A_214, %swap3A_215, %swap3A_216], %swap3A_219 {strides = array<i32>} : memref<12x512x34xf32, #tpu.memory_space<vmem>>, vector<1x512x32xf32>,
    %swap3A_220 = arith.constant 4 : index
    %swap3A_221 = arith.constant 0 : index
    %swap3A_222 = arith.constant 32 : index
    %swap3A_223 = vector.load %arg7[%swap3A_220, %swap3A_221, %swap3A_222] : memref<12x512x34xf32, #tpu.memory_space<vmem>>, vector<1x512x2xf32>
    %swap3A_224 = vector.shape_cast %swap3A_223 : vector<1x512x2xf32> to vector<512x2xf32>
    %swap3A_225 = vector.shape_cast %dot_general3A_208 : vector<512x2xf32> to vector<1x512x2xf32>
    tpu.vector_store %arg7[%swap3A_220, %swap3A_221, %swap3A_222], %swap3A_225 {strides = array<i32>} : memref<12x512x34xf32, #tpu.memory_space<vmem>>, vector<1x512x2xf32>,
    %swap3A_226 = arith.constant 4 : index
    %swap3A_227 = arith.constant 0 : index
    %swap3A_228 = arith.constant 0 : index
    %swap3A_229 = vector.load %arg8[%swap3A_226, %swap3A_227, %swap3A_228] : memref<12x512x2xf32, #tpu.memory_space<vmem>>, vector<1x512x2xf32>
    %swap3A_230 = vector.shape_cast %swap3A_229 : vector<1x512x2xf32> to vector<512x2xf32>
    %swap3A_231 = vector.shape_cast %dot_general3A_213 : vector<512x2xf32> to vector<1x512x2xf32>
    tpu.vector_store %arg8[%swap3A_226, %swap3A_227, %swap3A_228], %swap3A_231 {strides = array<i32>} : memref<12x512x2xf32, #tpu.memory_space<vmem>>, vector<1x512x2xf32>,
    %slice3A_232 = vector.extract_strided_slice %get3A_1 {offsets = [0, 10], sizes = [512, 2], strides = [1, 1]} : vector<512x24xf32> to vector<512x2xf32>
    %get3A_233 = arith.constant 0 : index
    %get3A_234 = arith.constant 0 : index
    %get3A_235 = vector.load %arg2[%get3A_233, %get3A_234] : memref<2x32xf32, #tpu.memory_space<vmem>>, vector<2x32xf32>
    %dot_general3A_236 = arith.constant dense<0.000000e+00> : vector<512x32xf32>
    %dot_general3A_237 = tpu.matmul %slice3A_232, %get3A_235, %dot_general3A_236 {dimension_numbers = #tpu.dot_dimension_numbers<[1], [0], [0], [1], [0, 0, 1, 1], [], []>, transpose_lhs_hint = false} : vector<512x2xf32>, vector<2x32xf32>, vector<512x32xf32> -> vector<512x32xf32>
    %get3A_238 = arith.constant 0 : index
    %get3A_239 = arith.constant 0 : index
    %get3A_240 = vector.load %arg3[%get3A_238, %get3A_239] : memref<1x32xf32, #tpu.memory_space<vmem>>, vector<1x32xf32>
    %add3A_241 = vector.broadcast %get3A_240 : vector<1x32xf32> to vector<512x32xf32>
    %add3A_242 = arith.addf %dot_general3A_237, %add3A_241 : vector<512x32xf32>
    %max3A_243 = arith.constant 0.000000e+00 : f32
    %max3A_244 = vector.broadcast %max3A_243 : f32 to vector<512x32xf32>
    %max3A_245 = arith.maximumf %add3A_242, %max3A_244 : vector<512x32xf32>
    %get3A_246 = arith.constant 0 : index
    %get3A_247 = arith.constant 0 : index
    %get3A_248 = vector.load %arg4[%get3A_246, %get3A_247] : memref<32x32xf32, #tpu.memory_space<vmem>>, vector<32x32xf32>
    %dot_general3A_249 = arith.constant dense<0.000000e+00> : vector<512x32xf32>
    %dot_general3A_250 = tpu.matmul %max3A_245, %get3A_248, %dot_general3A_249 {dimension_numbers = #tpu.dot_dimension_numbers<[1], [0], [0], [1], [0, 0, 1, 1], [], []>, transpose_lhs_hint = false} : vector<512x32xf32>, vector<32x32xf32>, vector<512x32xf32> -> vector<512x32xf32>
    %get3A_251 = arith.constant 0 : index
    %get3A_252 = arith.constant 0 : index
    %get3A_253 = vector.load %arg5[%get3A_251, %get3A_252] : memref<32x2xf32, #tpu.memory_space<vmem>>, vector<32x2xf32>
    %dot_general3A_254 = arith.constant dense<0.000000e+00> : vector<512x2xf32>
    %dot_general3A_255 = tpu.matmul %dot_general3A_250, %get3A_253, %dot_general3A_254 {dimension_numbers = #tpu.dot_dimension_numbers<[1], [0], [0], [1], [0, 0, 1, 1], [], []>, transpose_lhs_hint = false} : vector<512x32xf32>, vector<32x2xf32>, vector<512x2xf32> -> vector<512x2xf32>
    %get3A_256 = arith.constant 0 : index
    %get3A_257 = arith.constant 0 : index
    %get3A_258 = vector.load %arg6[%get3A_256, %get3A_257] : memref<32x2xf32, #tpu.memory_space<vmem>>, vector<32x2xf32>
    %dot_general3A_259 = arith.constant dense<0.000000e+00> : vector<512x2xf32>
    %dot_general3A_260 = tpu.matmul %dot_general3A_250, %get3A_258, %dot_general3A_259 {dimension_numbers = #tpu.dot_dimension_numbers<[1], [0], [0], [1], [0, 0, 1, 1], [], []>, transpose_lhs_hint = false} : vector<512x32xf32>, vector<32x2xf32>, vector<512x2xf32> -> vector<512x2xf32>
    %swap3A_261 = arith.constant 5 : index
    %swap3A_262 = arith.constant 0 : index
    %swap3A_263 = arith.constant 0 : index
    %swap3A_264 = vector.load %arg7[%swap3A_261, %swap3A_262, %swap3A_263] : memref<12x512x34xf32, #tpu.memory_space<vmem>>, vector<1x512x32xf32>
    %swap3A_265 = vector.shape_cast %swap3A_264 : vector<1x512x32xf32> to vector<512x32xf32>
    %swap3A_266 = vector.shape_cast %dot_general3A_250 : vector<512x32xf32> to vector<1x512x32xf32>
    tpu.vector_store %arg7[%swap3A_261, %swap3A_262, %swap3A_263], %swap3A_266 {strides = array<i32>} : memref<12x512x34xf32, #tpu.memory_space<vmem>>, vector<1x512x32xf32>,
    %swap3A_267 = arith.constant 5 : index
    %swap3A_268 = arith.constant 0 : index
    %swap3A_269 = arith.constant 32 : index
    %swap3A_270 = vector.load %arg7[%swap3A_267, %swap3A_268, %swap3A_269] : memref<12x512x34xf32, #tpu.memory_space<vmem>>, vector<1x512x2xf32>
    %swap3A_271 = vector.shape_cast %swap3A_270 : vector<1x512x2xf32> to vector<512x2xf32>
    %swap3A_272 = vector.shape_cast %dot_general3A_255 : vector<512x2xf32> to vector<1x512x2xf32>
    tpu.vector_store %arg7[%swap3A_267, %swap3A_268, %swap3A_269], %swap3A_272 {strides = array<i32>} : memref<12x512x34xf32, #tpu.memory_space<vmem>>, vector<1x512x2xf32>,
    %swap3A_273 = arith.constant 5 : index
    %swap3A_274 = arith.constant 0 : index
    %swap3A_275 = arith.constant 0 : index
    %swap3A_276 = vector.load %arg8[%swap3A_273, %swap3A_274, %swap3A_275] : memref<12x512x2xf32, #tpu.memory_space<vmem>>, vector<1x512x2xf32>
    %swap3A_277 = vector.shape_cast %swap3A_276 : vector<1x512x2xf32> to vector<512x2xf32>
    %swap3A_278 = vector.shape_cast %dot_general3A_260 : vector<512x2xf32> to vector<1x512x2xf32>
    tpu.vector_store %arg8[%swap3A_273, %swap3A_274, %swap3A_275], %swap3A_278 {strides = array<i32>} : memref<12x512x2xf32, #tpu.memory_space<vmem>>, vector<1x512x2xf32>,
    %slice3A_279 = vector.extract_strided_slice %get3A_1 {offsets = [0, 12], sizes = [512, 2], strides = [1, 1]} : vector<512x24xf32> to vector<512x2xf32>
    %get3A_280 = arith.constant 0 : index
    %get3A_281 = arith.constant 0 : index
    %get3A_282 = vector.load %arg2[%get3A_280, %get3A_281] : memref<2x32xf32, #tpu.memory_space<vmem>>, vector<2x32xf32>
    %dot_general3A_283 = arith.constant dense<0.000000e+00> : vector<512x32xf32>
    %dot_general3A_284 = tpu.matmul %slice3A_279, %get3A_282, %dot_general3A_283 {dimension_numbers = #tpu.dot_dimension_numbers<[1], [0], [0], [1], [0, 0, 1, 1], [], []>, transpose_lhs_hint = false} : vector<512x2xf32>, vector<2x32xf32>, vector<512x32xf32> -> vector<512x32xf32>
    %get3A_285 = arith.constant 0 : index
    %get3A_286 = arith.constant 0 : index
    %get3A_287 = vector.load %arg3[%get3A_285, %get3A_286] : memref<1x32xf32, #tpu.memory_space<vmem>>, vector<1x32xf32>
    %add3A_288 = vector.broadcast %get3A_287 : vector<1x32xf32> to vector<512x32xf32>
    %add3A_289 = arith.addf %dot_general3A_284, %add3A_288 : vector<512x32xf32>
    %max3A_290 = arith.constant 0.000000e+00 : f32
    %max3A_291 = vector.broadcast %max3A_290 : f32 to vector<512x32xf32>
    %max3A_292 = arith.maximumf %add3A_289, %max3A_291 : vector<512x32xf32>
    %get3A_293 = arith.constant 0 : index
    %get3A_294 = arith.constant 0 : index
    %get3A_295 = vector.load %arg4[%get3A_293, %get3A_294] : memref<32x32xf32, #tpu.memory_space<vmem>>, vector<32x32xf32>
    %dot_general3A_296 = arith.constant dense<0.000000e+00> : vector<512x32xf32>
    %dot_general3A_297 = tpu.matmul %max3A_292, %get3A_295, %dot_general3A_296 {dimension_numbers = #tpu.dot_dimension_numbers<[1], [0], [0], [1], [0, 0, 1, 1], [], []>, transpose_lhs_hint = false} : vector<512x32xf32>, vector<32x32xf32>, vector<512x32xf32> -> vector<512x32xf32>
    %get3A_298 = arith.constant 0 : index
    %get3A_299 = arith.constant 0 : index
    %get3A_300 = vector.load %arg5[%get3A_298, %get3A_299] : memref<32x2xf32, #tpu.memory_space<vmem>>, vector<32x2xf32>
    %dot_general3A_301 = arith.constant dense<0.000000e+00> : vector<512x2xf32>
    %dot_general3A_302 = tpu.matmul %dot_general3A_297, %get3A_300, %dot_general3A_301 {dimension_numbers = #tpu.dot_dimension_numbers<[1], [0], [0], [1], [0, 0, 1, 1], [], []>, transpose_lhs_hint = false} : vector<512x32xf32>, vector<32x2xf32>, vector<512x2xf32> -> vector<512x2xf32>
    %get3A_303 = arith.constant 0 : index
    %get3A_304 = arith.constant 0 : index
    %get3A_305 = vector.load %arg6[%get3A_303, %get3A_304] : memref<32x2xf32, #tpu.memory_space<vmem>>, vector<32x2xf32>
    %dot_general3A_306 = arith.constant dense<0.000000e+00> : vector<512x2xf32>
    %dot_general3A_307 = tpu.matmul %dot_general3A_297, %get3A_305, %dot_general3A_306 {dimension_numbers = #tpu.dot_dimension_numbers<[1], [0], [0], [1], [0, 0, 1, 1], [], []>, transpose_lhs_hint = false} : vector<512x32xf32>, vector<32x2xf32>, vector<512x2xf32> -> vector<512x2xf32>
    %swap3A_308 = arith.constant 6 : index
    %swap3A_309 = arith.constant 0 : index
    %swap3A_310 = arith.constant 0 : index
    %swap3A_311 = vector.load %arg7[%swap3A_308, %swap3A_309, %swap3A_310] : memref<12x512x34xf32, #tpu.memory_space<vmem>>, vector<1x512x32xf32>
    %swap3A_312 = vector.shape_cast %swap3A_311 : vector<1x512x32xf32> to vector<512x32xf32>
    %swap3A_313 = vector.shape_cast %dot_general3A_297 : vector<512x32xf32> to vector<1x512x32xf32>
    tpu.vector_store %arg7[%swap3A_308, %swap3A_309, %swap3A_310], %swap3A_313 {strides = array<i32>} : memref<12x512x34xf32, #tpu.memory_space<vmem>>, vector<1x512x32xf32>,
    %swap3A_314 = arith.constant 6 : index
    %swap3A_315 = arith.constant 0 : index
    %swap3A_316 = arith.constant 32 : index
    %swap3A_317 = vector.load %arg7[%swap3A_314, %swap3A_315, %swap3A_316] : memref<12x512x34xf32, #tpu.memory_space<vmem>>, vector<1x512x2xf32>
    %swap3A_318 = vector.shape_cast %swap3A_317 : vector<1x512x2xf32> to vector<512x2xf32>
    %swap3A_319 = vector.shape_cast %dot_general3A_302 : vector<512x2xf32> to vector<1x512x2xf32>
    tpu.vector_store %arg7[%swap3A_314, %swap3A_315, %swap3A_316], %swap3A_319 {strides = array<i32>} : memref<12x512x34xf32, #tpu.memory_space<vmem>>, vector<1x512x2xf32>,
    %swap3A_320 = arith.constant 6 : index
    %swap3A_321 = arith.constant 0 : index
    %swap3A_322 = arith.constant 0 : index
    %swap3A_323 = vector.load %arg8[%swap3A_320, %swap3A_321, %swap3A_322] : memref<12x512x2xf32, #tpu.memory_space<vmem>>, vector<1x512x2xf32>
    %swap3A_324 = vector.shape_cast %swap3A_323 : vector<1x512x2xf32> to vector<512x2xf32>
    %swap3A_325 = vector.shape_cast %dot_general3A_307 : vector<512x2xf32> to vector<1x512x2xf32>
    tpu.vector_store %arg8[%swap3A_320, %swap3A_321, %swap3A_322], %swap3A_325 {strides = array<i32>} : memref<12x512x2xf32, #tpu.memory_space<vmem>>, vector<1x512x2xf32>,
    %slice3A_326 = vector.extract_strided_slice %get3A_1 {offsets = [0, 14], sizes = [512, 2], strides = [1, 1]} : vector<512x24xf32> to vector<512x2xf32>
    %get3A_327 = arith.constant 0 : index
    %get3A_328 = arith.constant 0 : index
    %get3A_329 = vector.load %arg2[%get3A_327, %get3A_328] : memref<2x32xf32, #tpu.memory_space<vmem>>, vector<2x32xf32>
    %dot_general3A_330 = arith.constant dense<0.000000e+00> : vector<512x32xf32>
    %dot_general3A_331 = tpu.matmul %slice3A_326, %get3A_329, %dot_general3A_330 {dimension_numbers = #tpu.dot_dimension_numbers<[1], [0], [0], [1], [0, 0, 1, 1], [], []>, transpose_lhs_hint = false} : vector<512x2xf32>, vector<2x32xf32>, vector<512x32xf32> -> vector<512x32xf32>
    %get3A_332 = arith.constant 0 : index
    %get3A_333 = arith.constant 0 : index
    %get3A_334 = vector.load %arg3[%get3A_332, %get3A_333] : memref<1x32xf32, #tpu.memory_space<vmem>>, vector<1x32xf32>
    %add3A_335 = vector.broadcast %get3A_334 : vector<1x32xf32> to vector<512x32xf32>
    %add3A_336 = arith.addf %dot_general3A_331, %add3A_335 : vector<512x32xf32>
    %max3A_337 = arith.constant 0.000000e+00 : f32
    %max3A_338 = vector.broadcast %max3A_337 : f32 to vector<512x32xf32>
    %max3A_339 = arith.maximumf %add3A_336, %max3A_338 : vector<512x32xf32>
    %get3A_340 = arith.constant 0 : index
    %get3A_341 = arith.constant 0 : index
    %get3A_342 = vector.load %arg4[%get3A_340, %get3A_341] : memref<32x32xf32, #tpu.memory_space<vmem>>, vector<32x32xf32>
    %dot_general3A_343 = arith.constant dense<0.000000e+00> : vector<512x32xf32>
    %dot_general3A_344 = tpu.matmul %max3A_339, %get3A_342, %dot_general3A_343 {dimension_numbers = #tpu.dot_dimension_numbers<[1], [0], [0], [1], [0, 0, 1, 1], [], []>, transpose_lhs_hint = false} : vector<512x32xf32>, vector<32x32xf32>, vector<512x32xf32> -> vector<512x32xf32>
    %get3A_345 = arith.constant 0 : index
    %get3A_346 = arith.constant 0 : index
    %get3A_347 = vector.load %arg5[%get3A_345, %get3A_346] : memref<32x2xf32, #tpu.memory_space<vmem>>, vector<32x2xf32>
    %dot_general3A_348 = arith.constant dense<0.000000e+00> : vector<512x2xf32>
    %dot_general3A_349 = tpu.matmul %dot_general3A_344, %get3A_347, %dot_general3A_348 {dimension_numbers = #tpu.dot_dimension_numbers<[1], [0], [0], [1], [0, 0, 1, 1], [], []>, transpose_lhs_hint = false} : vector<512x32xf32>, vector<32x2xf32>, vector<512x2xf32> -> vector<512x2xf32>
    %get3A_350 = arith.constant 0 : index
    %get3A_351 = arith.constant 0 : index
    %get3A_352 = vector.load %arg6[%get3A_350, %get3A_351] : memref<32x2xf32, #tpu.memory_space<vmem>>, vector<32x2xf32>
    %dot_general3A_353 = arith.constant dense<0.000000e+00> : vector<512x2xf32>
    %dot_general3A_354 = tpu.matmul %dot_general3A_344, %get3A_352, %dot_general3A_353 {dimension_numbers = #tpu.dot_dimension_numbers<[1], [0], [0], [1], [0, 0, 1, 1], [], []>, transpose_lhs_hint = false} : vector<512x32xf32>, vector<32x2xf32>, vector<512x2xf32> -> vector<512x2xf32>
    %swap3A_355 = arith.constant 7 : index
    %swap3A_356 = arith.constant 0 : index
    %swap3A_357 = arith.constant 0 : index
    %swap3A_358 = vector.load %arg7[%swap3A_355, %swap3A_356, %swap3A_357] : memref<12x512x34xf32, #tpu.memory_space<vmem>>, vector<1x512x32xf32>
    %swap3A_359 = vector.shape_cast %swap3A_358 : vector<1x512x32xf32> to vector<512x32xf32>
    %swap3A_360 = vector.shape_cast %dot_general3A_344 : vector<512x32xf32> to vector<1x512x32xf32>
    tpu.vector_store %arg7[%swap3A_355, %swap3A_356, %swap3A_357], %swap3A_360 {strides = array<i32>} : memref<12x512x34xf32, #tpu.memory_space<vmem>>, vector<1x512x32xf32>,
    %swap3A_361 = arith.constant 7 : index
    %swap3A_362 = arith.constant 0 : index
    %swap3A_363 = arith.constant 32 : index
    %swap3A_364 = vector.load %arg7[%swap3A_361, %swap3A_362, %swap3A_363] : memref<12x512x34xf32, #tpu.memory_space<vmem>>, vector<1x512x2xf32>
    %swap3A_365 = vector.shape_cast %swap3A_364 : vector<1x512x2xf32> to vector<512x2xf32>
    %swap3A_366 = vector.shape_cast %dot_general3A_349 : vector<512x2xf32> to vector<1x512x2xf32>
    tpu.vector_store %arg7[%swap3A_361, %swap3A_362, %swap3A_363], %swap3A_366 {strides = array<i32>} : memref<12x512x34xf32, #tpu.memory_space<vmem>>, vector<1x512x2xf32>,
    %swap3A_367 = arith.constant 7 : index
    %swap3A_368 = arith.constant 0 : index
    %swap3A_369 = arith.constant 0 : index
    %swap3A_370 = vector.load %arg8[%swap3A_367, %swap3A_368, %swap3A_369] : memref<12x512x2xf32, #tpu.memory_space<vmem>>, vector<1x512x2xf32>
    %swap3A_371 = vector.shape_cast %swap3A_370 : vector<1x512x2xf32> to vector<512x2xf32>
    %swap3A_372 = vector.shape_cast %dot_general3A_354 : vector<512x2xf32> to vector<1x512x2xf32>
    tpu.vector_store %arg8[%swap3A_367, %swap3A_368, %swap3A_369], %swap3A_372 {strides = array<i32>} : memref<12x512x2xf32, #tpu.memory_space<vmem>>, vector<1x512x2xf32>,
    %slice3A_373 = vector.extract_strided_slice %get3A_1 {offsets = [0, 16], sizes = [512, 2], strides = [1, 1]} : vector<512x24xf32> to vector<512x2xf32>
    %get3A_374 = arith.constant 0 : index
    %get3A_375 = arith.constant 0 : index
    %get3A_376 = vector.load %arg2[%get3A_374, %get3A_375] : memref<2x32xf32, #tpu.memory_space<vmem>>, vector<2x32xf32>
    %dot_general3A_377 = arith.constant dense<0.000000e+00> : vector<512x32xf32>
    %dot_general3A_378 = tpu.matmul %slice3A_373, %get3A_376, %dot_general3A_377 {dimension_numbers = #tpu.dot_dimension_numbers<[1], [0], [0], [1], [0, 0, 1, 1], [], []>, transpose_lhs_hint = false} : vector<512x2xf32>, vector<2x32xf32>, vector<512x32xf32> -> vector<512x32xf32>
    %get3A_379 = arith.constant 0 : index
    %get3A_380 = arith.constant 0 : index
    %get3A_381 = vector.load %arg3[%get3A_379, %get3A_380] : memref<1x32xf32, #tpu.memory_space<vmem>>, vector<1x32xf32>
    %add3A_382 = vector.broadcast %get3A_381 : vector<1x32xf32> to vector<512x32xf32>
    %add3A_383 = arith.addf %dot_general3A_378, %add3A_382 : vector<512x32xf32>
    %max3A_384 = arith.constant 0.000000e+00 : f32
    %max3A_385 = vector.broadcast %max3A_384 : f32 to vector<512x32xf32>
    %max3A_386 = arith.maximumf %add3A_383, %max3A_385 : vector<512x32xf32>
    %get3A_387 = arith.constant 0 : index
    %get3A_388 = arith.constant 0 : index
    %get3A_389 = vector.load %arg4[%get3A_387, %get3A_388] : memref<32x32xf32, #tpu.memory_space<vmem>>, vector<32x32xf32>
    %dot_general3A_390 = arith.constant dense<0.000000e+00> : vector<512x32xf32>
    %dot_general3A_391 = tpu.matmul %max3A_386, %get3A_389, %dot_general3A_390 {dimension_numbers = #tpu.dot_dimension_numbers<[1], [0], [0], [1], [0, 0, 1, 1], [], []>, transpose_lhs_hint = false} : vector<512x32xf32>, vector<32x32xf32>, vector<512x32xf32> -> vector<512x32xf32>
    %get3A_392 = arith.constant 0 : index
    %get3A_393 = arith.constant 0 : index
    %get3A_394 = vector.load %arg5[%get3A_392, %get3A_393] : memref<32x2xf32, #tpu.memory_space<vmem>>, vector<32x2xf32>
    %dot_general3A_395 = arith.constant dense<0.000000e+00> : vector<512x2xf32>
    %dot_general3A_396 = tpu.matmul %dot_general3A_391, %get3A_394, %dot_general3A_395 {dimension_numbers = #tpu.dot_dimension_numbers<[1], [0], [0], [1], [0, 0, 1, 1], [], []>, transpose_lhs_hint = false} : vector<512x32xf32>, vector<32x2xf32>, vector<512x2xf32> -> vector<512x2xf32>
    %get3A_397 = arith.constant 0 : index
    %get3A_398 = arith.constant 0 : index
    %get3A_399 = vector.load %arg6[%get3A_397, %get3A_398] : memref<32x2xf32, #tpu.memory_space<vmem>>, vector<32x2xf32>
    %dot_general3A_400 = arith.constant dense<0.000000e+00> : vector<512x2xf32>
    %dot_general3A_401 = tpu.matmul %dot_general3A_391, %get3A_399, %dot_general3A_400 {dimension_numbers = #tpu.dot_dimension_numbers<[1], [0], [0], [1], [0, 0, 1, 1], [], []>, transpose_lhs_hint = false} : vector<512x32xf32>, vector<32x2xf32>, vector<512x2xf32> -> vector<512x2xf32>
    %swap3A_402 = arith.constant 8 : index
    %swap3A_403 = arith.constant 0 : index
    %swap3A_404 = arith.constant 0 : index
    %swap3A_405 = vector.load %arg7[%swap3A_402, %swap3A_403, %swap3A_404] : memref<12x512x34xf32, #tpu.memory_space<vmem>>, vector<1x512x32xf32>
    %swap3A_406 = vector.shape_cast %swap3A_405 : vector<1x512x32xf32> to vector<512x32xf32>
    %swap3A_407 = vector.shape_cast %dot_general3A_391 : vector<512x32xf32> to vector<1x512x32xf32>
    tpu.vector_store %arg7[%swap3A_402, %swap3A_403, %swap3A_404], %swap3A_407 {strides = array<i32>} : memref<12x512x34xf32, #tpu.memory_space<vmem>>, vector<1x512x32xf32>,
    %swap3A_408 = arith.constant 8 : index
    %swap3A_409 = arith.constant 0 : index
    %swap3A_410 = arith.constant 32 : index
    %swap3A_411 = vector.load %arg7[%swap3A_408, %swap3A_409, %swap3A_410] : memref<12x512x34xf32, #tpu.memory_space<vmem>>, vector<1x512x2xf32>
    %swap3A_412 = vector.shape_cast %swap3A_411 : vector<1x512x2xf32> to vector<512x2xf32>
    %swap3A_413 = vector.shape_cast %dot_general3A_396 : vector<512x2xf32> to vector<1x512x2xf32>
    tpu.vector_store %arg7[%swap3A_408, %swap3A_409, %swap3A_410], %swap3A_413 {strides = array<i32>} : memref<12x512x34xf32, #tpu.memory_space<vmem>>, vector<1x512x2xf32>,
    %swap3A_414 = arith.constant 8 : index
    %swap3A_415 = arith.constant 0 : index
    %swap3A_416 = arith.constant 0 : index
    %swap3A_417 = vector.load %arg8[%swap3A_414, %swap3A_415, %swap3A_416] : memref<12x512x2xf32, #tpu.memory_space<vmem>>, vector<1x512x2xf32>
    %swap3A_418 = vector.shape_cast %swap3A_417 : vector<1x512x2xf32> to vector<512x2xf32>
    %swap3A_419 = vector.shape_cast %dot_general3A_401 : vector<512x2xf32> to vector<1x512x2xf32>
    tpu.vector_store %arg8[%swap3A_414, %swap3A_415, %swap3A_416], %swap3A_419 {strides = array<i32>} : memref<12x512x2xf32, #tpu.memory_space<vmem>>, vector<1x512x2xf32>,
    %slice3A_420 = vector.extract_strided_slice %get3A_1 {offsets = [0, 18], sizes = [512, 2], strides = [1, 1]} : vector<512x24xf32> to vector<512x2xf32>
    %get3A_421 = arith.constant 0 : index
    %get3A_422 = arith.constant 0 : index
    %get3A_423 = vector.load %arg2[%get3A_421, %get3A_422] : memref<2x32xf32, #tpu.memory_space<vmem>>, vector<2x32xf32>
    %dot_general3A_424 = arith.constant dense<0.000000e+00> : vector<512x32xf32>
    %dot_general3A_425 = tpu.matmul %slice3A_420, %get3A_423, %dot_general3A_424 {dimension_numbers = #tpu.dot_dimension_numbers<[1], [0], [0], [1], [0, 0, 1, 1], [], []>, transpose_lhs_hint = false} : vector<512x2xf32>, vector<2x32xf32>, vector<512x32xf32> -> vector<512x32xf32>
    %get3A_426 = arith.constant 0 : index
    %get3A_427 = arith.constant 0 : index
    %get3A_428 = vector.load %arg3[%get3A_426, %get3A_427] : memref<1x32xf32, #tpu.memory_space<vmem>>, vector<1x32xf32>
    %add3A_429 = vector.broadcast %get3A_428 : vector<1x32xf32> to vector<512x32xf32>
    %add3A_430 = arith.addf %dot_general3A_425, %add3A_429 : vector<512x32xf32>
    %max3A_431 = arith.constant 0.000000e+00 : f32
    %max3A_432 = vector.broadcast %max3A_431 : f32 to vector<512x32xf32>
    %max3A_433 = arith.maximumf %add3A_430, %max3A_432 : vector<512x32xf32>
    %get3A_434 = arith.constant 0 : index
    %get3A_435 = arith.constant 0 : index
    %get3A_436 = vector.load %arg4[%get3A_434, %get3A_435] : memref<32x32xf32, #tpu.memory_space<vmem>>, vector<32x32xf32>
    %dot_general3A_437 = arith.constant dense<0.000000e+00> : vector<512x32xf32>
    %dot_general3A_438 = tpu.matmul %max3A_433, %get3A_436, %dot_general3A_437 {dimension_numbers = #tpu.dot_dimension_numbers<[1], [0], [0], [1], [0, 0, 1, 1], [], []>, transpose_lhs_hint = false} : vector<512x32xf32>, vector<32x32xf32>, vector<512x32xf32> -> vector<512x32xf32>
    %get3A_439 = arith.constant 0 : index
    %get3A_440 = arith.constant 0 : index
    %get3A_441 = vector.load %arg5[%get3A_439, %get3A_440] : memref<32x2xf32, #tpu.memory_space<vmem>>, vector<32x2xf32>
    %dot_general3A_442 = arith.constant dense<0.000000e+00> : vector<512x2xf32>
    %dot_general3A_443 = tpu.matmul %dot_general3A_438, %get3A_441, %dot_general3A_442 {dimension_numbers = #tpu.dot_dimension_numbers<[1], [0], [0], [1], [0, 0, 1, 1], [], []>, transpose_lhs_hint = false} : vector<512x32xf32>, vector<32x2xf32>, vector<512x2xf32> -> vector<512x2xf32>
    %get3A_444 = arith.constant 0 : index
    %get3A_445 = arith.constant 0 : index
    %get3A_446 = vector.load %arg6[%get3A_444, %get3A_445] : memref<32x2xf32, #tpu.memory_space<vmem>>, vector<32x2xf32>
    %dot_general3A_447 = arith.constant dense<0.000000e+00> : vector<512x2xf32>
    %dot_general3A_448 = tpu.matmul %dot_general3A_438, %get3A_446, %dot_general3A_447 {dimension_numbers = #tpu.dot_dimension_numbers<[1], [0], [0], [1], [0, 0, 1, 1], [], []>, transpose_lhs_hint = false} : vector<512x32xf32>, vector<32x2xf32>, vector<512x2xf32> -> vector<512x2xf32>
    %swap3A_449 = arith.constant 9 : index
    %swap3A_450 = arith.constant 0 : index
    %swap3A_451 = arith.constant 0 : index
    %swap3A_452 = vector.load %arg7[%swap3A_449, %swap3A_450, %swap3A_451] : memref<12x512x34xf32, #tpu.memory_space<vmem>>, vector<1x512x32xf32>
    %swap3A_453 = vector.shape_cast %swap3A_452 : vector<1x512x32xf32> to vector<512x32xf32>
    %swap3A_454 = vector.shape_cast %dot_general3A_438 : vector<512x32xf32> to vector<1x512x32xf32>
    tpu.vector_store %arg7[%swap3A_449, %swap3A_450, %swap3A_451], %swap3A_454 {strides = array<i32>} : memref<12x512x34xf32, #tpu.memory_space<vmem>>, vector<1x512x32xf32>,
    %swap3A_455 = arith.constant 9 : index
    %swap3A_456 = arith.constant 0 : index
    %swap3A_457 = arith.constant 32 : index
    %swap3A_458 = vector.load %arg7[%swap3A_455, %swap3A_456, %swap3A_457] : memref<12x512x34xf32, #tpu.memory_space<vmem>>, vector<1x512x2xf32>
    %swap3A_459 = vector.shape_cast %swap3A_458 : vector<1x512x2xf32> to vector<512x2xf32>
    %swap3A_460 = vector.shape_cast %dot_general3A_443 : vector<512x2xf32> to vector<1x512x2xf32>
    tpu.vector_store %arg7[%swap3A_455, %swap3A_456, %swap3A_457], %swap3A_460 {strides = array<i32>} : memref<12x512x34xf32, #tpu.memory_space<vmem>>, vector<1x512x2xf32>,
    %swap3A_461 = arith.constant 9 : index
    %swap3A_462 = arith.constant 0 : index
    %swap3A_463 = arith.constant 0 : index
    %swap3A_464 = vector.load %arg8[%swap3A_461, %swap3A_462, %swap3A_463] : memref<12x512x2xf32, #tpu.memory_space<vmem>>, vector<1x512x2xf32>
    %swap3A_465 = vector.shape_cast %swap3A_464 : vector<1x512x2xf32> to vector<512x2xf32>
    %swap3A_466 = vector.shape_cast %dot_general3A_448 : vector<512x2xf32> to vector<1x512x2xf32>
    tpu.vector_store %arg8[%swap3A_461, %swap3A_462, %swap3A_463], %swap3A_466 {strides = array<i32>} : memref<12x512x2xf32, #tpu.memory_space<vmem>>, vector<1x512x2xf32>,
    %slice3A_467 = vector.extract_strided_slice %get3A_1 {offsets = [0, 20], sizes = [512, 2], strides = [1, 1]} : vector<512x24xf32> to vector<512x2xf32>
    %get3A_468 = arith.constant 0 : index
    %get3A_469 = arith.constant 0 : index
    %get3A_470 = vector.load %arg2[%get3A_468, %get3A_469] : memref<2x32xf32, #tpu.memory_space<vmem>>, vector<2x32xf32>
    %dot_general3A_471 = arith.constant dense<0.000000e+00> : vector<512x32xf32>
    %dot_general3A_472 = tpu.matmul %slice3A_467, %get3A_470, %dot_general3A_471 {dimension_numbers = #tpu.dot_dimension_numbers<[1], [0], [0], [1], [0, 0, 1, 1], [], []>, transpose_lhs_hint = false} : vector<512x2xf32>, vector<2x32xf32>, vector<512x32xf32> -> vector<512x32xf32>
    %get3A_473 = arith.constant 0 : index
    %get3A_474 = arith.constant 0 : index
    %get3A_475 = vector.load %arg3[%get3A_473, %get3A_474] : memref<1x32xf32, #tpu.memory_space<vmem>>, vector<1x32xf32>
    %add3A_476 = vector.broadcast %get3A_475 : vector<1x32xf32> to vector<512x32xf32>
    %add3A_477 = arith.addf %dot_general3A_472, %add3A_476 : vector<512x32xf32>
    %max3A_478 = arith.constant 0.000000e+00 : f32
    %max3A_479 = vector.broadcast %max3A_478 : f32 to vector<512x32xf32>
    %max3A_480 = arith.maximumf %add3A_477, %max3A_479 : vector<512x32xf32>
    %get3A_481 = arith.constant 0 : index
    %get3A_482 = arith.constant 0 : index
    %get3A_483 = vector.load %arg4[%get3A_481, %get3A_482] : memref<32x32xf32, #tpu.memory_space<vmem>>, vector<32x32xf32>
    %dot_general3A_484 = arith.constant dense<0.000000e+00> : vector<512x32xf32>
    %dot_general3A_485 = tpu.matmul %max3A_480, %get3A_483, %dot_general3A_484 {dimension_numbers = #tpu.dot_dimension_numbers<[1], [0], [0], [1], [0, 0, 1, 1], [], []>, transpose_lhs_hint = false} : vector<512x32xf32>, vector<32x32xf32>, vector<512x32xf32> -> vector<512x32xf32>
    %get3A_486 = arith.constant 0 : index
    %get3A_487 = arith.constant 0 : index
    %get3A_488 = vector.load %arg5[%get3A_486, %get3A_487] : memref<32x2xf32, #tpu.memory_space<vmem>>, vector<32x2xf32>
    %dot_general3A_489 = arith.constant dense<0.000000e+00> : vector<512x2xf32>
    %dot_general3A_490 = tpu.matmul %dot_general3A_485, %get3A_488, %dot_general3A_489 {dimension_numbers = #tpu.dot_dimension_numbers<[1], [0], [0], [1], [0, 0, 1, 1], [], []>, transpose_lhs_hint = false} : vector<512x32xf32>, vector<32x2xf32>, vector<512x2xf32> -> vector<512x2xf32>
    %get3A_491 = arith.constant 0 : index
    %get3A_492 = arith.constant 0 : index
    %get3A_493 = vector.load %arg6[%get3A_491, %get3A_492] : memref<32x2xf32, #tpu.memory_space<vmem>>, vector<32x2xf32>
    %dot_general3A_494 = arith.constant dense<0.000000e+00> : vector<512x2xf32>
    %dot_general3A_495 = tpu.matmul %dot_general3A_485, %get3A_493, %dot_general3A_494 {dimension_numbers = #tpu.dot_dimension_numbers<[1], [0], [0], [1], [0, 0, 1, 1], [], []>, transpose_lhs_hint = false} : vector<512x32xf32>, vector<32x2xf32>, vector<512x2xf32> -> vector<512x2xf32>
    %swap3A_496 = arith.constant 10 : index
    %swap3A_497 = arith.constant 0 : index
    %swap3A_498 = arith.constant 0 : index
    %swap3A_499 = vector.load %arg7[%swap3A_496, %swap3A_497, %swap3A_498] : memref<12x512x34xf32, #tpu.memory_space<vmem>>, vector<1x512x32xf32>
    %swap3A_500 = vector.shape_cast %swap3A_499 : vector<1x512x32xf32> to vector<512x32xf32>
    %swap3A_501 = vector.shape_cast %dot_general3A_485 : vector<512x32xf32> to vector<1x512x32xf32>
    tpu.vector_store %arg7[%swap3A_496, %swap3A_497, %swap3A_498], %swap3A_501 {strides = array<i32>} : memref<12x512x34xf32, #tpu.memory_space<vmem>>, vector<1x512x32xf32>,
    %swap3A_502 = arith.constant 10 : index
    %swap3A_503 = arith.constant 0 : index
    %swap3A_504 = arith.constant 32 : index
    %swap3A_505 = vector.load %arg7[%swap3A_502, %swap3A_503, %swap3A_504] : memref<12x512x34xf32, #tpu.memory_space<vmem>>, vector<1x512x2xf32>
    %swap3A_506 = vector.shape_cast %swap3A_505 : vector<1x512x2xf32> to vector<512x2xf32>
    %swap3A_507 = vector.shape_cast %dot_general3A_490 : vector<512x2xf32> to vector<1x512x2xf32>
    tpu.vector_store %arg7[%swap3A_502, %swap3A_503, %swap3A_504], %swap3A_507 {strides = array<i32>} : memref<12x512x34xf32, #tpu.memory_space<vmem>>, vector<1x512x2xf32>,
    %swap3A_508 = arith.constant 10 : index
    %swap3A_509 = arith.constant 0 : index
    %swap3A_510 = arith.constant 0 : index
    %swap3A_511 = vector.load %arg8[%swap3A_508, %swap3A_509, %swap3A_510] : memref<12x512x2xf32, #tpu.memory_space<vmem>>, vector<1x512x2xf32>
    %swap3A_512 = vector.shape_cast %swap3A_511 : vector<1x512x2xf32> to vector<512x2xf32>
    %swap3A_513 = vector.shape_cast %dot_general3A_495 : vector<512x2xf32> to vector<1x512x2xf32>
    tpu.vector_store %arg8[%swap3A_508, %swap3A_509, %swap3A_510], %swap3A_513 {strides = array<i32>} : memref<12x512x2xf32, #tpu.memory_space<vmem>>, vector<1x512x2xf32>,
    %slice3A_514 = vector.extract_strided_slice %get3A_1 {offsets = [0, 22], sizes = [512, 2], strides = [1, 1]} : vector<512x24xf32> to vector<512x2xf32>
    %get3A_515 = arith.constant 0 : index
    %get3A_516 = arith.constant 0 : index
    %get3A_517 = vector.load %arg2[%get3A_515, %get3A_516] : memref<2x32xf32, #tpu.memory_space<vmem>>, vector<2x32xf32>
    %dot_general3A_518 = arith.constant dense<0.000000e+00> : vector<512x32xf32>
    %dot_general3A_519 = tpu.matmul %slice3A_514, %get3A_517, %dot_general3A_518 {dimension_numbers = #tpu.dot_dimension_numbers<[1], [0], [0], [1], [0, 0, 1, 1], [], []>, transpose_lhs_hint = false} : vector<512x2xf32>, vector<2x32xf32>, vector<512x32xf32> -> vector<512x32xf32>
    %get3A_520 = arith.constant 0 : index
    %get3A_521 = arith.constant 0 : index
    %get3A_522 = vector.load %arg3[%get3A_520, %get3A_521] : memref<1x32xf32, #tpu.memory_space<vmem>>, vector<1x32xf32>
    %add3A_523 = vector.broadcast %get3A_522 : vector<1x32xf32> to vector<512x32xf32>
    %add3A_524 = arith.addf %dot_general3A_519, %add3A_523 : vector<512x32xf32>
    %max3A_525 = arith.constant 0.000000e+00 : f32
    %max3A_526 = vector.broadcast %max3A_525 : f32 to vector<512x32xf32>
    %max3A_527 = arith.maximumf %add3A_524, %max3A_526 : vector<512x32xf32>
    %get3A_528 = arith.constant 0 : index
    %get3A_529 = arith.constant 0 : index
    %get3A_530 = vector.load %arg4[%get3A_528, %get3A_529] : memref<32x32xf32, #tpu.memory_space<vmem>>, vector<32x32xf32>
    %dot_general3A_531 = arith.constant dense<0.000000e+00> : vector<512x32xf32>
    %dot_general3A_532 = tpu.matmul %max3A_527, %get3A_530, %dot_general3A_531 {dimension_numbers = #tpu.dot_dimension_numbers<[1], [0], [0], [1], [0, 0, 1, 1], [], []>, transpose_lhs_hint = false} : vector<512x32xf32>, vector<32x32xf32>, vector<512x32xf32> -> vector<512x32xf32>
    %get3A_533 = arith.constant 0 : index
    %get3A_534 = arith.constant 0 : index
    %get3A_535 = vector.load %arg5[%get3A_533, %get3A_534] : memref<32x2xf32, #tpu.memory_space<vmem>>, vector<32x2xf32>
    %dot_general3A_536 = arith.constant dense<0.000000e+00> : vector<512x2xf32>
    %dot_general3A_537 = tpu.matmul %dot_general3A_532, %get3A_535, %dot_general3A_536 {dimension_numbers = #tpu.dot_dimension_numbers<[1], [0], [0], [1], [0, 0, 1, 1], [], []>, transpose_lhs_hint = false} : vector<512x32xf32>, vector<32x2xf32>, vector<512x2xf32> -> vector<512x2xf32>
    %get3A_538 = arith.constant 0 : index
    %get3A_539 = arith.constant 0 : index
    %get3A_540 = vector.load %arg6[%get3A_538, %get3A_539] : memref<32x2xf32, #tpu.memory_space<vmem>>, vector<32x2xf32>
    %dot_general3A_541 = arith.constant dense<0.000000e+00> : vector<512x2xf32>
    %dot_general3A_542 = tpu.matmul %dot_general3A_532, %get3A_540, %dot_general3A_541 {dimension_numbers = #tpu.dot_dimension_numbers<[1], [0], [0], [1], [0, 0, 1, 1], [], []>, transpose_lhs_hint = false} : vector<512x32xf32>, vector<32x2xf32>, vector<512x2xf32> -> vector<512x2xf32>
    %swap3A_543 = arith.constant 11 : index
    %swap3A_544 = arith.constant 0 : index
    %swap3A_545 = arith.constant 0 : index
    %swap3A_546 = vector.load %arg7[%swap3A_543, %swap3A_544, %swap3A_545] : memref<12x512x34xf32, #tpu.memory_space<vmem>>, vector<1x512x32xf32>
    %swap3A_547 = vector.shape_cast %swap3A_546 : vector<1x512x32xf32> to vector<512x32xf32>
    %swap3A_548 = vector.shape_cast %dot_general3A_532 : vector<512x32xf32> to vector<1x512x32xf32>
    tpu.vector_store %arg7[%swap3A_543, %swap3A_544, %swap3A_545], %swap3A_548 {strides = array<i32>} : memref<12x512x34xf32, #tpu.memory_space<vmem>>, vector<1x512x32xf32>,
    %swap3A_549 = arith.constant 11 : index
    %swap3A_550 = arith.constant 0 : index
    %swap3A_551 = arith.constant 32 : index
    %swap3A_552 = vector.load %arg7[%swap3A_549, %swap3A_550, %swap3A_551] : memref<12x512x34xf32, #tpu.memory_space<vmem>>, vector<1x512x2xf32>
    %swap3A_553 = vector.shape_cast %swap3A_552 : vector<1x512x2xf32> to vector<512x2xf32>
    %swap3A_554 = vector.shape_cast %dot_general3A_537 : vector<512x2xf32> to vector<1x512x2xf32>
    tpu.vector_store %arg7[%swap3A_549, %swap3A_550, %swap3A_551], %swap3A_554 {strides = array<i32>} : memref<12x512x34xf32, #tpu.memory_space<vmem>>, vector<1x512x2xf32>,
    %swap3A_555 = arith.constant 11 : index
    %swap3A_556 = arith.constant 0 : index
    %swap3A_557 = arith.constant 0 : index
    %swap3A_558 = vector.load %arg8[%swap3A_555, %swap3A_556, %swap3A_557] : memref<12x512x2xf32, #tpu.memory_space<vmem>>, vector<1x512x2xf32>
    %swap3A_559 = vector.shape_cast %swap3A_558 : vector<1x512x2xf32> to vector<512x2xf32>
    %swap3A_560 = vector.shape_cast %dot_general3A_542 : vector<512x2xf32> to vector<1x512x2xf32>
    tpu.vector_store %arg8[%swap3A_555, %swap3A_556, %swap3A_557], %swap3A_560 {strides = array<i32>} : memref<12x512x2xf32, #tpu.memory_space<vmem>>, vector<1x512x2xf32>,
    return
  }
  func.func @transform_0(%arg0: i32) -> (i32, i32) {
    %c0_i32 = arith.constant 0 : i32
    %c0_i32_0 = arith.constant 0 : i32
    return %arg0, %c0_i32 : i32, i32
  }
  func.func @transform_1(%arg0: i32) -> (i32, i32) {
    %c0_i32 = arith.constant 0 : i32
    %c0_i32_0 = arith.constant 0 : i32
    %c0_i32_1 = arith.constant 0 : i32
    return %c0_i32, %c0_i32_0 : i32, i32
  }
  func.func @transform_2(%arg0: i32) -> (i32, i32) {
    %c0_i32 = arith.constant 0 : i32
    %c0_i32_0 = arith.constant 0 : i32
    %c0_i32_1 = arith.constant 0 : i32
    return %c0_i32, %c0_i32_0 : i32, i32
  }
  func.func @transform_3(%arg0: i32) -> (i32, i32) {
    %c0_i32 = arith.constant 0 : i32
    %c0_i32_0 = arith.constant 0 : i32
    %c0_i32_1 = arith.constant 0 : i32
    return %c0_i32, %c0_i32_0 : i32, i32
  }
  func.func @transform_4(%arg0: i32) -> (i32, i32) {
    %c0_i32 = arith.constant 0 : i32
    %c0_i32_0 = arith.constant 0 : i32
    %c0_i32_1 = arith.constant 0 : i32
    return %c0_i32, %c0_i32_0 : i32, i32
  }
  func.func @transform_5(%arg0: i32) -> (i32, i32) {
    %c0_i32 = arith.constant 0 : i32
    %c0_i32_0 = arith.constant 0 : i32
    %c0_i32_1 = arith.constant 0 : i32
    return %c0_i32, %c0_i32_0 : i32, i32
  }
  func.func @transform_6(%arg0: i32) -> (i32, i32, i32) {
    %c0_i32 = arith.constant 0 : i32
    %c0_i32_0 = arith.constant 0 : i32
    %c0_i32_1 = arith.constant 0 : i32
    return %c0_i32, %arg0, %c0_i32_0 : i32, i32, i32
  }
  func.func @transform_7(%arg0: i32) -> (i32, i32, i32) {
    %c0_i32 = arith.constant 0 : i32
    %c0_i32_0 = arith.constant 0 : i32
    %c0_i32_1 = arith.constant 0 : i32
    return %c0_i32, %arg0, %c0_i32_0 : i32, i32, i32
  }
}

module attributes {stable_mosaic.version = 14 : i64} {
  func.func @_final_body(%arg0: i32, %arg1: memref<12x256x34xf32, #tpu.memory_space<vmem>>, %arg2: memref<12x256x34xf32, #tpu.memory_space<vmem>>, %arg3: memref<12x256x2xf32, #tpu.memory_space<vmem>>, %arg4: memref<1x32xf32, #tpu.memory_space<vmem>>, %arg5: memref<32x48xf32, #tpu.memory_space<vmem>>, %arg6: memref<16x48xf32, #tpu.memory_space<vmem>>, %arg7: memref<1x48xf32, #tpu.memory_space<vmem>>, %arg8: memref<1x48xf32, #tpu.memory_space<vmem>>, %arg9: memref<16x1xf32, #tpu.memory_space<vmem>>, %arg10: memref<1x1xf32, #tpu.memory_space<vmem>>, %arg11: memref<256x1xf32, #tpu.memory_space<vmem>>) attributes {dimension_semantics = [#tpu.dimension_semantics<arbitrary>], iteration_bounds = array<i64: 196>, scalar_prefetch = 0 : i64, scratch_operands = 0 : i64, tpu.core_type = #tpu.core_type<tc>, window_params = [{transform_indices = @transform_0, window_bounds = array<i64: 12, 256, 34>}, {transform_indices = @transform_1, window_bounds = array<i64: 12, 256, 34>}, {transform_indices = @transform_2, window_bounds = array<i64: 12, 256, 2>}, {pipeline_mode = #tpu.pipeline_mode<synchronous>, transform_indices = @transform_3, window_bounds = array<i64: 1, 32>}, {pipeline_mode = #tpu.pipeline_mode<synchronous>, transform_indices = @transform_4, window_bounds = array<i64: 32, 48>}, {pipeline_mode = #tpu.pipeline_mode<synchronous>, transform_indices = @transform_5, window_bounds = array<i64: 16, 48>}, {pipeline_mode = #tpu.pipeline_mode<synchronous>, transform_indices = @transform_6, window_bounds = array<i64: 1, 48>}, {pipeline_mode = #tpu.pipeline_mode<synchronous>, transform_indices = @transform_7, window_bounds = array<i64: 1, 48>}, {pipeline_mode = #tpu.pipeline_mode<synchronous>, transform_indices = @transform_8, window_bounds = array<i64: 16, 1>}, {pipeline_mode = #tpu.pipeline_mode<synchronous>, transform_indices = @transform_9, window_bounds = array<i64: 1, 1>}, {transform_indices = @transform_10, window_bounds = array<i64: 256, 1>}]} {
    %broadcast_in_dim3A = arith.constant 0.000000e+00 : f32
    %broadcast_in_dim3A_0 = vector.broadcast %broadcast_in_dim3A : f32 to vector<256x16xf32>
    %get3A = arith.constant 0 : index
    %get3A_1 = arith.constant 0 : index
    %get3A_2 = vector.load %arg4[%get3A, %get3A_1] : memref<1x32xf32, #tpu.memory_space<vmem>>, vector<1x32xf32>
    %get3A_3 = arith.constant 0 : index
    %get3A_4 = arith.constant 0 : index
    %get3A_5 = arith.constant 0 : index
    %get3A_6 = vector.load %arg1[%get3A_3, %get3A_4, %get3A_5] : memref<12x256x34xf32, #tpu.memory_space<vmem>>, vector<1x256x34xf32>
    %get3A_7 = vector.shape_cast %get3A_6 : vector<1x256x34xf32> to vector<256x34xf32>
    %get3A_8 = arith.constant 0 : index
    %get3A_9 = arith.constant 0 : index
    %get3A_10 = arith.constant 0 : index
    %get3A_11 = vector.load %arg2[%get3A_8, %get3A_9, %get3A_10] : memref<12x256x34xf32, #tpu.memory_space<vmem>>, vector<1x256x34xf32>
    %get3A_12 = vector.shape_cast %get3A_11 : vector<1x256x34xf32> to vector<256x34xf32>
    %slice3A = vector.extract_strided_slice %get3A_7 {offsets = [0, 0], sizes = [256, 32], strides = [1, 1]} : vector<256x34xf32> to vector<256x32xf32>
    %slice3A_13 = vector.extract_strided_slice %get3A_7 {offsets = [0, 32], sizes = [256, 2], strides = [1, 1]} : vector<256x34xf32> to vector<256x2xf32>
    %slice3A_14 = vector.extract_strided_slice %get3A_12 {offsets = [0, 0], sizes = [256, 32], strides = [1, 1]} : vector<256x34xf32> to vector<256x32xf32>
    %slice3A_15 = vector.extract_strided_slice %get3A_12 {offsets = [0, 32], sizes = [256, 2], strides = [1, 1]} : vector<256x34xf32> to vector<256x2xf32>
    %get3A_16 = arith.constant 0 : index
    %get3A_17 = arith.constant 0 : index
    %get3A_18 = arith.constant 0 : index
    %get3A_19 = vector.load %arg3[%get3A_16, %get3A_17, %get3A_18] : memref<12x256x2xf32, #tpu.memory_space<vmem>>, vector<1x256x2xf32>
    %get3A_20 = vector.shape_cast %get3A_19 : vector<1x256x2xf32> to vector<256x2xf32>
    %add3A = arith.addf %slice3A_15, %get3A_20 : vector<256x2xf32>
    %ge3A = arith.constant 0.000000e+00 : f32
    %ge3A_21 = vector.broadcast %ge3A : f32 to vector<256x2xf32>
    %ge3A_22 = arith.cmpf oge, %add3A, %ge3A_21 : vector<256x2xf32>
    %mul3A = arith.constant 2.000000e-01 : f32
    %mul3A_23 = vector.broadcast %mul3A : f32 to vector<256x2xf32>
    %mul3A_24 = arith.mulf %mul3A_23, %add3A : vector<256x2xf32>
    %select_n3A = arith.select %ge3A_22, %add3A, %mul3A_24 : vector<256x2xi1>, vector<256x2xf32>
    %exp3A = math.exp %select_n3A : vector<256x2xf32>
    %add3A_25 = arith.addf %slice3A_13, %exp3A : vector<256x2xf32>
    %add3A_26 = arith.constant 1.000000e-16 : f32
    %add3A_27 = vector.broadcast %add3A_26 : f32 to vector<256x2xf32>
    %add3A_28 = arith.addf %add3A_25, %add3A_27 : vector<256x2xf32>
    %slice3A_29 = vector.extract_strided_slice %exp3A {offsets = [0, 0], sizes = [256, 1], strides = [1, 1]} : vector<256x2xf32> to vector<256x1xf32>
    %broadcast_in_dim3A_30 = vector.shape_cast %slice3A_29 : vector<256x1xf32> to vector<256x1xf32>
    %broadcast_in_dim3A_31 = vector.broadcast %broadcast_in_dim3A_30 : vector<256x1xf32> to vector<256x16xf32>
    %slice3A_32 = vector.extract_strided_slice %exp3A {offsets = [0, 1], sizes = [256, 1], strides = [1, 1]} : vector<256x2xf32> to vector<256x1xf32>
    %broadcast_in_dim3A_33 = vector.shape_cast %slice3A_32 : vector<256x1xf32> to vector<256x1xf32>
    %broadcast_in_dim3A_34 = vector.broadcast %broadcast_in_dim3A_33 : vector<256x1xf32> to vector<256x16xf32>
    %concatenate3A = tpu.concatenate %broadcast_in_dim3A_31, %broadcast_in_dim3A_34 in 1 : vector<256x16xf32>, vector<256x16xf32> -> vector<256x32xf32>
    %slice3A_35 = vector.extract_strided_slice %add3A_28 {offsets = [0, 0], sizes = [256, 1], strides = [1, 1]} : vector<256x2xf32> to vector<256x1xf32>
    %broadcast_in_dim3A_36 = vector.shape_cast %slice3A_35 : vector<256x1xf32> to vector<256x1xf32>
    %broadcast_in_dim3A_37 = vector.broadcast %broadcast_in_dim3A_36 : vector<256x1xf32> to vector<256x16xf32>
    %slice3A_38 = vector.extract_strided_slice %add3A_28 {offsets = [0, 1], sizes = [256, 1], strides = [1, 1]} : vector<256x2xf32> to vector<256x1xf32>
    %broadcast_in_dim3A_39 = vector.shape_cast %slice3A_38 : vector<256x1xf32> to vector<256x1xf32>
    %broadcast_in_dim3A_40 = vector.broadcast %broadcast_in_dim3A_39 : vector<256x1xf32> to vector<256x16xf32>
    %concatenate3A_41 = tpu.concatenate %broadcast_in_dim3A_37, %broadcast_in_dim3A_40 in 1 : vector<256x16xf32>, vector<256x16xf32> -> vector<256x32xf32>
    %mul3A_42 = arith.mulf %concatenate3A, %slice3A_14 : vector<256x32xf32>
    %add3A_43 = arith.addf %slice3A, %mul3A_42 : vector<256x32xf32>
    %div3A = arith.divf %add3A_43, %concatenate3A_41 : vector<256x32xf32>
    %add3A_44 = vector.broadcast %get3A_2 : vector<1x32xf32> to vector<256x32xf32>
    %add3A_45 = arith.addf %div3A, %add3A_44 : vector<256x32xf32>
    %get3A_46 = arith.constant 0 : index
    %get3A_47 = arith.constant 0 : index
    %get3A_48 = vector.load %arg5[%get3A_46, %get3A_47] : memref<32x48xf32, #tpu.memory_space<vmem>>, vector<32x48xf32>
    %dot_general3A = arith.constant dense<0.000000e+00> : vector<256x48xf32>
    %dot_general3A_49 = tpu.matmul %add3A_45, %get3A_48, %dot_general3A {dimension_numbers = #tpu.dot_dimension_numbers<[1], [0], [0], [1], [0, 0, 1, 1], [], []>, transpose_lhs_hint = false} : vector<256x32xf32>, vector<32x48xf32>, vector<256x48xf32> -> vector<256x48xf32>
    %get3A_50 = arith.constant 0 : index
    %get3A_51 = arith.constant 0 : index
    %get3A_52 = vector.load %arg7[%get3A_50, %get3A_51] : memref<1x48xf32, #tpu.memory_space<vmem>>, vector<1x48xf32>
    %add3A_53 = vector.broadcast %get3A_52 : vector<1x48xf32> to vector<256x48xf32>
    %add3A_54 = arith.addf %dot_general3A_49, %add3A_53 : vector<256x48xf32>
    %get3A_55 = arith.constant 0 : index
    %get3A_56 = arith.constant 0 : index
    %get3A_57 = vector.load %arg6[%get3A_55, %get3A_56] : memref<16x48xf32, #tpu.memory_space<vmem>>, vector<16x48xf32>
    %dot_general3A_58 = arith.constant dense<0.000000e+00> : vector<256x48xf32>
    %dot_general3A_59 = tpu.matmul %broadcast_in_dim3A_0, %get3A_57, %dot_general3A_58 {dimension_numbers = #tpu.dot_dimension_numbers<[1], [0], [0], [1], [0, 0, 1, 1], [], []>, transpose_lhs_hint = false} : vector<256x16xf32>, vector<16x48xf32>, vector<256x48xf32> -> vector<256x48xf32>
    %get3A_60 = arith.constant 0 : index
    %get3A_61 = arith.constant 0 : index
    %get3A_62 = vector.load %arg8[%get3A_60, %get3A_61] : memref<1x48xf32, #tpu.memory_space<vmem>>, vector<1x48xf32>
    %add3A_63 = vector.broadcast %get3A_62 : vector<1x48xf32> to vector<256x48xf32>
    %add3A_64 = arith.addf %dot_general3A_59, %add3A_63 : vector<256x48xf32>
    %slice3A_65 = vector.extract_strided_slice %add3A_54 {offsets = [0, 0], sizes = [256, 16], strides = [1, 1]} : vector<256x48xf32> to vector<256x16xf32>
    %slice3A_66 = vector.extract_strided_slice %add3A_64 {offsets = [0, 0], sizes = [256, 16], strides = [1, 1]} : vector<256x48xf32> to vector<256x16xf32>
    %add3A_67 = arith.addf %slice3A_65, %slice3A_66 : vector<256x16xf32>
    %logistic3A = arith.negf %add3A_67 : vector<256x16xf32>
    %logistic3A_68 = math.exp %logistic3A : vector<256x16xf32>
    %logistic3A_69 = arith.constant 1.000000e+00 : f32
    %logistic3A_70 = vector.broadcast %logistic3A_69 : f32 to vector<256x16xf32>
    %logistic3A_71 = arith.addf %logistic3A_70, %logistic3A_68 : vector<256x16xf32>
    %logistic3A_72 = arith.divf %logistic3A_70, %logistic3A_71 : vector<256x16xf32>
    %slice3A_73 = vector.extract_strided_slice %add3A_54 {offsets = [0, 16], sizes = [256, 16], strides = [1, 1]} : vector<256x48xf32> to vector<256x16xf32>
    %slice3A_74 = vector.extract_strided_slice %add3A_64 {offsets = [0, 16], sizes = [256, 16], strides = [1, 1]} : vector<256x48xf32> to vector<256x16xf32>
    %add3A_75 = arith.addf %slice3A_73, %slice3A_74 : vector<256x16xf32>
    %logistic3A_76 = arith.negf %add3A_75 : vector<256x16xf32>
    %logistic3A_77 = math.exp %logistic3A_76 : vector<256x16xf32>
    %logistic3A_78 = arith.constant 1.000000e+00 : f32
    %logistic3A_79 = vector.broadcast %logistic3A_78 : f32 to vector<256x16xf32>
    %logistic3A_80 = arith.addf %logistic3A_79, %logistic3A_77 : vector<256x16xf32>
    %logistic3A_81 = arith.divf %logistic3A_79, %logistic3A_80 : vector<256x16xf32>
    %slice3A_82 = vector.extract_strided_slice %add3A_54 {offsets = [0, 32], sizes = [256, 16], strides = [1, 1]} : vector<256x48xf32> to vector<256x16xf32>
    %slice3A_83 = vector.extract_strided_slice %add3A_64 {offsets = [0, 32], sizes = [256, 16], strides = [1, 1]} : vector<256x48xf32> to vector<256x16xf32>
    %mul3A_84 = arith.mulf %logistic3A_72, %slice3A_83 : vector<256x16xf32>
    %add3A_85 = arith.addf %slice3A_82, %mul3A_84 : vector<256x16xf32>
    %tanh3A = math.tanh %add3A_85 : vector<256x16xf32>
    %sub3A = arith.constant 1.000000e+00 : f32
    %sub3A_86 = vector.broadcast %sub3A : f32 to vector<256x16xf32>
    %sub3A_87 = arith.subf %sub3A_86, %logistic3A_81 : vector<256x16xf32>
    %mul3A_88 = arith.mulf %sub3A_87, %tanh3A : vector<256x16xf32>
    %mul3A_89 = arith.mulf %logistic3A_81, %broadcast_in_dim3A_0 : vector<256x16xf32>
    %add3A_90 = arith.addf %mul3A_88, %mul3A_89 : vector<256x16xf32>
    %get3A_91 = arith.constant 1 : index
    %get3A_92 = arith.constant 0 : index
    %get3A_93 = arith.constant 0 : index
    %get3A_94 = vector.load %arg1[%get3A_91, %get3A_92, %get3A_93] : memref<12x256x34xf32, #tpu.memory_space<vmem>>, vector<1x256x34xf32>
    %get3A_95 = vector.shape_cast %get3A_94 : vector<1x256x34xf32> to vector<256x34xf32>
    %get3A_96 = arith.constant 1 : index
    %get3A_97 = arith.constant 0 : index
    %get3A_98 = arith.constant 0 : index
    %get3A_99 = vector.load %arg2[%get3A_96, %get3A_97, %get3A_98] : memref<12x256x34xf32, #tpu.memory_space<vmem>>, vector<1x256x34xf32>
    %get3A_100 = vector.shape_cast %get3A_99 : vector<1x256x34xf32> to vector<256x34xf32>
    %slice3A_101 = vector.extract_strided_slice %get3A_95 {offsets = [0, 0], sizes = [256, 32], strides = [1, 1]} : vector<256x34xf32> to vector<256x32xf32>
    %slice3A_102 = vector.extract_strided_slice %get3A_95 {offsets = [0, 32], sizes = [256, 2], strides = [1, 1]} : vector<256x34xf32> to vector<256x2xf32>
    %slice3A_103 = vector.extract_strided_slice %get3A_100 {offsets = [0, 0], sizes = [256, 32], strides = [1, 1]} : vector<256x34xf32> to vector<256x32xf32>
    %slice3A_104 = vector.extract_strided_slice %get3A_100 {offsets = [0, 32], sizes = [256, 2], strides = [1, 1]} : vector<256x34xf32> to vector<256x2xf32>
    %get3A_105 = arith.constant 1 : index
    %get3A_106 = arith.constant 0 : index
    %get3A_107 = arith.constant 0 : index
    %get3A_108 = vector.load %arg3[%get3A_105, %get3A_106, %get3A_107] : memref<12x256x2xf32, #tpu.memory_space<vmem>>, vector<1x256x2xf32>
    %get3A_109 = vector.shape_cast %get3A_108 : vector<1x256x2xf32> to vector<256x2xf32>
    %add3A_110 = arith.addf %slice3A_104, %get3A_109 : vector<256x2xf32>
    %ge3A_111 = arith.constant 0.000000e+00 : f32
    %ge3A_112 = vector.broadcast %ge3A_111 : f32 to vector<256x2xf32>
    %ge3A_113 = arith.cmpf oge, %add3A_110, %ge3A_112 : vector<256x2xf32>
    %mul3A_114 = arith.constant 2.000000e-01 : f32
    %mul3A_115 = vector.broadcast %mul3A_114 : f32 to vector<256x2xf32>
    %mul3A_116 = arith.mulf %mul3A_115, %add3A_110 : vector<256x2xf32>
    %select_n3A_117 = arith.select %ge3A_113, %add3A_110, %mul3A_116 : vector<256x2xi1>, vector<256x2xf32>
    %exp3A_118 = math.exp %select_n3A_117 : vector<256x2xf32>
    %add3A_119 = arith.addf %slice3A_102, %exp3A_118 : vector<256x2xf32>
    %add3A_120 = arith.constant 1.000000e-16 : f32
    %add3A_121 = vector.broadcast %add3A_120 : f32 to vector<256x2xf32>
    %add3A_122 = arith.addf %add3A_119, %add3A_121 : vector<256x2xf32>
    %slice3A_123 = vector.extract_strided_slice %exp3A_118 {offsets = [0, 0], sizes = [256, 1], strides = [1, 1]} : vector<256x2xf32> to vector<256x1xf32>
    %broadcast_in_dim3A_124 = vector.shape_cast %slice3A_123 : vector<256x1xf32> to vector<256x1xf32>
    %broadcast_in_dim3A_125 = vector.broadcast %broadcast_in_dim3A_124 : vector<256x1xf32> to vector<256x16xf32>
    %slice3A_126 = vector.extract_strided_slice %exp3A_118 {offsets = [0, 1], sizes = [256, 1], strides = [1, 1]} : vector<256x2xf32> to vector<256x1xf32>
    %broadcast_in_dim3A_127 = vector.shape_cast %slice3A_126 : vector<256x1xf32> to vector<256x1xf32>
    %broadcast_in_dim3A_128 = vector.broadcast %broadcast_in_dim3A_127 : vector<256x1xf32> to vector<256x16xf32>
    %concatenate3A_129 = tpu.concatenate %broadcast_in_dim3A_125, %broadcast_in_dim3A_128 in 1 : vector<256x16xf32>, vector<256x16xf32> -> vector<256x32xf32>
    %slice3A_130 = vector.extract_strided_slice %add3A_122 {offsets = [0, 0], sizes = [256, 1], strides = [1, 1]} : vector<256x2xf32> to vector<256x1xf32>
    %broadcast_in_dim3A_131 = vector.shape_cast %slice3A_130 : vector<256x1xf32> to vector<256x1xf32>
    %broadcast_in_dim3A_132 = vector.broadcast %broadcast_in_dim3A_131 : vector<256x1xf32> to vector<256x16xf32>
    %slice3A_133 = vector.extract_strided_slice %add3A_122 {offsets = [0, 1], sizes = [256, 1], strides = [1, 1]} : vector<256x2xf32> to vector<256x1xf32>
    %broadcast_in_dim3A_134 = vector.shape_cast %slice3A_133 : vector<256x1xf32> to vector<256x1xf32>
    %broadcast_in_dim3A_135 = vector.broadcast %broadcast_in_dim3A_134 : vector<256x1xf32> to vector<256x16xf32>
    %concatenate3A_136 = tpu.concatenate %broadcast_in_dim3A_132, %broadcast_in_dim3A_135 in 1 : vector<256x16xf32>, vector<256x16xf32> -> vector<256x32xf32>
    %mul3A_137 = arith.mulf %concatenate3A_129, %slice3A_103 : vector<256x32xf32>
    %add3A_138 = arith.addf %slice3A_101, %mul3A_137 : vector<256x32xf32>
    %div3A_139 = arith.divf %add3A_138, %concatenate3A_136 : vector<256x32xf32>
    %add3A_140 = vector.broadcast %get3A_2 : vector<1x32xf32> to vector<256x32xf32>
    %add3A_141 = arith.addf %div3A_139, %add3A_140 : vector<256x32xf32>
    %get3A_142 = arith.constant 0 : index
    %get3A_143 = arith.constant 0 : index
    %get3A_144 = vector.load %arg5[%get3A_142, %get3A_143] : memref<32x48xf32, #tpu.memory_space<vmem>>, vector<32x48xf32>
    %dot_general3A_145 = arith.constant dense<0.000000e+00> : vector<256x48xf32>
    %dot_general3A_146 = tpu.matmul %add3A_141, %get3A_144, %dot_general3A_145 {dimension_numbers = #tpu.dot_dimension_numbers<[1], [0], [0], [1], [0, 0, 1, 1], [], []>, transpose_lhs_hint = false} : vector<256x32xf32>, vector<32x48xf32>, vector<256x48xf32> -> vector<256x48xf32>
    %get3A_147 = arith.constant 0 : index
    %get3A_148 = arith.constant 0 : index
    %get3A_149 = vector.load %arg7[%get3A_147, %get3A_148] : memref<1x48xf32, #tpu.memory_space<vmem>>, vector<1x48xf32>
    %add3A_150 = vector.broadcast %get3A_149 : vector<1x48xf32> to vector<256x48xf32>
    %add3A_151 = arith.addf %dot_general3A_146, %add3A_150 : vector<256x48xf32>
    %get3A_152 = arith.constant 0 : index
    %get3A_153 = arith.constant 0 : index
    %get3A_154 = vector.load %arg6[%get3A_152, %get3A_153] : memref<16x48xf32, #tpu.memory_space<vmem>>, vector<16x48xf32>
    %dot_general3A_155 = arith.constant dense<0.000000e+00> : vector<256x48xf32>
    %dot_general3A_156 = tpu.matmul %add3A_90, %get3A_154, %dot_general3A_155 {dimension_numbers = #tpu.dot_dimension_numbers<[1], [0], [0], [1], [0, 0, 1, 1], [], []>, transpose_lhs_hint = false} : vector<256x16xf32>, vector<16x48xf32>, vector<256x48xf32> -> vector<256x48xf32>
    %get3A_157 = arith.constant 0 : index
    %get3A_158 = arith.constant 0 : index
    %get3A_159 = vector.load %arg8[%get3A_157, %get3A_158] : memref<1x48xf32, #tpu.memory_space<vmem>>, vector<1x48xf32>
    %add3A_160 = vector.broadcast %get3A_159 : vector<1x48xf32> to vector<256x48xf32>
    %add3A_161 = arith.addf %dot_general3A_156, %add3A_160 : vector<256x48xf32>
    %slice3A_162 = vector.extract_strided_slice %add3A_151 {offsets = [0, 0], sizes = [256, 16], strides = [1, 1]} : vector<256x48xf32> to vector<256x16xf32>
    %slice3A_163 = vector.extract_strided_slice %add3A_161 {offsets = [0, 0], sizes = [256, 16], strides = [1, 1]} : vector<256x48xf32> to vector<256x16xf32>
    %add3A_164 = arith.addf %slice3A_162, %slice3A_163 : vector<256x16xf32>
    %logistic3A_165 = arith.negf %add3A_164 : vector<256x16xf32>
    %logistic3A_166 = math.exp %logistic3A_165 : vector<256x16xf32>
    %logistic3A_167 = arith.constant 1.000000e+00 : f32
    %logistic3A_168 = vector.broadcast %logistic3A_167 : f32 to vector<256x16xf32>
    %logistic3A_169 = arith.addf %logistic3A_168, %logistic3A_166 : vector<256x16xf32>
    %logistic3A_170 = arith.divf %logistic3A_168, %logistic3A_169 : vector<256x16xf32>
    %slice3A_171 = vector.extract_strided_slice %add3A_151 {offsets = [0, 16], sizes = [256, 16], strides = [1, 1]} : vector<256x48xf32> to vector<256x16xf32>
    %slice3A_172 = vector.extract_strided_slice %add3A_161 {offsets = [0, 16], sizes = [256, 16], strides = [1, 1]} : vector<256x48xf32> to vector<256x16xf32>
    %add3A_173 = arith.addf %slice3A_171, %slice3A_172 : vector<256x16xf32>
    %logistic3A_174 = arith.negf %add3A_173 : vector<256x16xf32>
    %logistic3A_175 = math.exp %logistic3A_174 : vector<256x16xf32>
    %logistic3A_176 = arith.constant 1.000000e+00 : f32
    %logistic3A_177 = vector.broadcast %logistic3A_176 : f32 to vector<256x16xf32>
    %logistic3A_178 = arith.addf %logistic3A_177, %logistic3A_175 : vector<256x16xf32>
    %logistic3A_179 = arith.divf %logistic3A_177, %logistic3A_178 : vector<256x16xf32>
    %slice3A_180 = vector.extract_strided_slice %add3A_151 {offsets = [0, 32], sizes = [256, 16], strides = [1, 1]} : vector<256x48xf32> to vector<256x16xf32>
    %slice3A_181 = vector.extract_strided_slice %add3A_161 {offsets = [0, 32], sizes = [256, 16], strides = [1, 1]} : vector<256x48xf32> to vector<256x16xf32>
    %mul3A_182 = arith.mulf %logistic3A_170, %slice3A_181 : vector<256x16xf32>
    %add3A_183 = arith.addf %slice3A_180, %mul3A_182 : vector<256x16xf32>
    %tanh3A_184 = math.tanh %add3A_183 : vector<256x16xf32>
    %sub3A_185 = arith.constant 1.000000e+00 : f32
    %sub3A_186 = vector.broadcast %sub3A_185 : f32 to vector<256x16xf32>
    %sub3A_187 = arith.subf %sub3A_186, %logistic3A_179 : vector<256x16xf32>
    %mul3A_188 = arith.mulf %sub3A_187, %tanh3A_184 : vector<256x16xf32>
    %mul3A_189 = arith.mulf %logistic3A_179, %add3A_90 : vector<256x16xf32>
    %add3A_190 = arith.addf %mul3A_188, %mul3A_189 : vector<256x16xf32>
    %get3A_191 = arith.constant 2 : index
    %get3A_192 = arith.constant 0 : index
    %get3A_193 = arith.constant 0 : index
    %get3A_194 = vector.load %arg1[%get3A_191, %get3A_192, %get3A_193] : memref<12x256x34xf32, #tpu.memory_space<vmem>>, vector<1x256x34xf32>
    %get3A_195 = vector.shape_cast %get3A_194 : vector<1x256x34xf32> to vector<256x34xf32>
    %get3A_196 = arith.constant 2 : index
    %get3A_197 = arith.constant 0 : index
    %get3A_198 = arith.constant 0 : index
    %get3A_199 = vector.load %arg2[%get3A_196, %get3A_197, %get3A_198] : memref<12x256x34xf32, #tpu.memory_space<vmem>>, vector<1x256x34xf32>
    %get3A_200 = vector.shape_cast %get3A_199 : vector<1x256x34xf32> to vector<256x34xf32>
    %slice3A_201 = vector.extract_strided_slice %get3A_195 {offsets = [0, 0], sizes = [256, 32], strides = [1, 1]} : vector<256x34xf32> to vector<256x32xf32>
    %slice3A_202 = vector.extract_strided_slice %get3A_195 {offsets = [0, 32], sizes = [256, 2], strides = [1, 1]} : vector<256x34xf32> to vector<256x2xf32>
    %slice3A_203 = vector.extract_strided_slice %get3A_200 {offsets = [0, 0], sizes = [256, 32], strides = [1, 1]} : vector<256x34xf32> to vector<256x32xf32>
    %slice3A_204 = vector.extract_strided_slice %get3A_200 {offsets = [0, 32], sizes = [256, 2], strides = [1, 1]} : vector<256x34xf32> to vector<256x2xf32>
    %get3A_205 = arith.constant 2 : index
    %get3A_206 = arith.constant 0 : index
    %get3A_207 = arith.constant 0 : index
    %get3A_208 = vector.load %arg3[%get3A_205, %get3A_206, %get3A_207] : memref<12x256x2xf32, #tpu.memory_space<vmem>>, vector<1x256x2xf32>
    %get3A_209 = vector.shape_cast %get3A_208 : vector<1x256x2xf32> to vector<256x2xf32>
    %add3A_210 = arith.addf %slice3A_204, %get3A_209 : vector<256x2xf32>
    %ge3A_211 = arith.constant 0.000000e+00 : f32
    %ge3A_212 = vector.broadcast %ge3A_211 : f32 to vector<256x2xf32>
    %ge3A_213 = arith.cmpf oge, %add3A_210, %ge3A_212 : vector<256x2xf32>
    %mul3A_214 = arith.constant 2.000000e-01 : f32
    %mul3A_215 = vector.broadcast %mul3A_214 : f32 to vector<256x2xf32>
    %mul3A_216 = arith.mulf %mul3A_215, %add3A_210 : vector<256x2xf32>
    %select_n3A_217 = arith.select %ge3A_213, %add3A_210, %mul3A_216 : vector<256x2xi1>, vector<256x2xf32>
    %exp3A_218 = math.exp %select_n3A_217 : vector<256x2xf32>
    %add3A_219 = arith.addf %slice3A_202, %exp3A_218 : vector<256x2xf32>
    %add3A_220 = arith.constant 1.000000e-16 : f32
    %add3A_221 = vector.broadcast %add3A_220 : f32 to vector<256x2xf32>
    %add3A_222 = arith.addf %add3A_219, %add3A_221 : vector<256x2xf32>
    %slice3A_223 = vector.extract_strided_slice %exp3A_218 {offsets = [0, 0], sizes = [256, 1], strides = [1, 1]} : vector<256x2xf32> to vector<256x1xf32>
    %broadcast_in_dim3A_224 = vector.shape_cast %slice3A_223 : vector<256x1xf32> to vector<256x1xf32>
    %broadcast_in_dim3A_225 = vector.broadcast %broadcast_in_dim3A_224 : vector<256x1xf32> to vector<256x16xf32>
    %slice3A_226 = vector.extract_strided_slice %exp3A_218 {offsets = [0, 1], sizes = [256, 1], strides = [1, 1]} : vector<256x2xf32> to vector<256x1xf32>
    %broadcast_in_dim3A_227 = vector.shape_cast %slice3A_226 : vector<256x1xf32> to vector<256x1xf32>
    %broadcast_in_dim3A_228 = vector.broadcast %broadcast_in_dim3A_227 : vector<256x1xf32> to vector<256x16xf32>
    %concatenate3A_229 = tpu.concatenate %broadcast_in_dim3A_225, %broadcast_in_dim3A_228 in 1 : vector<256x16xf32>, vector<256x16xf32> -> vector<256x32xf32>
    %slice3A_230 = vector.extract_strided_slice %add3A_222 {offsets = [0, 0], sizes = [256, 1], strides = [1, 1]} : vector<256x2xf32> to vector<256x1xf32>
    %broadcast_in_dim3A_231 = vector.shape_cast %slice3A_230 : vector<256x1xf32> to vector<256x1xf32>
    %broadcast_in_dim3A_232 = vector.broadcast %broadcast_in_dim3A_231 : vector<256x1xf32> to vector<256x16xf32>
    %slice3A_233 = vector.extract_strided_slice %add3A_222 {offsets = [0, 1], sizes = [256, 1], strides = [1, 1]} : vector<256x2xf32> to vector<256x1xf32>
    %broadcast_in_dim3A_234 = vector.shape_cast %slice3A_233 : vector<256x1xf32> to vector<256x1xf32>
    %broadcast_in_dim3A_235 = vector.broadcast %broadcast_in_dim3A_234 : vector<256x1xf32> to vector<256x16xf32>
    %concatenate3A_236 = tpu.concatenate %broadcast_in_dim3A_232, %broadcast_in_dim3A_235 in 1 : vector<256x16xf32>, vector<256x16xf32> -> vector<256x32xf32>
    %mul3A_237 = arith.mulf %concatenate3A_229, %slice3A_203 : vector<256x32xf32>
    %add3A_238 = arith.addf %slice3A_201, %mul3A_237 : vector<256x32xf32>
    %div3A_239 = arith.divf %add3A_238, %concatenate3A_236 : vector<256x32xf32>
    %add3A_240 = vector.broadcast %get3A_2 : vector<1x32xf32> to vector<256x32xf32>
    %add3A_241 = arith.addf %div3A_239, %add3A_240 : vector<256x32xf32>
    %get3A_242 = arith.constant 0 : index
    %get3A_243 = arith.constant 0 : index
    %get3A_244 = vector.load %arg5[%get3A_242, %get3A_243] : memref<32x48xf32, #tpu.memory_space<vmem>>, vector<32x48xf32>
    %dot_general3A_245 = arith.constant dense<0.000000e+00> : vector<256x48xf32>
    %dot_general3A_246 = tpu.matmul %add3A_241, %get3A_244, %dot_general3A_245 {dimension_numbers = #tpu.dot_dimension_numbers<[1], [0], [0], [1], [0, 0, 1, 1], [], []>, transpose_lhs_hint = false} : vector<256x32xf32>, vector<32x48xf32>, vector<256x48xf32> -> vector<256x48xf32>
    %get3A_247 = arith.constant 0 : index
    %get3A_248 = arith.constant 0 : index
    %get3A_249 = vector.load %arg7[%get3A_247, %get3A_248] : memref<1x48xf32, #tpu.memory_space<vmem>>, vector<1x48xf32>
    %add3A_250 = vector.broadcast %get3A_249 : vector<1x48xf32> to vector<256x48xf32>
    %add3A_251 = arith.addf %dot_general3A_246, %add3A_250 : vector<256x48xf32>
    %get3A_252 = arith.constant 0 : index
    %get3A_253 = arith.constant 0 : index
    %get3A_254 = vector.load %arg6[%get3A_252, %get3A_253] : memref<16x48xf32, #tpu.memory_space<vmem>>, vector<16x48xf32>
    %dot_general3A_255 = arith.constant dense<0.000000e+00> : vector<256x48xf32>
    %dot_general3A_256 = tpu.matmul %add3A_190, %get3A_254, %dot_general3A_255 {dimension_numbers = #tpu.dot_dimension_numbers<[1], [0], [0], [1], [0, 0, 1, 1], [], []>, transpose_lhs_hint = false} : vector<256x16xf32>, vector<16x48xf32>, vector<256x48xf32> -> vector<256x48xf32>
    %get3A_257 = arith.constant 0 : index
    %get3A_258 = arith.constant 0 : index
    %get3A_259 = vector.load %arg8[%get3A_257, %get3A_258] : memref<1x48xf32, #tpu.memory_space<vmem>>, vector<1x48xf32>
    %add3A_260 = vector.broadcast %get3A_259 : vector<1x48xf32> to vector<256x48xf32>
    %add3A_261 = arith.addf %dot_general3A_256, %add3A_260 : vector<256x48xf32>
    %slice3A_262 = vector.extract_strided_slice %add3A_251 {offsets = [0, 0], sizes = [256, 16], strides = [1, 1]} : vector<256x48xf32> to vector<256x16xf32>
    %slice3A_263 = vector.extract_strided_slice %add3A_261 {offsets = [0, 0], sizes = [256, 16], strides = [1, 1]} : vector<256x48xf32> to vector<256x16xf32>
    %add3A_264 = arith.addf %slice3A_262, %slice3A_263 : vector<256x16xf32>
    %logistic3A_265 = arith.negf %add3A_264 : vector<256x16xf32>
    %logistic3A_266 = math.exp %logistic3A_265 : vector<256x16xf32>
    %logistic3A_267 = arith.constant 1.000000e+00 : f32
    %logistic3A_268 = vector.broadcast %logistic3A_267 : f32 to vector<256x16xf32>
    %logistic3A_269 = arith.addf %logistic3A_268, %logistic3A_266 : vector<256x16xf32>
    %logistic3A_270 = arith.divf %logistic3A_268, %logistic3A_269 : vector<256x16xf32>
    %slice3A_271 = vector.extract_strided_slice %add3A_251 {offsets = [0, 16], sizes = [256, 16], strides = [1, 1]} : vector<256x48xf32> to vector<256x16xf32>
    %slice3A_272 = vector.extract_strided_slice %add3A_261 {offsets = [0, 16], sizes = [256, 16], strides = [1, 1]} : vector<256x48xf32> to vector<256x16xf32>
    %add3A_273 = arith.addf %slice3A_271, %slice3A_272 : vector<256x16xf32>
    %logistic3A_274 = arith.negf %add3A_273 : vector<256x16xf32>
    %logistic3A_275 = math.exp %logistic3A_274 : vector<256x16xf32>
    %logistic3A_276 = arith.constant 1.000000e+00 : f32
    %logistic3A_277 = vector.broadcast %logistic3A_276 : f32 to vector<256x16xf32>
    %logistic3A_278 = arith.addf %logistic3A_277, %logistic3A_275 : vector<256x16xf32>
    %logistic3A_279 = arith.divf %logistic3A_277, %logistic3A_278 : vector<256x16xf32>
    %slice3A_280 = vector.extract_strided_slice %add3A_251 {offsets = [0, 32], sizes = [256, 16], strides = [1, 1]} : vector<256x48xf32> to vector<256x16xf32>
    %slice3A_281 = vector.extract_strided_slice %add3A_261 {offsets = [0, 32], sizes = [256, 16], strides = [1, 1]} : vector<256x48xf32> to vector<256x16xf32>
    %mul3A_282 = arith.mulf %logistic3A_270, %slice3A_281 : vector<256x16xf32>
    %add3A_283 = arith.addf %slice3A_280, %mul3A_282 : vector<256x16xf32>
    %tanh3A_284 = math.tanh %add3A_283 : vector<256x16xf32>
    %sub3A_285 = arith.constant 1.000000e+00 : f32
    %sub3A_286 = vector.broadcast %sub3A_285 : f32 to vector<256x16xf32>
    %sub3A_287 = arith.subf %sub3A_286, %logistic3A_279 : vector<256x16xf32>
    %mul3A_288 = arith.mulf %sub3A_287, %tanh3A_284 : vector<256x16xf32>
    %mul3A_289 = arith.mulf %logistic3A_279, %add3A_190 : vector<256x16xf32>
    %add3A_290 = arith.addf %mul3A_288, %mul3A_289 : vector<256x16xf32>
    %get3A_291 = arith.constant 3 : index
    %get3A_292 = arith.constant 0 : index
    %get3A_293 = arith.constant 0 : index
    %get3A_294 = vector.load %arg1[%get3A_291, %get3A_292, %get3A_293] : memref<12x256x34xf32, #tpu.memory_space<vmem>>, vector<1x256x34xf32>
    %get3A_295 = vector.shape_cast %get3A_294 : vector<1x256x34xf32> to vector<256x34xf32>
    %get3A_296 = arith.constant 3 : index
    %get3A_297 = arith.constant 0 : index
    %get3A_298 = arith.constant 0 : index
    %get3A_299 = vector.load %arg2[%get3A_296, %get3A_297, %get3A_298] : memref<12x256x34xf32, #tpu.memory_space<vmem>>, vector<1x256x34xf32>
    %get3A_300 = vector.shape_cast %get3A_299 : vector<1x256x34xf32> to vector<256x34xf32>
    %slice3A_301 = vector.extract_strided_slice %get3A_295 {offsets = [0, 0], sizes = [256, 32], strides = [1, 1]} : vector<256x34xf32> to vector<256x32xf32>
    %slice3A_302 = vector.extract_strided_slice %get3A_295 {offsets = [0, 32], sizes = [256, 2], strides = [1, 1]} : vector<256x34xf32> to vector<256x2xf32>
    %slice3A_303 = vector.extract_strided_slice %get3A_300 {offsets = [0, 0], sizes = [256, 32], strides = [1, 1]} : vector<256x34xf32> to vector<256x32xf32>
    %slice3A_304 = vector.extract_strided_slice %get3A_300 {offsets = [0, 32], sizes = [256, 2], strides = [1, 1]} : vector<256x34xf32> to vector<256x2xf32>
    %get3A_305 = arith.constant 3 : index
    %get3A_306 = arith.constant 0 : index
    %get3A_307 = arith.constant 0 : index
    %get3A_308 = vector.load %arg3[%get3A_305, %get3A_306, %get3A_307] : memref<12x256x2xf32, #tpu.memory_space<vmem>>, vector<1x256x2xf32>
    %get3A_309 = vector.shape_cast %get3A_308 : vector<1x256x2xf32> to vector<256x2xf32>
    %add3A_310 = arith.addf %slice3A_304, %get3A_309 : vector<256x2xf32>
    %ge3A_311 = arith.constant 0.000000e+00 : f32
    %ge3A_312 = vector.broadcast %ge3A_311 : f32 to vector<256x2xf32>
    %ge3A_313 = arith.cmpf oge, %add3A_310, %ge3A_312 : vector<256x2xf32>
    %mul3A_314 = arith.constant 2.000000e-01 : f32
    %mul3A_315 = vector.broadcast %mul3A_314 : f32 to vector<256x2xf32>
    %mul3A_316 = arith.mulf %mul3A_315, %add3A_310 : vector<256x2xf32>
    %select_n3A_317 = arith.select %ge3A_313, %add3A_310, %mul3A_316 : vector<256x2xi1>, vector<256x2xf32>
    %exp3A_318 = math.exp %select_n3A_317 : vector<256x2xf32>
    %add3A_319 = arith.addf %slice3A_302, %exp3A_318 : vector<256x2xf32>
    %add3A_320 = arith.constant 1.000000e-16 : f32
    %add3A_321 = vector.broadcast %add3A_320 : f32 to vector<256x2xf32>
    %add3A_322 = arith.addf %add3A_319, %add3A_321 : vector<256x2xf32>
    %slice3A_323 = vector.extract_strided_slice %exp3A_318 {offsets = [0, 0], sizes = [256, 1], strides = [1, 1]} : vector<256x2xf32> to vector<256x1xf32>
    %broadcast_in_dim3A_324 = vector.shape_cast %slice3A_323 : vector<256x1xf32> to vector<256x1xf32>
    %broadcast_in_dim3A_325 = vector.broadcast %broadcast_in_dim3A_324 : vector<256x1xf32> to vector<256x16xf32>
    %slice3A_326 = vector.extract_strided_slice %exp3A_318 {offsets = [0, 1], sizes = [256, 1], strides = [1, 1]} : vector<256x2xf32> to vector<256x1xf32>
    %broadcast_in_dim3A_327 = vector.shape_cast %slice3A_326 : vector<256x1xf32> to vector<256x1xf32>
    %broadcast_in_dim3A_328 = vector.broadcast %broadcast_in_dim3A_327 : vector<256x1xf32> to vector<256x16xf32>
    %concatenate3A_329 = tpu.concatenate %broadcast_in_dim3A_325, %broadcast_in_dim3A_328 in 1 : vector<256x16xf32>, vector<256x16xf32> -> vector<256x32xf32>
    %slice3A_330 = vector.extract_strided_slice %add3A_322 {offsets = [0, 0], sizes = [256, 1], strides = [1, 1]} : vector<256x2xf32> to vector<256x1xf32>
    %broadcast_in_dim3A_331 = vector.shape_cast %slice3A_330 : vector<256x1xf32> to vector<256x1xf32>
    %broadcast_in_dim3A_332 = vector.broadcast %broadcast_in_dim3A_331 : vector<256x1xf32> to vector<256x16xf32>
    %slice3A_333 = vector.extract_strided_slice %add3A_322 {offsets = [0, 1], sizes = [256, 1], strides = [1, 1]} : vector<256x2xf32> to vector<256x1xf32>
    %broadcast_in_dim3A_334 = vector.shape_cast %slice3A_333 : vector<256x1xf32> to vector<256x1xf32>
    %broadcast_in_dim3A_335 = vector.broadcast %broadcast_in_dim3A_334 : vector<256x1xf32> to vector<256x16xf32>
    %concatenate3A_336 = tpu.concatenate %broadcast_in_dim3A_332, %broadcast_in_dim3A_335 in 1 : vector<256x16xf32>, vector<256x16xf32> -> vector<256x32xf32>
    %mul3A_337 = arith.mulf %concatenate3A_329, %slice3A_303 : vector<256x32xf32>
    %add3A_338 = arith.addf %slice3A_301, %mul3A_337 : vector<256x32xf32>
    %div3A_339 = arith.divf %add3A_338, %concatenate3A_336 : vector<256x32xf32>
    %add3A_340 = vector.broadcast %get3A_2 : vector<1x32xf32> to vector<256x32xf32>
    %add3A_341 = arith.addf %div3A_339, %add3A_340 : vector<256x32xf32>
    %get3A_342 = arith.constant 0 : index
    %get3A_343 = arith.constant 0 : index
    %get3A_344 = vector.load %arg5[%get3A_342, %get3A_343] : memref<32x48xf32, #tpu.memory_space<vmem>>, vector<32x48xf32>
    %dot_general3A_345 = arith.constant dense<0.000000e+00> : vector<256x48xf32>
    %dot_general3A_346 = tpu.matmul %add3A_341, %get3A_344, %dot_general3A_345 {dimension_numbers = #tpu.dot_dimension_numbers<[1], [0], [0], [1], [0, 0, 1, 1], [], []>, transpose_lhs_hint = false} : vector<256x32xf32>, vector<32x48xf32>, vector<256x48xf32> -> vector<256x48xf32>
    %get3A_347 = arith.constant 0 : index
    %get3A_348 = arith.constant 0 : index
    %get3A_349 = vector.load %arg7[%get3A_347, %get3A_348] : memref<1x48xf32, #tpu.memory_space<vmem>>, vector<1x48xf32>
    %add3A_350 = vector.broadcast %get3A_349 : vector<1x48xf32> to vector<256x48xf32>
    %add3A_351 = arith.addf %dot_general3A_346, %add3A_350 : vector<256x48xf32>
    %get3A_352 = arith.constant 0 : index
    %get3A_353 = arith.constant 0 : index
    %get3A_354 = vector.load %arg6[%get3A_352, %get3A_353] : memref<16x48xf32, #tpu.memory_space<vmem>>, vector<16x48xf32>
    %dot_general3A_355 = arith.constant dense<0.000000e+00> : vector<256x48xf32>
    %dot_general3A_356 = tpu.matmul %add3A_290, %get3A_354, %dot_general3A_355 {dimension_numbers = #tpu.dot_dimension_numbers<[1], [0], [0], [1], [0, 0, 1, 1], [], []>, transpose_lhs_hint = false} : vector<256x16xf32>, vector<16x48xf32>, vector<256x48xf32> -> vector<256x48xf32>
    %get3A_357 = arith.constant 0 : index
    %get3A_358 = arith.constant 0 : index
    %get3A_359 = vector.load %arg8[%get3A_357, %get3A_358] : memref<1x48xf32, #tpu.memory_space<vmem>>, vector<1x48xf32>
    %add3A_360 = vector.broadcast %get3A_359 : vector<1x48xf32> to vector<256x48xf32>
    %add3A_361 = arith.addf %dot_general3A_356, %add3A_360 : vector<256x48xf32>
    %slice3A_362 = vector.extract_strided_slice %add3A_351 {offsets = [0, 0], sizes = [256, 16], strides = [1, 1]} : vector<256x48xf32> to vector<256x16xf32>
    %slice3A_363 = vector.extract_strided_slice %add3A_361 {offsets = [0, 0], sizes = [256, 16], strides = [1, 1]} : vector<256x48xf32> to vector<256x16xf32>
    %add3A_364 = arith.addf %slice3A_362, %slice3A_363 : vector<256x16xf32>
    %logistic3A_365 = arith.negf %add3A_364 : vector<256x16xf32>
    %logistic3A_366 = math.exp %logistic3A_365 : vector<256x16xf32>
    %logistic3A_367 = arith.constant 1.000000e+00 : f32
    %logistic3A_368 = vector.broadcast %logistic3A_367 : f32 to vector<256x16xf32>
    %logistic3A_369 = arith.addf %logistic3A_368, %logistic3A_366 : vector<256x16xf32>
    %logistic3A_370 = arith.divf %logistic3A_368, %logistic3A_369 : vector<256x16xf32>
    %slice3A_371 = vector.extract_strided_slice %add3A_351 {offsets = [0, 16], sizes = [256, 16], strides = [1, 1]} : vector<256x48xf32> to vector<256x16xf32>
    %slice3A_372 = vector.extract_strided_slice %add3A_361 {offsets = [0, 16], sizes = [256, 16], strides = [1, 1]} : vector<256x48xf32> to vector<256x16xf32>
    %add3A_373 = arith.addf %slice3A_371, %slice3A_372 : vector<256x16xf32>
    %logistic3A_374 = arith.negf %add3A_373 : vector<256x16xf32>
    %logistic3A_375 = math.exp %logistic3A_374 : vector<256x16xf32>
    %logistic3A_376 = arith.constant 1.000000e+00 : f32
    %logistic3A_377 = vector.broadcast %logistic3A_376 : f32 to vector<256x16xf32>
    %logistic3A_378 = arith.addf %logistic3A_377, %logistic3A_375 : vector<256x16xf32>
    %logistic3A_379 = arith.divf %logistic3A_377, %logistic3A_378 : vector<256x16xf32>
    %slice3A_380 = vector.extract_strided_slice %add3A_351 {offsets = [0, 32], sizes = [256, 16], strides = [1, 1]} : vector<256x48xf32> to vector<256x16xf32>
    %slice3A_381 = vector.extract_strided_slice %add3A_361 {offsets = [0, 32], sizes = [256, 16], strides = [1, 1]} : vector<256x48xf32> to vector<256x16xf32>
    %mul3A_382 = arith.mulf %logistic3A_370, %slice3A_381 : vector<256x16xf32>
    %add3A_383 = arith.addf %slice3A_380, %mul3A_382 : vector<256x16xf32>
    %tanh3A_384 = math.tanh %add3A_383 : vector<256x16xf32>
    %sub3A_385 = arith.constant 1.000000e+00 : f32
    %sub3A_386 = vector.broadcast %sub3A_385 : f32 to vector<256x16xf32>
    %sub3A_387 = arith.subf %sub3A_386, %logistic3A_379 : vector<256x16xf32>
    %mul3A_388 = arith.mulf %sub3A_387, %tanh3A_384 : vector<256x16xf32>
    %mul3A_389 = arith.mulf %logistic3A_379, %add3A_290 : vector<256x16xf32>
    %add3A_390 = arith.addf %mul3A_388, %mul3A_389 : vector<256x16xf32>
    %get3A_391 = arith.constant 4 : index
    %get3A_392 = arith.constant 0 : index
    %get3A_393 = arith.constant 0 : index
    %get3A_394 = vector.load %arg1[%get3A_391, %get3A_392, %get3A_393] : memref<12x256x34xf32, #tpu.memory_space<vmem>>, vector<1x256x34xf32>
    %get3A_395 = vector.shape_cast %get3A_394 : vector<1x256x34xf32> to vector<256x34xf32>
    %get3A_396 = arith.constant 4 : index
    %get3A_397 = arith.constant 0 : index
    %get3A_398 = arith.constant 0 : index
    %get3A_399 = vector.load %arg2[%get3A_396, %get3A_397, %get3A_398] : memref<12x256x34xf32, #tpu.memory_space<vmem>>, vector<1x256x34xf32>
    %get3A_400 = vector.shape_cast %get3A_399 : vector<1x256x34xf32> to vector<256x34xf32>
    %slice3A_401 = vector.extract_strided_slice %get3A_395 {offsets = [0, 0], sizes = [256, 32], strides = [1, 1]} : vector<256x34xf32> to vector<256x32xf32>
    %slice3A_402 = vector.extract_strided_slice %get3A_395 {offsets = [0, 32], sizes = [256, 2], strides = [1, 1]} : vector<256x34xf32> to vector<256x2xf32>
    %slice3A_403 = vector.extract_strided_slice %get3A_400 {offsets = [0, 0], sizes = [256, 32], strides = [1, 1]} : vector<256x34xf32> to vector<256x32xf32>
    %slice3A_404 = vector.extract_strided_slice %get3A_400 {offsets = [0, 32], sizes = [256, 2], strides = [1, 1]} : vector<256x34xf32> to vector<256x2xf32>
    %get3A_405 = arith.constant 4 : index
    %get3A_406 = arith.constant 0 : index
    %get3A_407 = arith.constant 0 : index
    %get3A_408 = vector.load %arg3[%get3A_405, %get3A_406, %get3A_407] : memref<12x256x2xf32, #tpu.memory_space<vmem>>, vector<1x256x2xf32>
    %get3A_409 = vector.shape_cast %get3A_408 : vector<1x256x2xf32> to vector<256x2xf32>
    %add3A_410 = arith.addf %slice3A_404, %get3A_409 : vector<256x2xf32>
    %ge3A_411 = arith.constant 0.000000e+00 : f32
    %ge3A_412 = vector.broadcast %ge3A_411 : f32 to vector<256x2xf32>
    %ge3A_413 = arith.cmpf oge, %add3A_410, %ge3A_412 : vector<256x2xf32>
    %mul3A_414 = arith.constant 2.000000e-01 : f32
    %mul3A_415 = vector.broadcast %mul3A_414 : f32 to vector<256x2xf32>
    %mul3A_416 = arith.mulf %mul3A_415, %add3A_410 : vector<256x2xf32>
    %select_n3A_417 = arith.select %ge3A_413, %add3A_410, %mul3A_416 : vector<256x2xi1>, vector<256x2xf32>
    %exp3A_418 = math.exp %select_n3A_417 : vector<256x2xf32>
    %add3A_419 = arith.addf %slice3A_402, %exp3A_418 : vector<256x2xf32>
    %add3A_420 = arith.constant 1.000000e-16 : f32
    %add3A_421 = vector.broadcast %add3A_420 : f32 to vector<256x2xf32>
    %add3A_422 = arith.addf %add3A_419, %add3A_421 : vector<256x2xf32>
    %slice3A_423 = vector.extract_strided_slice %exp3A_418 {offsets = [0, 0], sizes = [256, 1], strides = [1, 1]} : vector<256x2xf32> to vector<256x1xf32>
    %broadcast_in_dim3A_424 = vector.shape_cast %slice3A_423 : vector<256x1xf32> to vector<256x1xf32>
    %broadcast_in_dim3A_425 = vector.broadcast %broadcast_in_dim3A_424 : vector<256x1xf32> to vector<256x16xf32>
    %slice3A_426 = vector.extract_strided_slice %exp3A_418 {offsets = [0, 1], sizes = [256, 1], strides = [1, 1]} : vector<256x2xf32> to vector<256x1xf32>
    %broadcast_in_dim3A_427 = vector.shape_cast %slice3A_426 : vector<256x1xf32> to vector<256x1xf32>
    %broadcast_in_dim3A_428 = vector.broadcast %broadcast_in_dim3A_427 : vector<256x1xf32> to vector<256x16xf32>
    %concatenate3A_429 = tpu.concatenate %broadcast_in_dim3A_425, %broadcast_in_dim3A_428 in 1 : vector<256x16xf32>, vector<256x16xf32> -> vector<256x32xf32>
    %slice3A_430 = vector.extract_strided_slice %add3A_422 {offsets = [0, 0], sizes = [256, 1], strides = [1, 1]} : vector<256x2xf32> to vector<256x1xf32>
    %broadcast_in_dim3A_431 = vector.shape_cast %slice3A_430 : vector<256x1xf32> to vector<256x1xf32>
    %broadcast_in_dim3A_432 = vector.broadcast %broadcast_in_dim3A_431 : vector<256x1xf32> to vector<256x16xf32>
    %slice3A_433 = vector.extract_strided_slice %add3A_422 {offsets = [0, 1], sizes = [256, 1], strides = [1, 1]} : vector<256x2xf32> to vector<256x1xf32>
    %broadcast_in_dim3A_434 = vector.shape_cast %slice3A_433 : vector<256x1xf32> to vector<256x1xf32>
    %broadcast_in_dim3A_435 = vector.broadcast %broadcast_in_dim3A_434 : vector<256x1xf32> to vector<256x16xf32>
    %concatenate3A_436 = tpu.concatenate %broadcast_in_dim3A_432, %broadcast_in_dim3A_435 in 1 : vector<256x16xf32>, vector<256x16xf32> -> vector<256x32xf32>
    %mul3A_437 = arith.mulf %concatenate3A_429, %slice3A_403 : vector<256x32xf32>
    %add3A_438 = arith.addf %slice3A_401, %mul3A_437 : vector<256x32xf32>
    %div3A_439 = arith.divf %add3A_438, %concatenate3A_436 : vector<256x32xf32>
    %add3A_440 = vector.broadcast %get3A_2 : vector<1x32xf32> to vector<256x32xf32>
    %add3A_441 = arith.addf %div3A_439, %add3A_440 : vector<256x32xf32>
    %get3A_442 = arith.constant 0 : index
    %get3A_443 = arith.constant 0 : index
    %get3A_444 = vector.load %arg5[%get3A_442, %get3A_443] : memref<32x48xf32, #tpu.memory_space<vmem>>, vector<32x48xf32>
    %dot_general3A_445 = arith.constant dense<0.000000e+00> : vector<256x48xf32>
    %dot_general3A_446 = tpu.matmul %add3A_441, %get3A_444, %dot_general3A_445 {dimension_numbers = #tpu.dot_dimension_numbers<[1], [0], [0], [1], [0, 0, 1, 1], [], []>, transpose_lhs_hint = false} : vector<256x32xf32>, vector<32x48xf32>, vector<256x48xf32> -> vector<256x48xf32>
    %get3A_447 = arith.constant 0 : index
    %get3A_448 = arith.constant 0 : index
    %get3A_449 = vector.load %arg7[%get3A_447, %get3A_448] : memref<1x48xf32, #tpu.memory_space<vmem>>, vector<1x48xf32>
    %add3A_450 = vector.broadcast %get3A_449 : vector<1x48xf32> to vector<256x48xf32>
    %add3A_451 = arith.addf %dot_general3A_446, %add3A_450 : vector<256x48xf32>
    %get3A_452 = arith.constant 0 : index
    %get3A_453 = arith.constant 0 : index
    %get3A_454 = vector.load %arg6[%get3A_452, %get3A_453] : memref<16x48xf32, #tpu.memory_space<vmem>>, vector<16x48xf32>
    %dot_general3A_455 = arith.constant dense<0.000000e+00> : vector<256x48xf32>
    %dot_general3A_456 = tpu.matmul %add3A_390, %get3A_454, %dot_general3A_455 {dimension_numbers = #tpu.dot_dimension_numbers<[1], [0], [0], [1], [0, 0, 1, 1], [], []>, transpose_lhs_hint = false} : vector<256x16xf32>, vector<16x48xf32>, vector<256x48xf32> -> vector<256x48xf32>
    %get3A_457 = arith.constant 0 : index
    %get3A_458 = arith.constant 0 : index
    %get3A_459 = vector.load %arg8[%get3A_457, %get3A_458] : memref<1x48xf32, #tpu.memory_space<vmem>>, vector<1x48xf32>
    %add3A_460 = vector.broadcast %get3A_459 : vector<1x48xf32> to vector<256x48xf32>
    %add3A_461 = arith.addf %dot_general3A_456, %add3A_460 : vector<256x48xf32>
    %slice3A_462 = vector.extract_strided_slice %add3A_451 {offsets = [0, 0], sizes = [256, 16], strides = [1, 1]} : vector<256x48xf32> to vector<256x16xf32>
    %slice3A_463 = vector.extract_strided_slice %add3A_461 {offsets = [0, 0], sizes = [256, 16], strides = [1, 1]} : vector<256x48xf32> to vector<256x16xf32>
    %add3A_464 = arith.addf %slice3A_462, %slice3A_463 : vector<256x16xf32>
    %logistic3A_465 = arith.negf %add3A_464 : vector<256x16xf32>
    %logistic3A_466 = math.exp %logistic3A_465 : vector<256x16xf32>
    %logistic3A_467 = arith.constant 1.000000e+00 : f32
    %logistic3A_468 = vector.broadcast %logistic3A_467 : f32 to vector<256x16xf32>
    %logistic3A_469 = arith.addf %logistic3A_468, %logistic3A_466 : vector<256x16xf32>
    %logistic3A_470 = arith.divf %logistic3A_468, %logistic3A_469 : vector<256x16xf32>
    %slice3A_471 = vector.extract_strided_slice %add3A_451 {offsets = [0, 16], sizes = [256, 16], strides = [1, 1]} : vector<256x48xf32> to vector<256x16xf32>
    %slice3A_472 = vector.extract_strided_slice %add3A_461 {offsets = [0, 16], sizes = [256, 16], strides = [1, 1]} : vector<256x48xf32> to vector<256x16xf32>
    %add3A_473 = arith.addf %slice3A_471, %slice3A_472 : vector<256x16xf32>
    %logistic3A_474 = arith.negf %add3A_473 : vector<256x16xf32>
    %logistic3A_475 = math.exp %logistic3A_474 : vector<256x16xf32>
    %logistic3A_476 = arith.constant 1.000000e+00 : f32
    %logistic3A_477 = vector.broadcast %logistic3A_476 : f32 to vector<256x16xf32>
    %logistic3A_478 = arith.addf %logistic3A_477, %logistic3A_475 : vector<256x16xf32>
    %logistic3A_479 = arith.divf %logistic3A_477, %logistic3A_478 : vector<256x16xf32>
    %slice3A_480 = vector.extract_strided_slice %add3A_451 {offsets = [0, 32], sizes = [256, 16], strides = [1, 1]} : vector<256x48xf32> to vector<256x16xf32>
    %slice3A_481 = vector.extract_strided_slice %add3A_461 {offsets = [0, 32], sizes = [256, 16], strides = [1, 1]} : vector<256x48xf32> to vector<256x16xf32>
    %mul3A_482 = arith.mulf %logistic3A_470, %slice3A_481 : vector<256x16xf32>
    %add3A_483 = arith.addf %slice3A_480, %mul3A_482 : vector<256x16xf32>
    %tanh3A_484 = math.tanh %add3A_483 : vector<256x16xf32>
    %sub3A_485 = arith.constant 1.000000e+00 : f32
    %sub3A_486 = vector.broadcast %sub3A_485 : f32 to vector<256x16xf32>
    %sub3A_487 = arith.subf %sub3A_486, %logistic3A_479 : vector<256x16xf32>
    %mul3A_488 = arith.mulf %sub3A_487, %tanh3A_484 : vector<256x16xf32>
    %mul3A_489 = arith.mulf %logistic3A_479, %add3A_390 : vector<256x16xf32>
    %add3A_490 = arith.addf %mul3A_488, %mul3A_489 : vector<256x16xf32>
    %get3A_491 = arith.constant 5 : index
    %get3A_492 = arith.constant 0 : index
    %get3A_493 = arith.constant 0 : index
    %get3A_494 = vector.load %arg1[%get3A_491, %get3A_492, %get3A_493] : memref<12x256x34xf32, #tpu.memory_space<vmem>>, vector<1x256x34xf32>
    %get3A_495 = vector.shape_cast %get3A_494 : vector<1x256x34xf32> to vector<256x34xf32>
    %get3A_496 = arith.constant 5 : index
    %get3A_497 = arith.constant 0 : index
    %get3A_498 = arith.constant 0 : index
    %get3A_499 = vector.load %arg2[%get3A_496, %get3A_497, %get3A_498] : memref<12x256x34xf32, #tpu.memory_space<vmem>>, vector<1x256x34xf32>
    %get3A_500 = vector.shape_cast %get3A_499 : vector<1x256x34xf32> to vector<256x34xf32>
    %slice3A_501 = vector.extract_strided_slice %get3A_495 {offsets = [0, 0], sizes = [256, 32], strides = [1, 1]} : vector<256x34xf32> to vector<256x32xf32>
    %slice3A_502 = vector.extract_strided_slice %get3A_495 {offsets = [0, 32], sizes = [256, 2], strides = [1, 1]} : vector<256x34xf32> to vector<256x2xf32>
    %slice3A_503 = vector.extract_strided_slice %get3A_500 {offsets = [0, 0], sizes = [256, 32], strides = [1, 1]} : vector<256x34xf32> to vector<256x32xf32>
    %slice3A_504 = vector.extract_strided_slice %get3A_500 {offsets = [0, 32], sizes = [256, 2], strides = [1, 1]} : vector<256x34xf32> to vector<256x2xf32>
    %get3A_505 = arith.constant 5 : index
    %get3A_506 = arith.constant 0 : index
    %get3A_507 = arith.constant 0 : index
    %get3A_508 = vector.load %arg3[%get3A_505, %get3A_506, %get3A_507] : memref<12x256x2xf32, #tpu.memory_space<vmem>>, vector<1x256x2xf32>
    %get3A_509 = vector.shape_cast %get3A_508 : vector<1x256x2xf32> to vector<256x2xf32>
    %add3A_510 = arith.addf %slice3A_504, %get3A_509 : vector<256x2xf32>
    %ge3A_511 = arith.constant 0.000000e+00 : f32
    %ge3A_512 = vector.broadcast %ge3A_511 : f32 to vector<256x2xf32>
    %ge3A_513 = arith.cmpf oge, %add3A_510, %ge3A_512 : vector<256x2xf32>
    %mul3A_514 = arith.constant 2.000000e-01 : f32
    %mul3A_515 = vector.broadcast %mul3A_514 : f32 to vector<256x2xf32>
    %mul3A_516 = arith.mulf %mul3A_515, %add3A_510 : vector<256x2xf32>
    %select_n3A_517 = arith.select %ge3A_513, %add3A_510, %mul3A_516 : vector<256x2xi1>, vector<256x2xf32>
    %exp3A_518 = math.exp %select_n3A_517 : vector<256x2xf32>
    %add3A_519 = arith.addf %slice3A_502, %exp3A_518 : vector<256x2xf32>
    %add3A_520 = arith.constant 1.000000e-16 : f32
    %add3A_521 = vector.broadcast %add3A_520 : f32 to vector<256x2xf32>
    %add3A_522 = arith.addf %add3A_519, %add3A_521 : vector<256x2xf32>
    %slice3A_523 = vector.extract_strided_slice %exp3A_518 {offsets = [0, 0], sizes = [256, 1], strides = [1, 1]} : vector<256x2xf32> to vector<256x1xf32>
    %broadcast_in_dim3A_524 = vector.shape_cast %slice3A_523 : vector<256x1xf32> to vector<256x1xf32>
    %broadcast_in_dim3A_525 = vector.broadcast %broadcast_in_dim3A_524 : vector<256x1xf32> to vector<256x16xf32>
    %slice3A_526 = vector.extract_strided_slice %exp3A_518 {offsets = [0, 1], sizes = [256, 1], strides = [1, 1]} : vector<256x2xf32> to vector<256x1xf32>
    %broadcast_in_dim3A_527 = vector.shape_cast %slice3A_526 : vector<256x1xf32> to vector<256x1xf32>
    %broadcast_in_dim3A_528 = vector.broadcast %broadcast_in_dim3A_527 : vector<256x1xf32> to vector<256x16xf32>
    %concatenate3A_529 = tpu.concatenate %broadcast_in_dim3A_525, %broadcast_in_dim3A_528 in 1 : vector<256x16xf32>, vector<256x16xf32> -> vector<256x32xf32>
    %slice3A_530 = vector.extract_strided_slice %add3A_522 {offsets = [0, 0], sizes = [256, 1], strides = [1, 1]} : vector<256x2xf32> to vector<256x1xf32>
    %broadcast_in_dim3A_531 = vector.shape_cast %slice3A_530 : vector<256x1xf32> to vector<256x1xf32>
    %broadcast_in_dim3A_532 = vector.broadcast %broadcast_in_dim3A_531 : vector<256x1xf32> to vector<256x16xf32>
    %slice3A_533 = vector.extract_strided_slice %add3A_522 {offsets = [0, 1], sizes = [256, 1], strides = [1, 1]} : vector<256x2xf32> to vector<256x1xf32>
    %broadcast_in_dim3A_534 = vector.shape_cast %slice3A_533 : vector<256x1xf32> to vector<256x1xf32>
    %broadcast_in_dim3A_535 = vector.broadcast %broadcast_in_dim3A_534 : vector<256x1xf32> to vector<256x16xf32>
    %concatenate3A_536 = tpu.concatenate %broadcast_in_dim3A_532, %broadcast_in_dim3A_535 in 1 : vector<256x16xf32>, vector<256x16xf32> -> vector<256x32xf32>
    %mul3A_537 = arith.mulf %concatenate3A_529, %slice3A_503 : vector<256x32xf32>
    %add3A_538 = arith.addf %slice3A_501, %mul3A_537 : vector<256x32xf32>
    %div3A_539 = arith.divf %add3A_538, %concatenate3A_536 : vector<256x32xf32>
    %add3A_540 = vector.broadcast %get3A_2 : vector<1x32xf32> to vector<256x32xf32>
    %add3A_541 = arith.addf %div3A_539, %add3A_540 : vector<256x32xf32>
    %get3A_542 = arith.constant 0 : index
    %get3A_543 = arith.constant 0 : index
    %get3A_544 = vector.load %arg5[%get3A_542, %get3A_543] : memref<32x48xf32, #tpu.memory_space<vmem>>, vector<32x48xf32>
    %dot_general3A_545 = arith.constant dense<0.000000e+00> : vector<256x48xf32>
    %dot_general3A_546 = tpu.matmul %add3A_541, %get3A_544, %dot_general3A_545 {dimension_numbers = #tpu.dot_dimension_numbers<[1], [0], [0], [1], [0, 0, 1, 1], [], []>, transpose_lhs_hint = false} : vector<256x32xf32>, vector<32x48xf32>, vector<256x48xf32> -> vector<256x48xf32>
    %get3A_547 = arith.constant 0 : index
    %get3A_548 = arith.constant 0 : index
    %get3A_549 = vector.load %arg7[%get3A_547, %get3A_548] : memref<1x48xf32, #tpu.memory_space<vmem>>, vector<1x48xf32>
    %add3A_550 = vector.broadcast %get3A_549 : vector<1x48xf32> to vector<256x48xf32>
    %add3A_551 = arith.addf %dot_general3A_546, %add3A_550 : vector<256x48xf32>
    %get3A_552 = arith.constant 0 : index
    %get3A_553 = arith.constant 0 : index
    %get3A_554 = vector.load %arg6[%get3A_552, %get3A_553] : memref<16x48xf32, #tpu.memory_space<vmem>>, vector<16x48xf32>
    %dot_general3A_555 = arith.constant dense<0.000000e+00> : vector<256x48xf32>
    %dot_general3A_556 = tpu.matmul %add3A_490, %get3A_554, %dot_general3A_555 {dimension_numbers = #tpu.dot_dimension_numbers<[1], [0], [0], [1], [0, 0, 1, 1], [], []>, transpose_lhs_hint = false} : vector<256x16xf32>, vector<16x48xf32>, vector<256x48xf32> -> vector<256x48xf32>
    %get3A_557 = arith.constant 0 : index
    %get3A_558 = arith.constant 0 : index
    %get3A_559 = vector.load %arg8[%get3A_557, %get3A_558] : memref<1x48xf32, #tpu.memory_space<vmem>>, vector<1x48xf32>
    %add3A_560 = vector.broadcast %get3A_559 : vector<1x48xf32> to vector<256x48xf32>
    %add3A_561 = arith.addf %dot_general3A_556, %add3A_560 : vector<256x48xf32>
    %slice3A_562 = vector.extract_strided_slice %add3A_551 {offsets = [0, 0], sizes = [256, 16], strides = [1, 1]} : vector<256x48xf32> to vector<256x16xf32>
    %slice3A_563 = vector.extract_strided_slice %add3A_561 {offsets = [0, 0], sizes = [256, 16], strides = [1, 1]} : vector<256x48xf32> to vector<256x16xf32>
    %add3A_564 = arith.addf %slice3A_562, %slice3A_563 : vector<256x16xf32>
    %logistic3A_565 = arith.negf %add3A_564 : vector<256x16xf32>
    %logistic3A_566 = math.exp %logistic3A_565 : vector<256x16xf32>
    %logistic3A_567 = arith.constant 1.000000e+00 : f32
    %logistic3A_568 = vector.broadcast %logistic3A_567 : f32 to vector<256x16xf32>
    %logistic3A_569 = arith.addf %logistic3A_568, %logistic3A_566 : vector<256x16xf32>
    %logistic3A_570 = arith.divf %logistic3A_568, %logistic3A_569 : vector<256x16xf32>
    %slice3A_571 = vector.extract_strided_slice %add3A_551 {offsets = [0, 16], sizes = [256, 16], strides = [1, 1]} : vector<256x48xf32> to vector<256x16xf32>
    %slice3A_572 = vector.extract_strided_slice %add3A_561 {offsets = [0, 16], sizes = [256, 16], strides = [1, 1]} : vector<256x48xf32> to vector<256x16xf32>
    %add3A_573 = arith.addf %slice3A_571, %slice3A_572 : vector<256x16xf32>
    %logistic3A_574 = arith.negf %add3A_573 : vector<256x16xf32>
    %logistic3A_575 = math.exp %logistic3A_574 : vector<256x16xf32>
    %logistic3A_576 = arith.constant 1.000000e+00 : f32
    %logistic3A_577 = vector.broadcast %logistic3A_576 : f32 to vector<256x16xf32>
    %logistic3A_578 = arith.addf %logistic3A_577, %logistic3A_575 : vector<256x16xf32>
    %logistic3A_579 = arith.divf %logistic3A_577, %logistic3A_578 : vector<256x16xf32>
    %slice3A_580 = vector.extract_strided_slice %add3A_551 {offsets = [0, 32], sizes = [256, 16], strides = [1, 1]} : vector<256x48xf32> to vector<256x16xf32>
    %slice3A_581 = vector.extract_strided_slice %add3A_561 {offsets = [0, 32], sizes = [256, 16], strides = [1, 1]} : vector<256x48xf32> to vector<256x16xf32>
    %mul3A_582 = arith.mulf %logistic3A_570, %slice3A_581 : vector<256x16xf32>
    %add3A_583 = arith.addf %slice3A_580, %mul3A_582 : vector<256x16xf32>
    %tanh3A_584 = math.tanh %add3A_583 : vector<256x16xf32>
    %sub3A_585 = arith.constant 1.000000e+00 : f32
    %sub3A_586 = vector.broadcast %sub3A_585 : f32 to vector<256x16xf32>
    %sub3A_587 = arith.subf %sub3A_586, %logistic3A_579 : vector<256x16xf32>
    %mul3A_588 = arith.mulf %sub3A_587, %tanh3A_584 : vector<256x16xf32>
    %mul3A_589 = arith.mulf %logistic3A_579, %add3A_490 : vector<256x16xf32>
    %add3A_590 = arith.addf %mul3A_588, %mul3A_589 : vector<256x16xf32>
    %get3A_591 = arith.constant 6 : index
    %get3A_592 = arith.constant 0 : index
    %get3A_593 = arith.constant 0 : index
    %get3A_594 = vector.load %arg1[%get3A_591, %get3A_592, %get3A_593] : memref<12x256x34xf32, #tpu.memory_space<vmem>>, vector<1x256x34xf32>
    %get3A_595 = vector.shape_cast %get3A_594 : vector<1x256x34xf32> to vector<256x34xf32>
    %get3A_596 = arith.constant 6 : index
    %get3A_597 = arith.constant 0 : index
    %get3A_598 = arith.constant 0 : index
    %get3A_599 = vector.load %arg2[%get3A_596, %get3A_597, %get3A_598] : memref<12x256x34xf32, #tpu.memory_space<vmem>>, vector<1x256x34xf32>
    %get3A_600 = vector.shape_cast %get3A_599 : vector<1x256x34xf32> to vector<256x34xf32>
    %slice3A_601 = vector.extract_strided_slice %get3A_595 {offsets = [0, 0], sizes = [256, 32], strides = [1, 1]} : vector<256x34xf32> to vector<256x32xf32>
    %slice3A_602 = vector.extract_strided_slice %get3A_595 {offsets = [0, 32], sizes = [256, 2], strides = [1, 1]} : vector<256x34xf32> to vector<256x2xf32>
    %slice3A_603 = vector.extract_strided_slice %get3A_600 {offsets = [0, 0], sizes = [256, 32], strides = [1, 1]} : vector<256x34xf32> to vector<256x32xf32>
    %slice3A_604 = vector.extract_strided_slice %get3A_600 {offsets = [0, 32], sizes = [256, 2], strides = [1, 1]} : vector<256x34xf32> to vector<256x2xf32>
    %get3A_605 = arith.constant 6 : index
    %get3A_606 = arith.constant 0 : index
    %get3A_607 = arith.constant 0 : index
    %get3A_608 = vector.load %arg3[%get3A_605, %get3A_606, %get3A_607] : memref<12x256x2xf32, #tpu.memory_space<vmem>>, vector<1x256x2xf32>
    %get3A_609 = vector.shape_cast %get3A_608 : vector<1x256x2xf32> to vector<256x2xf32>
    %add3A_610 = arith.addf %slice3A_604, %get3A_609 : vector<256x2xf32>
    %ge3A_611 = arith.constant 0.000000e+00 : f32
    %ge3A_612 = vector.broadcast %ge3A_611 : f32 to vector<256x2xf32>
    %ge3A_613 = arith.cmpf oge, %add3A_610, %ge3A_612 : vector<256x2xf32>
    %mul3A_614 = arith.constant 2.000000e-01 : f32
    %mul3A_615 = vector.broadcast %mul3A_614 : f32 to vector<256x2xf32>
    %mul3A_616 = arith.mulf %mul3A_615, %add3A_610 : vector<256x2xf32>
    %select_n3A_617 = arith.select %ge3A_613, %add3A_610, %mul3A_616 : vector<256x2xi1>, vector<256x2xf32>
    %exp3A_618 = math.exp %select_n3A_617 : vector<256x2xf32>
    %add3A_619 = arith.addf %slice3A_602, %exp3A_618 : vector<256x2xf32>
    %add3A_620 = arith.constant 1.000000e-16 : f32
    %add3A_621 = vector.broadcast %add3A_620 : f32 to vector<256x2xf32>
    %add3A_622 = arith.addf %add3A_619, %add3A_621 : vector<256x2xf32>
    %slice3A_623 = vector.extract_strided_slice %exp3A_618 {offsets = [0, 0], sizes = [256, 1], strides = [1, 1]} : vector<256x2xf32> to vector<256x1xf32>
    %broadcast_in_dim3A_624 = vector.shape_cast %slice3A_623 : vector<256x1xf32> to vector<256x1xf32>
    %broadcast_in_dim3A_625 = vector.broadcast %broadcast_in_dim3A_624 : vector<256x1xf32> to vector<256x16xf32>
    %slice3A_626 = vector.extract_strided_slice %exp3A_618 {offsets = [0, 1], sizes = [256, 1], strides = [1, 1]} : vector<256x2xf32> to vector<256x1xf32>
    %broadcast_in_dim3A_627 = vector.shape_cast %slice3A_626 : vector<256x1xf32> to vector<256x1xf32>
    %broadcast_in_dim3A_628 = vector.broadcast %broadcast_in_dim3A_627 : vector<256x1xf32> to vector<256x16xf32>
    %concatenate3A_629 = tpu.concatenate %broadcast_in_dim3A_625, %broadcast_in_dim3A_628 in 1 : vector<256x16xf32>, vector<256x16xf32> -> vector<256x32xf32>
    %slice3A_630 = vector.extract_strided_slice %add3A_622 {offsets = [0, 0], sizes = [256, 1], strides = [1, 1]} : vector<256x2xf32> to vector<256x1xf32>
    %broadcast_in_dim3A_631 = vector.shape_cast %slice3A_630 : vector<256x1xf32> to vector<256x1xf32>
    %broadcast_in_dim3A_632 = vector.broadcast %broadcast_in_dim3A_631 : vector<256x1xf32> to vector<256x16xf32>
    %slice3A_633 = vector.extract_strided_slice %add3A_622 {offsets = [0, 1], sizes = [256, 1], strides = [1, 1]} : vector<256x2xf32> to vector<256x1xf32>
    %broadcast_in_dim3A_634 = vector.shape_cast %slice3A_633 : vector<256x1xf32> to vector<256x1xf32>
    %broadcast_in_dim3A_635 = vector.broadcast %broadcast_in_dim3A_634 : vector<256x1xf32> to vector<256x16xf32>
    %concatenate3A_636 = tpu.concatenate %broadcast_in_dim3A_632, %broadcast_in_dim3A_635 in 1 : vector<256x16xf32>, vector<256x16xf32> -> vector<256x32xf32>
    %mul3A_637 = arith.mulf %concatenate3A_629, %slice3A_603 : vector<256x32xf32>
    %add3A_638 = arith.addf %slice3A_601, %mul3A_637 : vector<256x32xf32>
    %div3A_639 = arith.divf %add3A_638, %concatenate3A_636 : vector<256x32xf32>
    %add3A_640 = vector.broadcast %get3A_2 : vector<1x32xf32> to vector<256x32xf32>
    %add3A_641 = arith.addf %div3A_639, %add3A_640 : vector<256x32xf32>
    %get3A_642 = arith.constant 0 : index
    %get3A_643 = arith.constant 0 : index
    %get3A_644 = vector.load %arg5[%get3A_642, %get3A_643] : memref<32x48xf32, #tpu.memory_space<vmem>>, vector<32x48xf32>
    %dot_general3A_645 = arith.constant dense<0.000000e+00> : vector<256x48xf32>
    %dot_general3A_646 = tpu.matmul %add3A_641, %get3A_644, %dot_general3A_645 {dimension_numbers = #tpu.dot_dimension_numbers<[1], [0], [0], [1], [0, 0, 1, 1], [], []>, transpose_lhs_hint = false} : vector<256x32xf32>, vector<32x48xf32>, vector<256x48xf32> -> vector<256x48xf32>
    %get3A_647 = arith.constant 0 : index
    %get3A_648 = arith.constant 0 : index
    %get3A_649 = vector.load %arg7[%get3A_647, %get3A_648] : memref<1x48xf32, #tpu.memory_space<vmem>>, vector<1x48xf32>
    %add3A_650 = vector.broadcast %get3A_649 : vector<1x48xf32> to vector<256x48xf32>
    %add3A_651 = arith.addf %dot_general3A_646, %add3A_650 : vector<256x48xf32>
    %get3A_652 = arith.constant 0 : index
    %get3A_653 = arith.constant 0 : index
    %get3A_654 = vector.load %arg6[%get3A_652, %get3A_653] : memref<16x48xf32, #tpu.memory_space<vmem>>, vector<16x48xf32>
    %dot_general3A_655 = arith.constant dense<0.000000e+00> : vector<256x48xf32>
    %dot_general3A_656 = tpu.matmul %add3A_590, %get3A_654, %dot_general3A_655 {dimension_numbers = #tpu.dot_dimension_numbers<[1], [0], [0], [1], [0, 0, 1, 1], [], []>, transpose_lhs_hint = false} : vector<256x16xf32>, vector<16x48xf32>, vector<256x48xf32> -> vector<256x48xf32>
    %get3A_657 = arith.constant 0 : index
    %get3A_658 = arith.constant 0 : index
    %get3A_659 = vector.load %arg8[%get3A_657, %get3A_658] : memref<1x48xf32, #tpu.memory_space<vmem>>, vector<1x48xf32>
    %add3A_660 = vector.broadcast %get3A_659 : vector<1x48xf32> to vector<256x48xf32>
    %add3A_661 = arith.addf %dot_general3A_656, %add3A_660 : vector<256x48xf32>
    %slice3A_662 = vector.extract_strided_slice %add3A_651 {offsets = [0, 0], sizes = [256, 16], strides = [1, 1]} : vector<256x48xf32> to vector<256x16xf32>
    %slice3A_663 = vector.extract_strided_slice %add3A_661 {offsets = [0, 0], sizes = [256, 16], strides = [1, 1]} : vector<256x48xf32> to vector<256x16xf32>
    %add3A_664 = arith.addf %slice3A_662, %slice3A_663 : vector<256x16xf32>
    %logistic3A_665 = arith.negf %add3A_664 : vector<256x16xf32>
    %logistic3A_666 = math.exp %logistic3A_665 : vector<256x16xf32>
    %logistic3A_667 = arith.constant 1.000000e+00 : f32
    %logistic3A_668 = vector.broadcast %logistic3A_667 : f32 to vector<256x16xf32>
    %logistic3A_669 = arith.addf %logistic3A_668, %logistic3A_666 : vector<256x16xf32>
    %logistic3A_670 = arith.divf %logistic3A_668, %logistic3A_669 : vector<256x16xf32>
    %slice3A_671 = vector.extract_strided_slice %add3A_651 {offsets = [0, 16], sizes = [256, 16], strides = [1, 1]} : vector<256x48xf32> to vector<256x16xf32>
    %slice3A_672 = vector.extract_strided_slice %add3A_661 {offsets = [0, 16], sizes = [256, 16], strides = [1, 1]} : vector<256x48xf32> to vector<256x16xf32>
    %add3A_673 = arith.addf %slice3A_671, %slice3A_672 : vector<256x16xf32>
    %logistic3A_674 = arith.negf %add3A_673 : vector<256x16xf32>
    %logistic3A_675 = math.exp %logistic3A_674 : vector<256x16xf32>
    %logistic3A_676 = arith.constant 1.000000e+00 : f32
    %logistic3A_677 = vector.broadcast %logistic3A_676 : f32 to vector<256x16xf32>
    %logistic3A_678 = arith.addf %logistic3A_677, %logistic3A_675 : vector<256x16xf32>
    %logistic3A_679 = arith.divf %logistic3A_677, %logistic3A_678 : vector<256x16xf32>
    %slice3A_680 = vector.extract_strided_slice %add3A_651 {offsets = [0, 32], sizes = [256, 16], strides = [1, 1]} : vector<256x48xf32> to vector<256x16xf32>
    %slice3A_681 = vector.extract_strided_slice %add3A_661 {offsets = [0, 32], sizes = [256, 16], strides = [1, 1]} : vector<256x48xf32> to vector<256x16xf32>
    %mul3A_682 = arith.mulf %logistic3A_670, %slice3A_681 : vector<256x16xf32>
    %add3A_683 = arith.addf %slice3A_680, %mul3A_682 : vector<256x16xf32>
    %tanh3A_684 = math.tanh %add3A_683 : vector<256x16xf32>
    %sub3A_685 = arith.constant 1.000000e+00 : f32
    %sub3A_686 = vector.broadcast %sub3A_685 : f32 to vector<256x16xf32>
    %sub3A_687 = arith.subf %sub3A_686, %logistic3A_679 : vector<256x16xf32>
    %mul3A_688 = arith.mulf %sub3A_687, %tanh3A_684 : vector<256x16xf32>
    %mul3A_689 = arith.mulf %logistic3A_679, %add3A_590 : vector<256x16xf32>
    %add3A_690 = arith.addf %mul3A_688, %mul3A_689 : vector<256x16xf32>
    %get3A_691 = arith.constant 7 : index
    %get3A_692 = arith.constant 0 : index
    %get3A_693 = arith.constant 0 : index
    %get3A_694 = vector.load %arg1[%get3A_691, %get3A_692, %get3A_693] : memref<12x256x34xf32, #tpu.memory_space<vmem>>, vector<1x256x34xf32>
    %get3A_695 = vector.shape_cast %get3A_694 : vector<1x256x34xf32> to vector<256x34xf32>
    %get3A_696 = arith.constant 7 : index
    %get3A_697 = arith.constant 0 : index
    %get3A_698 = arith.constant 0 : index
    %get3A_699 = vector.load %arg2[%get3A_696, %get3A_697, %get3A_698] : memref<12x256x34xf32, #tpu.memory_space<vmem>>, vector<1x256x34xf32>
    %get3A_700 = vector.shape_cast %get3A_699 : vector<1x256x34xf32> to vector<256x34xf32>
    %slice3A_701 = vector.extract_strided_slice %get3A_695 {offsets = [0, 0], sizes = [256, 32], strides = [1, 1]} : vector<256x34xf32> to vector<256x32xf32>
    %slice3A_702 = vector.extract_strided_slice %get3A_695 {offsets = [0, 32], sizes = [256, 2], strides = [1, 1]} : vector<256x34xf32> to vector<256x2xf32>
    %slice3A_703 = vector.extract_strided_slice %get3A_700 {offsets = [0, 0], sizes = [256, 32], strides = [1, 1]} : vector<256x34xf32> to vector<256x32xf32>
    %slice3A_704 = vector.extract_strided_slice %get3A_700 {offsets = [0, 32], sizes = [256, 2], strides = [1, 1]} : vector<256x34xf32> to vector<256x2xf32>
    %get3A_705 = arith.constant 7 : index
    %get3A_706 = arith.constant 0 : index
    %get3A_707 = arith.constant 0 : index
    %get3A_708 = vector.load %arg3[%get3A_705, %get3A_706, %get3A_707] : memref<12x256x2xf32, #tpu.memory_space<vmem>>, vector<1x256x2xf32>
    %get3A_709 = vector.shape_cast %get3A_708 : vector<1x256x2xf32> to vector<256x2xf32>
    %add3A_710 = arith.addf %slice3A_704, %get3A_709 : vector<256x2xf32>
    %ge3A_711 = arith.constant 0.000000e+00 : f32
    %ge3A_712 = vector.broadcast %ge3A_711 : f32 to vector<256x2xf32>
    %ge3A_713 = arith.cmpf oge, %add3A_710, %ge3A_712 : vector<256x2xf32>
    %mul3A_714 = arith.constant 2.000000e-01 : f32
    %mul3A_715 = vector.broadcast %mul3A_714 : f32 to vector<256x2xf32>
    %mul3A_716 = arith.mulf %mul3A_715, %add3A_710 : vector<256x2xf32>
    %select_n3A_717 = arith.select %ge3A_713, %add3A_710, %mul3A_716 : vector<256x2xi1>, vector<256x2xf32>
    %exp3A_718 = math.exp %select_n3A_717 : vector<256x2xf32>
    %add3A_719 = arith.addf %slice3A_702, %exp3A_718 : vector<256x2xf32>
    %add3A_720 = arith.constant 1.000000e-16 : f32
    %add3A_721 = vector.broadcast %add3A_720 : f32 to vector<256x2xf32>
    %add3A_722 = arith.addf %add3A_719, %add3A_721 : vector<256x2xf32>
    %slice3A_723 = vector.extract_strided_slice %exp3A_718 {offsets = [0, 0], sizes = [256, 1], strides = [1, 1]} : vector<256x2xf32> to vector<256x1xf32>
    %broadcast_in_dim3A_724 = vector.shape_cast %slice3A_723 : vector<256x1xf32> to vector<256x1xf32>
    %broadcast_in_dim3A_725 = vector.broadcast %broadcast_in_dim3A_724 : vector<256x1xf32> to vector<256x16xf32>
    %slice3A_726 = vector.extract_strided_slice %exp3A_718 {offsets = [0, 1], sizes = [256, 1], strides = [1, 1]} : vector<256x2xf32> to vector<256x1xf32>
    %broadcast_in_dim3A_727 = vector.shape_cast %slice3A_726 : vector<256x1xf32> to vector<256x1xf32>
    %broadcast_in_dim3A_728 = vector.broadcast %broadcast_in_dim3A_727 : vector<256x1xf32> to vector<256x16xf32>
    %concatenate3A_729 = tpu.concatenate %broadcast_in_dim3A_725, %broadcast_in_dim3A_728 in 1 : vector<256x16xf32>, vector<256x16xf32> -> vector<256x32xf32>
    %slice3A_730 = vector.extract_strided_slice %add3A_722 {offsets = [0, 0], sizes = [256, 1], strides = [1, 1]} : vector<256x2xf32> to vector<256x1xf32>
    %broadcast_in_dim3A_731 = vector.shape_cast %slice3A_730 : vector<256x1xf32> to vector<256x1xf32>
    %broadcast_in_dim3A_732 = vector.broadcast %broadcast_in_dim3A_731 : vector<256x1xf32> to vector<256x16xf32>
    %slice3A_733 = vector.extract_strided_slice %add3A_722 {offsets = [0, 1], sizes = [256, 1], strides = [1, 1]} : vector<256x2xf32> to vector<256x1xf32>
    %broadcast_in_dim3A_734 = vector.shape_cast %slice3A_733 : vector<256x1xf32> to vector<256x1xf32>
    %broadcast_in_dim3A_735 = vector.broadcast %broadcast_in_dim3A_734 : vector<256x1xf32> to vector<256x16xf32>
    %concatenate3A_736 = tpu.concatenate %broadcast_in_dim3A_732, %broadcast_in_dim3A_735 in 1 : vector<256x16xf32>, vector<256x16xf32> -> vector<256x32xf32>
    %mul3A_737 = arith.mulf %concatenate3A_729, %slice3A_703 : vector<256x32xf32>
    %add3A_738 = arith.addf %slice3A_701, %mul3A_737 : vector<256x32xf32>
    %div3A_739 = arith.divf %add3A_738, %concatenate3A_736 : vector<256x32xf32>
    %add3A_740 = vector.broadcast %get3A_2 : vector<1x32xf32> to vector<256x32xf32>
    %add3A_741 = arith.addf %div3A_739, %add3A_740 : vector<256x32xf32>
    %get3A_742 = arith.constant 0 : index
    %get3A_743 = arith.constant 0 : index
    %get3A_744 = vector.load %arg5[%get3A_742, %get3A_743] : memref<32x48xf32, #tpu.memory_space<vmem>>, vector<32x48xf32>
    %dot_general3A_745 = arith.constant dense<0.000000e+00> : vector<256x48xf32>
    %dot_general3A_746 = tpu.matmul %add3A_741, %get3A_744, %dot_general3A_745 {dimension_numbers = #tpu.dot_dimension_numbers<[1], [0], [0], [1], [0, 0, 1, 1], [], []>, transpose_lhs_hint = false} : vector<256x32xf32>, vector<32x48xf32>, vector<256x48xf32> -> vector<256x48xf32>
    %get3A_747 = arith.constant 0 : index
    %get3A_748 = arith.constant 0 : index
    %get3A_749 = vector.load %arg7[%get3A_747, %get3A_748] : memref<1x48xf32, #tpu.memory_space<vmem>>, vector<1x48xf32>
    %add3A_750 = vector.broadcast %get3A_749 : vector<1x48xf32> to vector<256x48xf32>
    %add3A_751 = arith.addf %dot_general3A_746, %add3A_750 : vector<256x48xf32>
    %get3A_752 = arith.constant 0 : index
    %get3A_753 = arith.constant 0 : index
    %get3A_754 = vector.load %arg6[%get3A_752, %get3A_753] : memref<16x48xf32, #tpu.memory_space<vmem>>, vector<16x48xf32>
    %dot_general3A_755 = arith.constant dense<0.000000e+00> : vector<256x48xf32>
    %dot_general3A_756 = tpu.matmul %add3A_690, %get3A_754, %dot_general3A_755 {dimension_numbers = #tpu.dot_dimension_numbers<[1], [0], [0], [1], [0, 0, 1, 1], [], []>, transpose_lhs_hint = false} : vector<256x16xf32>, vector<16x48xf32>, vector<256x48xf32> -> vector<256x48xf32>
    %get3A_757 = arith.constant 0 : index
    %get3A_758 = arith.constant 0 : index
    %get3A_759 = vector.load %arg8[%get3A_757, %get3A_758] : memref<1x48xf32, #tpu.memory_space<vmem>>, vector<1x48xf32>
    %add3A_760 = vector.broadcast %get3A_759 : vector<1x48xf32> to vector<256x48xf32>
    %add3A_761 = arith.addf %dot_general3A_756, %add3A_760 : vector<256x48xf32>
    %slice3A_762 = vector.extract_strided_slice %add3A_751 {offsets = [0, 0], sizes = [256, 16], strides = [1, 1]} : vector<256x48xf32> to vector<256x16xf32>
    %slice3A_763 = vector.extract_strided_slice %add3A_761 {offsets = [0, 0], sizes = [256, 16], strides = [1, 1]} : vector<256x48xf32> to vector<256x16xf32>
    %add3A_764 = arith.addf %slice3A_762, %slice3A_763 : vector<256x16xf32>
    %logistic3A_765 = arith.negf %add3A_764 : vector<256x16xf32>
    %logistic3A_766 = math.exp %logistic3A_765 : vector<256x16xf32>
    %logistic3A_767 = arith.constant 1.000000e+00 : f32
    %logistic3A_768 = vector.broadcast %logistic3A_767 : f32 to vector<256x16xf32>
    %logistic3A_769 = arith.addf %logistic3A_768, %logistic3A_766 : vector<256x16xf32>
    %logistic3A_770 = arith.divf %logistic3A_768, %logistic3A_769 : vector<256x16xf32>
    %slice3A_771 = vector.extract_strided_slice %add3A_751 {offsets = [0, 16], sizes = [256, 16], strides = [1, 1]} : vector<256x48xf32> to vector<256x16xf32>
    %slice3A_772 = vector.extract_strided_slice %add3A_761 {offsets = [0, 16], sizes = [256, 16], strides = [1, 1]} : vector<256x48xf32> to vector<256x16xf32>
    %add3A_773 = arith.addf %slice3A_771, %slice3A_772 : vector<256x16xf32>
    %logistic3A_774 = arith.negf %add3A_773 : vector<256x16xf32>
    %logistic3A_775 = math.exp %logistic3A_774 : vector<256x16xf32>
    %logistic3A_776 = arith.constant 1.000000e+00 : f32
    %logistic3A_777 = vector.broadcast %logistic3A_776 : f32 to vector<256x16xf32>
    %logistic3A_778 = arith.addf %logistic3A_777, %logistic3A_775 : vector<256x16xf32>
    %logistic3A_779 = arith.divf %logistic3A_777, %logistic3A_778 : vector<256x16xf32>
    %slice3A_780 = vector.extract_strided_slice %add3A_751 {offsets = [0, 32], sizes = [256, 16], strides = [1, 1]} : vector<256x48xf32> to vector<256x16xf32>
    %slice3A_781 = vector.extract_strided_slice %add3A_761 {offsets = [0, 32], sizes = [256, 16], strides = [1, 1]} : vector<256x48xf32> to vector<256x16xf32>
    %mul3A_782 = arith.mulf %logistic3A_770, %slice3A_781 : vector<256x16xf32>
    %add3A_783 = arith.addf %slice3A_780, %mul3A_782 : vector<256x16xf32>
    %tanh3A_784 = math.tanh %add3A_783 : vector<256x16xf32>
    %sub3A_785 = arith.constant 1.000000e+00 : f32
    %sub3A_786 = vector.broadcast %sub3A_785 : f32 to vector<256x16xf32>
    %sub3A_787 = arith.subf %sub3A_786, %logistic3A_779 : vector<256x16xf32>
    %mul3A_788 = arith.mulf %sub3A_787, %tanh3A_784 : vector<256x16xf32>
    %mul3A_789 = arith.mulf %logistic3A_779, %add3A_690 : vector<256x16xf32>
    %add3A_790 = arith.addf %mul3A_788, %mul3A_789 : vector<256x16xf32>
    %get3A_791 = arith.constant 8 : index
    %get3A_792 = arith.constant 0 : index
    %get3A_793 = arith.constant 0 : index
    %get3A_794 = vector.load %arg1[%get3A_791, %get3A_792, %get3A_793] : memref<12x256x34xf32, #tpu.memory_space<vmem>>, vector<1x256x34xf32>
    %get3A_795 = vector.shape_cast %get3A_794 : vector<1x256x34xf32> to vector<256x34xf32>
    %get3A_796 = arith.constant 8 : index
    %get3A_797 = arith.constant 0 : index
    %get3A_798 = arith.constant 0 : index
    %get3A_799 = vector.load %arg2[%get3A_796, %get3A_797, %get3A_798] : memref<12x256x34xf32, #tpu.memory_space<vmem>>, vector<1x256x34xf32>
    %get3A_800 = vector.shape_cast %get3A_799 : vector<1x256x34xf32> to vector<256x34xf32>
    %slice3A_801 = vector.extract_strided_slice %get3A_795 {offsets = [0, 0], sizes = [256, 32], strides = [1, 1]} : vector<256x34xf32> to vector<256x32xf32>
    %slice3A_802 = vector.extract_strided_slice %get3A_795 {offsets = [0, 32], sizes = [256, 2], strides = [1, 1]} : vector<256x34xf32> to vector<256x2xf32>
    %slice3A_803 = vector.extract_strided_slice %get3A_800 {offsets = [0, 0], sizes = [256, 32], strides = [1, 1]} : vector<256x34xf32> to vector<256x32xf32>
    %slice3A_804 = vector.extract_strided_slice %get3A_800 {offsets = [0, 32], sizes = [256, 2], strides = [1, 1]} : vector<256x34xf32> to vector<256x2xf32>
    %get3A_805 = arith.constant 8 : index
    %get3A_806 = arith.constant 0 : index
    %get3A_807 = arith.constant 0 : index
    %get3A_808 = vector.load %arg3[%get3A_805, %get3A_806, %get3A_807] : memref<12x256x2xf32, #tpu.memory_space<vmem>>, vector<1x256x2xf32>
    %get3A_809 = vector.shape_cast %get3A_808 : vector<1x256x2xf32> to vector<256x2xf32>
    %add3A_810 = arith.addf %slice3A_804, %get3A_809 : vector<256x2xf32>
    %ge3A_811 = arith.constant 0.000000e+00 : f32
    %ge3A_812 = vector.broadcast %ge3A_811 : f32 to vector<256x2xf32>
    %ge3A_813 = arith.cmpf oge, %add3A_810, %ge3A_812 : vector<256x2xf32>
    %mul3A_814 = arith.constant 2.000000e-01 : f32
    %mul3A_815 = vector.broadcast %mul3A_814 : f32 to vector<256x2xf32>
    %mul3A_816 = arith.mulf %mul3A_815, %add3A_810 : vector<256x2xf32>
    %select_n3A_817 = arith.select %ge3A_813, %add3A_810, %mul3A_816 : vector<256x2xi1>, vector<256x2xf32>
    %exp3A_818 = math.exp %select_n3A_817 : vector<256x2xf32>
    %add3A_819 = arith.addf %slice3A_802, %exp3A_818 : vector<256x2xf32>
    %add3A_820 = arith.constant 1.000000e-16 : f32
    %add3A_821 = vector.broadcast %add3A_820 : f32 to vector<256x2xf32>
    %add3A_822 = arith.addf %add3A_819, %add3A_821 : vector<256x2xf32>
    %slice3A_823 = vector.extract_strided_slice %exp3A_818 {offsets = [0, 0], sizes = [256, 1], strides = [1, 1]} : vector<256x2xf32> to vector<256x1xf32>
    %broadcast_in_dim3A_824 = vector.shape_cast %slice3A_823 : vector<256x1xf32> to vector<256x1xf32>
    %broadcast_in_dim3A_825 = vector.broadcast %broadcast_in_dim3A_824 : vector<256x1xf32> to vector<256x16xf32>
    %slice3A_826 = vector.extract_strided_slice %exp3A_818 {offsets = [0, 1], sizes = [256, 1], strides = [1, 1]} : vector<256x2xf32> to vector<256x1xf32>
    %broadcast_in_dim3A_827 = vector.shape_cast %slice3A_826 : vector<256x1xf32> to vector<256x1xf32>
    %broadcast_in_dim3A_828 = vector.broadcast %broadcast_in_dim3A_827 : vector<256x1xf32> to vector<256x16xf32>
    %concatenate3A_829 = tpu.concatenate %broadcast_in_dim3A_825, %broadcast_in_dim3A_828 in 1 : vector<256x16xf32>, vector<256x16xf32> -> vector<256x32xf32>
    %slice3A_830 = vector.extract_strided_slice %add3A_822 {offsets = [0, 0], sizes = [256, 1], strides = [1, 1]} : vector<256x2xf32> to vector<256x1xf32>
    %broadcast_in_dim3A_831 = vector.shape_cast %slice3A_830 : vector<256x1xf32> to vector<256x1xf32>
    %broadcast_in_dim3A_832 = vector.broadcast %broadcast_in_dim3A_831 : vector<256x1xf32> to vector<256x16xf32>
    %slice3A_833 = vector.extract_strided_slice %add3A_822 {offsets = [0, 1], sizes = [256, 1], strides = [1, 1]} : vector<256x2xf32> to vector<256x1xf32>
    %broadcast_in_dim3A_834 = vector.shape_cast %slice3A_833 : vector<256x1xf32> to vector<256x1xf32>
    %broadcast_in_dim3A_835 = vector.broadcast %broadcast_in_dim3A_834 : vector<256x1xf32> to vector<256x16xf32>
    %concatenate3A_836 = tpu.concatenate %broadcast_in_dim3A_832, %broadcast_in_dim3A_835 in 1 : vector<256x16xf32>, vector<256x16xf32> -> vector<256x32xf32>
    %mul3A_837 = arith.mulf %concatenate3A_829, %slice3A_803 : vector<256x32xf32>
    %add3A_838 = arith.addf %slice3A_801, %mul3A_837 : vector<256x32xf32>
    %div3A_839 = arith.divf %add3A_838, %concatenate3A_836 : vector<256x32xf32>
    %add3A_840 = vector.broadcast %get3A_2 : vector<1x32xf32> to vector<256x32xf32>
    %add3A_841 = arith.addf %div3A_839, %add3A_840 : vector<256x32xf32>
    %get3A_842 = arith.constant 0 : index
    %get3A_843 = arith.constant 0 : index
    %get3A_844 = vector.load %arg5[%get3A_842, %get3A_843] : memref<32x48xf32, #tpu.memory_space<vmem>>, vector<32x48xf32>
    %dot_general3A_845 = arith.constant dense<0.000000e+00> : vector<256x48xf32>
    %dot_general3A_846 = tpu.matmul %add3A_841, %get3A_844, %dot_general3A_845 {dimension_numbers = #tpu.dot_dimension_numbers<[1], [0], [0], [1], [0, 0, 1, 1], [], []>, transpose_lhs_hint = false} : vector<256x32xf32>, vector<32x48xf32>, vector<256x48xf32> -> vector<256x48xf32>
    %get3A_847 = arith.constant 0 : index
    %get3A_848 = arith.constant 0 : index
    %get3A_849 = vector.load %arg7[%get3A_847, %get3A_848] : memref<1x48xf32, #tpu.memory_space<vmem>>, vector<1x48xf32>
    %add3A_850 = vector.broadcast %get3A_849 : vector<1x48xf32> to vector<256x48xf32>
    %add3A_851 = arith.addf %dot_general3A_846, %add3A_850 : vector<256x48xf32>
    %get3A_852 = arith.constant 0 : index
    %get3A_853 = arith.constant 0 : index
    %get3A_854 = vector.load %arg6[%get3A_852, %get3A_853] : memref<16x48xf32, #tpu.memory_space<vmem>>, vector<16x48xf32>
    %dot_general3A_855 = arith.constant dense<0.000000e+00> : vector<256x48xf32>
    %dot_general3A_856 = tpu.matmul %add3A_790, %get3A_854, %dot_general3A_855 {dimension_numbers = #tpu.dot_dimension_numbers<[1], [0], [0], [1], [0, 0, 1, 1], [], []>, transpose_lhs_hint = false} : vector<256x16xf32>, vector<16x48xf32>, vector<256x48xf32> -> vector<256x48xf32>
    %get3A_857 = arith.constant 0 : index
    %get3A_858 = arith.constant 0 : index
    %get3A_859 = vector.load %arg8[%get3A_857, %get3A_858] : memref<1x48xf32, #tpu.memory_space<vmem>>, vector<1x48xf32>
    %add3A_860 = vector.broadcast %get3A_859 : vector<1x48xf32> to vector<256x48xf32>
    %add3A_861 = arith.addf %dot_general3A_856, %add3A_860 : vector<256x48xf32>
    %slice3A_862 = vector.extract_strided_slice %add3A_851 {offsets = [0, 0], sizes = [256, 16], strides = [1, 1]} : vector<256x48xf32> to vector<256x16xf32>
    %slice3A_863 = vector.extract_strided_slice %add3A_861 {offsets = [0, 0], sizes = [256, 16], strides = [1, 1]} : vector<256x48xf32> to vector<256x16xf32>
    %add3A_864 = arith.addf %slice3A_862, %slice3A_863 : vector<256x16xf32>
    %logistic3A_865 = arith.negf %add3A_864 : vector<256x16xf32>
    %logistic3A_866 = math.exp %logistic3A_865 : vector<256x16xf32>
    %logistic3A_867 = arith.constant 1.000000e+00 : f32
    %logistic3A_868 = vector.broadcast %logistic3A_867 : f32 to vector<256x16xf32>
    %logistic3A_869 = arith.addf %logistic3A_868, %logistic3A_866 : vector<256x16xf32>
    %logistic3A_870 = arith.divf %logistic3A_868, %logistic3A_869 : vector<256x16xf32>
    %slice3A_871 = vector.extract_strided_slice %add3A_851 {offsets = [0, 16], sizes = [256, 16], strides = [1, 1]} : vector<256x48xf32> to vector<256x16xf32>
    %slice3A_872 = vector.extract_strided_slice %add3A_861 {offsets = [0, 16], sizes = [256, 16], strides = [1, 1]} : vector<256x48xf32> to vector<256x16xf32>
    %add3A_873 = arith.addf %slice3A_871, %slice3A_872 : vector<256x16xf32>
    %logistic3A_874 = arith.negf %add3A_873 : vector<256x16xf32>
    %logistic3A_875 = math.exp %logistic3A_874 : vector<256x16xf32>
    %logistic3A_876 = arith.constant 1.000000e+00 : f32
    %logistic3A_877 = vector.broadcast %logistic3A_876 : f32 to vector<256x16xf32>
    %logistic3A_878 = arith.addf %logistic3A_877, %logistic3A_875 : vector<256x16xf32>
    %logistic3A_879 = arith.divf %logistic3A_877, %logistic3A_878 : vector<256x16xf32>
    %slice3A_880 = vector.extract_strided_slice %add3A_851 {offsets = [0, 32], sizes = [256, 16], strides = [1, 1]} : vector<256x48xf32> to vector<256x16xf32>
    %slice3A_881 = vector.extract_strided_slice %add3A_861 {offsets = [0, 32], sizes = [256, 16], strides = [1, 1]} : vector<256x48xf32> to vector<256x16xf32>
    %mul3A_882 = arith.mulf %logistic3A_870, %slice3A_881 : vector<256x16xf32>
    %add3A_883 = arith.addf %slice3A_880, %mul3A_882 : vector<256x16xf32>
    %tanh3A_884 = math.tanh %add3A_883 : vector<256x16xf32>
    %sub3A_885 = arith.constant 1.000000e+00 : f32
    %sub3A_886 = vector.broadcast %sub3A_885 : f32 to vector<256x16xf32>
    %sub3A_887 = arith.subf %sub3A_886, %logistic3A_879 : vector<256x16xf32>
    %mul3A_888 = arith.mulf %sub3A_887, %tanh3A_884 : vector<256x16xf32>
    %mul3A_889 = arith.mulf %logistic3A_879, %add3A_790 : vector<256x16xf32>
    %add3A_890 = arith.addf %mul3A_888, %mul3A_889 : vector<256x16xf32>
    %get3A_891 = arith.constant 9 : index
    %get3A_892 = arith.constant 0 : index
    %get3A_893 = arith.constant 0 : index
    %get3A_894 = vector.load %arg1[%get3A_891, %get3A_892, %get3A_893] : memref<12x256x34xf32, #tpu.memory_space<vmem>>, vector<1x256x34xf32>
    %get3A_895 = vector.shape_cast %get3A_894 : vector<1x256x34xf32> to vector<256x34xf32>
    %get3A_896 = arith.constant 9 : index
    %get3A_897 = arith.constant 0 : index
    %get3A_898 = arith.constant 0 : index
    %get3A_899 = vector.load %arg2[%get3A_896, %get3A_897, %get3A_898] : memref<12x256x34xf32, #tpu.memory_space<vmem>>, vector<1x256x34xf32>
    %get3A_900 = vector.shape_cast %get3A_899 : vector<1x256x34xf32> to vector<256x34xf32>
    %slice3A_901 = vector.extract_strided_slice %get3A_895 {offsets = [0, 0], sizes = [256, 32], strides = [1, 1]} : vector<256x34xf32> to vector<256x32xf32>
    %slice3A_902 = vector.extract_strided_slice %get3A_895 {offsets = [0, 32], sizes = [256, 2], strides = [1, 1]} : vector<256x34xf32> to vector<256x2xf32>
    %slice3A_903 = vector.extract_strided_slice %get3A_900 {offsets = [0, 0], sizes = [256, 32], strides = [1, 1]} : vector<256x34xf32> to vector<256x32xf32>
    %slice3A_904 = vector.extract_strided_slice %get3A_900 {offsets = [0, 32], sizes = [256, 2], strides = [1, 1]} : vector<256x34xf32> to vector<256x2xf32>
    %get3A_905 = arith.constant 9 : index
    %get3A_906 = arith.constant 0 : index
    %get3A_907 = arith.constant 0 : index
    %get3A_908 = vector.load %arg3[%get3A_905, %get3A_906, %get3A_907] : memref<12x256x2xf32, #tpu.memory_space<vmem>>, vector<1x256x2xf32>
    %get3A_909 = vector.shape_cast %get3A_908 : vector<1x256x2xf32> to vector<256x2xf32>
    %add3A_910 = arith.addf %slice3A_904, %get3A_909 : vector<256x2xf32>
    %ge3A_911 = arith.constant 0.000000e+00 : f32
    %ge3A_912 = vector.broadcast %ge3A_911 : f32 to vector<256x2xf32>
    %ge3A_913 = arith.cmpf oge, %add3A_910, %ge3A_912 : vector<256x2xf32>
    %mul3A_914 = arith.constant 2.000000e-01 : f32
    %mul3A_915 = vector.broadcast %mul3A_914 : f32 to vector<256x2xf32>
    %mul3A_916 = arith.mulf %mul3A_915, %add3A_910 : vector<256x2xf32>
    %select_n3A_917 = arith.select %ge3A_913, %add3A_910, %mul3A_916 : vector<256x2xi1>, vector<256x2xf32>
    %exp3A_918 = math.exp %select_n3A_917 : vector<256x2xf32>
    %add3A_919 = arith.addf %slice3A_902, %exp3A_918 : vector<256x2xf32>
    %add3A_920 = arith.constant 1.000000e-16 : f32
    %add3A_921 = vector.broadcast %add3A_920 : f32 to vector<256x2xf32>
    %add3A_922 = arith.addf %add3A_919, %add3A_921 : vector<256x2xf32>
    %slice3A_923 = vector.extract_strided_slice %exp3A_918 {offsets = [0, 0], sizes = [256, 1], strides = [1, 1]} : vector<256x2xf32> to vector<256x1xf32>
    %broadcast_in_dim3A_924 = vector.shape_cast %slice3A_923 : vector<256x1xf32> to vector<256x1xf32>
    %broadcast_in_dim3A_925 = vector.broadcast %broadcast_in_dim3A_924 : vector<256x1xf32> to vector<256x16xf32>
    %slice3A_926 = vector.extract_strided_slice %exp3A_918 {offsets = [0, 1], sizes = [256, 1], strides = [1, 1]} : vector<256x2xf32> to vector<256x1xf32>
    %broadcast_in_dim3A_927 = vector.shape_cast %slice3A_926 : vector<256x1xf32> to vector<256x1xf32>
    %broadcast_in_dim3A_928 = vector.broadcast %broadcast_in_dim3A_927 : vector<256x1xf32> to vector<256x16xf32>
    %concatenate3A_929 = tpu.concatenate %broadcast_in_dim3A_925, %broadcast_in_dim3A_928 in 1 : vector<256x16xf32>, vector<256x16xf32> -> vector<256x32xf32>
    %slice3A_930 = vector.extract_strided_slice %add3A_922 {offsets = [0, 0], sizes = [256, 1], strides = [1, 1]} : vector<256x2xf32> to vector<256x1xf32>
    %broadcast_in_dim3A_931 = vector.shape_cast %slice3A_930 : vector<256x1xf32> to vector<256x1xf32>
    %broadcast_in_dim3A_932 = vector.broadcast %broadcast_in_dim3A_931 : vector<256x1xf32> to vector<256x16xf32>
    %slice3A_933 = vector.extract_strided_slice %add3A_922 {offsets = [0, 1], sizes = [256, 1], strides = [1, 1]} : vector<256x2xf32> to vector<256x1xf32>
    %broadcast_in_dim3A_934 = vector.shape_cast %slice3A_933 : vector<256x1xf32> to vector<256x1xf32>
    %broadcast_in_dim3A_935 = vector.broadcast %broadcast_in_dim3A_934 : vector<256x1xf32> to vector<256x16xf32>
    %concatenate3A_936 = tpu.concatenate %broadcast_in_dim3A_932, %broadcast_in_dim3A_935 in 1 : vector<256x16xf32>, vector<256x16xf32> -> vector<256x32xf32>
    %mul3A_937 = arith.mulf %concatenate3A_929, %slice3A_903 : vector<256x32xf32>
    %add3A_938 = arith.addf %slice3A_901, %mul3A_937 : vector<256x32xf32>
    %div3A_939 = arith.divf %add3A_938, %concatenate3A_936 : vector<256x32xf32>
    %add3A_940 = vector.broadcast %get3A_2 : vector<1x32xf32> to vector<256x32xf32>
    %add3A_941 = arith.addf %div3A_939, %add3A_940 : vector<256x32xf32>
    %get3A_942 = arith.constant 0 : index
    %get3A_943 = arith.constant 0 : index
    %get3A_944 = vector.load %arg5[%get3A_942, %get3A_943] : memref<32x48xf32, #tpu.memory_space<vmem>>, vector<32x48xf32>
    %dot_general3A_945 = arith.constant dense<0.000000e+00> : vector<256x48xf32>
    %dot_general3A_946 = tpu.matmul %add3A_941, %get3A_944, %dot_general3A_945 {dimension_numbers = #tpu.dot_dimension_numbers<[1], [0], [0], [1], [0, 0, 1, 1], [], []>, transpose_lhs_hint = false} : vector<256x32xf32>, vector<32x48xf32>, vector<256x48xf32> -> vector<256x48xf32>
    %get3A_947 = arith.constant 0 : index
    %get3A_948 = arith.constant 0 : index
    %get3A_949 = vector.load %arg7[%get3A_947, %get3A_948] : memref<1x48xf32, #tpu.memory_space<vmem>>, vector<1x48xf32>
    %add3A_950 = vector.broadcast %get3A_949 : vector<1x48xf32> to vector<256x48xf32>
    %add3A_951 = arith.addf %dot_general3A_946, %add3A_950 : vector<256x48xf32>
    %get3A_952 = arith.constant 0 : index
    %get3A_953 = arith.constant 0 : index
    %get3A_954 = vector.load %arg6[%get3A_952, %get3A_953] : memref<16x48xf32, #tpu.memory_space<vmem>>, vector<16x48xf32>
    %dot_general3A_955 = arith.constant dense<0.000000e+00> : vector<256x48xf32>
    %dot_general3A_956 = tpu.matmul %add3A_890, %get3A_954, %dot_general3A_955 {dimension_numbers = #tpu.dot_dimension_numbers<[1], [0], [0], [1], [0, 0, 1, 1], [], []>, transpose_lhs_hint = false} : vector<256x16xf32>, vector<16x48xf32>, vector<256x48xf32> -> vector<256x48xf32>
    %get3A_957 = arith.constant 0 : index
    %get3A_958 = arith.constant 0 : index
    %get3A_959 = vector.load %arg8[%get3A_957, %get3A_958] : memref<1x48xf32, #tpu.memory_space<vmem>>, vector<1x48xf32>
    %add3A_960 = vector.broadcast %get3A_959 : vector<1x48xf32> to vector<256x48xf32>
    %add3A_961 = arith.addf %dot_general3A_956, %add3A_960 : vector<256x48xf32>
    %slice3A_962 = vector.extract_strided_slice %add3A_951 {offsets = [0, 0], sizes = [256, 16], strides = [1, 1]} : vector<256x48xf32> to vector<256x16xf32>
    %slice3A_963 = vector.extract_strided_slice %add3A_961 {offsets = [0, 0], sizes = [256, 16], strides = [1, 1]} : vector<256x48xf32> to vector<256x16xf32>
    %add3A_964 = arith.addf %slice3A_962, %slice3A_963 : vector<256x16xf32>
    %logistic3A_965 = arith.negf %add3A_964 : vector<256x16xf32>
    %logistic3A_966 = math.exp %logistic3A_965 : vector<256x16xf32>
    %logistic3A_967 = arith.constant 1.000000e+00 : f32
    %logistic3A_968 = vector.broadcast %logistic3A_967 : f32 to vector<256x16xf32>
    %logistic3A_969 = arith.addf %logistic3A_968, %logistic3A_966 : vector<256x16xf32>
    %logistic3A_970 = arith.divf %logistic3A_968, %logistic3A_969 : vector<256x16xf32>
    %slice3A_971 = vector.extract_strided_slice %add3A_951 {offsets = [0, 16], sizes = [256, 16], strides = [1, 1]} : vector<256x48xf32> to vector<256x16xf32>
    %slice3A_972 = vector.extract_strided_slice %add3A_961 {offsets = [0, 16], sizes = [256, 16], strides = [1, 1]} : vector<256x48xf32> to vector<256x16xf32>
    %add3A_973 = arith.addf %slice3A_971, %slice3A_972 : vector<256x16xf32>
    %logistic3A_974 = arith.negf %add3A_973 : vector<256x16xf32>
    %logistic3A_975 = math.exp %logistic3A_974 : vector<256x16xf32>
    %logistic3A_976 = arith.constant 1.000000e+00 : f32
    %logistic3A_977 = vector.broadcast %logistic3A_976 : f32 to vector<256x16xf32>
    %logistic3A_978 = arith.addf %logistic3A_977, %logistic3A_975 : vector<256x16xf32>
    %logistic3A_979 = arith.divf %logistic3A_977, %logistic3A_978 : vector<256x16xf32>
    %slice3A_980 = vector.extract_strided_slice %add3A_951 {offsets = [0, 32], sizes = [256, 16], strides = [1, 1]} : vector<256x48xf32> to vector<256x16xf32>
    %slice3A_981 = vector.extract_strided_slice %add3A_961 {offsets = [0, 32], sizes = [256, 16], strides = [1, 1]} : vector<256x48xf32> to vector<256x16xf32>
    %mul3A_982 = arith.mulf %logistic3A_970, %slice3A_981 : vector<256x16xf32>
    %add3A_983 = arith.addf %slice3A_980, %mul3A_982 : vector<256x16xf32>
    %tanh3A_984 = math.tanh %add3A_983 : vector<256x16xf32>
    %sub3A_985 = arith.constant 1.000000e+00 : f32
    %sub3A_986 = vector.broadcast %sub3A_985 : f32 to vector<256x16xf32>
    %sub3A_987 = arith.subf %sub3A_986, %logistic3A_979 : vector<256x16xf32>
    %mul3A_988 = arith.mulf %sub3A_987, %tanh3A_984 : vector<256x16xf32>
    %mul3A_989 = arith.mulf %logistic3A_979, %add3A_890 : vector<256x16xf32>
    %add3A_990 = arith.addf %mul3A_988, %mul3A_989 : vector<256x16xf32>
    %get3A_991 = arith.constant 10 : index
    %get3A_992 = arith.constant 0 : index
    %get3A_993 = arith.constant 0 : index
    %get3A_994 = vector.load %arg1[%get3A_991, %get3A_992, %get3A_993] : memref<12x256x34xf32, #tpu.memory_space<vmem>>, vector<1x256x34xf32>
    %get3A_995 = vector.shape_cast %get3A_994 : vector<1x256x34xf32> to vector<256x34xf32>
    %get3A_996 = arith.constant 10 : index
    %get3A_997 = arith.constant 0 : index
    %get3A_998 = arith.constant 0 : index
    %get3A_999 = vector.load %arg2[%get3A_996, %get3A_997, %get3A_998] : memref<12x256x34xf32, #tpu.memory_space<vmem>>, vector<1x256x34xf32>
    %get3A_1000 = vector.shape_cast %get3A_999 : vector<1x256x34xf32> to vector<256x34xf32>
    %slice3A_1001 = vector.extract_strided_slice %get3A_995 {offsets = [0, 0], sizes = [256, 32], strides = [1, 1]} : vector<256x34xf32> to vector<256x32xf32>
    %slice3A_1002 = vector.extract_strided_slice %get3A_995 {offsets = [0, 32], sizes = [256, 2], strides = [1, 1]} : vector<256x34xf32> to vector<256x2xf32>
    %slice3A_1003 = vector.extract_strided_slice %get3A_1000 {offsets = [0, 0], sizes = [256, 32], strides = [1, 1]} : vector<256x34xf32> to vector<256x32xf32>
    %slice3A_1004 = vector.extract_strided_slice %get3A_1000 {offsets = [0, 32], sizes = [256, 2], strides = [1, 1]} : vector<256x34xf32> to vector<256x2xf32>
    %get3A_1005 = arith.constant 10 : index
    %get3A_1006 = arith.constant 0 : index
    %get3A_1007 = arith.constant 0 : index
    %get3A_1008 = vector.load %arg3[%get3A_1005, %get3A_1006, %get3A_1007] : memref<12x256x2xf32, #tpu.memory_space<vmem>>, vector<1x256x2xf32>
    %get3A_1009 = vector.shape_cast %get3A_1008 : vector<1x256x2xf32> to vector<256x2xf32>
    %add3A_1010 = arith.addf %slice3A_1004, %get3A_1009 : vector<256x2xf32>
    %ge3A_1011 = arith.constant 0.000000e+00 : f32
    %ge3A_1012 = vector.broadcast %ge3A_1011 : f32 to vector<256x2xf32>
    %ge3A_1013 = arith.cmpf oge, %add3A_1010, %ge3A_1012 : vector<256x2xf32>
    %mul3A_1014 = arith.constant 2.000000e-01 : f32
    %mul3A_1015 = vector.broadcast %mul3A_1014 : f32 to vector<256x2xf32>
    %mul3A_1016 = arith.mulf %mul3A_1015, %add3A_1010 : vector<256x2xf32>
    %select_n3A_1017 = arith.select %ge3A_1013, %add3A_1010, %mul3A_1016 : vector<256x2xi1>, vector<256x2xf32>
    %exp3A_1018 = math.exp %select_n3A_1017 : vector<256x2xf32>
    %add3A_1019 = arith.addf %slice3A_1002, %exp3A_1018 : vector<256x2xf32>
    %add3A_1020 = arith.constant 1.000000e-16 : f32
    %add3A_1021 = vector.broadcast %add3A_1020 : f32 to vector<256x2xf32>
    %add3A_1022 = arith.addf %add3A_1019, %add3A_1021 : vector<256x2xf32>
    %slice3A_1023 = vector.extract_strided_slice %exp3A_1018 {offsets = [0, 0], sizes = [256, 1], strides = [1, 1]} : vector<256x2xf32> to vector<256x1xf32>
    %broadcast_in_dim3A_1024 = vector.shape_cast %slice3A_1023 : vector<256x1xf32> to vector<256x1xf32>
    %broadcast_in_dim3A_1025 = vector.broadcast %broadcast_in_dim3A_1024 : vector<256x1xf32> to vector<256x16xf32>
    %slice3A_1026 = vector.extract_strided_slice %exp3A_1018 {offsets = [0, 1], sizes = [256, 1], strides = [1, 1]} : vector<256x2xf32> to vector<256x1xf32>
    %broadcast_in_dim3A_1027 = vector.shape_cast %slice3A_1026 : vector<256x1xf32> to vector<256x1xf32>
    %broadcast_in_dim3A_1028 = vector.broadcast %broadcast_in_dim3A_1027 : vector<256x1xf32> to vector<256x16xf32>
    %concatenate3A_1029 = tpu.concatenate %broadcast_in_dim3A_1025, %broadcast_in_dim3A_1028 in 1 : vector<256x16xf32>, vector<256x16xf32> -> vector<256x32xf32>
    %slice3A_1030 = vector.extract_strided_slice %add3A_1022 {offsets = [0, 0], sizes = [256, 1], strides = [1, 1]} : vector<256x2xf32> to vector<256x1xf32>
    %broadcast_in_dim3A_1031 = vector.shape_cast %slice3A_1030 : vector<256x1xf32> to vector<256x1xf32>
    %broadcast_in_dim3A_1032 = vector.broadcast %broadcast_in_dim3A_1031 : vector<256x1xf32> to vector<256x16xf32>
    %slice3A_1033 = vector.extract_strided_slice %add3A_1022 {offsets = [0, 1], sizes = [256, 1], strides = [1, 1]} : vector<256x2xf32> to vector<256x1xf32>
    %broadcast_in_dim3A_1034 = vector.shape_cast %slice3A_1033 : vector<256x1xf32> to vector<256x1xf32>
    %broadcast_in_dim3A_1035 = vector.broadcast %broadcast_in_dim3A_1034 : vector<256x1xf32> to vector<256x16xf32>
    %concatenate3A_1036 = tpu.concatenate %broadcast_in_dim3A_1032, %broadcast_in_dim3A_1035 in 1 : vector<256x16xf32>, vector<256x16xf32> -> vector<256x32xf32>
    %mul3A_1037 = arith.mulf %concatenate3A_1029, %slice3A_1003 : vector<256x32xf32>
    %add3A_1038 = arith.addf %slice3A_1001, %mul3A_1037 : vector<256x32xf32>
    %div3A_1039 = arith.divf %add3A_1038, %concatenate3A_1036 : vector<256x32xf32>
    %add3A_1040 = vector.broadcast %get3A_2 : vector<1x32xf32> to vector<256x32xf32>
    %add3A_1041 = arith.addf %div3A_1039, %add3A_1040 : vector<256x32xf32>
    %get3A_1042 = arith.constant 0 : index
    %get3A_1043 = arith.constant 0 : index
    %get3A_1044 = vector.load %arg5[%get3A_1042, %get3A_1043] : memref<32x48xf32, #tpu.memory_space<vmem>>, vector<32x48xf32>
    %dot_general3A_1045 = arith.constant dense<0.000000e+00> : vector<256x48xf32>
    %dot_general3A_1046 = tpu.matmul %add3A_1041, %get3A_1044, %dot_general3A_1045 {dimension_numbers = #tpu.dot_dimension_numbers<[1], [0], [0], [1], [0, 0, 1, 1], [], []>, transpose_lhs_hint = false} : vector<256x32xf32>, vector<32x48xf32>, vector<256x48xf32> -> vector<256x48xf32>
    %get3A_1047 = arith.constant 0 : index
    %get3A_1048 = arith.constant 0 : index
    %get3A_1049 = vector.load %arg7[%get3A_1047, %get3A_1048] : memref<1x48xf32, #tpu.memory_space<vmem>>, vector<1x48xf32>
    %add3A_1050 = vector.broadcast %get3A_1049 : vector<1x48xf32> to vector<256x48xf32>
    %add3A_1051 = arith.addf %dot_general3A_1046, %add3A_1050 : vector<256x48xf32>
    %get3A_1052 = arith.constant 0 : index
    %get3A_1053 = arith.constant 0 : index
    %get3A_1054 = vector.load %arg6[%get3A_1052, %get3A_1053] : memref<16x48xf32, #tpu.memory_space<vmem>>, vector<16x48xf32>
    %dot_general3A_1055 = arith.constant dense<0.000000e+00> : vector<256x48xf32>
    %dot_general3A_1056 = tpu.matmul %add3A_990, %get3A_1054, %dot_general3A_1055 {dimension_numbers = #tpu.dot_dimension_numbers<[1], [0], [0], [1], [0, 0, 1, 1], [], []>, transpose_lhs_hint = false} : vector<256x16xf32>, vector<16x48xf32>, vector<256x48xf32> -> vector<256x48xf32>
    %get3A_1057 = arith.constant 0 : index
    %get3A_1058 = arith.constant 0 : index
    %get3A_1059 = vector.load %arg8[%get3A_1057, %get3A_1058] : memref<1x48xf32, #tpu.memory_space<vmem>>, vector<1x48xf32>
    %add3A_1060 = vector.broadcast %get3A_1059 : vector<1x48xf32> to vector<256x48xf32>
    %add3A_1061 = arith.addf %dot_general3A_1056, %add3A_1060 : vector<256x48xf32>
    %slice3A_1062 = vector.extract_strided_slice %add3A_1051 {offsets = [0, 0], sizes = [256, 16], strides = [1, 1]} : vector<256x48xf32> to vector<256x16xf32>
    %slice3A_1063 = vector.extract_strided_slice %add3A_1061 {offsets = [0, 0], sizes = [256, 16], strides = [1, 1]} : vector<256x48xf32> to vector<256x16xf32>
    %add3A_1064 = arith.addf %slice3A_1062, %slice3A_1063 : vector<256x16xf32>
    %logistic3A_1065 = arith.negf %add3A_1064 : vector<256x16xf32>
    %logistic3A_1066 = math.exp %logistic3A_1065 : vector<256x16xf32>
    %logistic3A_1067 = arith.constant 1.000000e+00 : f32
    %logistic3A_1068 = vector.broadcast %logistic3A_1067 : f32 to vector<256x16xf32>
    %logistic3A_1069 = arith.addf %logistic3A_1068, %logistic3A_1066 : vector<256x16xf32>
    %logistic3A_1070 = arith.divf %logistic3A_1068, %logistic3A_1069 : vector<256x16xf32>
    %slice3A_1071 = vector.extract_strided_slice %add3A_1051 {offsets = [0, 16], sizes = [256, 16], strides = [1, 1]} : vector<256x48xf32> to vector<256x16xf32>
    %slice3A_1072 = vector.extract_strided_slice %add3A_1061 {offsets = [0, 16], sizes = [256, 16], strides = [1, 1]} : vector<256x48xf32> to vector<256x16xf32>
    %add3A_1073 = arith.addf %slice3A_1071, %slice3A_1072 : vector<256x16xf32>
    %logistic3A_1074 = arith.negf %add3A_1073 : vector<256x16xf32>
    %logistic3A_1075 = math.exp %logistic3A_1074 : vector<256x16xf32>
    %logistic3A_1076 = arith.constant 1.000000e+00 : f32
    %logistic3A_1077 = vector.broadcast %logistic3A_1076 : f32 to vector<256x16xf32>
    %logistic3A_1078 = arith.addf %logistic3A_1077, %logistic3A_1075 : vector<256x16xf32>
    %logistic3A_1079 = arith.divf %logistic3A_1077, %logistic3A_1078 : vector<256x16xf32>
    %slice3A_1080 = vector.extract_strided_slice %add3A_1051 {offsets = [0, 32], sizes = [256, 16], strides = [1, 1]} : vector<256x48xf32> to vector<256x16xf32>
    %slice3A_1081 = vector.extract_strided_slice %add3A_1061 {offsets = [0, 32], sizes = [256, 16], strides = [1, 1]} : vector<256x48xf32> to vector<256x16xf32>
    %mul3A_1082 = arith.mulf %logistic3A_1070, %slice3A_1081 : vector<256x16xf32>
    %add3A_1083 = arith.addf %slice3A_1080, %mul3A_1082 : vector<256x16xf32>
    %tanh3A_1084 = math.tanh %add3A_1083 : vector<256x16xf32>
    %sub3A_1085 = arith.constant 1.000000e+00 : f32
    %sub3A_1086 = vector.broadcast %sub3A_1085 : f32 to vector<256x16xf32>
    %sub3A_1087 = arith.subf %sub3A_1086, %logistic3A_1079 : vector<256x16xf32>
    %mul3A_1088 = arith.mulf %sub3A_1087, %tanh3A_1084 : vector<256x16xf32>
    %mul3A_1089 = arith.mulf %logistic3A_1079, %add3A_990 : vector<256x16xf32>
    %add3A_1090 = arith.addf %mul3A_1088, %mul3A_1089 : vector<256x16xf32>
    %get3A_1091 = arith.constant 11 : index
    %get3A_1092 = arith.constant 0 : index
    %get3A_1093 = arith.constant 0 : index
    %get3A_1094 = vector.load %arg1[%get3A_1091, %get3A_1092, %get3A_1093] : memref<12x256x34xf32, #tpu.memory_space<vmem>>, vector<1x256x34xf32>
    %get3A_1095 = vector.shape_cast %get3A_1094 : vector<1x256x34xf32> to vector<256x34xf32>
    %get3A_1096 = arith.constant 11 : index
    %get3A_1097 = arith.constant 0 : index
    %get3A_1098 = arith.constant 0 : index
    %get3A_1099 = vector.load %arg2[%get3A_1096, %get3A_1097, %get3A_1098] : memref<12x256x34xf32, #tpu.memory_space<vmem>>, vector<1x256x34xf32>
    %get3A_1100 = vector.shape_cast %get3A_1099 : vector<1x256x34xf32> to vector<256x34xf32>
    %slice3A_1101 = vector.extract_strided_slice %get3A_1095 {offsets = [0, 0], sizes = [256, 32], strides = [1, 1]} : vector<256x34xf32> to vector<256x32xf32>
    %slice3A_1102 = vector.extract_strided_slice %get3A_1095 {offsets = [0, 32], sizes = [256, 2], strides = [1, 1]} : vector<256x34xf32> to vector<256x2xf32>
    %slice3A_1103 = vector.extract_strided_slice %get3A_1100 {offsets = [0, 0], sizes = [256, 32], strides = [1, 1]} : vector<256x34xf32> to vector<256x32xf32>
    %slice3A_1104 = vector.extract_strided_slice %get3A_1100 {offsets = [0, 32], sizes = [256, 2], strides = [1, 1]} : vector<256x34xf32> to vector<256x2xf32>
    %get3A_1105 = arith.constant 11 : index
    %get3A_1106 = arith.constant 0 : index
    %get3A_1107 = arith.constant 0 : index
    %get3A_1108 = vector.load %arg3[%get3A_1105, %get3A_1106, %get3A_1107] : memref<12x256x2xf32, #tpu.memory_space<vmem>>, vector<1x256x2xf32>
    %get3A_1109 = vector.shape_cast %get3A_1108 : vector<1x256x2xf32> to vector<256x2xf32>
    %add3A_1110 = arith.addf %slice3A_1104, %get3A_1109 : vector<256x2xf32>
    %ge3A_1111 = arith.constant 0.000000e+00 : f32
    %ge3A_1112 = vector.broadcast %ge3A_1111 : f32 to vector<256x2xf32>
    %ge3A_1113 = arith.cmpf oge, %add3A_1110, %ge3A_1112 : vector<256x2xf32>
    %mul3A_1114 = arith.constant 2.000000e-01 : f32
    %mul3A_1115 = vector.broadcast %mul3A_1114 : f32 to vector<256x2xf32>
    %mul3A_1116 = arith.mulf %mul3A_1115, %add3A_1110 : vector<256x2xf32>
    %select_n3A_1117 = arith.select %ge3A_1113, %add3A_1110, %mul3A_1116 : vector<256x2xi1>, vector<256x2xf32>
    %exp3A_1118 = math.exp %select_n3A_1117 : vector<256x2xf32>
    %add3A_1119 = arith.addf %slice3A_1102, %exp3A_1118 : vector<256x2xf32>
    %add3A_1120 = arith.constant 1.000000e-16 : f32
    %add3A_1121 = vector.broadcast %add3A_1120 : f32 to vector<256x2xf32>
    %add3A_1122 = arith.addf %add3A_1119, %add3A_1121 : vector<256x2xf32>
    %slice3A_1123 = vector.extract_strided_slice %exp3A_1118 {offsets = [0, 0], sizes = [256, 1], strides = [1, 1]} : vector<256x2xf32> to vector<256x1xf32>
    %broadcast_in_dim3A_1124 = vector.shape_cast %slice3A_1123 : vector<256x1xf32> to vector<256x1xf32>
    %broadcast_in_dim3A_1125 = vector.broadcast %broadcast_in_dim3A_1124 : vector<256x1xf32> to vector<256x16xf32>
    %slice3A_1126 = vector.extract_strided_slice %exp3A_1118 {offsets = [0, 1], sizes = [256, 1], strides = [1, 1]} : vector<256x2xf32> to vector<256x1xf32>
    %broadcast_in_dim3A_1127 = vector.shape_cast %slice3A_1126 : vector<256x1xf32> to vector<256x1xf32>
    %broadcast_in_dim3A_1128 = vector.broadcast %broadcast_in_dim3A_1127 : vector<256x1xf32> to vector<256x16xf32>
    %concatenate3A_1129 = tpu.concatenate %broadcast_in_dim3A_1125, %broadcast_in_dim3A_1128 in 1 : vector<256x16xf32>, vector<256x16xf32> -> vector<256x32xf32>
    %slice3A_1130 = vector.extract_strided_slice %add3A_1122 {offsets = [0, 0], sizes = [256, 1], strides = [1, 1]} : vector<256x2xf32> to vector<256x1xf32>
    %broadcast_in_dim3A_1131 = vector.shape_cast %slice3A_1130 : vector<256x1xf32> to vector<256x1xf32>
    %broadcast_in_dim3A_1132 = vector.broadcast %broadcast_in_dim3A_1131 : vector<256x1xf32> to vector<256x16xf32>
    %slice3A_1133 = vector.extract_strided_slice %add3A_1122 {offsets = [0, 1], sizes = [256, 1], strides = [1, 1]} : vector<256x2xf32> to vector<256x1xf32>
    %broadcast_in_dim3A_1134 = vector.shape_cast %slice3A_1133 : vector<256x1xf32> to vector<256x1xf32>
    %broadcast_in_dim3A_1135 = vector.broadcast %broadcast_in_dim3A_1134 : vector<256x1xf32> to vector<256x16xf32>
    %concatenate3A_1136 = tpu.concatenate %broadcast_in_dim3A_1132, %broadcast_in_dim3A_1135 in 1 : vector<256x16xf32>, vector<256x16xf32> -> vector<256x32xf32>
    %mul3A_1137 = arith.mulf %concatenate3A_1129, %slice3A_1103 : vector<256x32xf32>
    %add3A_1138 = arith.addf %slice3A_1101, %mul3A_1137 : vector<256x32xf32>
    %div3A_1139 = arith.divf %add3A_1138, %concatenate3A_1136 : vector<256x32xf32>
    %add3A_1140 = vector.broadcast %get3A_2 : vector<1x32xf32> to vector<256x32xf32>
    %add3A_1141 = arith.addf %div3A_1139, %add3A_1140 : vector<256x32xf32>
    %get3A_1142 = arith.constant 0 : index
    %get3A_1143 = arith.constant 0 : index
    %get3A_1144 = vector.load %arg5[%get3A_1142, %get3A_1143] : memref<32x48xf32, #tpu.memory_space<vmem>>, vector<32x48xf32>
    %dot_general3A_1145 = arith.constant dense<0.000000e+00> : vector<256x48xf32>
    %dot_general3A_1146 = tpu.matmul %add3A_1141, %get3A_1144, %dot_general3A_1145 {dimension_numbers = #tpu.dot_dimension_numbers<[1], [0], [0], [1], [0, 0, 1, 1], [], []>, transpose_lhs_hint = false} : vector<256x32xf32>, vector<32x48xf32>, vector<256x48xf32> -> vector<256x48xf32>
    %get3A_1147 = arith.constant 0 : index
    %get3A_1148 = arith.constant 0 : index
    %get3A_1149 = vector.load %arg7[%get3A_1147, %get3A_1148] : memref<1x48xf32, #tpu.memory_space<vmem>>, vector<1x48xf32>
    %add3A_1150 = vector.broadcast %get3A_1149 : vector<1x48xf32> to vector<256x48xf32>
    %add3A_1151 = arith.addf %dot_general3A_1146, %add3A_1150 : vector<256x48xf32>
    %get3A_1152 = arith.constant 0 : index
    %get3A_1153 = arith.constant 0 : index
    %get3A_1154 = vector.load %arg6[%get3A_1152, %get3A_1153] : memref<16x48xf32, #tpu.memory_space<vmem>>, vector<16x48xf32>
    %dot_general3A_1155 = arith.constant dense<0.000000e+00> : vector<256x48xf32>
    %dot_general3A_1156 = tpu.matmul %add3A_1090, %get3A_1154, %dot_general3A_1155 {dimension_numbers = #tpu.dot_dimension_numbers<[1], [0], [0], [1], [0, 0, 1, 1], [], []>, transpose_lhs_hint = false} : vector<256x16xf32>, vector<16x48xf32>, vector<256x48xf32> -> vector<256x48xf32>
    %get3A_1157 = arith.constant 0 : index
    %get3A_1158 = arith.constant 0 : index
    %get3A_1159 = vector.load %arg8[%get3A_1157, %get3A_1158] : memref<1x48xf32, #tpu.memory_space<vmem>>, vector<1x48xf32>
    %add3A_1160 = vector.broadcast %get3A_1159 : vector<1x48xf32> to vector<256x48xf32>
    %add3A_1161 = arith.addf %dot_general3A_1156, %add3A_1160 : vector<256x48xf32>
    %slice3A_1162 = vector.extract_strided_slice %add3A_1151 {offsets = [0, 0], sizes = [256, 16], strides = [1, 1]} : vector<256x48xf32> to vector<256x16xf32>
    %slice3A_1163 = vector.extract_strided_slice %add3A_1161 {offsets = [0, 0], sizes = [256, 16], strides = [1, 1]} : vector<256x48xf32> to vector<256x16xf32>
    %add3A_1164 = arith.addf %slice3A_1162, %slice3A_1163 : vector<256x16xf32>
    %logistic3A_1165 = arith.negf %add3A_1164 : vector<256x16xf32>
    %logistic3A_1166 = math.exp %logistic3A_1165 : vector<256x16xf32>
    %logistic3A_1167 = arith.constant 1.000000e+00 : f32
    %logistic3A_1168 = vector.broadcast %logistic3A_1167 : f32 to vector<256x16xf32>
    %logistic3A_1169 = arith.addf %logistic3A_1168, %logistic3A_1166 : vector<256x16xf32>
    %logistic3A_1170 = arith.divf %logistic3A_1168, %logistic3A_1169 : vector<256x16xf32>
    %slice3A_1171 = vector.extract_strided_slice %add3A_1151 {offsets = [0, 16], sizes = [256, 16], strides = [1, 1]} : vector<256x48xf32> to vector<256x16xf32>
    %slice3A_1172 = vector.extract_strided_slice %add3A_1161 {offsets = [0, 16], sizes = [256, 16], strides = [1, 1]} : vector<256x48xf32> to vector<256x16xf32>
    %add3A_1173 = arith.addf %slice3A_1171, %slice3A_1172 : vector<256x16xf32>
    %logistic3A_1174 = arith.negf %add3A_1173 : vector<256x16xf32>
    %logistic3A_1175 = math.exp %logistic3A_1174 : vector<256x16xf32>
    %logistic3A_1176 = arith.constant 1.000000e+00 : f32
    %logistic3A_1177 = vector.broadcast %logistic3A_1176 : f32 to vector<256x16xf32>
    %logistic3A_1178 = arith.addf %logistic3A_1177, %logistic3A_1175 : vector<256x16xf32>
    %logistic3A_1179 = arith.divf %logistic3A_1177, %logistic3A_1178 : vector<256x16xf32>
    %slice3A_1180 = vector.extract_strided_slice %add3A_1151 {offsets = [0, 32], sizes = [256, 16], strides = [1, 1]} : vector<256x48xf32> to vector<256x16xf32>
    %slice3A_1181 = vector.extract_strided_slice %add3A_1161 {offsets = [0, 32], sizes = [256, 16], strides = [1, 1]} : vector<256x48xf32> to vector<256x16xf32>
    %mul3A_1182 = arith.mulf %logistic3A_1170, %slice3A_1181 : vector<256x16xf32>
    %add3A_1183 = arith.addf %slice3A_1180, %mul3A_1182 : vector<256x16xf32>
    %tanh3A_1184 = math.tanh %add3A_1183 : vector<256x16xf32>
    %sub3A_1185 = arith.constant 1.000000e+00 : f32
    %sub3A_1186 = vector.broadcast %sub3A_1185 : f32 to vector<256x16xf32>
    %sub3A_1187 = arith.subf %sub3A_1186, %logistic3A_1179 : vector<256x16xf32>
    %mul3A_1188 = arith.mulf %sub3A_1187, %tanh3A_1184 : vector<256x16xf32>
    %mul3A_1189 = arith.mulf %logistic3A_1179, %add3A_1090 : vector<256x16xf32>
    %add3A_1190 = arith.addf %mul3A_1188, %mul3A_1189 : vector<256x16xf32>
    %get3A_1191 = arith.constant 0 : index
    %get3A_1192 = arith.constant 0 : index
    %get3A_1193 = vector.load %arg9[%get3A_1191, %get3A_1192] : memref<16x1xf32, #tpu.memory_space<vmem>>, vector<16x1xf32>
    %dot_general3A_1194 = arith.constant dense<0.000000e+00> : vector<256x1xf32>
    %dot_general3A_1195 = tpu.matmul %add3A_1190, %get3A_1193, %dot_general3A_1194 {dimension_numbers = #tpu.dot_dimension_numbers<[1], [0], [0], [1], [0, 0, 1, 1], [], []>, transpose_lhs_hint = false} : vector<256x16xf32>, vector<16x1xf32>, vector<256x1xf32> -> vector<256x1xf32>
    %get3A_1196 = arith.constant 0 : index
    %get3A_1197 = arith.constant 0 : index
    %get3A_1198 = vector.load %arg10[%get3A_1196, %get3A_1197] : memref<1x1xf32, #tpu.memory_space<vmem>>, vector<1x1xf32>
    %add3A_1199 = vector.broadcast %get3A_1198 : vector<1x1xf32> to vector<256x1xf32>
    %add3A_1200 = arith.addf %dot_general3A_1195, %add3A_1199 : vector<256x1xf32>
    %swap3A = arith.constant 0 : index
    %swap3A_1201 = arith.constant 0 : index
    %swap3A_1202 = vector.load %arg11[%swap3A, %swap3A_1201] : memref<256x1xf32, #tpu.memory_space<vmem>>, vector<256x1xf32>
    tpu.vector_store %arg11[%swap3A, %swap3A_1201], %add3A_1200 {strides = array<i32>} : memref<256x1xf32, #tpu.memory_space<vmem>>, vector<256x1xf32>,
    return
  }
  func.func @transform_0(%arg0: i32) -> (i32, i32, i32) {
    %c0_i32 = arith.constant 0 : i32
    %c0_i32_0 = arith.constant 0 : i32
    %c0_i32_1 = arith.constant 0 : i32
    return %c0_i32, %arg0, %c0_i32_0 : i32, i32, i32
  }
  func.func @transform_1(%arg0: i32) -> (i32, i32, i32) {
    %c0_i32 = arith.constant 0 : i32
    %c0_i32_0 = arith.constant 0 : i32
    %c0_i32_1 = arith.constant 0 : i32
    return %c0_i32, %arg0, %c0_i32_0 : i32, i32, i32
  }
  func.func @transform_2(%arg0: i32) -> (i32, i32, i32) {
    %c0_i32 = arith.constant 0 : i32
    %c0_i32_0 = arith.constant 0 : i32
    %c0_i32_1 = arith.constant 0 : i32
    return %c0_i32, %arg0, %c0_i32_0 : i32, i32, i32
  }
  func.func @transform_3(%arg0: i32) -> (i32, i32) {
    %c0_i32 = arith.constant 0 : i32
    %c0_i32_0 = arith.constant 0 : i32
    %c0_i32_1 = arith.constant 0 : i32
    return %c0_i32, %c0_i32_0 : i32, i32
  }
  func.func @transform_4(%arg0: i32) -> (i32, i32) {
    %c0_i32 = arith.constant 0 : i32
    %c0_i32_0 = arith.constant 0 : i32
    %c0_i32_1 = arith.constant 0 : i32
    return %c0_i32, %c0_i32_0 : i32, i32
  }
  func.func @transform_5(%arg0: i32) -> (i32, i32) {
    %c0_i32 = arith.constant 0 : i32
    %c0_i32_0 = arith.constant 0 : i32
    %c0_i32_1 = arith.constant 0 : i32
    return %c0_i32, %c0_i32_0 : i32, i32
  }
  func.func @transform_6(%arg0: i32) -> (i32, i32) {
    %c0_i32 = arith.constant 0 : i32
    %c0_i32_0 = arith.constant 0 : i32
    %c0_i32_1 = arith.constant 0 : i32
    return %c0_i32, %c0_i32_0 : i32, i32
  }
  func.func @transform_7(%arg0: i32) -> (i32, i32) {
    %c0_i32 = arith.constant 0 : i32
    %c0_i32_0 = arith.constant 0 : i32
    %c0_i32_1 = arith.constant 0 : i32
    return %c0_i32, %c0_i32_0 : i32, i32
  }
  func.func @transform_8(%arg0: i32) -> (i32, i32) {
    %c0_i32 = arith.constant 0 : i32
    %c0_i32_0 = arith.constant 0 : i32
    %c0_i32_1 = arith.constant 0 : i32
    return %c0_i32, %c0_i32_0 : i32, i32
  }
  func.func @transform_9(%arg0: i32) -> (i32, i32) {
    %c0_i32 = arith.constant 0 : i32
    %c0_i32_0 = arith.constant 0 : i32
    %c0_i32_1 = arith.constant 0 : i32
    return %c0_i32, %c0_i32_0 : i32, i32
  }
  func.func @transform_10(%arg0: i32) -> (i32, i32) {
    %c0_i32 = arith.constant 0 : i32
    %c0_i32_0 = arith.constant 0 : i32
    return %arg0, %c0_i32 : i32, i32
  }
}

</mosaic_0001>

<sc_bundles>
// kernel: kernel.5.cloned.1.call-start
scs
__scs_entry_jumppad:
0x0: {  	(pc) =	sbr.rel $0x88, $3  }
0x1: {  	(tag) =	ssettag $0x0;
	lr =	simm.s32 $0x1  }
0x2: {  	[smem:$0x3F93] =	sst lr;
	_ =	strace $0xD0000000  }
0x3: {  	_ = 	snop  }
0x4: {  	_ = 	snop  }
0x5: {  	_ = 	snop  }
0x6: {  	_ = 	snop  }
0x7: {  	_ = 	snop  }
__scs_overlays_trampoline_lowered:
0x8: {  	[smem:$0x3FA2] =	sst s0  }
0x9: {  	[smem:$0x3FA3] =	sst s1  }
0xa: {  	[smem:$0x3FA4] =	sst s2  }
0xb: {  	[smem:$0x3FA5] =	sst s3  }
0xc: {  	[smem:$0x3FA6] =	sst s4  }
0xd: {  	[smem:$0x3FA7] =	sst s5  }
0xe: {  	[smem:$0x3FA8] =	sst s6  }
0xf: {  	[smem:$0x3FA9] =	sst s7  }
0x10: {  	[smem:$0x3FAA] =	sst s8  }
0x11: {  	[smem:$0x3FAB] =	sst s9;
	s0 =	simm.s32 @!p0 $0x0  }
0x12: {  	s1 =	sld [smem:$0x3F91];
	s0 =	simm.s32 @p0 $0x1  }
0x13: {  	[smem:$0x3FAC] =	sst s0;
	s0 =	simm.s32 @!p1 $0x0  }
0x14: {  	s2 =	sld [smem:$0x3F90];
	s0 =	simm.s32 @p1 $0x1  }
0x15: {  	[smem:$0x3FAD] =	sst s0;
	s0 =	simm.s32 @!p2 $0x0  }
0x16: {  	s3 =	sld [smem:$0x3FDB];
	s0 =	simm.s32 @p2 $0x1  }
0x17: {  	s4 =	simm.s32 $0x1BF5;
	[smem:$0x3FAF] =	sst s0  }
0x18: {  	s0 =	sld [smem:$0x3F92];
	_ =	swait.ge [sflag:s4], $0x0  }
0x19: {  	s7 =	sld [smem:$0x3F93]  }
0x1a: {  	s8 =	sadd.s32 $0xFFFFE003, lr  }
0x1b: {  	s9 =	sadd.s32 $0xFFFFFEF7, lr;
	s5 =	simm.s32 $0xFFFFFFFF;
	p2 =	slt.u32 s8, $0xFFFFF086  }
0x1c: {  	p1 =	slt.u32 s9, $0xF7A;
	s5 =	simm.s32 @!p2 $0x0  }
0x1d: {  	s5 =	simm.s32 @p1 $0x1;
	p0 =	seq.s32 s7, s2  }
0x1e: {  	s7 =	smul.u32 @!p0 $0xF7A, s2;
	p2 =	seq.s32 @!p0 s5, $0x0  }
0x1f: {  	s9 =	smul.u32 $0xF7A, s1;
	s8 =	simm.s32 @!p0 $0x1BF5;
	p2 =	por !p2, p0  }
0x20: {  	[sflag:s8] =	ssyncset.s32 @!p0 $0xFFFFF086;
	s6 =	sadd.s32 @!p0 s3, s7;
	s7 =	simm.s32 @!p0 $0x108  }
0x21: {  	s3 =	sadd.s32 s3, s9;
	s6 =	sadd.s32 @!p0 $0x88, s6;
	s7 =	simm.s32 @p2 $0x1082  }
0x22: {  	[simem:s7], [sflag:s8] =	dma.local @!p0 [hbm:s6], $0xF7A  }
0x23: {  	s9 =	sor.u32 $0xD0000000, s2;
	s6 =	simm.s32 $0x108;
	_ =	swait.ge @!p0 [sflag:s8], $0x0  }
0x24: {  	s3 =	sadd.s32 $0x88, s3;
	s6 =	simm.s32 @!p1 $0x1082;
	[sflag:s4] =	ssyncset.s32 $0xFFFFF086  }
0x25: {  	[simem:s6], [sflag:s4] =	dma.local [hbm:s3], $0xF7A  }
0x26: {  	[smem:$0x3F93] =	sst s1;
	(tag) =	ssettag s2;
	_ =	strace s9  }
0x27: {  	s1 =	sld [smem:$0x3FA3]  }
0x28: {  	s2 =	sld [smem:$0x3FA4]  }
0x29: {  	s4 =	sld [smem:$0x3FA6]  }
0x2a: {  	p0 =	seq.s32 s5, $0x0;
	s5 =	sld [smem:$0x3FA7]  }
0x2b: {  	s6 =	sld [smem:$0x3FA8]  }
0x2c: {  	s7 =	sld [smem:$0x3FA9]  }
0x2d: {  	s3 =	simm.s32 $0x108;
	s8 =	sld [smem:$0x3FAA]  }
0x2e: {  	s3 =	simm.s32 @!p0 $0x1082;
	s9 =	sld [smem:$0x3FAB]  }
0x2f: {  	lr =	sadd.s32 s0, s3;
	s0 =	sld [smem:$0x3FA2]  }
0x30: {  	s3 =	sld [smem:$0x3FA5]  }
0x31: {  	[smem:$0x3FAE] =	sst s10  }
0x32: {  	s10 =	sld [smem:$0x3FAC];
	_ =	sdelay $0x3  }
0x33: {  	p0 =	seq.s32 s10, $0x1;
	s10 =	sld [smem:$0x3FAE];
	_ =	sdelay $0x3  }
0x34: {  	[smem:$0x3FAE] =	sst s10  }
0x35: {  	s10 =	sld [smem:$0x3FAD];
	_ =	sdelay $0x3  }
0x36: {  	p1 =	seq.s32 s10, $0x1;
	s10 =	sld [smem:$0x3FAE];
	_ =	sdelay $0x3  }
0x37: {  	[smem:$0x3FAE] =	sst s10  }
0x38: {  	s10 =	sld [smem:$0x3FAF]  }
0x39: {  	_ = 	snop;
	(pc) =	sbr.ind lr, $3  }
0x3a: {  	_ = 	snop  }
0x3b: {  	_ = 	snop  }
0x3c: {  	p2 =	seq.s32 s10, $0x1;
	s10 =	sld [smem:$0x3FAE]  }
0x3d: {  	_ =	shalt  }
0x3e: {  	_ =	shalt  }
0x3f: {  	_ =	shalt  }
0x40: {  	_ =	shalt  }
0x41: {  	_ =	shalt  }
0x42: {  	_ =	shalt  }
0x43: {  	_ =	shalt  }
0x44: {  	_ =	shalt  }
0x45: {  	_ =	shalt  }
0x46: {  	_ =	shalt  }
0x47: {  	_ =	shalt  }
0x48: {  	_ =	shalt  }
0x49: {  	_ =	shalt  }
0x4a: {  	_ =	shalt  }
0x4b: {  	_ =	shalt  }
0x4c: {  	_ =	shalt  }
0x4d: {  	_ =	shalt  }
0x4e: {  	_ =	shalt  }
0x4f: {  	_ =	shalt  }
0x50: {  	_ =	shalt  }
0x51: {  	_ =	shalt  }
0x52: {  	_ =	shalt  }
0x53: {  	_ =	shalt  }
0x54: {  	_ =	shalt  }
0x55: {  	_ =	shalt  }
0x56: {  	_ =	shalt  }
0x57: {  	_ =	shalt  }
0x58: {  	_ =	shalt  }
0x59: {  	_ =	shalt  }
0x5a: {  	_ =	shalt  }
0x5b: {  	_ =	shalt  }
0x5c: {  	_ =	shalt  }
0x5d: {  	_ =	shalt  }
0x5e: {  	_ =	shalt  }
0x5f: {  	_ =	shalt  }
0x60: {  	_ =	shalt  }
0x61: {  	_ =	shalt  }
0x62: {  	_ =	shalt  }
0x63: {  	_ =	shalt  }
0x64: {  	_ =	shalt  }
0x65: {  	_ =	shalt  }
0x66: {  	_ =	shalt  }
0x67: {  	_ =	shalt  }
0x68: {  	_ =	shalt  }
0x69: {  	_ =	shalt  }
0x6a: {  	_ =	shalt  }
0x6b: {  	_ =	shalt  }
0x6c: {  	_ =	shalt  }
0x6d: {  	_ =	shalt  }
0x6e: {  	_ =	shalt  }
0x6f: {  	_ =	shalt  }
0x70: {  	_ =	shalt  }
0x71: {  	_ =	shalt  }
0x72: {  	_ =	shalt  }
0x73: {  	_ =	shalt  }
0x74: {  	_ =	shalt  }
0x75: {  	_ =	shalt  }
0x76: {  	_ =	shalt  }
0x77: {  	_ =	shalt  }
0x78: {  	_ =	shalt  }
0x79: {  	_ =	shalt  }
0x7a: {  	_ =	shalt  }
0x7b: {  	_ =	shalt  }
0x7c: {  	_ =	shalt  }
0x7d: {  	_ =	shalt  }
0x7e: {  	_ =	shalt  }
0x7f: {  	_ =	shalt  }
0x80: {  	_ =	shalt  }
0x81: {  	_ =	shalt  }
0x82: {  	_ =	shalt  }
0x83: {  	_ =	shalt  }
0x84: {  	_ =	shalt  }
0x85: {  	_ =	shalt  }
0x86: {  	_ =	shalt  }
0x87: {  	_ =	shalt  }
.Lfunc_end0:
.L_simem_size_0:
called_computation_lowered:
.L_overlay_start_0:
0x88: {  	s2 =	sld [smem:$0x3FD9]  }
0x89: {  	s3 =	sld [smem:$0x3FFE];
	_ =	sdelay $0x1  }
0x8a: {  	s1 =	srdreg.scid  }
0x8b: {  	s0 =	sand.u32 $0x1, s1  }
0x8c: {  	s16 =	sshll.u32 s0, $0xA;
	s2 =	sadd.s32 s3, s2  }
0x8d: {  	s2 =	sadd.s32 s2, s16  }
0x8e: {  	[smem:$0x3FBA] =	sst s2  }
0x8f: {  	_ = 	snop  }
0x90: {  	(tm) =	ssettm $0x1  }
0x91: {  	s17 =	sld [smem:$0x3FFB];
	_ =	sdelay $0x3  }
0x92: {  	_ =	strace s17  }
0x93: {  	s2 =	sld [smem:$0x3FFC];
	_ =	sdelay $0x3  }
0x94: {  	_ =	strace s2  }
0x95: {  	s2 =	sld [smem:$0x3FFD];
	_ =	sdelay $0x3  }
0x96: {  	_ =	strace s2  }
0x97: {  	_ =	strace $0x8FFFFFFF  }
0x98: {  	s18 =	sld [smem:$0x3FDB];
	_ =	sdelay $0x1  }
0x99: {  	s19 =	simm.s32 $_scs_section_size  }
0x9a: {  	s4 =	simm.s32 $_size__tile_overlayer_lowered;
	s5 =	simm.s32 $_tile_overlayer_lowered  }
0x9b: {  	s22 =	simm.s32 $0x1BFF;
	s21 =	sshll.u32 s5, $0x1;
	s2 =	sadd.s32 s19, s18  }
0x9c: {  	s6 =	simm.s32 $0x0;
	s20 =	sshll.u32 s4, $0x1;
	s4 =	sadd.s32 s21, s2  }
0x9d: {  	[timem:s6], [sflag:s22] =	dma.local [hbm:s4], s20  }
0x9e: {  	_ =	swait.ge [sflag:s22], s20  }
0x9f: {  	s3 =	ssub.s32 $0x0, s20;
	[sflag:s22] =	ssyncset.done $0x0  }
0xa0: {  	[sflag:s22] =	ssyncadd.s32 s3;
	_ =	sdelay $0x1  }
0xa1: {  	s23 =	simm.s32 $0x1B8B  }
0xa2: {  	_ =	swait.ge [sflag:s23], $0x1  }
0xa3: {  	[sflag:s23] =	ssyncset.done $0x0  }
0xa4: {  	s25 =	simm.s32 $0x1B8E;
	s24 =	sld [smem:$0x3FFE];
	[sflag:s23] =	ssyncadd.s32 $0xFFFFFFFF  }
0xa5: {  	s26 =	simm.s32 $execute0_lowered;
	[smem:$0x3FD2] =	sst s25  }
0xa6: {  	s4 =	sshll.u32 s26, $0x1;
	_ =	strace $0x80000046;
	[dreg:$0x1] =	wrdreg $0xFFFFFFFF  }
0xa7: {  	s28 =	simm.s32 $_size_execute0_lowered;
	s2 =	sadd.s32 s2, s4;
	[dreg:$0x0] =	wrdreg $0x0  }
0xa8: {  	s4 =	sshll.u32 s28, $0x1;
	[dreg:$0x2] =	wrdreg s2  }
0xa9: {  	[dreg:$0x3] =	wrdreg s4  }
0xaa: {  	[dreg:$0x4] =	wrdreg $0xC0  }
0xab: {  	_ =	task [dreg:s6], $0x5FFFF  }
0xac: {  	[dreg:$0x1] =	wrdreg $0xFFFFFFFF  }
0xad: {  	[dreg:$0x0] =	wrdreg $0x60  }
0xae: {  	[dreg:$0x2] =	wrdreg s24  }
0xaf: {  	[dreg:$0x3] =	wrdreg $0x48000  }
0xb0: {  	[dreg:$0x4] =	wrdreg $0x9  }
0xb1: {  	_ =	task.clear_ibuf [dreg:s6], $0x5FFFF;
	_ =	strace $0x90000046  }
0xb2: {  	s29 =	simm.s32 $0x9;
	_ =	strace $0x80000048  }
0xb3: {  	_ =	swait.ge [sflag:s29], $0x1  }
0xb4: {  	[sflag:s29] =	ssyncadd.s32 $0xFFFFFFFF  }
0xb5: {  	_ =	strace $0x90000048  }
0xb6: {  	_ =	sfence  }
0xb7: {  	s30 =	sld [smem:$0x0];
	_ =	sdelay $0x2  }
0xb8: {  	s31 =	sshll.u32 s1, $0xD;
	s1 =	sshrl.u32 s1, $0x2  }
0xb9: {  	s3 =	sand.u32 $0x4000, s31;
	s1 =	sadd.s32 s1, s30  }
0xba: {  	s0 =	sor.u32 s3, s0;
	s1 =	sshll.u32 s1, $0x11  }
0xbb: {  	s0 =	sor.u32 s1, s0  }
0xbc: {  	s0 =	sadd.s32 $0x8F2B, s0  }
0xbd: {  	[sflag:s0] =	ssyncadd.remote.s32 $0x1  }
0xbe: {  	_ =	sfence.sel $0xFFFF  }
0xbf: {  	[dreg:$0x0] =	wrdreg $0xFFFFFFFF;
	(pc) =	sbr.abs _section_cstart, $3  }
0xc0: {  	[dreg:$0x1] =	wrdreg $0xFFFFFFFF  }
0xc1: {  	_ =	task.clear_ibuf [dreg:s6], $0x2FFFF;
	_ =	strace $0x9FFFFFFF  }
0xc2: {  	(tm) =	ssettm $0x7FFFFFFF  }
0xc3: {  	_ =	shalt  }
tec
execute0_lowered:
.L_overlay_start_1:
0x0: {  	(tag) =	ssettag $0x1  }
0x1: {  	s0 =	rddreg [dreg:$0x0]  }
0x2: {  	s1 =	rddreg [dreg:$0x1]  }
0x3: {  	s2 =	simm.s32 $0x0;
	s22 =	srdreg.scid;
	s6 =	stileid.u32  }
0x4: {  	s12 =	simm.s32 $0x7;
	s20 =	simm.s32 $0x1;
	s21 =	simm.s32 $0x40  }
0x5: {  	s28 =	simm.s32 $0x4400;
	s29 =	simm.s32 $0x3600;
	s30 =	simm.s32 $0x4600  }
0x6: {  	s31 =	simm.s32 $0x2;
	s15 =	simm.s32 $0x5;
	[smem:$0x7FF] =	sst s2  }
0x7: {  	s13 =	simm.s32 $0x0;
	s3 =	sadd.s32 $0x1C3CA00, s0;
	s4 =	sadd.s32 $0x1A1CE00, s0  }
0x8: {  	s5 =	sadd.s32 $0x2000, s0;
	s7 =	sadd.s32 $0x1314E00, s0;
	s8 =	sadd.s32 $0x94800, s0  }
0x9: {  	s10 =	smul.u32 $0x3D400, s6;
	s11 =	sadd.s32 $0xAD800, s0;
	s0 =	sadd.s32 $0x1440E00, s0  }
0xa: {  	s25 =	smul.u32 $0x620, s6;
	_ =	strace $0x80000047;
	[dreg:$0x3] =	wrdreg s4  }
0xb: {  	s26 =	sshll.u32 s6, $0x6;
	s14 =	smul.u32 $0xC8, s6;
	[dreg:$0x4] =	wrdreg s11  }
0xc: {  	s4 =	sand.u32 $0x1, s22;
	[dreg:$0x5] =	wrdreg s0;
	s22 =	simm.s32 $0x1800  }
0xd: {  	s9 =	ssub.s32 $0x2, s4;
	s4 =	smul.u32 $0x6, s4;
	s24 =	sshrl.u32 s10, $0x2  }
0xe: {  	[dreg:$0x7] =	wrdreg s25;
	s10 =	sor.u32 $0x1C07, s26;
	s25 =	simm.s32 $0x4200  }
0xf: {  	s26 =	simm.s32 $0x2C00;
	s23 =	sshrl.u32 s9, $0x1;
	[dreg:$0x8] =	wrdreg s10  }
0x10: {  	s0 =	ssub.s32 s9, s23;
	[dreg:$0x6] =	wrdreg s4;
	s4 =	sadd.s32 s24, s1  }
0x11: {  	s23 =	simm.s32 $0x4000;
	s24 =	simm.s32 $0x2200;
	s0 =	smax.u32 s0, $0x1  }
0x12: {  	s9 =	simm.s32 $0x100;
	s11 =	sshrl.u32 s4, $0x3;
	[dreg:$0x9] =	wrdreg s0  }
0x13: {  	v0 =	vlaneseq.u32;
	s4 =	simm.s32 $0x4;
	s0 =	simm.s32 $0x3;
	[dreg:$0xa] =	wrdreg s11  }
.LBB2_1:
0x14: {  	[dreg:$0xb] =	wrdreg s13;
	s13 =	simm.s32 $0x0  }
.LBB2_2:
0x15: {  	s6 =	rddreg [dreg:$0x4]  }
0x16: {  	[spmem:s11], [sflag:s10] =	dma.local [hbm:s6], $0x1EA0  }
0x17: {  	[dreg:$0xc] =	wrdreg s13  }
0x18: {  	s6 =	rddreg [dreg:$0x6]  }
0x19: {  	_ =	swait.ge [sflag:s12], $0x1EA0;
	s6 =	sadd.s32 s6, s13  }
0x1a: {  	[sflag:s12] =	ssyncset.done $0x0;
	s19 =	smul.u32 $0xC80, s6  }
0x1b: {  	[dreg:$0xd] =	wrdreg s6;
	[sflag:s12] =	ssyncadd.s32 $0xFFFFE160  }
0x1c: {  	s13 =	simm.s32 $0x0;
	[bflag:$0x0] =	sbarrier.arrive $0xFFFF;
	s10 =	sadd.s32 s14, s19  }
.LBB2_3:
0x1d: {  	p0 =	seq.s32 s13, $0x0  }
0x1e: {  	s12 =	sand.u32 $0x7, s13;
	s16 =	simm.s32 @!p0 $0x6  }
0x1f: {  	p1 =	sne.s32 @!p0 s12, $0x0;
	_ =	swait.ge @!p0 [sflag:s16], $0x2200  }
0x20: {  	p1 =	por p0, !p1;
	[sflag:s16] =	ssyncset.done @!p0 $0x0  }
0x21: {  	[sflag:s16] =	ssyncadd.s32 @!p0 $0xFFFFDE00;
	s16 =	sadd.s32 @p1 s13, s10  }
0x22: {  	s16 =	sshll.u32 @p1 s16, $0x5  }
0x23: {  	s6 =	rddreg @p1 [dreg:$0x3];
	s16 =	sand.u32 @p1 $0x1FFFFF00, s16  }
0x24: {  	s17 =	sadd.s32 @p1 s6, s16  }
0x25: {  	[tilespmem:s2], [sflag:$0x1] =	stream.linear.gather @p1 [hbm4b:s17+s2], $0x800, $0x38;
	[tilespmem:$0x1E880] =	vst v63  }
0x26: {  	s16 =	sadd.s32 @p1 s7, s16;
	s6 =	simm.s32 @p1 $0x800;
	s17 =	sadd.s32 @p1 s14, s13  }
0x27: {  	[tilespmem:s6], [sflag:$0x1] =	stream.linear.gather @p1 [hbm4b:s16+s2], $0x800, $0x38;
	[tilespmem:$0x1E880] =	vst v63  }
0x28: {  	s16 =	sshll.u32 @p1 s17, $0x5  }
0x29: {  	s6 =	simm.s32 @p1 $0x1000;
	s16 =	sadd.s32 @p1 s8, s16  }
0x2a: {  	[tilespmem:s6], [sflag:$0x1] =	stream.linear.gather @p1 [hbm4b:s16+s2], $0x800, $0x38;
	[tilespmem:$0x1E880] =	vst v63  }
0x2b: {  	_ =	swait.ge @p1 [sflag:s20], $0x800  }
0x2c: {  	[sflag:s20] =	ssyncset.done @p1 $0x0  }
0x2d: {  	[sflag:s20] =	ssyncadd.s32 @p1 $0xFFFFF800  }
0x2e: {  	_ =	swait.ge @p1 [sflag:s20], $0x800  }
0x2f: {  	[sflag:s20] =	ssyncset.done @p1 $0x0  }
0x30: {  	[sflag:s20] =	ssyncadd.s32 @p1 $0xFFFFF800  }
0x31: {  	_ =	swait.ge @p1 [sflag:s20], $0x800  }
0x32: {  	[sflag:s20] =	ssyncset.done @p1 $0x0  }
0x33: {  	s16 =	sshll.u32 s12, $0x8;
	[sflag:s20] =	ssyncadd.s32 @p1 $0xFFFFF800  }
0x34: {  	[tilespmem:s22], [sflag:$0x2] =	stream.indirect.gather [hbm4b:s3+s21], $0x22, s16, s21, $0xb8;
	[tilespmem:$0x1E880] =	vst v63  }
0x35: {  	s12 =	sor.u32 $0x800, s16  }
0x36: {  	[tilespmem:s23], [sflag:$0x2] =	stream.indirect.gather [hbm4b:s5+s21], $0x2, s12, s21, $0xb8;
	[tilespmem:$0x1E880] =	vst v63  }
0x37: {  	s18 =	sor.u32 $0x40, s16  }
0x38: {  	[tilespmem:s24], [sflag:$0x3] =	stream.indirect.gather [hbm4b:s3+s21], $0x22, s18, s21, $0xb8;
	[tilespmem:$0x1E880] =	vst v63  }
0x39: {  	s19 =	sor.u32 $0x840, s16  }
0x3a: {  	[tilespmem:s25], [sflag:$0x3] =	stream.indirect.gather [hbm4b:s5+s21], $0x2, s19, s21, $0xb8;
	[tilespmem:$0x1E880] =	vst v63  }
0x3b: {  	s6 =	sor.u32 $0x80, s16  }
0x3c: {  	[tilespmem:s26], [sflag:$0x4] =	stream.indirect.gather [hbm4b:s3+s21], $0x22, s6, s21, $0xb8;
	[tilespmem:$0x1E880] =	vst v63  }
0x3d: {  	s11 =	sor.u32 $0x880, s16  }
0x3e: {  	[tilespmem:s28], [sflag:$0x4] =	stream.indirect.gather [hbm4b:s5+s21], $0x2, s11, s21, $0xb8;
	[tilespmem:$0x1E880] =	vst v63  }
0x3f: {  	s17 =	sor.u32 $0xC0, s16  }
0x40: {  	[tilespmem:s29], [sflag:$0x5] =	stream.indirect.gather [hbm4b:s3+s21], $0x22, s17, s21, $0xb8;
	[tilespmem:$0x1E880] =	vst v63  }
0x41: {  	s12 =	simm.s32 $0x0;
	s18 =	sor.u32 $0x8C0, s16  }
0x42: {  	v1 =	vor.u32 s12, v0;
	[tilespmem:s30], [sflag:$0x5] =	stream.indirect.gather [hbm4b:s5+s21], $0x2, s18, s21, $0xb8;
	[tilespmem:$0x1E880] =	vst v63  }
0x43: {  	v2 =	vmul.u32 $0x28, v1;
	_ =	swait.ge [sflag:s31], $0x880  }
0x44: {  	v3 =	vshll.u32 v1, $0x3;
	[sflag:s31] =	ssyncset.done $0x0  }
0x45: {  	v1 =	vadd.s32 $0x20, v2;
	[sflag:s31] =	ssyncadd.s32 $0xFFFFF780  }
0x46: {  	v4 =	vor.u32 $0x1, v3;
	_ =	swait.ge [sflag:s31], $0x80  }
0x47: {  	v2 =	vadd.s32 $0x21, v2;
	[sflag:s31] =	ssyncset.done $0x0  }
0x48: {  	[sflag:s31] =	ssyncadd.s32 $0xFFFFFF80  }
0x49: {  	v3 =	vld.idx.msk [tilespmem:v3+s23+$0x0], $0xffff  }
0x4a: {  	v5 =	vld.idx.msk [tilespmem:v1+s22+$0x0], $0xffff  }
0x4b: {  	v4 =	vld.idx.msk [tilespmem:v4+s23+$0x0], $0xffff  }
0x4c: {  	v6 =	vld.idx.msk [tilespmem:v2+s22+$0x0], $0xffff;
	_ =	sdelay $0x3  }
0x4d: {  	v3 =	vadd.f32 v3, v5  }
0x4e: {  	v4 =	vadd.f32 v4, v6  }
0x4f: {  	v5 =	vmul.f32 $2.000000030e-01, v3  }
0x50: {  	vm0 =	vge.f32 v3, $0.0e+00;
	v6 =	vmul.f32 $2.000000030e-01, v4  }
0x51: {  	vm15 =	vge.f32 v4, $0.0e+00;
	v3 =	vsel vm0, v3, v5  }
0x52: {  	v4 =	vsel vm15, v4, v6;
	v3 =	vmul.f32 $1.442695020e+00, v3  }
0x53: {  	v4 =	vmul.f32 $1.442695020e+00, v4  }
0x54: {  	(erf) = vpow2.f32 v3  }
0x55: {  	(erf) = vpow2.f32 v4;
	_ =	sdelay $0x2  }
0x56: {  	s19 =	simm.s32 $0x10  }
0x57: {  	v3 =	vor.u32 s19, v0  }
0x58: {  	v4 =	vmul.u32 $0x28, v3  }
0x59: {  	s17 =	simm.s32 $0x20;
	v3 =	vshll.u32 v3, $0x3  }
.LBB2_4:
0x5a: {  	p0 =	sne.s32 s17, $0x30;
	v5 =	vadd.s32 $0x20, v4  }
0x5b: {  	v6 =	vor.u32 $0x1, v3;
	v7 =	vpop (erf)  }
0x5c: {  	v4 =	vadd.s32 $0x21, v4;
	[tilespmem:v1+s22+$0x0] =	vst.idx.msk $0xffff, v7;
	v7 =	vpop (erf);
	v1 =	vmov v5  }
0x5d: {  	[tilespmem:v2+s22+$0x0] =	vst.idx.msk $0xffff, v7;
	v2 =	vmov v4  }
0x5e: {  	v3 =	vld.idx.msk [tilespmem:v3+s23+$0x0], $0xffff  }
0x5f: {  	v5 =	vld.idx.msk [tilespmem:v5+s22+$0x0], $0xffff  }
0x60: {  	v6 =	vld.idx.msk [tilespmem:v6+s23+$0x0], $0xffff  }
0x61: {  	v4 =	vld.idx.msk [tilespmem:v4+s22+$0x0], $0xffff;
	_ =	sdelay $0x4  }
0x62: {  	v3 =	vadd.f32 v3, v5  }
0x63: {  	v4 =	vadd.f32 v6, v4  }
0x64: {  	v5 =	vmul.f32 $2.000000030e-01, v3  }
0x65: {  	vm0 =	vge.f32 v3, $0.0e+00;
	v6 =	vmul.f32 $2.000000030e-01, v4  }
0x66: {  	v3 =	vsel vm0, v3, v5;
	vm0 =	vge.f32 v4, $0.0e+00  }
0x67: {  	v3 =	vmul.f32 $1.442695020e+00, v3;
	v4 =	vsel vm0, v4, v6  }
0x68: {  	v4 =	vmul.f32 $1.442695020e+00, v4  }
0x69: {  	(erf) = vpow2.f32 v3  }
0x6a: {  	(erf) = vpow2.f32 v4;
	_ =	sdelay $0x1  }
.Ltmp0:
0x6b: {  	(pc) =	sbr.rel @p0 .LBB2_4-.Ltmp0, $4  }
0x6c: {  	_ = 	snop  }
0x6d: {  	v3 =	vor.u32 s17, v0  }
0x6e: {  	v4 =	vmul.u32 $0x28, v3  }
0x6f: {  	s17 =	sadd.s32 $0x10, s17;
	v3 =	vshll.u32 v3, $0x3  }
0x70: {  	_ =	sdelay $0x1  }
0x71: {  	v5 =	vadd.s32 $0x20, v4  }
0x72: {  	v6 =	vor.u32 $0x1, v3;
	v7 =	vpop (erf)  }
0x73: {  	v4 =	vadd.s32 $0x21, v4;
	[tilespmem:v1+s22+$0x0] =	vst.idx.msk $0xffff, v7;
	v1 =	vpop (erf)  }
0x74: {  	[tilespmem:v2+s22+$0x0] =	vst.idx.msk $0xffff, v1  }
0x75: {  	v1 =	vld.idx.msk [tilespmem:v3+s23+$0x0], $0xffff  }
0x76: {  	v2 =	vld.idx.msk [tilespmem:v5+s22+$0x0], $0xffff  }
0x77: {  	v3 =	vld.idx.msk [tilespmem:v6+s23+$0x0], $0xffff  }
0x78: {  	v6 =	vld.idx.msk [tilespmem:v4+s22+$0x0], $0xffff;
	_ =	sdelay $0x3  }
0x79: {  	v1 =	vadd.f32 v1, v2  }
0x7a: {  	v2 =	vadd.f32 v3, v6  }
0x7b: {  	v3 =	vmul.f32 $2.000000030e-01, v1  }
0x7c: {  	vm0 =	vge.f32 v1, $0.0e+00;
	v6 =	vmul.f32 $2.000000030e-01, v2  }
0x7d: {  	vm15 =	vge.f32 v2, $0.0e+00;
	v1 =	vsel vm0, v1, v3  }
0x7e: {  	v2 =	vsel vm15, v2, v6;
	v1 =	vmul.f32 $1.442695020e+00, v1  }
0x7f: {  	v2 =	vmul.f32 $1.442695020e+00, v2  }
0x80: {  	(erf) = vpow2.f32 v1  }
0x81: {  	(erf) = vpow2.f32 v2;
	_ =	sdelay $0x1  }
0x82: {  	v1 =	vmov s12  }
0x83: {  	v1 =	vmul.u32 $0x28, v1;
	_ =	sdelay $0x1  }
0x84: {  	v1 =	vadd.s32 $0x20, v1  }
0x85: {  	v1 =	vbroadcast v1, $0x0;
	_ =	sdelay $0x1  }
0x86: {  	v3 =	vor.u32 $0x1, v1;
	v2 =	vpop (erf)  }
0x87: {  	[tilespmem:v5+s22+$0x0] =	vst.idx.msk $0xffff, v2;
	v2 =	vpop (erf)  }
0x88: {  	s17 =	simm.s32 $0x1850;
	[tilespmem:v4+s22+$0x0] =	vst.idx.msk $0xffff, v2  }
0x89: {  	s11 =	simm.s32 $0x1;
	v2 =	vld [tilespmem:s17+$0xFFFFFFB0]  }
0x8a: {  	v4 =	vmov s11;
	v1 =	vld.idx.msk [tilespmem:v1+s22+$0x0], $0xffff  }
0x8b: {  	v4 =	vmul.u32 $0x28, v4;
	v3 =	vld.idx.msk [tilespmem:v3+s22+$0x0], $0xffff  }
0x8c: {  	v5 =	vld [tilespmem:s17+$0xFFFFFFC0]  }
0x8d: {  	v4 =	vadd.s32 $0x20, v4  }
0x8e: {  	v4 =	vbroadcast v4, $0x0;
	_ =	sdelay $0x1  }
0x8f: {  	v1 =	vmul.f32 v2, v1;
	v2 =	vor.u32 $0x1, v4  }
0x90: {  	v3 =	vmul.f32 v5, v3  }
0x91: {  	s18 =	simm.s32 $0x2;
	v5 =	vld [tilespmem:s17+$0xFFFFFFE8];
	[tilespmem:s17+$0xFFFFFFB0] =	vst v1  }
0x92: {  	v1 =	vld [tilespmem:s17+$0xFFFFFFD8];
	[tilespmem:s17+$0xFFFFFFC0] =	vst v3;
	v3 =	vmov s18  }
0x93: {  	v3 =	vmul.u32 $0x28, v3;
	v4 =	vld.idx.msk [tilespmem:v4+s22+$0x0], $0xffff  }
0x94: {  	v2 =	vld.idx.msk [tilespmem:v2+s22+$0x0], $0xffff  }
0x95: {  	v3 =	vadd.s32 $0x20, v3  }
0x96: {  	v3 =	vbroadcast v3, $0x0;
	_ =	sdelay $0x1  }
0x97: {  	v1 =	vmul.f32 v1, v4  }
0x98: {  	v4 =	vor.u32 $0x1, v3;
	v2 =	vmul.f32 v5, v2  }
0x99: {  	[tilespmem:s17+$0xFFFFFFD8] =	vst v1  }
0x9a: {  	s19 =	simm.s32 $0x3;
	v1 =	vld [tilespmem:s17+$0x0];
	[tilespmem:s17+$0xFFFFFFE8] =	vst v2  }
0x9b: {  	v5 =	vmov s19;
	v2 =	vld.idx.msk [tilespmem:v3+s22+$0x0], $0xffff  }
0x9c: {  	v5 =	vmul.u32 $0x28, v5;
	v3 =	vld [tilespmem:s17+$0x10]  }
0x9d: {  	v4 =	vld.idx.msk [tilespmem:v4+s22+$0x0], $0xffff  }
0x9e: {  	v5 =	vadd.s32 $0x20, v5  }
0x9f: {  	v5 =	vbroadcast v5, $0x0;
	_ =	sdelay $0x1  }
0xa0: {  	v6 =	vor.u32 $0x1, v5;
	v1 =	vmul.f32 v1, v2  }
0xa1: {  	v3 =	vmul.f32 v3, v4  }
0xa2: {  	s12 =	simm.s32 $0x4;
	v2 =	vld [tilespmem:s17+$0x28];
	[tilespmem:s17+$0x0] =	vst v1  }
0xa3: {  	v1 =	vmov s12;
	[tilespmem:s17+$0x10] =	vst v3;
	v3 =	vld [tilespmem:s17+$0x38]  }
0xa4: {  	v1 =	vmul.u32 $0x28, v1;
	v4 =	vld.idx.msk [tilespmem:v5+s22+$0x0], $0xffff  }
0xa5: {  	v5 =	vld.idx.msk [tilespmem:v6+s22+$0x0], $0xffff  }
0xa6: {  	v1 =	vadd.s32 $0x20, v1  }
0xa7: {  	s18 =	simm.s32 $0x1850;
	s19 =	simm.s32 $0x8;
	v1 =	vbroadcast v1, $0x0  }
.LBB2_6:
0xa8: {  	p0 =	sne.s32 s19, $0x3C  }
0xa9: {  	v2 =	vmul.f32 v2, v4;
	s17 =	sadd.s32 $0xA0, s17;
	s11 =	smov.u32 s19;
	s19 =	sadd.s32 $0x4, s19;
	v6 =	vor.u32 $0x1, v1  }
0xaa: {  	v3 =	vmul.f32 v3, v5  }
0xab: {  	s6 =	sadd.s32 $0x1, s12;
	[tilespmem:s18+$0x28] =	vst v2  }
0xac: {  	v4 =	vmov s6;
	v2 =	vld [tilespmem:s17+$0xFFFFFFB0];
	[tilespmem:s18+$0x38] =	vst v3;
	s18 =	smov.u32 s17  }
0xad: {  	v3 =	vmul.u32 $0x28, v4;
	v1 =	vld.idx.msk [tilespmem:v1+s22+$0x0], $0xffff  }
0xae: {  	v4 =	vld.idx.msk [tilespmem:v6+s22+$0x0], $0xffff  }
0xaf: {  	v3 =	vadd.s32 $0x20, v3;
	v5 =	vld [tilespmem:s17+$0xFFFFFFC0]  }
0xb0: {  	v3 =	vbroadcast v3, $0x0;
	_ =	sdelay $0x1  }
0xb1: {  	v6 =	vor.u32 $0x1, v3  }
0xb2: {  	v1 =	vmul.f32 v2, v1  }
0xb3: {  	v2 =	vmul.f32 v5, v4  }
0xb4: {  	s6 =	sadd.s32 $0x2, s12;
	[tilespmem:s17+$0xFFFFFFB0] =	vst v1;
	v1 =	vld [tilespmem:s17+$0xFFFFFFD8]  }
0xb5: {  	v4 =	vmov s6;
	[tilespmem:s17+$0xFFFFFFC0] =	vst v2;
	v2 =	vld [tilespmem:s17+$0xFFFFFFE8]  }
0xb6: {  	v4 =	vmul.u32 $0x28, v4;
	v3 =	vld.idx.msk [tilespmem:v3+s22+$0x0], $0xffff  }
0xb7: {  	v5 =	vld.idx.msk [tilespmem:v6+s22+$0x0], $0xffff  }
0xb8: {  	v4 =	vadd.s32 $0x20, v4  }
0xb9: {  	v4 =	vbroadcast v4, $0x0;
	_ =	sdelay $0x1  }
0xba: {  	v6 =	vor.u32 $0x1, v4  }
0xbb: {  	v1 =	vmul.f32 v1, v3  }
0xbc: {  	v2 =	vmul.f32 v2, v5  }
0xbd: {  	s6 =	sadd.s32 $0x3, s12;
	s12 =	smov.u32 s11;
	[tilespmem:s17+$0xFFFFFFD8] =	vst v1;
	v1 =	vld [tilespmem:s17+$0x0]  }
0xbe: {  	v3 =	vmov s6;
	[tilespmem:s17+$0xFFFFFFE8] =	vst v2;
	v2 =	vld [tilespmem:s17+$0x10]  }
0xbf: {  	v3 =	vmul.u32 $0x28, v3;
	v4 =	vld.idx.msk [tilespmem:v4+s22+$0x0], $0xffff  }
0xc0: {  	v5 =	vld.idx.msk [tilespmem:v6+s22+$0x0], $0xffff  }
0xc1: {  	v3 =	vadd.s32 $0x20, v3  }
0xc2: {  	v6 =	vbroadcast v3, $0x0;
	_ =	sdelay $0x1  }
0xc3: {  	v7 =	vor.u32 $0x1, v6  }
0xc4: {  	v1 =	vmul.f32 v1, v4  }
0xc5: {  	v3 =	vmul.f32 v2, v5  }
0xc6: {  	[tilespmem:s17+$0x0] =	vst v1;
	v2 =	vld [tilespmem:s17+$0x28]  }
0xc7: {  	[tilespmem:s17+$0x10] =	vst v3;
	v3 =	vld [tilespmem:s17+$0x38]  }
.Ltmp1:
0xc8: {  	v1 =	vmov s12;
	v4 =	vld.idx.msk [tilespmem:v6+s22+$0x0], $0xffff;
	(pc) =	sbr.rel @p0 .LBB2_6-.Ltmp1, $3  }
0xc9: {  	v1 =	vmul.u32 $0x28, v1;
	v5 =	vld.idx.msk [tilespmem:v7+s22+$0x0], $0xffff;
	_ =	sdelay $0x1  }
0xca: {  	v1 =	vadd.s32 $0x20, v1  }
0xcb: {  	v1 =	vbroadcast v1, $0x0  }
0xcc: {  	_ = 	snop  }
0xcd: {  	v2 =	vmul.f32 v2, v4;
	v6 =	vor.u32 $0x1, v1  }
0xce: {  	s6 =	sadd.s32 $0xA0, s17;
	v3 =	vmul.f32 v3, v5  }
0xcf: {  	s11 =	sadd.s32 $0x1, s12;
	v5 =	vld [tilespmem:s6+$0xFFFFFFC0];
	[tilespmem:s18+$0x28] =	vst v2  }
0xd0: {  	v2 =	vld [tilespmem:s6+$0xFFFFFFB0];
	[tilespmem:s18+$0x38] =	vst v3;
	v3 =	vmov s11  }
0xd1: {  	v1 =	vld.idx.msk [tilespmem:v1+s22+$0x0], $0xffff;
	v3 =	vmul.u32 $0x28, v3  }
0xd2: {  	v4 =	vld.idx.msk [tilespmem:v6+s22+$0x0], $0xffff  }
0xd3: {  	v3 =	vadd.s32 $0x20, v3  }
0xd4: {  	v3 =	vbroadcast v3, $0x0;
	_ =	sdelay $0x1  }
0xd5: {  	v6 =	vor.u32 $0x1, v3;
	v1 =	vmul.f32 v2, v1  }
0xd6: {  	v2 =	vmul.f32 v5, v4  }
0xd7: {  	s17 =	sadd.s32 $0x2, s12;
	[tilespmem:s6+$0xFFFFFFB0] =	vst v1;
	v1 =	vld [tilespmem:s6+$0xFFFFFFD8]  }
0xd8: {  	v4 =	vmov s17;
	[tilespmem:s6+$0xFFFFFFC0] =	vst v2;
	v2 =	vld [tilespmem:s6+$0xFFFFFFE8]  }
0xd9: {  	v4 =	vmul.u32 $0x28, v4;
	v3 =	vld.idx.msk [tilespmem:v3+s22+$0x0], $0xffff  }
0xda: {  	v5 =	vld.idx.msk [tilespmem:v6+s22+$0x0], $0xffff  }
0xdb: {  	v4 =	vadd.s32 $0x20, v4  }
0xdc: {  	v4 =	vbroadcast v4, $0x0;
	_ =	sdelay $0x1  }
0xdd: {  	v6 =	vor.u32 $0x1, v4;
	v1 =	vmul.f32 v1, v3  }
0xde: {  	v2 =	vmul.f32 v2, v5  }
0xdf: {  	s18 =	sadd.s32 $0x3, s12;
	[tilespmem:s6+$0xFFFFFFD8] =	vst v1;
	v1 =	vld [tilespmem:s6+$0x0]  }
0xe0: {  	v3 =	vmov s18;
	[tilespmem:s6+$0xFFFFFFE8] =	vst v2;
	v2 =	vld [tilespmem:s6+$0x10]  }
0xe1: {  	v3 =	vmul.u32 $0x28, v3;
	v4 =	vld.idx.msk [tilespmem:v4+s22+$0x0], $0xffff  }
0xe2: {  	v5 =	vld.idx.msk [tilespmem:v6+s22+$0x0], $0xffff  }
0xe3: {  	v3 =	vadd.s32 $0x20, v3  }
0xe4: {  	v3 =	vbroadcast v3, $0x0;
	_ =	sdelay $0x1  }
0xe5: {  	v6 =	vor.u32 $0x1, v3;
	v1 =	vmul.f32 v1, v4  }
0xe6: {  	v2 =	vmul.f32 v2, v5  }
0xe7: {  	[tilespmem:s6+$0x0] =	vst v1;
	v1 =	vld [tilespmem:s6+$0x28]  }
0xe8: {  	[tilespmem:s6+$0x10] =	vst v2;
	v2 =	vld [tilespmem:s6+$0x38]  }
0xe9: {  	v3 =	vld.idx.msk [tilespmem:v3+s22+$0x0], $0xffff  }
0xea: {  	v4 =	vld.idx.msk [tilespmem:v6+s22+$0x0], $0xffff;
	_ =	sdelay $0x3  }
0xeb: {  	v1 =	vmul.f32 v1, v3  }
0xec: {  	v2 =	vmul.f32 v2, v4  }
0xed: {  	[tilespmem:s6+$0x28] =	vst v1  }
0xee: {  	s12 =	simm.s32 $0x40;
	[tilespmem:s6+$0x38] =	vst v2  }
0xef: {  	v1 =	vor.u32 s12, v0;
	_ =	swait.ge [sflag:s0], $0x880  }
0xf0: {  	v2 =	vmul.u32 $0x28, v1;
	v3 =	vshll.u32 v1, $0x3;
	[sflag:s0] =	ssyncset.done $0x0  }
0xf1: {  	v4 =	vor.u32 $0x1, v3;
	[sflag:s0] =	ssyncadd.s32 $0xFFFFF780  }
0xf2: {  	v1 =	vadd.s32 $0x20, v2;
	_ =	swait.ge [sflag:s0], $0x80  }
0xf3: {  	v2 =	vadd.s32 $0x21, v2;
	[sflag:s0] =	ssyncset.done $0x0  }
0xf4: {  	[sflag:s0] =	ssyncadd.s32 $0xFFFFFF80  }
0xf5: {  	v3 =	vld.idx.msk [tilespmem:v3+s23+$0x0], $0xffff  }
0xf6: {  	v4 =	vld.idx.msk [tilespmem:v4+s23+$0x0], $0xffff  }
0xf7: {  	v5 =	vld.idx.msk [tilespmem:v1+s22+$0x0], $0xffff  }
0xf8: {  	v6 =	vld.idx.msk [tilespmem:v2+s22+$0x0], $0xffff;
	_ =	sdelay $0x3  }
0xf9: {  	v3 =	vadd.f32 v3, v5  }
0xfa: {  	v4 =	vadd.f32 v4, v6  }
0xfb: {  	v5 =	vmul.f32 $2.000000030e-01, v3  }
0xfc: {  	vm0 =	vge.f32 v3, $0.0e+00;
	v6 =	vmul.f32 $2.000000030e-01, v4  }
0xfd: {  	vm15 =	vge.f32 v4, $0.0e+00;
	v3 =	vsel vm0, v3, v5  }
0xfe: {  	v4 =	vsel vm15, v4, v6;
	v3 =	vmul.f32 $1.442695020e+00, v3  }
0xff: {  	v4 =	vmul.f32 $1.442695020e+00, v4  }
0x100: {  	(erf) = vpow2.f32 v3  }
0x101: {  	(erf) = vpow2.f32 v4;
	_ =	sdelay $0x2  }
0x102: {  	s19 =	simm.s32 $0x50  }
0x103: {  	v3 =	vor.u32 s19, v0  }
0x104: {  	v4 =	vmul.u32 $0x28, v3  }
0x105: {  	s17 =	simm.s32 $0x60;
	v3 =	vshll.u32 v3, $0x3  }
.LBB2_8:
0x106: {  	p0 =	sne.s32 s17, $0x70;
	v5 =	vadd.s32 $0x20, v4  }
0x107: {  	v6 =	vor.u32 $0x1, v3;
	v7 =	vpop (erf)  }
0x108: {  	v4 =	vadd.s32 $0x21, v4;
	[tilespmem:v1+s22+$0x0] =	vst.idx.msk $0xffff, v7;
	v7 =	vpop (erf);
	v1 =	vmov v5  }
0x109: {  	[tilespmem:v2+s22+$0x0] =	vst.idx.msk $0xffff, v7;
	v2 =	vmov v4  }
0x10a: {  	v3 =	vld.idx.msk [tilespmem:v3+s23+$0x0], $0xffff  }
0x10b: {  	v5 =	vld.idx.msk [tilespmem:v5+s22+$0x0], $0xffff  }
0x10c: {  	v6 =	vld.idx.msk [tilespmem:v6+s23+$0x0], $0xffff  }
0x10d: {  	v4 =	vld.idx.msk [tilespmem:v4+s22+$0x0], $0xffff;
	_ =	sdelay $0x4  }
0x10e: {  	v3 =	vadd.f32 v3, v5  }
0x10f: {  	v4 =	vadd.f32 v6, v4  }
0x110: {  	v5 =	vmul.f32 $2.000000030e-01, v3  }
0x111: {  	vm0 =	vge.f32 v3, $0.0e+00;
	v6 =	vmul.f32 $2.000000030e-01, v4  }
0x112: {  	v3 =	vsel vm0, v3, v5;
	vm0 =	vge.f32 v4, $0.0e+00  }
0x113: {  	v3 =	vmul.f32 $1.442695020e+00, v3;
	v4 =	vsel vm0, v4, v6  }
0x114: {  	v4 =	vmul.f32 $1.442695020e+00, v4  }
0x115: {  	(erf) = vpow2.f32 v3  }
0x116: {  	(erf) = vpow2.f32 v4;
	_ =	sdelay $0x1  }
.Ltmp2:
0x117: {  	(pc) =	sbr.rel @p0 .LBB2_8-.Ltmp2, $4  }
0x118: {  	_ = 	snop  }
0x119: {  	v3 =	vor.u32 s17, v0  }
0x11a: {  	v4 =	vmul.u32 $0x28, v3  }
0x11b: {  	s17 =	sadd.s32 $0x10, s17;
	v3 =	vshll.u32 v3, $0x3  }
0x11c: {  	_ =	sdelay $0x1  }
0x11d: {  	v5 =	vadd.s32 $0x20, v4  }
0x11e: {  	v6 =	vor.u32 $0x1, v3;
	v7 =	vpop (erf)  }
0x11f: {  	v4 =	vadd.s32 $0x21, v4;
	[tilespmem:v1+s22+$0x0] =	vst.idx.msk $0xffff, v7;
	v1 =	vpop (erf)  }
0x120: {  	[tilespmem:v2+s22+$0x0] =	vst.idx.msk $0xffff, v1  }
0x121: {  	v1 =	vld.idx.msk [tilespmem:v3+s23+$0x0], $0xffff  }
0x122: {  	v2 =	vld.idx.msk [tilespmem:v5+s22+$0x0], $0xffff  }
0x123: {  	v3 =	vld.idx.msk [tilespmem:v6+s23+$0x0], $0xffff  }
0x124: {  	v6 =	vld.idx.msk [tilespmem:v4+s22+$0x0], $0xffff;
	_ =	sdelay $0x3  }
0x125: {  	v1 =	vadd.f32 v1, v2  }
0x126: {  	v2 =	vadd.f32 v3, v6  }
0x127: {  	v3 =	vmul.f32 $2.000000030e-01, v1  }
0x128: {  	vm0 =	vge.f32 v1, $0.0e+00;
	v6 =	vmul.f32 $2.000000030e-01, v2  }
0x129: {  	vm15 =	vge.f32 v2, $0.0e+00;
	v1 =	vsel vm0, v1, v3  }
0x12a: {  	v2 =	vsel vm15, v2, v6;
	v1 =	vmul.f32 $1.442695020e+00, v1  }
0x12b: {  	v2 =	vmul.f32 $1.442695020e+00, v2  }
0x12c: {  	(erf) = vpow2.f32 v1  }
0x12d: {  	(erf) = vpow2.f32 v2;
	_ =	sdelay $0x1  }
0x12e: {  	v1 =	vmov s12  }
0x12f: {  	v1 =	vmul.u32 $0x28, v1;
	_ =	sdelay $0x1  }
0x130: {  	v1 =	vadd.s32 $0x20, v1  }
0x131: {  	v1 =	vbroadcast v1, $0x0;
	_ =	sdelay $0x1  }
0x132: {  	v3 =	vor.u32 $0x1, v1;
	v2 =	vpop (erf)  }
0x133: {  	[tilespmem:v5+s22+$0x0] =	vst.idx.msk $0xffff, v2;
	v2 =	vpop (erf)  }
0x134: {  	s17 =	simm.s32 $0x2288;
	[tilespmem:v4+s22+$0x0] =	vst.idx.msk $0xffff, v2  }
0x135: {  	s6 =	simm.s32 $0x41;
	v2 =	vld [tilespmem:s17+$0xFFFFFF78]  }
0x136: {  	v4 =	vmov s6;
	v1 =	vld.idx.msk [tilespmem:v1+s22+$0x0], $0xffff  }
0x137: {  	v4 =	vmul.u32 $0x28, v4;
	v3 =	vld.idx.msk [tilespmem:v3+s22+$0x0], $0xffff  }
0x138: {  	v5 =	vld [tilespmem:s17+$0xFFFFFF88]  }
0x139: {  	v4 =	vadd.s32 $0x20, v4  }
0x13a: {  	v4 =	vbroadcast v4, $0x0;
	_ =	sdelay $0x1  }
0x13b: {  	v1 =	vmul.f32 v2, v1;
	v2 =	vor.u32 $0x1, v4  }
0x13c: {  	v3 =	vmul.f32 v5, v3  }
0x13d: {  	s18 =	simm.s32 $0x42;
	v5 =	vld [tilespmem:s17+$0xFFFFFFB0];
	[tilespmem:s17+$0xFFFFFF78] =	vst v1  }
0x13e: {  	v1 =	vld [tilespmem:s17+$0xFFFFFFA0];
	[tilespmem:s17+$0xFFFFFF88] =	vst v3;
	v3 =	vmov s18  }
0x13f: {  	v3 =	vmul.u32 $0x28, v3;
	v4 =	vld.idx.msk [tilespmem:v4+s22+$0x0], $0xffff  }
0x140: {  	v2 =	vld.idx.msk [tilespmem:v2+s22+$0x0], $0xffff  }
0x141: {  	v3 =	vadd.s32 $0x20, v3  }
0x142: {  	v3 =	vbroadcast v3, $0x0;
	_ =	sdelay $0x1  }
0x143: {  	v1 =	vmul.f32 v1, v4  }
0x144: {  	v4 =	vor.u32 $0x1, v3;
	v2 =	vmul.f32 v5, v2  }
0x145: {  	[tilespmem:s17+$0xFFFFFFA0] =	vst v1  }
0x146: {  	s19 =	simm.s32 $0x43;
	v1 =	vld [tilespmem:s17+$0xFFFFFFC8];
	[tilespmem:s17+$0xFFFFFFB0] =	vst v2  }
0x147: {  	v5 =	vmov s19;
	v2 =	vld.idx.msk [tilespmem:v3+s22+$0x0], $0xffff  }
0x148: {  	v5 =	vmul.u32 $0x28, v5;
	v3 =	vld [tilespmem:s17+$0xFFFFFFD8]  }
0x149: {  	v4 =	vld.idx.msk [tilespmem:v4+s22+$0x0], $0xffff  }
0x14a: {  	v5 =	vadd.s32 $0x20, v5  }
0x14b: {  	v5 =	vbroadcast v5, $0x0;
	_ =	sdelay $0x1  }
0x14c: {  	v6 =	vor.u32 $0x1, v5;
	v1 =	vmul.f32 v1, v2  }
0x14d: {  	v3 =	vmul.f32 v3, v4  }
0x14e: {  	s12 =	simm.s32 $0x44;
	v2 =	vld [tilespmem:s17+$0xFFFFFFF0];
	[tilespmem:s17+$0xFFFFFFC8] =	vst v1  }
0x14f: {  	v1 =	vmov s12;
	[tilespmem:s17+$0xFFFFFFD8] =	vst v3;
	v3 =	vld [tilespmem:s17+$0x0]  }
0x150: {  	v1 =	vmul.u32 $0x28, v1;
	v4 =	vld.idx.msk [tilespmem:v5+s22+$0x0], $0xffff  }
0x151: {  	v5 =	vld.idx.msk [tilespmem:v6+s22+$0x0], $0xffff  }
0x152: {  	v1 =	vadd.s32 $0x20, v1  }
0x153: {  	s18 =	simm.s32 $0x2288;
	s19 =	simm.s32 $0x48;
	v1 =	vbroadcast v1, $0x0  }
.LBB2_10:
0x154: {  	p0 =	sne.s32 s19, $0x7C  }
0x155: {  	v2 =	vmul.f32 v2, v4;
	s17 =	sadd.s32 $0xA0, s17;
	s6 =	smov.u32 s19;
	s19 =	sadd.s32 $0x4, s19;
	v6 =	vor.u32 $0x1, v1  }
0x156: {  	v3 =	vmul.f32 v3, v5  }
0x157: {  	s11 =	sadd.s32 $0x1, s12;
	[tilespmem:s18+$0xFFFFFFF0] =	vst v2  }
0x158: {  	v4 =	vmov s11;
	v2 =	vld [tilespmem:s17+$0xFFFFFF78];
	[tilespmem:s18+$0x0] =	vst v3;
	s18 =	smov.u32 s17  }
0x159: {  	v3 =	vmul.u32 $0x28, v4;
	v1 =	vld.idx.msk [tilespmem:v1+s22+$0x0], $0xffff  }
0x15a: {  	v4 =	vld.idx.msk [tilespmem:v6+s22+$0x0], $0xffff  }
0x15b: {  	v3 =	vadd.s32 $0x20, v3;
	v5 =	vld [tilespmem:s17+$0xFFFFFF88]  }
0x15c: {  	v3 =	vbroadcast v3, $0x0;
	_ =	sdelay $0x1  }
0x15d: {  	v6 =	vor.u32 $0x1, v3  }
0x15e: {  	v1 =	vmul.f32 v2, v1  }
0x15f: {  	v2 =	vmul.f32 v5, v4  }
0x160: {  	s11 =	sadd.s32 $0x2, s12;
	[tilespmem:s17+$0xFFFFFF78] =	vst v1;
	v1 =	vld [tilespmem:s17+$0xFFFFFFA0]  }
0x161: {  	v4 =	vmov s11;
	[tilespmem:s17+$0xFFFFFF88] =	vst v2;
	v2 =	vld [tilespmem:s17+$0xFFFFFFB0]  }
0x162: {  	v4 =	vmul.u32 $0x28, v4;
	v3 =	vld.idx.msk [tilespmem:v3+s22+$0x0], $0xffff  }
0x163: {  	v5 =	vld.idx.msk [tilespmem:v6+s22+$0x0], $0xffff  }
0x164: {  	v4 =	vadd.s32 $0x20, v4  }
0x165: {  	v4 =	vbroadcast v4, $0x0;
	_ =	sdelay $0x1  }
0x166: {  	v6 =	vor.u32 $0x1, v4  }
0x167: {  	v1 =	vmul.f32 v1, v3  }
0x168: {  	v2 =	vmul.f32 v2, v5  }
0x169: {  	s11 =	sadd.s32 $0x3, s12;
	s12 =	smov.u32 s6;
	[tilespmem:s17+$0xFFFFFFA0] =	vst v1;
	v1 =	vld [tilespmem:s17+$0xFFFFFFC8]  }
0x16a: {  	v3 =	vmov s11;
	[tilespmem:s17+$0xFFFFFFB0] =	vst v2;
	v2 =	vld [tilespmem:s17+$0xFFFFFFD8]  }
0x16b: {  	v3 =	vmul.u32 $0x28, v3;
	v4 =	vld.idx.msk [tilespmem:v4+s22+$0x0], $0xffff  }
0x16c: {  	v5 =	vld.idx.msk [tilespmem:v6+s22+$0x0], $0xffff  }
0x16d: {  	v3 =	vadd.s32 $0x20, v3  }
0x16e: {  	v6 =	vbroadcast v3, $0x0;
	_ =	sdelay $0x1  }
0x16f: {  	v7 =	vor.u32 $0x1, v6  }
0x170: {  	v1 =	vmul.f32 v1, v4  }
0x171: {  	v3 =	vmul.f32 v2, v5  }
0x172: {  	[tilespmem:s17+$0xFFFFFFC8] =	vst v1;
	v2 =	vld [tilespmem:s17+$0xFFFFFFF0]  }
0x173: {  	[tilespmem:s17+$0xFFFFFFD8] =	vst v3;
	v3 =	vld [tilespmem:s17+$0x0]  }
.Ltmp3:
0x174: {  	v1 =	vmov s12;
	v4 =	vld.idx.msk [tilespmem:v6+s22+$0x0], $0xffff;
	(pc) =	sbr.rel @p0 .LBB2_10-.Ltmp3, $3  }
0x175: {  	v1 =	vmul.u32 $0x28, v1;
	v5 =	vld.idx.msk [tilespmem:v7+s22+$0x0], $0xffff;
	_ =	sdelay $0x1  }
0x176: {  	v1 =	vadd.s32 $0x20, v1  }
0x177: {  	v1 =	vbroadcast v1, $0x0  }
0x178: {  	_ = 	snop  }
0x179: {  	v2 =	vmul.f32 v2, v4;
	v6 =	vor.u32 $0x1, v1  }
0x17a: {  	s6 =	sadd.s32 $0xA0, s17;
	v3 =	vmul.f32 v3, v5  }
0x17b: {  	s11 =	sadd.s32 $0x1, s12;
	v5 =	vld [tilespmem:s6+$0xFFFFFF88];
	[tilespmem:s18+$0xFFFFFFF0] =	vst v2  }
0x17c: {  	v2 =	vld [tilespmem:s6+$0xFFFFFF78];
	[tilespmem:s18+$0x0] =	vst v3;
	v3 =	vmov s11  }
0x17d: {  	v1 =	vld.idx.msk [tilespmem:v1+s22+$0x0], $0xffff;
	v3 =	vmul.u32 $0x28, v3  }
0x17e: {  	v4 =	vld.idx.msk [tilespmem:v6+s22+$0x0], $0xffff  }
0x17f: {  	v3 =	vadd.s32 $0x20, v3  }
0x180: {  	v3 =	vbroadcast v3, $0x0;
	_ =	sdelay $0x1  }
0x181: {  	v6 =	vor.u32 $0x1, v3;
	v1 =	vmul.f32 v2, v1  }
0x182: {  	v2 =	vmul.f32 v5, v4  }
0x183: {  	s17 =	sadd.s32 $0x2, s12;
	[tilespmem:s6+$0xFFFFFF78] =	vst v1;
	v1 =	vld [tilespmem:s6+$0xFFFFFFA0]  }
0x184: {  	v4 =	vmov s17;
	[tilespmem:s6+$0xFFFFFF88] =	vst v2;
	v2 =	vld [tilespmem:s6+$0xFFFFFFB0]  }
0x185: {  	v4 =	vmul.u32 $0x28, v4;
	v3 =	vld.idx.msk [tilespmem:v3+s22+$0x0], $0xffff  }
0x186: {  	v5 =	vld.idx.msk [tilespmem:v6+s22+$0x0], $0xffff  }
0x187: {  	v4 =	vadd.s32 $0x20, v4  }
0x188: {  	v4 =	vbroadcast v4, $0x0;
	_ =	sdelay $0x1  }
0x189: {  	v6 =	vor.u32 $0x1, v4;
	v1 =	vmul.f32 v1, v3  }
0x18a: {  	v2 =	vmul.f32 v2, v5  }
0x18b: {  	s18 =	sadd.s32 $0x3, s12;
	[tilespmem:s6+$0xFFFFFFA0] =	vst v1;
	v1 =	vld [tilespmem:s6+$0xFFFFFFC8]  }
0x18c: {  	v3 =	vmov s18;
	[tilespmem:s6+$0xFFFFFFB0] =	vst v2;
	v2 =	vld [tilespmem:s6+$0xFFFFFFD8]  }
0x18d: {  	v3 =	vmul.u32 $0x28, v3;
	v4 =	vld.idx.msk [tilespmem:v4+s22+$0x0], $0xffff  }
0x18e: {  	v5 =	vld.idx.msk [tilespmem:v6+s22+$0x0], $0xffff  }
0x18f: {  	v3 =	vadd.s32 $0x20, v3  }
0x190: {  	v3 =	vbroadcast v3, $0x0;
	_ =	sdelay $0x1  }
0x191: {  	v6 =	vor.u32 $0x1, v3;
	v1 =	vmul.f32 v1, v4  }
0x192: {  	v2 =	vmul.f32 v2, v5  }
0x193: {  	[tilespmem:s6+$0xFFFFFFC8] =	vst v1;
	v1 =	vld [tilespmem:s6+$0xFFFFFFF0]  }
0x194: {  	[tilespmem:s6+$0xFFFFFFD8] =	vst v2;
	v2 =	vld [tilespmem:s6+$0x0]  }
0x195: {  	v3 =	vld.idx.msk [tilespmem:v3+s22+$0x0], $0xffff  }
0x196: {  	v4 =	vld.idx.msk [tilespmem:v6+s22+$0x0], $0xffff;
	_ =	sdelay $0x3  }
0x197: {  	v1 =	vmul.f32 v1, v3  }
0x198: {  	v2 =	vmul.f32 v2, v4  }
0x199: {  	[tilespmem:s6+$0xFFFFFFF0] =	vst v1  }
0x19a: {  	s12 =	simm.s32 $0x80;
	[tilespmem:s6+$0x0] =	vst v2  }
0x19b: {  	v1 =	vor.u32 s12, v0;
	_ =	swait.ge [sflag:s4], $0x880  }
0x19c: {  	v2 =	vmul.u32 $0x28, v1;
	v3 =	vshll.u32 v1, $0x3;
	[sflag:s4] =	ssyncset.done $0x0  }
0x19d: {  	v4 =	vor.u32 $0x1, v3;
	[sflag:s4] =	ssyncadd.s32 $0xFFFFF780  }
0x19e: {  	v1 =	vadd.s32 $0x20, v2;
	_ =	swait.ge [sflag:s4], $0x80  }
0x19f: {  	v2 =	vadd.s32 $0x21, v2;
	[sflag:s4] =	ssyncset.done $0x0  }
0x1a0: {  	[sflag:s4] =	ssyncadd.s32 $0xFFFFFF80  }
0x1a1: {  	v3 =	vld.idx.msk [tilespmem:v3+s23+$0x0], $0xffff  }
0x1a2: {  	v4 =	vld.idx.msk [tilespmem:v4+s23+$0x0], $0xffff  }
0x1a3: {  	v5 =	vld.idx.msk [tilespmem:v1+s22+$0x0], $0xffff  }
0x1a4: {  	v6 =	vld.idx.msk [tilespmem:v2+s22+$0x0], $0xffff;
	_ =	sdelay $0x3  }
0x1a5: {  	v3 =	vadd.f32 v3, v5  }
0x1a6: {  	v4 =	vadd.f32 v4, v6  }
0x1a7: {  	v5 =	vmul.f32 $2.000000030e-01, v3  }
0x1a8: {  	vm0 =	vge.f32 v3, $0.0e+00;
	v6 =	vmul.f32 $2.000000030e-01, v4  }
0x1a9: {  	vm15 =	vge.f32 v4, $0.0e+00;
	v3 =	vsel vm0, v3, v5  }
0x1aa: {  	v4 =	vsel vm15, v4, v6;
	v3 =	vmul.f32 $1.442695020e+00, v3  }
0x1ab: {  	v4 =	vmul.f32 $1.442695020e+00, v4  }
0x1ac: {  	(erf) = vpow2.f32 v3  }
0x1ad: {  	(erf) = vpow2.f32 v4;
	_ =	sdelay $0x2  }
0x1ae: {  	s19 =	simm.s32 $0x90  }
0x1af: {  	v3 =	vor.u32 s19, v0  }
0x1b0: {  	v4 =	vmul.u32 $0x28, v3  }
0x1b1: {  	s17 =	simm.s32 $0xA0;
	v3 =	vshll.u32 v3, $0x3  }
.LBB2_12:
0x1b2: {  	p0 =	sne.s32 s17, $0xB0;
	v5 =	vadd.s32 $0x20, v4  }
0x1b3: {  	v6 =	vor.u32 $0x1, v3;
	v7 =	vpop (erf)  }
0x1b4: {  	v4 =	vadd.s32 $0x21, v4;
	[tilespmem:v1+s22+$0x0] =	vst.idx.msk $0xffff, v7;
	v7 =	vpop (erf);
	v1 =	vmov v5  }
0x1b5: {  	[tilespmem:v2+s22+$0x0] =	vst.idx.msk $0xffff, v7;
	v2 =	vmov v4  }
0x1b6: {  	v3 =	vld.idx.msk [tilespmem:v3+s23+$0x0], $0xffff  }
0x1b7: {  	v5 =	vld.idx.msk [tilespmem:v5+s22+$0x0], $0xffff  }
0x1b8: {  	v6 =	vld.idx.msk [tilespmem:v6+s23+$0x0], $0xffff  }
0x1b9: {  	v4 =	vld.idx.msk [tilespmem:v4+s22+$0x0], $0xffff;
	_ =	sdelay $0x4  }
0x1ba: {  	v3 =	vadd.f32 v3, v5  }
0x1bb: {  	v4 =	vadd.f32 v6, v4  }
0x1bc: {  	v5 =	vmul.f32 $2.000000030e-01, v3  }
0x1bd: {  	vm0 =	vge.f32 v3, $0.0e+00;
	v6 =	vmul.f32 $2.000000030e-01, v4  }
0x1be: {  	v3 =	vsel vm0, v3, v5;
	vm0 =	vge.f32 v4, $0.0e+00  }
0x1bf: {  	v3 =	vmul.f32 $1.442695020e+00, v3;
	v4 =	vsel vm0, v4, v6  }
0x1c0: {  	v4 =	vmul.f32 $1.442695020e+00, v4  }
0x1c1: {  	(erf) = vpow2.f32 v3  }
0x1c2: {  	(erf) = vpow2.f32 v4;
	_ =	sdelay $0x1  }
.Ltmp4:
0x1c3: {  	(pc) =	sbr.rel @p0 .LBB2_12-.Ltmp4, $4  }
0x1c4: {  	_ = 	snop  }
0x1c5: {  	v3 =	vor.u32 s17, v0  }
0x1c6: {  	v4 =	vmul.u32 $0x28, v3  }
0x1c7: {  	s17 =	sadd.s32 $0x10, s17;
	v3 =	vshll.u32 v3, $0x3  }
0x1c8: {  	_ =	sdelay $0x1  }
0x1c9: {  	v5 =	vadd.s32 $0x20, v4  }
0x1ca: {  	v6 =	vor.u32 $0x1, v3;
	v7 =	vpop (erf)  }
0x1cb: {  	v4 =	vadd.s32 $0x21, v4;
	[tilespmem:v1+s22+$0x0] =	vst.idx.msk $0xffff, v7;
	v1 =	vpop (erf)  }
0x1cc: {  	[tilespmem:v2+s22+$0x0] =	vst.idx.msk $0xffff, v1  }
0x1cd: {  	v1 =	vld.idx.msk [tilespmem:v3+s23+$0x0], $0xffff  }
0x1ce: {  	v2 =	vld.idx.msk [tilespmem:v5+s22+$0x0], $0xffff  }
0x1cf: {  	v3 =	vld.idx.msk [tilespmem:v6+s23+$0x0], $0xffff  }
0x1d0: {  	v6 =	vld.idx.msk [tilespmem:v4+s22+$0x0], $0xffff;
	_ =	sdelay $0x3  }
0x1d1: {  	v1 =	vadd.f32 v1, v2  }
0x1d2: {  	v2 =	vadd.f32 v3, v6  }
0x1d3: {  	v3 =	vmul.f32 $2.000000030e-01, v1  }
0x1d4: {  	vm0 =	vge.f32 v1, $0.0e+00;
	v6 =	vmul.f32 $2.000000030e-01, v2  }
0x1d5: {  	vm15 =	vge.f32 v2, $0.0e+00;
	v1 =	vsel vm0, v1, v3  }
0x1d6: {  	v2 =	vsel vm15, v2, v6;
	v1 =	vmul.f32 $1.442695020e+00, v1  }
0x1d7: {  	v2 =	vmul.f32 $1.442695020e+00, v2  }
0x1d8: {  	(erf) = vpow2.f32 v1  }
0x1d9: {  	(erf) = vpow2.f32 v2;
	_ =	sdelay $0x1  }
0x1da: {  	v1 =	vmov s12  }
0x1db: {  	v1 =	vmul.u32 $0x28, v1;
	_ =	sdelay $0x1  }
0x1dc: {  	v1 =	vadd.s32 $0x20, v1  }
0x1dd: {  	v1 =	vbroadcast v1, $0x0;
	_ =	sdelay $0x1  }
0x1de: {  	v3 =	vor.u32 $0x1, v1;
	v2 =	vpop (erf)  }
0x1df: {  	[tilespmem:v5+s22+$0x0] =	vst.idx.msk $0xffff, v2;
	v2 =	vpop (erf)  }
0x1e0: {  	s17 =	simm.s32 $0x2C88;
	[tilespmem:v4+s22+$0x0] =	vst.idx.msk $0xffff, v2  }
0x1e1: {  	s6 =	simm.s32 $0x81;
	v2 =	vld [tilespmem:s17+$0xFFFFFF78]  }
0x1e2: {  	v4 =	vmov s6;
	v1 =	vld.idx.msk [tilespmem:v1+s22+$0x0], $0xffff  }
0x1e3: {  	v4 =	vmul.u32 $0x28, v4;
	v3 =	vld.idx.msk [tilespmem:v3+s22+$0x0], $0xffff  }
0x1e4: {  	v5 =	vld [tilespmem:s17+$0xFFFFFF88]  }
0x1e5: {  	v4 =	vadd.s32 $0x20, v4  }
0x1e6: {  	v4 =	vbroadcast v4, $0x0;
	_ =	sdelay $0x1  }
0x1e7: {  	v1 =	vmul.f32 v2, v1;
	v2 =	vor.u32 $0x1, v4  }
0x1e8: {  	v3 =	vmul.f32 v5, v3  }
0x1e9: {  	s18 =	simm.s32 $0x82;
	v5 =	vld [tilespmem:s17+$0xFFFFFFB0];
	[tilespmem:s17+$0xFFFFFF78] =	vst v1  }
0x1ea: {  	v1 =	vld [tilespmem:s17+$0xFFFFFFA0];
	[tilespmem:s17+$0xFFFFFF88] =	vst v3;
	v3 =	vmov s18  }
0x1eb: {  	v3 =	vmul.u32 $0x28, v3;
	v4 =	vld.idx.msk [tilespmem:v4+s22+$0x0], $0xffff  }
0x1ec: {  	v2 =	vld.idx.msk [tilespmem:v2+s22+$0x0], $0xffff  }
0x1ed: {  	v3 =	vadd.s32 $0x20, v3  }
0x1ee: {  	v3 =	vbroadcast v3, $0x0;
	_ =	sdelay $0x1  }
0x1ef: {  	v1 =	vmul.f32 v1, v4  }
0x1f0: {  	v4 =	vor.u32 $0x1, v3;
	v2 =	vmul.f32 v5, v2  }
0x1f1: {  	[tilespmem:s17+$0xFFFFFFA0] =	vst v1  }
0x1f2: {  	s19 =	simm.s32 $0x83;
	v1 =	vld [tilespmem:s17+$0xFFFFFFC8];
	[tilespmem:s17+$0xFFFFFFB0] =	vst v2  }
0x1f3: {  	v5 =	vmov s19;
	v2 =	vld.idx.msk [tilespmem:v3+s22+$0x0], $0xffff  }
0x1f4: {  	v5 =	vmul.u32 $0x28, v5;
	v3 =	vld [tilespmem:s17+$0xFFFFFFD8]  }
0x1f5: {  	v4 =	vld.idx.msk [tilespmem:v4+s22+$0x0], $0xffff  }
0x1f6: {  	v5 =	vadd.s32 $0x20, v5  }
0x1f7: {  	v5 =	vbroadcast v5, $0x0;
	_ =	sdelay $0x1  }
0x1f8: {  	v6 =	vor.u32 $0x1, v5;
	v1 =	vmul.f32 v1, v2  }
0x1f9: {  	v3 =	vmul.f32 v3, v4  }
0x1fa: {  	s12 =	simm.s32 $0x84;
	v2 =	vld [tilespmem:s17+$0xFFFFFFF0];
	[tilespmem:s17+$0xFFFFFFC8] =	vst v1  }
0x1fb: {  	v1 =	vmov s12;
	[tilespmem:s17+$0xFFFFFFD8] =	vst v3;
	v3 =	vld [tilespmem:s17+$0x0]  }
0x1fc: {  	v1 =	vmul.u32 $0x28, v1;
	v4 =	vld.idx.msk [tilespmem:v5+s22+$0x0], $0xffff  }
0x1fd: {  	v5 =	vld.idx.msk [tilespmem:v6+s22+$0x0], $0xffff  }
0x1fe: {  	v1 =	vadd.s32 $0x20, v1  }
0x1ff: {  	s18 =	simm.s32 $0x2C88;
	s19 =	simm.s32 $0x88;
	v1 =	vbroadcast v1, $0x0  }
.LBB2_14:
0x200: {  	p0 =	sne.s32 s19, $0xBC  }
0x201: {  	v2 =	vmul.f32 v2, v4;
	s17 =	sadd.s32 $0xA0, s17;
	s6 =	smov.u32 s19;
	s19 =	sadd.s32 $0x4, s19;
	v6 =	vor.u32 $0x1, v1  }
0x202: {  	v3 =	vmul.f32 v3, v5  }
0x203: {  	s11 =	sadd.s32 $0x1, s12;
	[tilespmem:s18+$0xFFFFFFF0] =	vst v2  }
0x204: {  	v4 =	vmov s11;
	v2 =	vld [tilespmem:s17+$0xFFFFFF78];
	[tilespmem:s18+$0x0] =	vst v3;
	s18 =	smov.u32 s17  }
0x205: {  	v3 =	vmul.u32 $0x28, v4;
	v1 =	vld.idx.msk [tilespmem:v1+s22+$0x0], $0xffff  }
0x206: {  	v4 =	vld.idx.msk [tilespmem:v6+s22+$0x0], $0xffff  }
0x207: {  	v3 =	vadd.s32 $0x20, v3;
	v5 =	vld [tilespmem:s17+$0xFFFFFF88]  }
0x208: {  	v3 =	vbroadcast v3, $0x0;
	_ =	sdelay $0x1  }
0x209: {  	v6 =	vor.u32 $0x1, v3  }
0x20a: {  	v1 =	vmul.f32 v2, v1  }
0x20b: {  	v2 =	vmul.f32 v5, v4  }
0x20c: {  	s11 =	sadd.s32 $0x2, s12;
	[tilespmem:s17+$0xFFFFFF78] =	vst v1;
	v1 =	vld [tilespmem:s17+$0xFFFFFFA0]  }
0x20d: {  	v4 =	vmov s11;
	[tilespmem:s17+$0xFFFFFF88] =	vst v2;
	v2 =	vld [tilespmem:s17+$0xFFFFFFB0]  }
0x20e: {  	v4 =	vmul.u32 $0x28, v4;
	v3 =	vld.idx.msk [tilespmem:v3+s22+$0x0], $0xffff  }
0x20f: {  	v5 =	vld.idx.msk [tilespmem:v6+s22+$0x0], $0xffff  }
0x210: {  	v4 =	vadd.s32 $0x20, v4  }
0x211: {  	v4 =	vbroadcast v4, $0x0;
	_ =	sdelay $0x1  }
0x212: {  	v6 =	vor.u32 $0x1, v4  }
0x213: {  	v1 =	vmul.f32 v1, v3  }
0x214: {  	v2 =	vmul.f32 v2, v5  }
0x215: {  	s11 =	sadd.s32 $0x3, s12;
	s12 =	smov.u32 s6;
	[tilespmem:s17+$0xFFFFFFA0] =	vst v1;
	v1 =	vld [tilespmem:s17+$0xFFFFFFC8]  }
0x216: {  	v3 =	vmov s11;
	[tilespmem:s17+$0xFFFFFFB0] =	vst v2;
	v2 =	vld [tilespmem:s17+$0xFFFFFFD8]  }
0x217: {  	v3 =	vmul.u32 $0x28, v3;
	v4 =	vld.idx.msk [tilespmem:v4+s22+$0x0], $0xffff  }
0x218: {  	v5 =	vld.idx.msk [tilespmem:v6+s22+$0x0], $0xffff  }
0x219: {  	v3 =	vadd.s32 $0x20, v3  }
0x21a: {  	v6 =	vbroadcast v3, $0x0;
	_ =	sdelay $0x1  }
0x21b: {  	v7 =	vor.u32 $0x1, v6  }
0x21c: {  	v1 =	vmul.f32 v1, v4  }
0x21d: {  	v3 =	vmul.f32 v2, v5  }
0x21e: {  	[tilespmem:s17+$0xFFFFFFC8] =	vst v1;
	v2 =	vld [tilespmem:s17+$0xFFFFFFF0]  }
0x21f: {  	[tilespmem:s17+$0xFFFFFFD8] =	vst v3;
	v3 =	vld [tilespmem:s17+$0x0]  }
.Ltmp5:
0x220: {  	v1 =	vmov s12;
	v4 =	vld.idx.msk [tilespmem:v6+s22+$0x0], $0xffff;
	(pc) =	sbr.rel @p0 .LBB2_14-.Ltmp5, $3  }
0x221: {  	v1 =	vmul.u32 $0x28, v1;
	v5 =	vld.idx.msk [tilespmem:v7+s22+$0x0], $0xffff;
	_ =	sdelay $0x1  }
0x222: {  	v1 =	vadd.s32 $0x20, v1  }
0x223: {  	v1 =	vbroadcast v1, $0x0  }
0x224: {  	_ = 	snop  }
0x225: {  	v2 =	vmul.f32 v2, v4;
	v6 =	vor.u32 $0x1, v1  }
0x226: {  	s6 =	sadd.s32 $0xA0, s17;
	v3 =	vmul.f32 v3, v5  }
0x227: {  	s11 =	sadd.s32 $0x1, s12;
	v5 =	vld [tilespmem:s6+$0xFFFFFF88];
	[tilespmem:s18+$0xFFFFFFF0] =	vst v2  }
0x228: {  	v2 =	vld [tilespmem:s6+$0xFFFFFF78];
	[tilespmem:s18+$0x0] =	vst v3;
	v3 =	vmov s11  }
0x229: {  	v1 =	vld.idx.msk [tilespmem:v1+s22+$0x0], $0xffff;
	v3 =	vmul.u32 $0x28, v3  }
0x22a: {  	v4 =	vld.idx.msk [tilespmem:v6+s22+$0x0], $0xffff  }
0x22b: {  	v3 =	vadd.s32 $0x20, v3  }
0x22c: {  	v3 =	vbroadcast v3, $0x0;
	_ =	sdelay $0x1  }
0x22d: {  	v6 =	vor.u32 $0x1, v3;
	v1 =	vmul.f32 v2, v1  }
0x22e: {  	v2 =	vmul.f32 v5, v4  }
0x22f: {  	s17 =	sadd.s32 $0x2, s12;
	[tilespmem:s6+$0xFFFFFF78] =	vst v1;
	v1 =	vld [tilespmem:s6+$0xFFFFFFA0]  }
0x230: {  	v4 =	vmov s17;
	[tilespmem:s6+$0xFFFFFF88] =	vst v2;
	v2 =	vld [tilespmem:s6+$0xFFFFFFB0]  }
0x231: {  	v4 =	vmul.u32 $0x28, v4;
	v3 =	vld.idx.msk [tilespmem:v3+s22+$0x0], $0xffff  }
0x232: {  	v5 =	vld.idx.msk [tilespmem:v6+s22+$0x0], $0xffff  }
0x233: {  	v4 =	vadd.s32 $0x20, v4  }
0x234: {  	v4 =	vbroadcast v4, $0x0;
	_ =	sdelay $0x1  }
0x235: {  	v6 =	vor.u32 $0x1, v4;
	v1 =	vmul.f32 v1, v3  }
0x236: {  	v2 =	vmul.f32 v2, v5  }
0x237: {  	s18 =	sadd.s32 $0x3, s12;
	[tilespmem:s6+$0xFFFFFFA0] =	vst v1;
	v1 =	vld [tilespmem:s6+$0xFFFFFFC8]  }
0x238: {  	v3 =	vmov s18;
	[tilespmem:s6+$0xFFFFFFB0] =	vst v2;
	v2 =	vld [tilespmem:s6+$0xFFFFFFD8]  }
0x239: {  	v3 =	vmul.u32 $0x28, v3;
	v4 =	vld.idx.msk [tilespmem:v4+s22+$0x0], $0xffff  }
0x23a: {  	v5 =	vld.idx.msk [tilespmem:v6+s22+$0x0], $0xffff  }
0x23b: {  	v3 =	vadd.s32 $0x20, v3  }
0x23c: {  	v3 =	vbroadcast v3, $0x0;
	_ =	sdelay $0x1  }
0x23d: {  	v6 =	vor.u32 $0x1, v3;
	v1 =	vmul.f32 v1, v4  }
0x23e: {  	v2 =	vmul.f32 v2, v5  }
0x23f: {  	[tilespmem:s6+$0xFFFFFFC8] =	vst v1;
	v1 =	vld [tilespmem:s6+$0xFFFFFFF0]  }
0x240: {  	[tilespmem:s6+$0xFFFFFFD8] =	vst v2;
	v2 =	vld [tilespmem:s6+$0x0]  }
0x241: {  	v3 =	vld.idx.msk [tilespmem:v3+s22+$0x0], $0xffff  }
0x242: {  	v4 =	vld.idx.msk [tilespmem:v6+s22+$0x0], $0xffff;
	_ =	sdelay $0x3  }
0x243: {  	v1 =	vmul.f32 v1, v3  }
0x244: {  	v2 =	vmul.f32 v2, v4  }
0x245: {  	[tilespmem:s6+$0xFFFFFFF0] =	vst v1  }
0x246: {  	s12 =	simm.s32 $0xC0;
	[tilespmem:s6+$0x0] =	vst v2  }
0x247: {  	v1 =	vor.u32 s12, v0;
	_ =	swait.ge [sflag:s15], $0x880  }
0x248: {  	v2 =	vmul.u32 $0x28, v1;
	v3 =	vshll.u32 v1, $0x3;
	[sflag:s15] =	ssyncset.done $0x0  }
0x249: {  	v4 =	vor.u32 $0x1, v3;
	[sflag:s15] =	ssyncadd.s32 $0xFFFFF780  }
0x24a: {  	v1 =	vadd.s32 $0x20, v2;
	_ =	swait.ge [sflag:s15], $0x80  }
0x24b: {  	v2 =	vadd.s32 $0x21, v2;
	[sflag:s15] =	ssyncset.done $0x0  }
0x24c: {  	[sflag:s15] =	ssyncadd.s32 $0xFFFFFF80  }
0x24d: {  	v3 =	vld.idx.msk [tilespmem:v3+s23+$0x0], $0xffff  }
0x24e: {  	v4 =	vld.idx.msk [tilespmem:v4+s23+$0x0], $0xffff  }
0x24f: {  	v5 =	vld.idx.msk [tilespmem:v1+s22+$0x0], $0xffff  }
0x250: {  	v6 =	vld.idx.msk [tilespmem:v2+s22+$0x0], $0xffff;
	_ =	sdelay $0x3  }
0x251: {  	v3 =	vadd.f32 v3, v5  }
0x252: {  	v4 =	vadd.f32 v4, v6  }
0x253: {  	v5 =	vmul.f32 $2.000000030e-01, v3  }
0x254: {  	vm0 =	vge.f32 v3, $0.0e+00;
	v6 =	vmul.f32 $2.000000030e-01, v4  }
0x255: {  	vm15 =	vge.f32 v4, $0.0e+00;
	v3 =	vsel vm0, v3, v5  }
0x256: {  	v4 =	vsel vm15, v4, v6;
	v3 =	vmul.f32 $1.442695020e+00, v3  }
0x257: {  	v4 =	vmul.f32 $1.442695020e+00, v4  }
0x258: {  	(erf) = vpow2.f32 v3  }
0x259: {  	(erf) = vpow2.f32 v4;
	_ =	sdelay $0x2  }
0x25a: {  	s19 =	simm.s32 $0xD0  }
0x25b: {  	v3 =	vor.u32 s19, v0  }
0x25c: {  	v4 =	vmul.u32 $0x28, v3  }
0x25d: {  	s17 =	simm.s32 $0xE0;
	v3 =	vshll.u32 v3, $0x3  }
.LBB2_16:
0x25e: {  	p0 =	sne.s32 s17, $0xF0;
	v5 =	vadd.s32 $0x20, v4  }
0x25f: {  	v6 =	vor.u32 $0x1, v3;
	v7 =	vpop (erf)  }
0x260: {  	v4 =	vadd.s32 $0x21, v4;
	[tilespmem:v1+s22+$0x0] =	vst.idx.msk $0xffff, v7;
	v7 =	vpop (erf);
	v1 =	vmov v5  }
0x261: {  	[tilespmem:v2+s22+$0x0] =	vst.idx.msk $0xffff, v7;
	v2 =	vmov v4  }
0x262: {  	v3 =	vld.idx.msk [tilespmem:v3+s23+$0x0], $0xffff  }
0x263: {  	v5 =	vld.idx.msk [tilespmem:v5+s22+$0x0], $0xffff  }
0x264: {  	v6 =	vld.idx.msk [tilespmem:v6+s23+$0x0], $0xffff  }
0x265: {  	v4 =	vld.idx.msk [tilespmem:v4+s22+$0x0], $0xffff;
	_ =	sdelay $0x4  }
0x266: {  	v3 =	vadd.f32 v3, v5  }
0x267: {  	v4 =	vadd.f32 v6, v4  }
0x268: {  	v5 =	vmul.f32 $2.000000030e-01, v3  }
0x269: {  	vm0 =	vge.f32 v3, $0.0e+00;
	v6 =	vmul.f32 $2.000000030e-01, v4  }
0x26a: {  	v3 =	vsel vm0, v3, v5;
	vm0 =	vge.f32 v4, $0.0e+00  }
0x26b: {  	v3 =	vmul.f32 $1.442695020e+00, v3;
	v4 =	vsel vm0, v4, v6  }
0x26c: {  	v4 =	vmul.f32 $1.442695020e+00, v4  }
0x26d: {  	(erf) = vpow2.f32 v3  }
0x26e: {  	(erf) = vpow2.f32 v4;
	_ =	sdelay $0x1  }
.Ltmp6:
0x26f: {  	(pc) =	sbr.rel @p0 .LBB2_16-.Ltmp6, $4  }
0x270: {  	_ = 	snop  }
0x271: {  	v3 =	vor.u32 s17, v0  }
0x272: {  	v4 =	vmul.u32 $0x28, v3  }
0x273: {  	s17 =	sadd.s32 $0x10, s17;
	v3 =	vshll.u32 v3, $0x3  }
0x274: {  	_ =	sdelay $0x1  }
0x275: {  	v5 =	vadd.s32 $0x20, v4  }
0x276: {  	v6 =	vor.u32 $0x1, v3;
	v7 =	vpop (erf)  }
0x277: {  	v4 =	vadd.s32 $0x21, v4;
	[tilespmem:v1+s22+$0x0] =	vst.idx.msk $0xffff, v7;
	v1 =	vpop (erf)  }
0x278: {  	[tilespmem:v2+s22+$0x0] =	vst.idx.msk $0xffff, v1  }
0x279: {  	v1 =	vld.idx.msk [tilespmem:v3+s23+$0x0], $0xffff  }
0x27a: {  	v2 =	vld.idx.msk [tilespmem:v5+s22+$0x0], $0xffff  }
0x27b: {  	v3 =	vld.idx.msk [tilespmem:v6+s23+$0x0], $0xffff  }
0x27c: {  	v6 =	vld.idx.msk [tilespmem:v4+s22+$0x0], $0xffff;
	_ =	sdelay $0x3  }
0x27d: {  	v1 =	vadd.f32 v1, v2  }
0x27e: {  	v2 =	vadd.f32 v3, v6  }
0x27f: {  	v3 =	vmul.f32 $2.000000030e-01, v1  }
0x280: {  	vm0 =	vge.f32 v1, $0.0e+00;
	v6 =	vmul.f32 $2.000000030e-01, v2  }
0x281: {  	vm15 =	vge.f32 v2, $0.0e+00;
	v1 =	vsel vm0, v1, v3  }
0x282: {  	v2 =	vsel vm15, v2, v6;
	v1 =	vmul.f32 $1.442695020e+00, v1  }
0x283: {  	v2 =	vmul.f32 $1.442695020e+00, v2  }
0x284: {  	(erf) = vpow2.f32 v1  }
0x285: {  	(erf) = vpow2.f32 v2;
	_ =	sdelay $0x1  }
0x286: {  	v1 =	vmov s12  }
0x287: {  	v1 =	vmul.u32 $0x28, v1;
	_ =	sdelay $0x1  }
0x288: {  	v1 =	vadd.s32 $0x20, v1  }
0x289: {  	v1 =	vbroadcast v1, $0x0;
	_ =	sdelay $0x1  }
0x28a: {  	v3 =	vor.u32 $0x1, v1;
	v2 =	vpop (erf)  }
0x28b: {  	[tilespmem:v5+s22+$0x0] =	vst.idx.msk $0xffff, v2;
	v2 =	vpop (erf)  }
0x28c: {  	s17 =	simm.s32 $0x3688;
	[tilespmem:v4+s22+$0x0] =	vst.idx.msk $0xffff, v2  }
0x28d: {  	s6 =	simm.s32 $0xC1;
	v2 =	vld [tilespmem:s17+$0xFFFFFF78]  }
0x28e: {  	v4 =	vmov s6;
	v1 =	vld.idx.msk [tilespmem:v1+s22+$0x0], $0xffff  }
0x28f: {  	v4 =	vmul.u32 $0x28, v4;
	v3 =	vld.idx.msk [tilespmem:v3+s22+$0x0], $0xffff  }
0x290: {  	v5 =	vld [tilespmem:s17+$0xFFFFFF88]  }
0x291: {  	v4 =	vadd.s32 $0x20, v4  }
0x292: {  	v4 =	vbroadcast v4, $0x0;
	_ =	sdelay $0x1  }
0x293: {  	v1 =	vmul.f32 v2, v1;
	v2 =	vor.u32 $0x1, v4  }
0x294: {  	v3 =	vmul.f32 v5, v3  }
0x295: {  	s18 =	simm.s32 $0xC2;
	v5 =	vld [tilespmem:s17+$0xFFFFFFB0];
	[tilespmem:s17+$0xFFFFFF78] =	vst v1  }
0x296: {  	v1 =	vld [tilespmem:s17+$0xFFFFFFA0];
	[tilespmem:s17+$0xFFFFFF88] =	vst v3;
	v3 =	vmov s18  }
0x297: {  	v3 =	vmul.u32 $0x28, v3;
	v4 =	vld.idx.msk [tilespmem:v4+s22+$0x0], $0xffff  }
0x298: {  	v2 =	vld.idx.msk [tilespmem:v2+s22+$0x0], $0xffff  }
0x299: {  	v3 =	vadd.s32 $0x20, v3  }
0x29a: {  	v3 =	vbroadcast v3, $0x0;
	_ =	sdelay $0x1  }
0x29b: {  	v1 =	vmul.f32 v1, v4  }
0x29c: {  	v4 =	vor.u32 $0x1, v3;
	v2 =	vmul.f32 v5, v2  }
0x29d: {  	[tilespmem:s17+$0xFFFFFFA0] =	vst v1  }
0x29e: {  	s19 =	simm.s32 $0xC3;
	v1 =	vld [tilespmem:s17+$0xFFFFFFC8];
	[tilespmem:s17+$0xFFFFFFB0] =	vst v2  }
0x29f: {  	v5 =	vmov s19;
	v2 =	vld.idx.msk [tilespmem:v3+s22+$0x0], $0xffff  }
0x2a0: {  	v5 =	vmul.u32 $0x28, v5;
	v3 =	vld [tilespmem:s17+$0xFFFFFFD8]  }
0x2a1: {  	v4 =	vld.idx.msk [tilespmem:v4+s22+$0x0], $0xffff  }
0x2a2: {  	v5 =	vadd.s32 $0x20, v5  }
0x2a3: {  	v5 =	vbroadcast v5, $0x0;
	_ =	sdelay $0x1  }
0x2a4: {  	v6 =	vor.u32 $0x1, v5;
	v1 =	vmul.f32 v1, v2  }
0x2a5: {  	v3 =	vmul.f32 v3, v4  }
0x2a6: {  	s12 =	simm.s32 $0xC4;
	v2 =	vld [tilespmem:s17+$0xFFFFFFF0];
	[tilespmem:s17+$0xFFFFFFC8] =	vst v1  }
0x2a7: {  	v1 =	vmov s12;
	[tilespmem:s17+$0xFFFFFFD8] =	vst v3;
	v3 =	vld [tilespmem:s17+$0x0]  }
0x2a8: {  	v1 =	vmul.u32 $0x28, v1;
	v4 =	vld.idx.msk [tilespmem:v5+s22+$0x0], $0xffff  }
0x2a9: {  	v5 =	vld.idx.msk [tilespmem:v6+s22+$0x0], $0xffff  }
0x2aa: {  	v1 =	vadd.s32 $0x20, v1  }
0x2ab: {  	s18 =	simm.s32 $0x3688;
	s19 =	simm.s32 $0xC8;
	v1 =	vbroadcast v1, $0x0  }
.LBB2_18:
0x2ac: {  	p0 =	sne.s32 s19, $0xFC  }
0x2ad: {  	v2 =	vmul.f32 v2, v4;
	s17 =	sadd.s32 $0xA0, s17;
	s6 =	smov.u32 s19;
	s19 =	sadd.s32 $0x4, s19;
	v6 =	vor.u32 $0x1, v1  }
0x2ae: {  	v3 =	vmul.f32 v3, v5  }
0x2af: {  	s11 =	sadd.s32 $0x1, s12;
	[tilespmem:s18+$0xFFFFFFF0] =	vst v2  }
0x2b0: {  	v4 =	vmov s11;
	v2 =	vld [tilespmem:s17+$0xFFFFFF78];
	[tilespmem:s18+$0x0] =	vst v3;
	s18 =	smov.u32 s17  }
0x2b1: {  	v3 =	vmul.u32 $0x28, v4;
	v1 =	vld.idx.msk [tilespmem:v1+s22+$0x0], $0xffff  }
0x2b2: {  	v4 =	vld.idx.msk [tilespmem:v6+s22+$0x0], $0xffff  }
0x2b3: {  	v3 =	vadd.s32 $0x20, v3;
	v5 =	vld [tilespmem:s17+$0xFFFFFF88]  }
0x2b4: {  	v3 =	vbroadcast v3, $0x0;
	_ =	sdelay $0x1  }
0x2b5: {  	v6 =	vor.u32 $0x1, v3  }
0x2b6: {  	v1 =	vmul.f32 v2, v1  }
0x2b7: {  	v2 =	vmul.f32 v5, v4  }
0x2b8: {  	s11 =	sadd.s32 $0x2, s12;
	[tilespmem:s17+$0xFFFFFF78] =	vst v1;
	v1 =	vld [tilespmem:s17+$0xFFFFFFA0]  }
0x2b9: {  	v4 =	vmov s11;
	[tilespmem:s17+$0xFFFFFF88] =	vst v2;
	v2 =	vld [tilespmem:s17+$0xFFFFFFB0]  }
0x2ba: {  	v4 =	vmul.u32 $0x28, v4;
	v3 =	vld.idx.msk [tilespmem:v3+s22+$0x0], $0xffff  }
0x2bb: {  	v5 =	vld.idx.msk [tilespmem:v6+s22+$0x0], $0xffff  }
0x2bc: {  	v4 =	vadd.s32 $0x20, v4  }
0x2bd: {  	v4 =	vbroadcast v4, $0x0;
	_ =	sdelay $0x1  }
0x2be: {  	v6 =	vor.u32 $0x1, v4  }
0x2bf: {  	v1 =	vmul.f32 v1, v3  }
0x2c0: {  	v2 =	vmul.f32 v2, v5  }
0x2c1: {  	s11 =	sadd.s32 $0x3, s12;
	s12 =	smov.u32 s6;
	[tilespmem:s17+$0xFFFFFFA0] =	vst v1;
	v1 =	vld [tilespmem:s17+$0xFFFFFFC8]  }
0x2c2: {  	v3 =	vmov s11;
	[tilespmem:s17+$0xFFFFFFB0] =	vst v2;
	v2 =	vld [tilespmem:s17+$0xFFFFFFD8]  }
0x2c3: {  	v3 =	vmul.u32 $0x28, v3;
	v4 =	vld.idx.msk [tilespmem:v4+s22+$0x0], $0xffff  }
0x2c4: {  	v5 =	vld.idx.msk [tilespmem:v6+s22+$0x0], $0xffff  }
0x2c5: {  	v3 =	vadd.s32 $0x20, v3  }
0x2c6: {  	v6 =	vbroadcast v3, $0x0;
	_ =	sdelay $0x1  }
0x2c7: {  	v7 =	vor.u32 $0x1, v6  }
0x2c8: {  	v1 =	vmul.f32 v1, v4  }
0x2c9: {  	v3 =	vmul.f32 v2, v5  }
0x2ca: {  	[tilespmem:s17+$0xFFFFFFC8] =	vst v1;
	v2 =	vld [tilespmem:s17+$0xFFFFFFF0]  }
0x2cb: {  	[tilespmem:s17+$0xFFFFFFD8] =	vst v3;
	v3 =	vld [tilespmem:s17+$0x0]  }
.Ltmp7:
0x2cc: {  	v1 =	vmov s12;
	v4 =	vld.idx.msk [tilespmem:v6+s22+$0x0], $0xffff;
	(pc) =	sbr.rel @p0 .LBB2_18-.Ltmp7, $3  }
0x2cd: {  	v1 =	vmul.u32 $0x28, v1;
	v5 =	vld.idx.msk [tilespmem:v7+s22+$0x0], $0xffff;
	_ =	sdelay $0x1  }
0x2ce: {  	v1 =	vadd.s32 $0x20, v1  }
0x2cf: {  	v1 =	vbroadcast v1, $0x0  }
0x2d0: {  	_ = 	snop  }
0x2d1: {  	v2 =	vmul.f32 v2, v4;
	v6 =	vor.u32 $0x1, v1  }
0x2d2: {  	s6 =	sadd.s32 $0xA0, s17;
	v3 =	vmul.f32 v3, v5  }
0x2d3: {  	s11 =	sadd.s32 $0x1, s12;
	v56 =	vld [tilespmem:s6+$0xFFFFFF88];
	[tilespmem:s18+$0xFFFFFFF0] =	vst v2  }
0x2d4: {  	v2 =	vld [tilespmem:s6+$0xFFFFFF78];
	[tilespmem:s18+$0x0] =	vst v3;
	v3 =	vmov s11  }
0x2d5: {  	v1 =	vld.idx.msk [tilespmem:v1+s22+$0x0], $0xffff;
	v3 =	vmul.u32 $0x28, v3  }
0x2d6: {  	v55 =	vld.idx.msk [tilespmem:v6+s22+$0x0], $0xffff  }
0x2d7: {  	v3 =	vadd.s32 $0x20, v3  }
0x2d8: {  	v3 =	vbroadcast v3, $0x0;
	_ =	sdelay $0x1  }
0x2d9: {  	v57 =	vor.u32 $0x1, v3;
	v1 =	vmul.f32 v2, v1  }
0x2da: {  	v2 =	vmul.f32 v56, v55  }
0x2db: {  	s17 =	sadd.s32 $0x2, s12;
	[tilespmem:s6+$0xFFFFFF78] =	vst v1;
	v1 =	vld [tilespmem:s6+$0xFFFFFFA0]  }
0x2dc: {  	v58 =	vmov s17;
	[tilespmem:s6+$0xFFFFFF88] =	vst v2;
	v2 =	vld [tilespmem:s6+$0xFFFFFFB0]  }
0x2dd: {  	v4 =	vmul.u32 $0x28, v58;
	v3 =	vld.idx.msk [tilespmem:v3+s22+$0x0], $0xffff  }
0x2de: {  	v59 =	vld.idx.msk [tilespmem:v57+s22+$0x0], $0xffff  }
0x2df: {  	v4 =	vadd.s32 $0x20, v4  }
0x2e0: {  	v4 =	vbroadcast v4, $0x0;
	_ =	sdelay $0x1  }
0x2e1: {  	v60 =	vor.u32 $0x1, v4;
	v1 =	vmul.f32 v1, v3  }
0x2e2: {  	v2 =	vmul.f32 v2, v59  }
0x2e3: {  	s18 =	sadd.s32 $0x3, s12;
	[tilespmem:s6+$0xFFFFFFA0] =	vst v1;
	v1 =	vld [tilespmem:s6+$0xFFFFFFC8]  }
0x2e4: {  	v3 =	vmov s18;
	[tilespmem:s6+$0xFFFFFFB0] =	vst v2;
	v2 =	vld [tilespmem:s6+$0xFFFFFFD8]  }
0x2e5: {  	v3 =	vmul.u32 $0x28, v3;
	v4 =	vld.idx.msk [tilespmem:v4+s22+$0x0], $0xffff  }
0x2e6: {  	v61 =	vld.idx.msk [tilespmem:v60+s22+$0x0], $0xffff  }
0x2e7: {  	v3 =	vadd.s32 $0x20, v3  }
0x2e8: {  	v3 =	vbroadcast v3, $0x0;
	_ =	sdelay $0x1  }
0x2e9: {  	v62 =	vor.u32 $0x1, v3;
	v1 =	vmul.f32 v1, v4  }
0x2ea: {  	v2 =	vmul.f32 v2, v61  }
0x2eb: {  	[tilespmem:s6+$0xFFFFFFC8] =	vst v1;
	v1 =	vld [tilespmem:s6+$0xFFFFFFF0]  }
0x2ec: {  	[tilespmem:s6+$0xFFFFFFD8] =	vst v2;
	v2 =	vld [tilespmem:s6+$0x0]  }
0x2ed: {  	v3 =	vld.idx.msk [tilespmem:v3+s22+$0x0], $0xffff  }
0x2ee: {  	v63 =	vld.idx.msk [tilespmem:v62+s22+$0x0], $0xffff;
	_ =	sdelay $0x1  }
0x2ef: {  	s13 =	sadd.s32 $0x1, s13  }
0x2f0: {  	p0 =	sne.s32 s13, $0xC8  }
.Ltmp8:
0x2f1: {  	v1 =	vmul.f32 v1, v3;
	(pc) =	sbr.rel @p0 .LBB2_3-.Ltmp8, $4  }
0x2f2: {  	v2 =	vmul.f32 v2, v63  }
0x2f3: {  	[tilespmem:s6+$0xFFFFFFF0] =	vst v1  }
0x2f4: {  	s19 =	sor.u32 $0x1000, s16;
	[tilespmem:s6+$0x0] =	vst v2  }
0x2f5: {  	[spmem:s1] =	stream.indirect.scatter.add.f32 [tilespmem:s22], [sflag:$0x6], $0x22, s19, s9, $0xb8;
	[tilespmem:$0x1E880] =	vst v63  }
0x2f6: {  	s11 =	simm.s32 $0x6  }
0x2f7: {  	s6 =	rddreg [dreg:$0xd];
	_ =	swait.ge [sflag:s11], $0x2200  }
0x2f8: {  	s6 =	smul.u32 $0xC400, s6;
	[sflag:s11] =	ssyncset.done $0x0  }
0x2f9: {  	s10 =	rddreg [dreg:$0x7];
	[sflag:s11] =	ssyncadd.s32 $0xFFFFDE00  }
0x2fa: {  	s6 =	sadd.s32 s10, s6;
	[bflag:$0x0] =	sbarrier.arrive $0xFFFF  }
0x2fb: {  	s6 =	smul.u32 $0x5, s6;
	s19 =	rddreg [dreg:$0x5]  }
0x2fc: {  	s10 =	rddreg [dreg:$0x8]  }
0x2fd: {  	s12 =	simm.s32 $0x7;
	s11 =	rddreg [dreg:$0xa];
	s6 =	sadd.s32 s19, s6  }
0x2fe: {  	[hbm:s6], [sflag:s10] =	dma.local [spmem:s11], $0x1EA0  }
0x2ff: {  	_ =	swait.ge [sflag:s12], $0x1EA0  }
0x300: {  	s13 =	rddreg [dreg:$0xc]  }
0x301: {  	s13 =	sadd.s32 $0x1, s13  }
0x302: {  	p0 =	sne.s32 s13, $0x6  }
.Ltmp9:
0x303: {  	_ = 	snop;
	(pc) =	sbr.rel @p0 .LBB2_2-.Ltmp9, $3  }
0x304: {  	_ =	sdelay $0x1  }
0x305: {  	[sflag:s12] =	ssyncset.done $0x0  }
0x306: {  	[sflag:s12] =	ssyncadd.s32 $0xFFFFE160  }
0x307: {  	s13 =	rddreg [dreg:$0xb]  }
0x308: {  	s6 =	rddreg [dreg:$0x9];
	s13 =	sadd.s32 $0x1, s13  }
0x309: {  	p0 =	sne.s32 s13, s6  }
.Ltmp10:
0x30a: {  	_ = 	snop;
	(pc) =	sbr.rel @p0 .LBB2_1-.Ltmp10, $1  }
0x30b: {  	_ =	sdelay $0x3  }
0x30c: {  	_ =	sfence.sel $0x180000  }
0x30d: {  	[bflag:$0x0] =	sbarrier.arrive $0xFFFF  }
0x30e: {  	_ =	strace $0x90000047  }
0x30f: {  	s0 =	stileid.u32;
	[bflag:$0x2] =	sbarrier.arrive $0xFFFF  }
0x310: {  	p0 =	sne.s32 s0, $0x0;
	s0 =	rddreg [dreg:$0x2]  }
0x311: {  	s0 =	sadd.s32 @!p0 $0x100000, s0  }
0x312: {  	[sflag:s0] =	ssyncadd.tile.s32 @!p0 $0x1;
	_ =	shalt  }
.Lfunc_end2:
_tile_overlayer_lowered:
.L_overlay_start_2:
0x313: {  	(tag) =	ssettag $0x2  }
0x314: {  	s0 =	rddreg [dreg:$0x0];
	s2 =	stileid.u32  }
0x315: {  	s1 =	rddreg [dreg:$0x1];
	p0 =	sne.s32 s2, $0x0  }
0x316: {  	s3 =	rddreg [dreg:$0x2];
	[bflag:$0x3] =	sbarrier.arrive $0xFFFF;
	s2 =	simm.s32 @!p0 $0x1C07  }
0x317: {  	[timem:s3], [sflag:s2] =	dma.local @!p0 [hbm:s0], s1  }
0x318: {  	s0 =	simm.s32 @!p0 $0x7  }
0x319: {  	_ =	swait.ge @!p0 [sflag:s0], s1  }
0x31a: {  	s1 =	ssub.s32 @!p0 $0x0, s1;
	[sflag:s0] =	ssyncset.done @!p0 $0x0  }
0x31b: {  	[sflag:s0] =	ssyncadd.s32 @!p0 s1  }
0x31c: {  	[bflag:$0x3] =	sbarrier.arrive $0xFFFF  }
0x31d: {  	_ =	shalt  }

</sc_bundles>
